<compile_context>
chip_gen: v7x
topology: tpu7x:2x2x1
jax: 0.10.2.dev20260603
libtpu: 0.0.44.dev20260713+nightly
codegen_flags: <defaults>
</compile_context>

<pallas_src>
import functools

import numpy as np
import jax
import jax.numpy as jnp
from jax import lax
from jax.experimental import pallas as pl
from jax.experimental.pallas import tpu as pltpu
from jax.experimental.pallas import tpu_sc as plsc

B = 16384
H = 50
G = 8
D = 64
V = 1000001

NC = 2
NS = 16
NW = NC * NS
RPW = B // NW
IPW = RPW * H
CHUNK = 128
NCH = IPW // CHUNK
NSM = RPW // CHUNK
NBUF = 5
P = 4
CPP = NCH // P
RPP = RPW // P
ARW = 2 * RPP
NOUTP = CPP // NBUF

CPACK = 8192
VP = ((V + CPACK - 1) // CPACK) * CPACK
VP2 = VP // 2

_TGT = ((np.arange(NW, dtype=np.int32) // NC)[:, None] * ARW
        + (np.arange(CPP * CHUNK, dtype=np.int32) // H)[None, :]
        ).reshape(NW, 1, CPP, CHUNK)


def _pack_body(ta_ref, tb_ref, out_ref):
    out_ref[...] = jnp.concatenate([ta_ref[...].T, tb_ref[...].T], axis=1)


def _pack(table_t):
    c2 = CPACK // 2
    nj = VP2 // c2
    last = V // c2
    return pl.pallas_call(
        _pack_body,
        grid=(nj,),
        in_specs=[pl.BlockSpec((D, c2), lambda j: (0, j)),
                  pl.BlockSpec((D, c2),
                               lambda j: (0, jnp.minimum(j + nj, last)))],
        out_specs=pl.BlockSpec((c2, 2 * D), lambda j: (j, 0)),
        out_shape=jax.ShapeDtypeStruct((VP2, 2 * D), jnp.float32),
    )(table_t, table_t)


_F32 = jnp.float32


def _mesh():
    return plsc.VectorSubcoreMesh(core_axis_name="c", subcore_axis_name="s",
                                  num_cores=NC, num_subcores=NS)


def _sc_hist(item_packed, hist_idx, tgt_idx, iidx):
    @functools.partial(
        pl.kernel,
        out_type=(
            jax.ShapeDtypeStruct((B, 2 * D), _F32),
            jax.ShapeDtypeStruct((B, 2 * D), _F32),
            jax.ShapeDtypeStruct((B, 2 * D), _F32),
        ),
        mesh=_mesh(),
        scratch_types=(
            [pltpu.VMEM((CPP, CHUNK), jnp.int32),
             pltpu.VMEM((CPP, CHUNK), jnp.int32),
             pltpu.VMEM((NSM, CHUNK), jnp.int32),
             pltpu.VMEM_SHARED((NS * ARW, 2 * D), _F32)]
            + [pltpu.VMEM((CHUNK, 2 * D), _F32) for _ in range(NBUF)]
            + [pltpu.SemaphoreType.DMA for _ in range(2 * NBUF + 1)]
        ),
    )
    def k(item_hbm, hist_hbm, tgt_hbm, iidx_hbm,
          he_out, ho_out, i_out, idx_v, tgt_v, sidx_v, acc, *bufsem):
        bufs = bufsem[:NBUF]
        gsem = bufsem[NBUF:2 * NBUF]
        ssem = bufsem[2 * NBUF:3 * NBUF]
        osem = bufsem[3 * NBUF]
        c = lax.axis_index("c")
        s = lax.axis_index("s")
        wid = s * NC + c
        base = wid * RPW
        zero16 = jnp.zeros((16,), _F32)

        def gwait(b):
            pltpu.make_async_copy(item_hbm.at[idx_v.at[0]], bufs[b],
                                  gsem[b]).wait()

        def swait(b):
            pltpu.make_async_copy(bufs[b], acc.at[tgt_v.at[0]],
                                  ssem[b]).wait()

        def owait(p):
            ob = base + p * RPP
            pltpu.make_async_copy(acc.at[pl.ds(s * ARW, RPP)],
                                  he_out.at[pl.ds(ob, RPP)], osem).wait()
            pltpu.make_async_copy(acc.at[pl.ds(s * ARW + RPP, RPP)],
                                  ho_out.at[pl.ds(ob, RPP)], osem).wait()

        for p in range(P):
            if p > 0:
                owait(p - 1)
            def zrow(r, carry):
                for q in range(2 * D // 16):
                    bufs[0][r, pl.ds(q * 16, 16)] = zero16
                return carry

            lax.fori_loop(0, CHUNK, zrow, 0)
            for j in range(ARW // CHUNK):
                pltpu.sync_copy(bufs[0],
                                acc.at[pl.ds(s * ARW + j * CHUNK, CHUNK)])
            pltpu.sync_copy(hist_hbm.at[wid, p], idx_v)
            pltpu.sync_copy(tgt_hbm.at[wid, p], tgt_v)

            for b in range(NBUF):
                pltpu.async_copy(item_hbm.at[idx_v.at[b]], bufs[b], gsem[b])

            def outer(g, carry):
                for b in range(NBUF):
                    gwait(b)
                    pltpu.async_copy(bufs[b], acc.at[tgt_v.at[g * NBUF + b]],
                                     ssem[b], add=True)
                for b in range(NBUF):
                    swait(b)
                    ci2 = lax.rem(g * NBUF + b + NBUF, CPP)
                    pltpu.async_copy(item_hbm.at[idx_v.at[ci2]], bufs[b],
                                     gsem[b])
                return carry

            lax.fori_loop(0, NOUTP, outer, 0)
            for b in range(NBUF):
                gwait(b)

            pltpu.async_copy(acc.at[pl.ds(s * ARW, RPP)],
                             he_out.at[pl.ds(base + p * RPP, RPP)], osem)
            pltpu.async_copy(acc.at[pl.ds(s * ARW + RPP, RPP)],
                             ho_out.at[pl.ds(base + p * RPP, RPP)], osem)

        def iowait(b, j):
            pltpu.make_async_copy(bufs[b],
                                  i_out.at[pl.ds(base + j * CHUNK, CHUNK)],
                                  ssem[b]).wait()

        pltpu.sync_copy(iidx_hbm.at[wid], sidx_v)
        for j in range(min(NBUF, NSM)):
            pltpu.async_copy(item_hbm.at[sidx_v.at[j]], bufs[j], gsem[j])
        for j in range(NSM):
            b = j % NBUF
            gwait(b)
            pltpu.async_copy(bufs[b], i_out.at[pl.ds(base + j * CHUNK, CHUNK)],
                             ssem[b])
            if j + NBUF < NSM:
                iowait(b, j)
                pltpu.async_copy(item_hbm.at[sidx_v.at[j + NBUF]], bufs[b],
                                 gsem[b])
        for j in range(max(0, NSM - NBUF), NSM):
            iowait(j % NBUF, j)
        owait(P - 1)

    return k(item_packed, hist_idx, tgt_idx, iidx)


def _sc_user(user_packed, uidx):
    @functools.partial(
        pl.kernel,
        out_type=jax.ShapeDtypeStruct((B, 2 * D), _F32),
        mesh=_mesh(),
        scratch_types=(
            [pltpu.VMEM((NSM, CHUNK), jnp.int32)]
            + [pltpu.VMEM((CHUNK, 2 * D), _F32) for _ in range(NSM)]
            + [pltpu.SemaphoreType.DMA for _ in range(2 * NSM)]
        ),
    )
    def k(user_hbm, uidx_hbm, u_out, sidx_v, *bufsem):
        bufs = bufsem[:NSM]
        gsem = bufsem[NSM:2 * NSM]
        ssem = bufsem[2 * NSM:3 * NSM]
        c = lax.axis_index("c")
        s = lax.axis_index("s")
        wid = s * NC + c
        base = wid * RPW
        pltpu.sync_copy(uidx_hbm.at[wid], sidx_v)
        for j in range(NSM):
            pltpu.async_copy(user_hbm.at[sidx_v.at[j]], bufs[j], gsem[j])
        for j in range(NSM):
            pltpu.make_async_copy(user_hbm.at[sidx_v.at[0]], bufs[j],
                                  gsem[j]).wait()
            pltpu.async_copy(bufs[j], u_out.at[pl.ds(base + j * CHUNK, CHUNK)],
                             ssem[j])
        for j in range(NSM):
            pltpu.make_async_copy(bufs[j],
                                  u_out.at[pl.ds(base + j * CHUNK, CHUNK)],
                                  ssem[j]).wait()

    return k(user_packed, uidx)


MB = 1024


def _tower_kernel(he_ref, ho_ref, u_ref, i_ref, upar_ref, ipar_ref, hids_ref,
                  tg_ref, tmg_ref, uc2_ref, ic3_ref, gta_ref,
                  ucw_ref, ucb_ref, uw1a_ref, uw1b_ref, uw1c_ref, uw1d_ref,
                  ub1_ref, uw2_ref, ub2_ref,
                  icw_ref, icb_ref, iw1a_ref, iw1b_ref, iw1c_ref,
                  ib1_ref, iw2_ref, ib2_ref,
                  uo_ref, io_ref):
    f32 = jnp.float32

    def dot(a, b):
        return jnp.dot(a, b, preferred_element_type=f32)

    def genre_pool(ids):
        grp = lax.broadcasted_iota(jnp.int32, (G, 8 * 32), 1) >> 5
        expand = (lax.broadcasted_iota(jnp.int32, (G, 8 * 32), 0)
                  == grp).astype(f32)
        idsx = dot(ids.astype(f32), expand)
        iota = jnp.bitwise_and(
            lax.broadcasted_iota(jnp.int32, (MB, 8 * 32), 1), 31).astype(f32)
        ohx = (idsx == iota).astype(f32)
        pooled = dot(ohx, gta_ref[...])
        return pooled[:, :D] / (pooled[:, D:D + 1] + 1e-8)

    def halfsel(x, par):
        return x[:, :D] * (1.0 - par) + x[:, D:] * par

    def l2norm(x):
        n = jnp.sqrt(jnp.sum(x * x, axis=1, keepdims=True))
        return x / jnp.maximum(n, 1e-12)

    hcnt = jnp.sum((hids_ref[...] > 0).astype(f32), axis=1, keepdims=True)
    hist_emb = (he_ref[:, :D] + ho_ref[:, D:]) / (hcnt + 1e-8)
    ug_emb = genre_pool(tg_ref[...])
    u_cont = jnp.maximum(dot(uc2_ref[...], ucw_ref[...]) + ucb_ref[...], 0.0)
    u_h = jnp.maximum(
        dot(halfsel(u_ref[...], upar_ref[...]), uw1a_ref[...])
        + dot(hist_emb, uw1b_ref[...])
        + dot(ug_emb, uw1c_ref[...]) + dot(u_cont, uw1d_ref[...])
        + ub1_ref[...], 0.0)
    uo_ref[...] = l2norm(dot(u_h, uw2_ref[...]) + ub2_ref[...])

    ig_emb = genre_pool(tmg_ref[...])
    i_cont = jnp.maximum(dot(ic3_ref[...], icw_ref[...]) + icb_ref[...], 0.0)
    i_h = jnp.maximum(
        dot(halfsel(i_ref[...], ipar_ref[...]), iw1a_ref[...])
        + dot(ig_emb, iw1b_ref[...])
        + dot(i_cont, iw1c_ref[...]) + ib1_ref[...], 0.0)
    io_ref[...] = l2norm(dot(i_h, iw2_ref[...]) + ib2_ref[...])


def kernel(user_id, history, top_genres, item_id, tmdb_genres,
           user_avg_rating, user_activity, release_year, item_avg_rating,
           revenue, item_table, genre_table, user_table,
           user_cont_W, user_cont_b, user_W1, user_b1, user_W2, user_b2,
           item_cont_W, item_cont_b, item_W1, item_b1, item_W2, item_b2):
    f32 = jnp.float32

    hist_r = history.reshape(NW, P, CPP, CHUNK)
    hsel = (hist_r >= VP2).astype(jnp.int32)
    hist_idx = hist_r - hsel * VP2
    tgt_idx = jnp.asarray(_TGT) + hsel * RPP
    usel = (user_id >= VP2).astype(jnp.int32)
    isel = (item_id >= VP2).astype(jnp.int32)
    uidx = (user_id - usel * VP2).reshape(NW, NSM, CHUNK)
    iidx = (item_id - isel * VP2).reshape(NW, NSM, CHUNK)
    upar = usel.astype(f32).reshape(B, 1)
    ipar = isel.astype(f32).reshape(B, 1)

    item_packed = _pack(item_table.T)
    hist_e, hist_o, i_rows = _sc_hist(item_packed, hist_idx, tgt_idx, iidx)
    user_packed = _pack(user_table.T)
    u_rows = _sc_user(user_packed, uidx)

    gt_pad = jnp.zeros((32, D), f32).at[:21].set(genre_table)
    gta = jnp.concatenate(
        [gt_pad, (jnp.arange(32) > 0).astype(f32).reshape(32, 1),
         jnp.zeros((32, 2 * D - D - 1), f32)], axis=1)
    gta = jnp.tile(gta, (G, 1))
    uc2 = jnp.stack([user_avg_rating, user_activity], axis=1)
    ic3 = jnp.stack([release_year, item_avg_rating, revenue], axis=1)
    row = lambda x: x.reshape(1, -1)

    grid = (B // MB,)
    bspec = lambda cols: pl.BlockSpec((MB, cols), lambda i: (i, 0))
    wspec = lambda shape: pl.BlockSpec(shape, lambda i: (0, 0))

    uw1 = [user_W1[j * D:(j + 1) * D] for j in range(4)]
    iw1 = [item_W1[j * D:(j + 1) * D] for j in range(3)]

    uo, io = pl.pallas_call(
        _tower_kernel,
        grid=grid,
        in_specs=[
            bspec(2 * D),
            bspec(2 * D), bspec(2 * D), bspec(2 * D), bspec(1), bspec(1),
            bspec(H), bspec(G), bspec(G),
            bspec(2), bspec(3),
            wspec((8 * 32, 2 * D)),
            wspec((2, D)), wspec((1, D)),
            wspec((D, 128)), wspec((D, 128)), wspec((D, 128)), wspec((D, 128)),
            wspec((1, 128)), wspec((128, D)), wspec((1, D)),
            wspec((3, D)), wspec((1, D)),
            wspec((D, 128)), wspec((D, 128)), wspec((D, 128)),
            wspec((1, 128)), wspec((128, D)), wspec((1, D)),
        ],
        out_specs=[bspec(D), bspec(D)],
        out_shape=[
            jax.ShapeDtypeStruct((B, D), f32),
            jax.ShapeDtypeStruct((B, D), f32),
        ],
    )(hist_e, hist_o, u_rows, i_rows, upar, ipar, history,
      top_genres, tmdb_genres, uc2, ic3, gta,
      user_cont_W, row(user_cont_b), uw1[0], uw1[1], uw1[2], uw1[3],
      row(user_b1), user_W2, row(user_b2),
      item_cont_W, row(item_cont_b), iw1[0], iw1[1], iw1[2],
      row(item_b1), item_W2, row(item_b2))
    return (uo, io)

# --- scband reference (transcript-rebuilt; emitter-appended) ---
"""Pipeline reference for scband-dual-tower-model-68942815035677 (READ-ONLY COPY).

The authoritative reference and input builder live on the scoring server;
editing this copy changes nothing except your own understanding.
"""

import jax, jax.numpy as jnp
import numpy as np

B = 16384; H = 50; G = 8; D = 64
V_ITEM = 1000001; V_GENRE = 21; V_USER = 1000001

def setup_inputs(seed: int = 0):
    key = jax.random.key(seed)
    ks = jax.random.split(key, 20)
    inp = {}
    inp["user_id"] = jax.random.randint(ks[0], (B,), 0, 1000000, dtype=jnp.int32)
    inp["history"] = jax.random.randint(ks[1], (B, H), 0, 1000000, dtype=jnp.int32)
    inp["top_genres"] = jax.random.randint(ks[2], (B, G), 0, 20, dtype=jnp.int32)
    inp["item_id"] = jax.random.randint(ks[3], (B,), 0, 1000000, dtype=jnp.int32)
    inp["tmdb_genres"] = jax.random.randint(ks[4], (B, G), 0, 20, dtype=jnp.int32)
    inp["user_avg_rating"] = jax.random.uniform(ks[5], (B,), dtype=jnp.float32)
    inp["user_activity"] = jax.random.uniform(ks[6], (B,), dtype=jnp.float32)
    inp["release_year"] = jax.random.uniform(ks[7], (B,), dtype=jnp.float32)
    inp["item_avg_rating"] = jax.random.uniform(ks[8], (B,), dtype=jnp.float32)
    inp["revenue"] = jax.random.uniform(ks[9], (B,), dtype=jnp.float32)
    item_table = jax.random.normal(ks[10], (V_ITEM, D), dtype=jnp.float32) * 0.02
    inp["item_table"] = item_table.at[0].set(0.0)
    genre_table = jax.random.normal(ks[11], (V_GENRE, D), dtype=jnp.float32) * 0.02
    inp["genre_table"] = genre_table.at[0].set(0.0)
    user_table = jax.random.normal(ks[12], (V_USER, D), dtype=jnp.float32) * 0.02
    inp["user_table"] = user_table.at[0].set(0.0)
    inp["user_cont_W"] = jax.random.normal(ks[13], (2, D), dtype=jnp.float32) * 0.05
    inp["user_cont_b"] = jnp.zeros((D,), dtype=jnp.float32)
    inp["user_W1"] = jax.random.normal(ks[14], (4 * D, 128), dtype=jnp.float32) * 0.05
    inp["user_b1"] = jnp.zeros((128,), dtype=jnp.float32)
    inp["user_W2"] = jax.random.normal(ks[15], (128, D), dtype=jnp.float32) * 0.05
    inp["user_b2"] = jnp.zeros((D,), dtype=jnp.float32)
    inp["item_cont_W"] = jax.random.normal(ks[16], (3, D), dtype=jnp.float32) * 0.05
    inp["item_cont_b"] = jnp.zeros((D,), dtype=jnp.float32)
    inp["item_W1"] = jax.random.normal(ks[17], (3 * D, 128), dtype=jnp.float32) * 0.05
    inp["item_b1"] = jnp.zeros((128,), dtype=jnp.float32)
    inp["item_W2"] = jax.random.normal(ks[18], (128, D), dtype=jnp.float32) * 0.05
    inp["item_b2"] = jnp.zeros((D,), dtype=jnp.float32)
    return inp

def _masked_mean(emb, ids):
    mask = (ids > 0).astype(jnp.float32)[..., None]
    return (emb * mask).sum(axis=1) / (mask.sum(axis=1) + 1e-08)

def _l2norm(x):
    n = jnp.sqrt(jnp.sum(x * x, axis=1, keepdims=True))
    return x / jnp.maximum(n, 1e-12)

def reference(user_id, history, top_genres, item_id, tmdb_genres,
              user_avg_rating, user_activity, release_year, item_avg_rating, revenue,
              item_table, genre_table, user_table,
              user_cont_W, user_cont_b, user_W1, user_b1, user_W2, user_b2,
              item_cont_W, item_cont_b, item_W1, item_b1, item_W2, item_b2):
    # UserTower
    u_emb = jnp.take(user_table, user_id, axis=0)
    hist_emb = _masked_mean(jnp.take(item_table, history, axis=0), history)
    ug_emb = _masked_mean(jnp.take(genre_table, top_genres, axis=0), top_genres)
    u_cont = jnp.stack([user_avg_rating, user_activity], axis=1)
    u_cont_emb = jax.nn.relu(u_cont @ user_cont_W + user_cont_b)
    u_concat = jnp.concatenate([u_emb, hist_emb, ug_emb, u_cont_emb], axis=1)
    u_h = jax.nn.relu(u_concat @ user_W1 + user_b1)
    user_out = _l2norm(u_h @ user_W2 + user_b2)
    # ItemTower
    i_emb = jnp.take(item_table, item_id, axis=0)
    ig_emb = _masked_mean(jnp.take(genre_table, tmdb_genres, axis=0), tmdb_genres)
    i_cont = jnp.stack([release_year, item_avg_rating, revenue], axis=1)
    i_cont_emb = jax.nn.relu(i_cont @ item_cont_W + item_cont_b)
    i_concat = jnp.concatenate([i_emb, ig_emb, i_cont_emb], axis=1)
    i_h = jax.nn.relu(i_concat @ item_W1 + item_b1)
    item_out = _l2norm(i_h @ item_W2 + item_b2)
    return (user_out, item_out)

if __name__ == "__main__":
    import jax
    _d = setup_inputs()
    print(jax.jit(kernel)(*tuple(_d.values())))

</pallas_src>

<mosaic_0001>
#map = affine_map<(d0, d1) -> (0, 0)>
#map1 = affine_map<(d0, d1) -> (0, 0, 0)>
module attributes {stable_mosaic.version = 14 : i64} {
  func.func @k(%arg0: i32, %arg1: i32, %arg2: memref<503808x128xf32, #tpu.memory_space<hbm>>, %arg3: memref<32x4x128xi32, #tpu.memory_space<hbm>>, %arg4: memref<16384x128xf32, #tpu.memory_space<hbm>>, %arg5: memref<4x128xi32, #tpu.memory_space<vmem>>, %arg6: memref<128x128xf32, #tpu.memory_space<vmem>>, %arg7: memref<128x128xf32, #tpu.memory_space<vmem>>, %arg8: memref<128x128xf32, #tpu.memory_space<vmem>>, %arg9: memref<128x128xf32, #tpu.memory_space<vmem>>, %arg10: memref<!tpu.dma_semaphore, #tpu.memory_space<semaphore_mem>>, %arg11: memref<!tpu.dma_semaphore, #tpu.memory_space<semaphore_mem>>, %arg12: memref<!tpu.dma_semaphore, #tpu.memory_space<semaphore_mem>>, %arg13: memref<!tpu.dma_semaphore, #tpu.memory_space<semaphore_mem>>, %arg14: memref<!tpu.dma_semaphore, #tpu.memory_space<semaphore_mem>>, %arg15: memref<!tpu.dma_semaphore, #tpu.memory_space<semaphore_mem>>, %arg16: memref<!tpu.dma_semaphore, #tpu.memory_space<semaphore_mem>>, %arg17: memref<!tpu.dma_semaphore, #tpu.memory_space<semaphore_mem>>) attributes {dimension_semantics = [#tpu.dimension_semantics<core_parallel>, #tpu.dimension_semantics<subcore_parallel>], iteration_bounds = array<i64: 2, 16>, scalar_prefetch = 0 : i64, scratch_operands = 13 : i64, tpu.core_type = #tpu.core_type<sc_vector_subcore>, window_params = [{transform_indices = #map}, {transform_indices = #map1}, {transform_indices = #map}]} {
    %mul3A = arith.constant 2 : i32
    %mul3A_0 = arith.muli %arg1, %mul3A : i32
    %add3A = arith.addi %mul3A_0, %arg0 : i32
    %mul3A_1 = arith.constant 512 : i32
    %mul3A_2 = arith.muli %add3A, %mul3A_1 : i32
    "tpu.region"() ({
      %run_scoped3A = tpu.sem_alloc : memref<!tpu.dma_semaphore, #tpu.memory_space<semaphore_mem>>
      %dma_start3A_105 = arith.constant 0 : i32
      %dma_start3A_106 = arith.constant 0 : i32
      %dma_start3A_107 = tpu.memref_slice %arg3[%add3A, %dma_start3A_105, %dma_start3A_106] : memref<32x4x128xi32, #tpu.memory_space<hbm>> -> memref<1x4x128xi32, #tpu.memory_space<hbm>>
      %dma_start3A_108 = tpu.memref_squeeze %dma_start3A_107 : memref<1x4x128xi32, #tpu.memory_space<hbm>> -> memref<4x128xi32, #tpu.memory_space<hbm>>
      %dma_start3A_109 = arith.constant 0 : i32
      %dma_start3A_110 = arith.constant 0 : i32
      %dma_start3A_111 = tpu.memref_slice %arg3[%add3A, %dma_start3A_109, %dma_start3A_110] : memref<32x4x128xi32, #tpu.memory_space<hbm>> -> memref<1x4x128xi32, #tpu.memory_space<hbm>>
      %dma_start3A_112 = tpu.memref_squeeze %dma_start3A_111 : memref<1x4x128xi32, #tpu.memory_space<hbm>> -> memref<4x128xi32, #tpu.memory_space<hbm>>
      tpu.enqueue_dma source(%dma_start3A_112 : memref<4x128xi32, #tpu.memory_space<hbm>>) target(%arg5 : memref<4x128xi32, #tpu.memory_space<vmem>>) target_semaphore(%run_scoped3A : memref<!tpu.dma_semaphore, #tpu.memory_space<semaphore_mem>>)
      %dma_wait3A_113 = arith.constant 0 : i32
      %dma_wait3A_114 = arith.constant 0 : i32
      %dma_wait3A_115 = tpu.memref_slice %arg3[%add3A, %dma_wait3A_113, %dma_wait3A_114] : memref<32x4x128xi32, #tpu.memory_space<hbm>> -> memref<1x4x128xi32, #tpu.memory_space<hbm>>
      %dma_wait3A_116 = tpu.memref_squeeze %dma_wait3A_115 : memref<1x4x128xi32, #tpu.memory_space<hbm>> -> memref<4x128xi32, #tpu.memory_space<hbm>>
      %dma_wait3A_117 = arith.constant 0 : i32
      %dma_wait3A_118 = arith.constant 0 : i32
      %dma_wait3A_119 = tpu.memref_slice %arg3[%add3A, %dma_wait3A_117, %dma_wait3A_118] : memref<32x4x128xi32, #tpu.memory_space<hbm>> -> memref<1x4x128xi32, #tpu.memory_space<hbm>>
      %dma_wait3A_120 = tpu.memref_squeeze %dma_wait3A_119 : memref<1x4x128xi32, #tpu.memory_space<hbm>> -> memref<4x128xi32, #tpu.memory_space<hbm>>
      tpu.wait_dma2 semaphore(%run_scoped3A : memref<!tpu.dma_semaphore, #tpu.memory_space<semaphore_mem>>) src(%dma_wait3A_120 : memref<4x128xi32, #tpu.memory_space<hbm>>) dst(%arg5 : memref<4x128xi32, #tpu.memory_space<vmem>>)
      tpu.yield
    }) : () -> ()
    %dma_start3A = arith.constant 0 : i32
    %dma_start3A_3 = arith.constant 0 : i32
    %dma_start3A_4 = tpu.memref_slice %arg5[%dma_start3A, %dma_start3A_3] : memref<4x128xi32, #tpu.memory_space<vmem>> -> memref<1x128xi32, #tpu.memory_space<vmem>>
    %dma_start3A_5 = tpu.memref_squeeze %dma_start3A_4 : memref<1x128xi32, #tpu.memory_space<vmem>> -> memref<128xi32, #tpu.memory_space<vmem>>
    %dma_start3A_6 = arith.constant 0 : i32
    %dma_start3A_7 = arith.constant 0 : i32
    %dma_start3A_8 = tpu.memref_slice %arg2[%dma_start3A_6, %dma_start3A_7] : memref<503808x128xf32, #tpu.memory_space<hbm>> -> memref<503808x128xf32, #tpu.memory_space<hbm>>
    tpu.enqueue_indirect_dma source(%dma_start3A_8 : memref<503808x128xf32, #tpu.memory_space<hbm>>) target(%arg6 : memref<128x128xf32, #tpu.memory_space<vmem>>) offsets(%dma_start3A_5 : memref<128xi32, #tpu.memory_space<vmem>>) semaphore(%arg10 : memref<!tpu.dma_semaphore, #tpu.memory_space<semaphore_mem>>)
    %dma_start3A_9 = arith.constant 1 : i32
    %dma_start3A_10 = arith.constant 0 : i32
    %dma_start3A_11 = tpu.memref_slice %arg5[%dma_start3A_9, %dma_start3A_10] : memref<4x128xi32, #tpu.memory_space<vmem>> -> memref<1x128xi32, #tpu.memory_space<vmem>>
    %dma_start3A_12 = tpu.memref_squeeze %dma_start3A_11 : memref<1x128xi32, #tpu.memory_space<vmem>> -> memref<128xi32, #tpu.memory_space<vmem>>
    %dma_start3A_13 = arith.constant 0 : i32
    %dma_start3A_14 = arith.constant 0 : i32
    %dma_start3A_15 = tpu.memref_slice %arg2[%dma_start3A_13, %dma_start3A_14] : memref<503808x128xf32, #tpu.memory_space<hbm>> -> memref<503808x128xf32, #tpu.memory_space<hbm>>
    tpu.enqueue_indirect_dma source(%dma_start3A_15 : memref<503808x128xf32, #tpu.memory_space<hbm>>) target(%arg7 : memref<128x128xf32, #tpu.memory_space<vmem>>) offsets(%dma_start3A_12 : memref<128xi32, #tpu.memory_space<vmem>>) semaphore(%arg11 : memref<!tpu.dma_semaphore, #tpu.memory_space<semaphore_mem>>)
    %dma_start3A_16 = arith.constant 2 : i32
    %dma_start3A_17 = arith.constant 0 : i32
    %dma_start3A_18 = tpu.memref_slice %arg5[%dma_start3A_16, %dma_start3A_17] : memref<4x128xi32, #tpu.memory_space<vmem>> -> memref<1x128xi32, #tpu.memory_space<vmem>>
    %dma_start3A_19 = tpu.memref_squeeze %dma_start3A_18 : memref<1x128xi32, #tpu.memory_space<vmem>> -> memref<128xi32, #tpu.memory_space<vmem>>
    %dma_start3A_20 = arith.constant 0 : i32
    %dma_start3A_21 = arith.constant 0 : i32
    %dma_start3A_22 = tpu.memref_slice %arg2[%dma_start3A_20, %dma_start3A_21] : memref<503808x128xf32, #tpu.memory_space<hbm>> -> memref<503808x128xf32, #tpu.memory_space<hbm>>
    tpu.enqueue_indirect_dma source(%dma_start3A_22 : memref<503808x128xf32, #tpu.memory_space<hbm>>) target(%arg8 : memref<128x128xf32, #tpu.memory_space<vmem>>) offsets(%dma_start3A_19 : memref<128xi32, #tpu.memory_space<vmem>>) semaphore(%arg12 : memref<!tpu.dma_semaphore, #tpu.memory_space<semaphore_mem>>)
    %dma_start3A_23 = arith.constant 3 : i32
    %dma_start3A_24 = arith.constant 0 : i32
    %dma_start3A_25 = tpu.memref_slice %arg5[%dma_start3A_23, %dma_start3A_24] : memref<4x128xi32, #tpu.memory_space<vmem>> -> memref<1x128xi32, #tpu.memory_space<vmem>>
    %dma_start3A_26 = tpu.memref_squeeze %dma_start3A_25 : memref<1x128xi32, #tpu.memory_space<vmem>> -> memref<128xi32, #tpu.memory_space<vmem>>
    %dma_start3A_27 = arith.constant 0 : i32
    %dma_start3A_28 = arith.constant 0 : i32
    %dma_start3A_29 = tpu.memref_slice %arg2[%dma_start3A_27, %dma_start3A_28] : memref<503808x128xf32, #tpu.memory_space<hbm>> -> memref<503808x128xf32, #tpu.memory_space<hbm>>
    tpu.enqueue_indirect_dma source(%dma_start3A_29 : memref<503808x128xf32, #tpu.memory_space<hbm>>) target(%arg9 : memref<128x128xf32, #tpu.memory_space<vmem>>) offsets(%dma_start3A_26 : memref<128xi32, #tpu.memory_space<vmem>>) semaphore(%arg13 : memref<!tpu.dma_semaphore, #tpu.memory_space<semaphore_mem>>)
    %dma_wait3A = arith.constant 0 : i32
    %dma_wait3A_30 = arith.constant 0 : i32
    %dma_wait3A_31 = tpu.memref_slice %arg5[%dma_wait3A, %dma_wait3A_30] : memref<4x128xi32, #tpu.memory_space<vmem>> -> memref<1x128xi32, #tpu.memory_space<vmem>>
    %dma_wait3A_32 = tpu.memref_squeeze %dma_wait3A_31 : memref<1x128xi32, #tpu.memory_space<vmem>> -> memref<128xi32, #tpu.memory_space<vmem>>
    %dma_wait3A_33 = arith.constant 0 : i32
    %dma_wait3A_34 = arith.constant 0 : i32
    %dma_wait3A_35 = tpu.memref_slice %arg2[%dma_wait3A_33, %dma_wait3A_34] : memref<503808x128xf32, #tpu.memory_space<hbm>> -> memref<503808x128xf32, #tpu.memory_space<hbm>>
    tpu.wait_indirect_dma semaphore(%arg10 : memref<!tpu.dma_semaphore, #tpu.memory_space<semaphore_mem>>) src(%dma_wait3A_35 : memref<503808x128xf32, #tpu.memory_space<hbm>>) dst(%arg6 : memref<128x128xf32, #tpu.memory_space<vmem>>)
    %add3A_36 = arith.constant 0 : i32
    %add3A_37 = arith.addi %mul3A_2, %add3A_36 : i32
    %dma_start3A_38 = arith.constant 0 : i32
    %dma_start3A_39 = tpu.memref_slice %arg4[%add3A_37, %dma_start3A_38] : memref<16384x128xf32, #tpu.memory_space<hbm>> -> memref<128x128xf32, #tpu.memory_space<hbm>>
    %dma_start3A_40 = arith.constant 0 : i32
    %dma_start3A_41 = tpu.memref_slice %arg4[%add3A_37, %dma_start3A_40] : memref<16384x128xf32, #tpu.memory_space<hbm>> -> memref<128x128xf32, #tpu.memory_space<hbm>>
    tpu.enqueue_dma source(%arg6 : memref<128x128xf32, #tpu.memory_space<vmem>>) target(%dma_start3A_41 : memref<128x128xf32, #tpu.memory_space<hbm>>) target_semaphore(%arg14 : memref<!tpu.dma_semaphore, #tpu.memory_space<semaphore_mem>>)
    %dma_wait3A_42 = arith.constant 0 : i32
    %dma_wait3A_43 = arith.constant 0 : i32
    %dma_wait3A_44 = tpu.memref_slice %arg5[%dma_wait3A_42, %dma_wait3A_43] : memref<4x128xi32, #tpu.memory_space<vmem>> -> memref<1x128xi32, #tpu.memory_space<vmem>>
    %dma_wait3A_45 = tpu.memref_squeeze %dma_wait3A_44 : memref<1x128xi32, #tpu.memory_space<vmem>> -> memref<128xi32, #tpu.memory_space<vmem>>
    %dma_wait3A_46 = arith.constant 0 : i32
    %dma_wait3A_47 = arith.constant 0 : i32
    %dma_wait3A_48 = tpu.memref_slice %arg2[%dma_wait3A_46, %dma_wait3A_47] : memref<503808x128xf32, #tpu.memory_space<hbm>> -> memref<503808x128xf32, #tpu.memory_space<hbm>>
    tpu.wait_indirect_dma semaphore(%arg11 : memref<!tpu.dma_semaphore, #tpu.memory_space<semaphore_mem>>) src(%dma_wait3A_48 : memref<503808x128xf32, #tpu.memory_space<hbm>>) dst(%arg7 : memref<128x128xf32, #tpu.memory_space<vmem>>)
    %add3A_49 = arith.constant 128 : i32
    %add3A_50 = arith.addi %mul3A_2, %add3A_49 : i32
    %dma_start3A_51 = arith.constant 0 : i32
    %dma_start3A_52 = tpu.memref_slice %arg4[%add3A_50, %dma_start3A_51] : memref<16384x128xf32, #tpu.memory_space<hbm>> -> memref<128x128xf32, #tpu.memory_space<hbm>>
    %dma_start3A_53 = arith.constant 0 : i32
    %dma_start3A_54 = tpu.memref_slice %arg4[%add3A_50, %dma_start3A_53] : memref<16384x128xf32, #tpu.memory_space<hbm>> -> memref<128x128xf32, #tpu.memory_space<hbm>>
    tpu.enqueue_dma source(%arg7 : memref<128x128xf32, #tpu.memory_space<vmem>>) target(%dma_start3A_54 : memref<128x128xf32, #tpu.memory_space<hbm>>) target_semaphore(%arg15 : memref<!tpu.dma_semaphore, #tpu.memory_space<semaphore_mem>>)
    %dma_wait3A_55 = arith.constant 0 : i32
    %dma_wait3A_56 = arith.constant 0 : i32
    %dma_wait3A_57 = tpu.memref_slice %arg5[%dma_wait3A_55, %dma_wait3A_56] : memref<4x128xi32, #tpu.memory_space<vmem>> -> memref<1x128xi32, #tpu.memory_space<vmem>>
    %dma_wait3A_58 = tpu.memref_squeeze %dma_wait3A_57 : memref<1x128xi32, #tpu.memory_space<vmem>> -> memref<128xi32, #tpu.memory_space<vmem>>
    %dma_wait3A_59 = arith.constant 0 : i32
    %dma_wait3A_60 = arith.constant 0 : i32
    %dma_wait3A_61 = tpu.memref_slice %arg2[%dma_wait3A_59, %dma_wait3A_60] : memref<503808x128xf32, #tpu.memory_space<hbm>> -> memref<503808x128xf32, #tpu.memory_space<hbm>>
    tpu.wait_indirect_dma semaphore(%arg12 : memref<!tpu.dma_semaphore, #tpu.memory_space<semaphore_mem>>) src(%dma_wait3A_61 : memref<503808x128xf32, #tpu.memory_space<hbm>>) dst(%arg8 : memref<128x128xf32, #tpu.memory_space<vmem>>)
    %add3A_62 = arith.constant 256 : i32
    %add3A_63 = arith.addi %mul3A_2, %add3A_62 : i32
    %dma_start3A_64 = arith.constant 0 : i32
    %dma_start3A_65 = tpu.memref_slice %arg4[%add3A_63, %dma_start3A_64] : memref<16384x128xf32, #tpu.memory_space<hbm>> -> memref<128x128xf32, #tpu.memory_space<hbm>>
    %dma_start3A_66 = arith.constant 0 : i32
    %dma_start3A_67 = tpu.memref_slice %arg4[%add3A_63, %dma_start3A_66] : memref<16384x128xf32, #tpu.memory_space<hbm>> -> memref<128x128xf32, #tpu.memory_space<hbm>>
    tpu.enqueue_dma source(%arg8 : memref<128x128xf32, #tpu.memory_space<vmem>>) target(%dma_start3A_67 : memref<128x128xf32, #tpu.memory_space<hbm>>) target_semaphore(%arg16 : memref<!tpu.dma_semaphore, #tpu.memory_space<semaphore_mem>>)
    %dma_wait3A_68 = arith.constant 0 : i32
    %dma_wait3A_69 = arith.constant 0 : i32
    %dma_wait3A_70 = tpu.memref_slice %arg5[%dma_wait3A_68, %dma_wait3A_69] : memref<4x128xi32, #tpu.memory_space<vmem>> -> memref<1x128xi32, #tpu.memory_space<vmem>>
    %dma_wait3A_71 = tpu.memref_squeeze %dma_wait3A_70 : memref<1x128xi32, #tpu.memory_space<vmem>> -> memref<128xi32, #tpu.memory_space<vmem>>
    %dma_wait3A_72 = arith.constant 0 : i32
    %dma_wait3A_73 = arith.constant 0 : i32
    %dma_wait3A_74 = tpu.memref_slice %arg2[%dma_wait3A_72, %dma_wait3A_73] : memref<503808x128xf32, #tpu.memory_space<hbm>> -> memref<503808x128xf32, #tpu.memory_space<hbm>>
    tpu.wait_indirect_dma semaphore(%arg13 : memref<!tpu.dma_semaphore, #tpu.memory_space<semaphore_mem>>) src(%dma_wait3A_74 : memref<503808x128xf32, #tpu.memory_space<hbm>>) dst(%arg9 : memref<128x128xf32, #tpu.memory_space<vmem>>)
    %add3A_75 = arith.constant 384 : i32
    %add3A_76 = arith.addi %mul3A_2, %add3A_75 : i32
    %dma_start3A_77 = arith.constant 0 : i32
    %dma_start3A_78 = tpu.memref_slice %arg4[%add3A_76, %dma_start3A_77] : memref<16384x128xf32, #tpu.memory_space<hbm>> -> memref<128x128xf32, #tpu.memory_space<hbm>>
    %dma_start3A_79 = arith.constant 0 : i32
    %dma_start3A_80 = tpu.memref_slice %arg4[%add3A_76, %dma_start3A_79] : memref<16384x128xf32, #tpu.memory_space<hbm>> -> memref<128x128xf32, #tpu.memory_space<hbm>>
    tpu.enqueue_dma source(%arg9 : memref<128x128xf32, #tpu.memory_space<vmem>>) target(%dma_start3A_80 : memref<128x128xf32, #tpu.memory_space<hbm>>) target_semaphore(%arg17 : memref<!tpu.dma_semaphore, #tpu.memory_space<semaphore_mem>>)
    %add3A_81 = arith.constant 0 : i32
    %add3A_82 = arith.addi %mul3A_2, %add3A_81 : i32
    %dma_wait3A_83 = arith.constant 0 : i32
    %dma_wait3A_84 = tpu.memref_slice %arg4[%add3A_82, %dma_wait3A_83] : memref<16384x128xf32, #tpu.memory_space<hbm>> -> memref<128x128xf32, #tpu.memory_space<hbm>>
    %dma_wait3A_85 = arith.constant 0 : i32
    %dma_wait3A_86 = tpu.memref_slice %arg4[%add3A_82, %dma_wait3A_85] : memref<16384x128xf32, #tpu.memory_space<hbm>> -> memref<128x128xf32, #tpu.memory_space<hbm>>
    tpu.wait_dma2 semaphore(%arg14 : memref<!tpu.dma_semaphore, #tpu.memory_space<semaphore_mem>>) src(%arg6 : memref<128x128xf32, #tpu.memory_space<vmem>>) dst(%dma_wait3A_86 : memref<128x128xf32, #tpu.memory_space<hbm>>)
    %add3A_87 = arith.constant 128 : i32
    %add3A_88 = arith.addi %mul3A_2, %add3A_87 : i32
    %dma_wait3A_89 = arith.constant 0 : i32
    %dma_wait3A_90 = tpu.memref_slice %arg4[%add3A_88, %dma_wait3A_89] : memref<16384x128xf32, #tpu.memory_space<hbm>> -> memref<128x128xf32, #tpu.memory_space<hbm>>
    %dma_wait3A_91 = arith.constant 0 : i32
    %dma_wait3A_92 = tpu.memref_slice %arg4[%add3A_88, %dma_wait3A_91] : memref<16384x128xf32, #tpu.memory_space<hbm>> -> memref<128x128xf32, #tpu.memory_space<hbm>>
    tpu.wait_dma2 semaphore(%arg15 : memref<!tpu.dma_semaphore, #tpu.memory_space<semaphore_mem>>) src(%arg7 : memref<128x128xf32, #tpu.memory_space<vmem>>) dst(%dma_wait3A_92 : memref<128x128xf32, #tpu.memory_space<hbm>>)
    %add3A_93 = arith.constant 256 : i32
    %add3A_94 = arith.addi %mul3A_2, %add3A_93 : i32
    %dma_wait3A_95 = arith.constant 0 : i32
    %dma_wait3A_96 = tpu.memref_slice %arg4[%add3A_94, %dma_wait3A_95] : memref<16384x128xf32, #tpu.memory_space<hbm>> -> memref<128x128xf32, #tpu.memory_space<hbm>>
    %dma_wait3A_97 = arith.constant 0 : i32
    %dma_wait3A_98 = tpu.memref_slice %arg4[%add3A_94, %dma_wait3A_97] : memref<16384x128xf32, #tpu.memory_space<hbm>> -> memref<128x128xf32, #tpu.memory_space<hbm>>
    tpu.wait_dma2 semaphore(%arg16 : memref<!tpu.dma_semaphore, #tpu.memory_space<semaphore_mem>>) src(%arg8 : memref<128x128xf32, #tpu.memory_space<vmem>>) dst(%dma_wait3A_98 : memref<128x128xf32, #tpu.memory_space<hbm>>)
    %add3A_99 = arith.constant 384 : i32
    %add3A_100 = arith.addi %mul3A_2, %add3A_99 : i32
    %dma_wait3A_101 = arith.constant 0 : i32
    %dma_wait3A_102 = tpu.memref_slice %arg4[%add3A_100, %dma_wait3A_101] : memref<16384x128xf32, #tpu.memory_space<hbm>> -> memref<128x128xf32, #tpu.memory_space<hbm>>
    %dma_wait3A_103 = arith.constant 0 : i32
    %dma_wait3A_104 = tpu.memref_slice %arg4[%add3A_100, %dma_wait3A_103] : memref<16384x128xf32, #tpu.memory_space<hbm>> -> memref<128x128xf32, #tpu.memory_space<hbm>>
    tpu.wait_dma2 semaphore(%arg17 : memref<!tpu.dma_semaphore, #tpu.memory_space<semaphore_mem>>) src(%arg9 : memref<128x128xf32, #tpu.memory_space<vmem>>) dst(%dma_wait3A_104 : memref<128x128xf32, #tpu.memory_space<hbm>>)
    return
  }
}

#map = affine_map<(d0, d1) -> (0, 0)>
#map1 = affine_map<(d0, d1) -> (0, 0, 0, 0)>
#map2 = affine_map<(d0, d1) -> (0, 0, 0)>
module attributes {stable_mosaic.version = 14 : i64} {
  func.func @k(%arg0: i32, %arg1: i32, %arg2: memref<503808x128xf32, #tpu.memory_space<hbm>>, %arg3: memref<32x4x50x128xi32, #tpu.memory_space<hbm>>, %arg4: memref<32x4x50x128xi32, #tpu.memory_space<hbm>>, %arg5: memref<32x4x128xi32, #tpu.memory_space<hbm>>, %arg6: memref<16384x128xf32, #tpu.memory_space<hbm>>, %arg7: memref<16384x128xf32, #tpu.memory_space<hbm>>, %arg8: memref<16384x128xf32, #tpu.memory_space<hbm>>, %arg9: memref<50x128xi32, #tpu.memory_space<vmem>>, %arg10: memref<50x128xi32, #tpu.memory_space<vmem>>, %arg11: memref<4x128xi32, #tpu.memory_space<vmem>>, %arg12: memref<4096x128xf32, #tpu.memory_space<vmem_shared>>, %arg13: memref<128x128xf32, #tpu.memory_space<vmem>>, %arg14: memref<128x128xf32, #tpu.memory_space<vmem>>, %arg15: memref<128x128xf32, #tpu.memory_space<vmem>>, %arg16: memref<128x128xf32, #tpu.memory_space<vmem>>, %arg17: memref<128x128xf32, #tpu.memory_space<vmem>>, %arg18: memref<!tpu.dma_semaphore, #tpu.memory_space<semaphore_mem>>, %arg19: memref<!tpu.dma_semaphore, #tpu.memory_space<semaphore_mem>>, %arg20: memref<!tpu.dma_semaphore, #tpu.memory_space<semaphore_mem>>, %arg21: memref<!tpu.dma_semaphore, #tpu.memory_space<semaphore_mem>>, %arg22: memref<!tpu.dma_semaphore, #tpu.memory_space<semaphore_mem>>, %arg23: memref<!tpu.dma_semaphore, #tpu.memory_space<semaphore_mem>>, %arg24: memref<!tpu.dma_semaphore, #tpu.memory_space<semaphore_mem>>, %arg25: memref<!tpu.dma_semaphore, #tpu.memory_space<semaphore_mem>>, %arg26: memref<!tpu.dma_semaphore, #tpu.memory_space<semaphore_mem>>, %arg27: memref<!tpu.dma_semaphore, #tpu.memory_space<semaphore_mem>>, %arg28: memref<!tpu.dma_semaphore, #tpu.memory_space<semaphore_mem>>) attributes {dimension_semantics = [#tpu.dimension_semantics<core_parallel>, #tpu.dimension_semantics<subcore_parallel>], iteration_bounds = array<i64: 2, 16>, scalar_prefetch = 0 : i64, scratch_operands = 20 : i64, tpu.core_type = #tpu.core_type<sc_vector_subcore>, window_params = [{transform_indices = #map}, {transform_indices = #map1}, {transform_indices = #map1}, {transform_indices = #map2}, {transform_indices = #map}, {transform_indices = #map}, {transform_indices = #map}]} {
    %mul3A = arith.constant 2 : i32
    %mul3A_0 = arith.muli %arg1, %mul3A : i32
    %add3A = arith.addi %mul3A_0, %arg0 : i32
    %mul3A_1 = arith.constant 512 : i32
    %mul3A_2 = arith.muli %add3A, %mul3A_1 : i32
    %broadcast_in_dim3A = arith.constant 0.000000e+00 : f32
    %broadcast_in_dim3A_3 = vector.broadcast %broadcast_in_dim3A : f32 to vector<16xf32>
    %scan3A = arith.constant 0 : i32
    %scan3A_4 = arith.constant 0 : i32
    %scan3A_5 = arith.constant 128 : i32
    %scan3A_6 = arith.addi %scan3A_4, %scan3A_5 : i32
    %scan3A_7 = arith.constant 1 : i32
    scf.for %scan3A_608 = %scan3A_4 to %scan3A_6 step %scan3A_7  : i32 {
      %swap3A = arith.index_cast %scan3A_608 : i32 to index
      %swap3A_609 = arith.constant 0 : index
      %swap3A_610 = tpu.vector_load %arg13[%swap3A, %swap3A_609] {strides = array<i32>} : memref<128x128xf32, #tpu.memory_space<vmem>>, vector<1x16xf32>,
      %swap3A_611 = vector.shape_cast %swap3A_610 : vector<1x16xf32> to vector<16xf32>
      %swap3A_612 = vector.shape_cast %broadcast_in_dim3A_3 : vector<16xf32> to vector<1x16xf32>
      tpu.vector_store %arg13[%swap3A, %swap3A_609], %swap3A_612 {strides = array<i32>} : memref<128x128xf32, #tpu.memory_space<vmem>>, vector<1x16xf32>,
      %swap3A_613 = arith.index_cast %scan3A_608 : i32 to index
      %swap3A_614 = arith.constant 16 : index
      %swap3A_615 = tpu.vector_load %arg13[%swap3A_613, %swap3A_614] {strides = array<i32>} : memref<128x128xf32, #tpu.memory_space<vmem>>, vector<1x16xf32>,
      %swap3A_616 = vector.shape_cast %swap3A_615 : vector<1x16xf32> to vector<16xf32>
      %swap3A_617 = vector.shape_cast %broadcast_in_dim3A_3 : vector<16xf32> to vector<1x16xf32>
      tpu.vector_store %arg13[%swap3A_613, %swap3A_614], %swap3A_617 {strides = array<i32>} : memref<128x128xf32, #tpu.memory_space<vmem>>, vector<1x16xf32>,
      %swap3A_618 = arith.index_cast %scan3A_608 : i32 to index
      %swap3A_619 = arith.constant 32 : index
      %swap3A_620 = tpu.vector_load %arg13[%swap3A_618, %swap3A_619] {strides = array<i32>} : memref<128x128xf32, #tpu.memory_space<vmem>>, vector<1x16xf32>,
      %swap3A_621 = vector.shape_cast %swap3A_620 : vector<1x16xf32> to vector<16xf32>
      %swap3A_622 = vector.shape_cast %broadcast_in_dim3A_3 : vector<16xf32> to vector<1x16xf32>
      tpu.vector_store %arg13[%swap3A_618, %swap3A_619], %swap3A_622 {strides = array<i32>} : memref<128x128xf32, #tpu.memory_space<vmem>>, vector<1x16xf32>,
      %swap3A_623 = arith.index_cast %scan3A_608 : i32 to index
      %swap3A_624 = arith.constant 48 : index
      %swap3A_625 = tpu.vector_load %arg13[%swap3A_623, %swap3A_624] {strides = array<i32>} : memref<128x128xf32, #tpu.memory_space<vmem>>, vector<1x16xf32>,
      %swap3A_626 = vector.shape_cast %swap3A_625 : vector<1x16xf32> to vector<16xf32>
      %swap3A_627 = vector.shape_cast %broadcast_in_dim3A_3 : vector<16xf32> to vector<1x16xf32>
      tpu.vector_store %arg13[%swap3A_623, %swap3A_624], %swap3A_627 {strides = array<i32>} : memref<128x128xf32, #tpu.memory_space<vmem>>, vector<1x16xf32>,
      %swap3A_628 = arith.index_cast %scan3A_608 : i32 to index
      %swap3A_629 = arith.constant 64 : index
      %swap3A_630 = tpu.vector_load %arg13[%swap3A_628, %swap3A_629] {strides = array<i32>} : memref<128x128xf32, #tpu.memory_space<vmem>>, vector<1x16xf32>,
      %swap3A_631 = vector.shape_cast %swap3A_630 : vector<1x16xf32> to vector<16xf32>
      %swap3A_632 = vector.shape_cast %broadcast_in_dim3A_3 : vector<16xf32> to vector<1x16xf32>
      tpu.vector_store %arg13[%swap3A_628, %swap3A_629], %swap3A_632 {strides = array<i32>} : memref<128x128xf32, #tpu.memory_space<vmem>>, vector<1x16xf32>,
      %swap3A_633 = arith.index_cast %scan3A_608 : i32 to index
      %swap3A_634 = arith.constant 80 : index
      %swap3A_635 = tpu.vector_load %arg13[%swap3A_633, %swap3A_634] {strides = array<i32>} : memref<128x128xf32, #tpu.memory_space<vmem>>, vector<1x16xf32>,
      %swap3A_636 = vector.shape_cast %swap3A_635 : vector<1x16xf32> to vector<16xf32>
      %swap3A_637 = vector.shape_cast %broadcast_in_dim3A_3 : vector<16xf32> to vector<1x16xf32>
      tpu.vector_store %arg13[%swap3A_633, %swap3A_634], %swap3A_637 {strides = array<i32>} : memref<128x128xf32, #tpu.memory_space<vmem>>, vector<1x16xf32>,
      %swap3A_638 = arith.index_cast %scan3A_608 : i32 to index
      %swap3A_639 = arith.constant 96 : index
      %swap3A_640 = tpu.vector_load %arg13[%swap3A_638, %swap3A_639] {strides = array<i32>} : memref<128x128xf32, #tpu.memory_space<vmem>>, vector<1x16xf32>,
      %swap3A_641 = vector.shape_cast %swap3A_640 : vector<1x16xf32> to vector<16xf32>
      %swap3A_642 = vector.shape_cast %broadcast_in_dim3A_3 : vector<16xf32> to vector<1x16xf32>
      tpu.vector_store %arg13[%swap3A_638, %swap3A_639], %swap3A_642 {strides = array<i32>} : memref<128x128xf32, #tpu.memory_space<vmem>>, vector<1x16xf32>,
      %swap3A_643 = arith.index_cast %scan3A_608 : i32 to index
      %swap3A_644 = arith.constant 112 : index
      %swap3A_645 = tpu.vector_load %arg13[%swap3A_643, %swap3A_644] {strides = array<i32>} : memref<128x128xf32, #tpu.memory_space<vmem>>, vector<1x16xf32>,
      %swap3A_646 = vector.shape_cast %swap3A_645 : vector<1x16xf32> to vector<16xf32>
      %swap3A_647 = vector.shape_cast %broadcast_in_dim3A_3 : vector<16xf32> to vector<1x16xf32>
      tpu.vector_store %arg13[%swap3A_643, %swap3A_644], %swap3A_647 {strides = array<i32>} : memref<128x128xf32, #tpu.memory_space<vmem>>, vector<1x16xf32>,
    }
    %scan3A_8 = arith.constant 128 : i32
    %mul3A_9 = arith.constant 256 : i32
    %mul3A_10 = arith.muli %arg1, %mul3A_9 : i32
    %add3A_11 = arith.constant 0 : i32
    %add3A_12 = arith.addi %mul3A_10, %add3A_11 : i32
    "tpu.region"() ({
      %run_scoped3A_608 = tpu.sem_alloc : memref<!tpu.dma_semaphore, #tpu.memory_space<semaphore_mem>>
      %dma_start3A_609 = arith.constant 0 : i32
      %dma_start3A_610 = tpu.memref_slice %arg12[%add3A_12, %dma_start3A_609] : memref<4096x128xf32, #tpu.memory_space<vmem_shared>> -> memref<128x128xf32, #tpu.memory_space<vmem_shared>>
      %dma_start3A_611 = arith.constant 0 : i32
      %dma_start3A_612 = tpu.memref_slice %arg12[%add3A_12, %dma_start3A_611] : memref<4096x128xf32, #tpu.memory_space<vmem_shared>> -> memref<128x128xf32, #tpu.memory_space<vmem_shared>>
      tpu.enqueue_dma source(%arg13 : memref<128x128xf32, #tpu.memory_space<vmem>>) target(%dma_start3A_612 : memref<128x128xf32, #tpu.memory_space<vmem_shared>>) target_semaphore(%run_scoped3A_608 : memref<!tpu.dma_semaphore, #tpu.memory_space<semaphore_mem>>)
      %dma_wait3A_613 = arith.constant 0 : i32
      %dma_wait3A_614 = tpu.memref_slice %arg12[%add3A_12, %dma_wait3A_613] : memref<4096x128xf32, #tpu.memory_space<vmem_shared>> -> memref<128x128xf32, #tpu.memory_space<vmem_shared>>
      %dma_wait3A_615 = arith.constant 0 : i32
      %dma_wait3A_616 = tpu.memref_slice %arg12[%add3A_12, %dma_wait3A_615] : memref<4096x128xf32, #tpu.memory_space<vmem_shared>> -> memref<128x128xf32, #tpu.memory_space<vmem_shared>>
      tpu.wait_dma2 semaphore(%run_scoped3A_608 : memref<!tpu.dma_semaphore, #tpu.memory_space<semaphore_mem>>) src(%arg13 : memref<128x128xf32, #tpu.memory_space<vmem>>) dst(%dma_wait3A_616 : memref<128x128xf32, #tpu.memory_space<vmem_shared>>)
      tpu.yield
    }) : () -> ()
    %mul3A_13 = arith.constant 256 : i32
    %mul3A_14 = arith.muli %arg1, %mul3A_13 : i32
    %add3A_15 = arith.constant 128 : i32
    %add3A_16 = arith.addi %mul3A_14, %add3A_15 : i32
    "tpu.region"() ({
      %run_scoped3A_608 = tpu.sem_alloc : memref<!tpu.dma_semaphore, #tpu.memory_space<semaphore_mem>>
      %dma_start3A_609 = arith.constant 0 : i32
      %dma_start3A_610 = tpu.memref_slice %arg12[%add3A_16, %dma_start3A_609] : memref<4096x128xf32, #tpu.memory_space<vmem_shared>> -> memref<128x128xf32, #tpu.memory_space<vmem_shared>>
      %dma_start3A_611 = arith.constant 0 : i32
      %dma_start3A_612 = tpu.memref_slice %arg12[%add3A_16, %dma_start3A_611] : memref<4096x128xf32, #tpu.memory_space<vmem_shared>> -> memref<128x128xf32, #tpu.memory_space<vmem_shared>>
      tpu.enqueue_dma source(%arg13 : memref<128x128xf32, #tpu.memory_space<vmem>>) target(%dma_start3A_612 : memref<128x128xf32, #tpu.memory_space<vmem_shared>>) target_semaphore(%run_scoped3A_608 : memref<!tpu.dma_semaphore, #tpu.memory_space<semaphore_mem>>)
      %dma_wait3A_613 = arith.constant 0 : i32
      %dma_wait3A_614 = tpu.memref_slice %arg12[%add3A_16, %dma_wait3A_613] : memref<4096x128xf32, #tpu.memory_space<vmem_shared>> -> memref<128x128xf32, #tpu.memory_space<vmem_shared>>
      %dma_wait3A_615 = arith.constant 0 : i32
      %dma_wait3A_616 = tpu.memref_slice %arg12[%add3A_16, %dma_wait3A_615] : memref<4096x128xf32, #tpu.memory_space<vmem_shared>> -> memref<128x128xf32, #tpu.memory_space<vmem_shared>>
      tpu.wait_dma2 semaphore(%run_scoped3A_608 : memref<!tpu.dma_semaphore, #tpu.memory_space<semaphore_mem>>) src(%arg13 : memref<128x128xf32, #tpu.memory_space<vmem>>) dst(%dma_wait3A_616 : memref<128x128xf32, #tpu.memory_space<vmem_shared>>)
      tpu.yield
    }) : () -> ()
    %run_scoped3A = arith.constant 0 : i32
    "tpu.region"() ({
      %run_scoped3A_608 = tpu.sem_alloc : memref<!tpu.dma_semaphore, #tpu.memory_space<semaphore_mem>>
      %dma_start3A_609 = arith.constant 0 : i32
      %dma_start3A_610 = arith.constant 0 : i32
      %dma_start3A_611 = tpu.memref_slice %arg3[%add3A, %run_scoped3A, %dma_start3A_609, %dma_start3A_610] : memref<32x4x50x128xi32, #tpu.memory_space<hbm>> -> memref<1x1x50x128xi32, #tpu.memory_space<hbm>>
      %dma_start3A_612 = tpu.memref_squeeze %dma_start3A_611 : memref<1x1x50x128xi32, #tpu.memory_space<hbm>> -> memref<50x128xi32, #tpu.memory_space<hbm>>
      %dma_start3A_613 = arith.constant 0 : i32
      %dma_start3A_614 = arith.constant 0 : i32
      %dma_start3A_615 = tpu.memref_slice %arg3[%add3A, %run_scoped3A, %dma_start3A_613, %dma_start3A_614] : memref<32x4x50x128xi32, #tpu.memory_space<hbm>> -> memref<1x1x50x128xi32, #tpu.memory_space<hbm>>
      %dma_start3A_616 = tpu.memref_squeeze %dma_start3A_615 : memref<1x1x50x128xi32, #tpu.memory_space<hbm>> -> memref<50x128xi32, #tpu.memory_space<hbm>>
      tpu.enqueue_dma source(%dma_start3A_616 : memref<50x128xi32, #tpu.memory_space<hbm>>) target(%arg9 : memref<50x128xi32, #tpu.memory_space<vmem>>) target_semaphore(%run_scoped3A_608 : memref<!tpu.dma_semaphore, #tpu.memory_space<semaphore_mem>>)
      %dma_wait3A_617 = arith.constant 0 : i32
      %dma_wait3A_618 = arith.constant 0 : i32
      %dma_wait3A_619 = tpu.memref_slice %arg3[%add3A, %run_scoped3A, %dma_wait3A_617, %dma_wait3A_618] : memref<32x4x50x128xi32, #tpu.memory_space<hbm>> -> memref<1x1x50x128xi32, #tpu.memory_space<hbm>>
      %dma_wait3A_620 = tpu.memref_squeeze %dma_wait3A_619 : memref<1x1x50x128xi32, #tpu.memory_space<hbm>> -> memref<50x128xi32, #tpu.memory_space<hbm>>
      %dma_wait3A_621 = arith.constant 0 : i32
      %dma_wait3A_622 = arith.constant 0 : i32
      %dma_wait3A_623 = tpu.memref_slice %arg3[%add3A, %run_scoped3A, %dma_wait3A_621, %dma_wait3A_622] : memref<32x4x50x128xi32, #tpu.memory_space<hbm>> -> memref<1x1x50x128xi32, #tpu.memory_space<hbm>>
      %dma_wait3A_624 = tpu.memref_squeeze %dma_wait3A_623 : memref<1x1x50x128xi32, #tpu.memory_space<hbm>> -> memref<50x128xi32, #tpu.memory_space<hbm>>
      tpu.wait_dma2 semaphore(%run_scoped3A_608 : memref<!tpu.dma_semaphore, #tpu.memory_space<semaphore_mem>>) src(%dma_wait3A_624 : memref<50x128xi32, #tpu.memory_space<hbm>>) dst(%arg9 : memref<50x128xi32, #tpu.memory_space<vmem>>)
      tpu.yield
    }) : () -> ()
    %run_scoped3A_17 = arith.constant 0 : i32
    "tpu.region"() ({
      %run_scoped3A_608 = tpu.sem_alloc : memref<!tpu.dma_semaphore, #tpu.memory_space<semaphore_mem>>
      %dma_start3A_609 = arith.constant 0 : i32
      %dma_start3A_610 = arith.constant 0 : i32
      %dma_start3A_611 = tpu.memref_slice %arg4[%add3A, %run_scoped3A_17, %dma_start3A_609, %dma_start3A_610] : memref<32x4x50x128xi32, #tpu.memory_space<hbm>> -> memref<1x1x50x128xi32, #tpu.memory_space<hbm>>
      %dma_start3A_612 = tpu.memref_squeeze %dma_start3A_611 : memref<1x1x50x128xi32, #tpu.memory_space<hbm>> -> memref<50x128xi32, #tpu.memory_space<hbm>>
      %dma_start3A_613 = arith.constant 0 : i32
      %dma_start3A_614 = arith.constant 0 : i32
      %dma_start3A_615 = tpu.memref_slice %arg4[%add3A, %run_scoped3A_17, %dma_start3A_613, %dma_start3A_614] : memref<32x4x50x128xi32, #tpu.memory_space<hbm>> -> memref<1x1x50x128xi32, #tpu.memory_space<hbm>>
      %dma_start3A_616 = tpu.memref_squeeze %dma_start3A_615 : memref<1x1x50x128xi32, #tpu.memory_space<hbm>> -> memref<50x128xi32, #tpu.memory_space<hbm>>
      tpu.enqueue_dma source(%dma_start3A_616 : memref<50x128xi32, #tpu.memory_space<hbm>>) target(%arg10 : memref<50x128xi32, #tpu.memory_space<vmem>>) target_semaphore(%run_scoped3A_608 : memref<!tpu.dma_semaphore, #tpu.memory_space<semaphore_mem>>)
      %dma_wait3A_617 = arith.constant 0 : i32
      %dma_wait3A_618 = arith.constant 0 : i32
      %dma_wait3A_619 = tpu.memref_slice %arg4[%add3A, %run_scoped3A_17, %dma_wait3A_617, %dma_wait3A_618] : memref<32x4x50x128xi32, #tpu.memory_space<hbm>> -> memref<1x1x50x128xi32, #tpu.memory_space<hbm>>
      %dma_wait3A_620 = tpu.memref_squeeze %dma_wait3A_619 : memref<1x1x50x128xi32, #tpu.memory_space<hbm>> -> memref<50x128xi32, #tpu.memory_space<hbm>>
      %dma_wait3A_621 = arith.constant 0 : i32
      %dma_wait3A_622 = arith.constant 0 : i32
      %dma_wait3A_623 = tpu.memref_slice %arg4[%add3A, %run_scoped3A_17, %dma_wait3A_621, %dma_wait3A_622] : memref<32x4x50x128xi32, #tpu.memory_space<hbm>> -> memref<1x1x50x128xi32, #tpu.memory_space<hbm>>
      %dma_wait3A_624 = tpu.memref_squeeze %dma_wait3A_623 : memref<1x1x50x128xi32, #tpu.memory_space<hbm>> -> memref<50x128xi32, #tpu.memory_space<hbm>>
      tpu.wait_dma2 semaphore(%run_scoped3A_608 : memref<!tpu.dma_semaphore, #tpu.memory_space<semaphore_mem>>) src(%dma_wait3A_624 : memref<50x128xi32, #tpu.memory_space<hbm>>) dst(%arg10 : memref<50x128xi32, #tpu.memory_space<vmem>>)
      tpu.yield
    }) : () -> ()
    %dma_start3A = arith.constant 0 : i32
    %dma_start3A_18 = arith.constant 0 : i32
    %dma_start3A_19 = tpu.memref_slice %arg9[%dma_start3A, %dma_start3A_18] : memref<50x128xi32, #tpu.memory_space<vmem>> -> memref<1x128xi32, #tpu.memory_space<vmem>>
    %dma_start3A_20 = tpu.memref_squeeze %dma_start3A_19 : memref<1x128xi32, #tpu.memory_space<vmem>> -> memref<128xi32, #tpu.memory_space<vmem>>
    %dma_start3A_21 = arith.constant 0 : i32
    %dma_start3A_22 = arith.constant 0 : i32
    %dma_start3A_23 = tpu.memref_slice %arg2[%dma_start3A_21, %dma_start3A_22] : memref<503808x128xf32, #tpu.memory_space<hbm>> -> memref<503808x128xf32, #tpu.memory_space<hbm>>
    tpu.enqueue_indirect_dma source(%dma_start3A_23 : memref<503808x128xf32, #tpu.memory_space<hbm>>) target(%arg13 : memref<128x128xf32, #tpu.memory_space<vmem>>) offsets(%dma_start3A_20 : memref<128xi32, #tpu.memory_space<vmem>>) semaphore(%arg18 : memref<!tpu.dma_semaphore, #tpu.memory_space<semaphore_mem>>)
    %dma_start3A_24 = arith.constant 1 : i32
    %dma_start3A_25 = arith.constant 0 : i32
    %dma_start3A_26 = tpu.memref_slice %arg9[%dma_start3A_24, %dma_start3A_25] : memref<50x128xi32, #tpu.memory_space<vmem>> -> memref<1x128xi32, #tpu.memory_space<vmem>>
    %dma_start3A_27 = tpu.memref_squeeze %dma_start3A_26 : memref<1x128xi32, #tpu.memory_space<vmem>> -> memref<128xi32, #tpu.memory_space<vmem>>
    %dma_start3A_28 = arith.constant 0 : i32
    %dma_start3A_29 = arith.constant 0 : i32
    %dma_start3A_30 = tpu.memref_slice %arg2[%dma_start3A_28, %dma_start3A_29] : memref<503808x128xf32, #tpu.memory_space<hbm>> -> memref<503808x128xf32, #tpu.memory_space<hbm>>
    tpu.enqueue_indirect_dma source(%dma_start3A_30 : memref<503808x128xf32, #tpu.memory_space<hbm>>) target(%arg14 : memref<128x128xf32, #tpu.memory_space<vmem>>) offsets(%dma_start3A_27 : memref<128xi32, #tpu.memory_space<vmem>>) semaphore(%arg19 : memref<!tpu.dma_semaphore, #tpu.memory_space<semaphore_mem>>)
    %dma_start3A_31 = arith.constant 2 : i32
    %dma_start3A_32 = arith.constant 0 : i32
    %dma_start3A_33 = tpu.memref_slice %arg9[%dma_start3A_31, %dma_start3A_32] : memref<50x128xi32, #tpu.memory_space<vmem>> -> memref<1x128xi32, #tpu.memory_space<vmem>>
    %dma_start3A_34 = tpu.memref_squeeze %dma_start3A_33 : memref<1x128xi32, #tpu.memory_space<vmem>> -> memref<128xi32, #tpu.memory_space<vmem>>
    %dma_start3A_35 = arith.constant 0 : i32
    %dma_start3A_36 = arith.constant 0 : i32
    %dma_start3A_37 = tpu.memref_slice %arg2[%dma_start3A_35, %dma_start3A_36] : memref<503808x128xf32, #tpu.memory_space<hbm>> -> memref<503808x128xf32, #tpu.memory_space<hbm>>
    tpu.enqueue_indirect_dma source(%dma_start3A_37 : memref<503808x128xf32, #tpu.memory_space<hbm>>) target(%arg15 : memref<128x128xf32, #tpu.memory_space<vmem>>) offsets(%dma_start3A_34 : memref<128xi32, #tpu.memory_space<vmem>>) semaphore(%arg20 : memref<!tpu.dma_semaphore, #tpu.memory_space<semaphore_mem>>)
    %dma_start3A_38 = arith.constant 3 : i32
    %dma_start3A_39 = arith.constant 0 : i32
    %dma_start3A_40 = tpu.memref_slice %arg9[%dma_start3A_38, %dma_start3A_39] : memref<50x128xi32, #tpu.memory_space<vmem>> -> memref<1x128xi32, #tpu.memory_space<vmem>>
    %dma_start3A_41 = tpu.memref_squeeze %dma_start3A_40 : memref<1x128xi32, #tpu.memory_space<vmem>> -> memref<128xi32, #tpu.memory_space<vmem>>
    %dma_start3A_42 = arith.constant 0 : i32
    %dma_start3A_43 = arith.constant 0 : i32
    %dma_start3A_44 = tpu.memref_slice %arg2[%dma_start3A_42, %dma_start3A_43] : memref<503808x128xf32, #tpu.memory_space<hbm>> -> memref<503808x128xf32, #tpu.memory_space<hbm>>
    tpu.enqueue_indirect_dma source(%dma_start3A_44 : memref<503808x128xf32, #tpu.memory_space<hbm>>) target(%arg16 : memref<128x128xf32, #tpu.memory_space<vmem>>) offsets(%dma_start3A_41 : memref<128xi32, #tpu.memory_space<vmem>>) semaphore(%arg21 : memref<!tpu.dma_semaphore, #tpu.memory_space<semaphore_mem>>)
    %dma_start3A_45 = arith.constant 4 : i32
    %dma_start3A_46 = arith.constant 0 : i32
    %dma_start3A_47 = tpu.memref_slice %arg9[%dma_start3A_45, %dma_start3A_46] : memref<50x128xi32, #tpu.memory_space<vmem>> -> memref<1x128xi32, #tpu.memory_space<vmem>>
    %dma_start3A_48 = tpu.memref_squeeze %dma_start3A_47 : memref<1x128xi32, #tpu.memory_space<vmem>> -> memref<128xi32, #tpu.memory_space<vmem>>
    %dma_start3A_49 = arith.constant 0 : i32
    %dma_start3A_50 = arith.constant 0 : i32
    %dma_start3A_51 = tpu.memref_slice %arg2[%dma_start3A_49, %dma_start3A_50] : memref<503808x128xf32, #tpu.memory_space<hbm>> -> memref<503808x128xf32, #tpu.memory_space<hbm>>
    tpu.enqueue_indirect_dma source(%dma_start3A_51 : memref<503808x128xf32, #tpu.memory_space<hbm>>) target(%arg17 : memref<128x128xf32, #tpu.memory_space<vmem>>) offsets(%dma_start3A_48 : memref<128xi32, #tpu.memory_space<vmem>>) semaphore(%arg22 : memref<!tpu.dma_semaphore, #tpu.memory_space<semaphore_mem>>)
    %scan3A_52 = arith.constant 0 : i32
    %scan3A_53 = arith.constant 0 : i32
    %scan3A_54 = arith.constant 10 : i32
    %scan3A_55 = arith.addi %scan3A_53, %scan3A_54 : i32
    %scan3A_56 = arith.constant 1 : i32
    scf.for %scan3A_608 = %scan3A_53 to %scan3A_55 step %scan3A_56  : i32 {
      %dma_wait3A_609 = arith.constant 0 : i32
      %dma_wait3A_610 = arith.constant 0 : i32
      %dma_wait3A_611 = tpu.memref_slice %arg9[%dma_wait3A_609, %dma_wait3A_610] : memref<50x128xi32, #tpu.memory_space<vmem>> -> memref<1x128xi32, #tpu.memory_space<vmem>>
      %dma_wait3A_612 = tpu.memref_squeeze %dma_wait3A_611 : memref<1x128xi32, #tpu.memory_space<vmem>> -> memref<128xi32, #tpu.memory_space<vmem>>
      %dma_wait3A_613 = arith.constant 0 : i32
      %dma_wait3A_614 = arith.constant 0 : i32
      %dma_wait3A_615 = tpu.memref_slice %arg2[%dma_wait3A_613, %dma_wait3A_614] : memref<503808x128xf32, #tpu.memory_space<hbm>> -> memref<503808x128xf32, #tpu.memory_space<hbm>>
      tpu.wait_indirect_dma semaphore(%arg18 : memref<!tpu.dma_semaphore, #tpu.memory_space<semaphore_mem>>) src(%dma_wait3A_615 : memref<503808x128xf32, #tpu.memory_space<hbm>>) dst(%arg13 : memref<128x128xf32, #tpu.memory_space<vmem>>)
      %mul3A_616 = arith.constant 5 : i32
      %mul3A_617 = arith.muli %scan3A_608, %mul3A_616 : i32
      %add3A_618 = arith.constant 0 : i32
      %add3A_619 = arith.addi %mul3A_617, %add3A_618 : i32
      %dma_start3A_620 = arith.constant 0 : i32
      %dma_start3A_621 = tpu.memref_slice %arg10[%add3A_619, %dma_start3A_620] : memref<50x128xi32, #tpu.memory_space<vmem>> -> memref<1x128xi32, #tpu.memory_space<vmem>>
      %dma_start3A_622 = tpu.memref_squeeze %dma_start3A_621 : memref<1x128xi32, #tpu.memory_space<vmem>> -> memref<128xi32, #tpu.memory_space<vmem>>
      %dma_start3A_623 = arith.constant 0 : i32
      %dma_start3A_624 = arith.constant 0 : i32
      %dma_start3A_625 = tpu.memref_slice %arg12[%dma_start3A_623, %dma_start3A_624] : memref<4096x128xf32, #tpu.memory_space<vmem_shared>> -> memref<4096x128xf32, #tpu.memory_space<vmem_shared>>
      tpu.enqueue_indirect_dma source(%arg13 : memref<128x128xf32, #tpu.memory_space<vmem>>) target(%dma_start3A_625 : memref<4096x128xf32, #tpu.memory_space<vmem_shared>>) offsets(%dma_start3A_622 : memref<128xi32, #tpu.memory_space<vmem>>) semaphore(%arg23 : memref<!tpu.dma_semaphore, #tpu.memory_space<semaphore_mem>>) {add = true}
      %dma_wait3A_626 = arith.constant 0 : i32
      %dma_wait3A_627 = arith.constant 0 : i32
      %dma_wait3A_628 = tpu.memref_slice %arg9[%dma_wait3A_626, %dma_wait3A_627] : memref<50x128xi32, #tpu.memory_space<vmem>> -> memref<1x128xi32, #tpu.memory_space<vmem>>
      %dma_wait3A_629 = tpu.memref_squeeze %dma_wait3A_628 : memref<1x128xi32, #tpu.memory_space<vmem>> -> memref<128xi32, #tpu.memory_space<vmem>>
      %dma_wait3A_630 = arith.constant 0 : i32
      %dma_wait3A_631 = arith.constant 0 : i32
      %dma_wait3A_632 = tpu.memref_slice %arg2[%dma_wait3A_630, %dma_wait3A_631] : memref<503808x128xf32, #tpu.memory_space<hbm>> -> memref<503808x128xf32, #tpu.memory_space<hbm>>
      tpu.wait_indirect_dma semaphore(%arg19 : memref<!tpu.dma_semaphore, #tpu.memory_space<semaphore_mem>>) src(%dma_wait3A_632 : memref<503808x128xf32, #tpu.memory_space<hbm>>) dst(%arg14 : memref<128x128xf32, #tpu.memory_space<vmem>>)
      %mul3A_633 = arith.constant 5 : i32
      %mul3A_634 = arith.muli %scan3A_608, %mul3A_633 : i32
      %add3A_635 = arith.constant 1 : i32
      %add3A_636 = arith.addi %mul3A_634, %add3A_635 : i32
      %dma_start3A_637 = arith.constant 0 : i32
      %dma_start3A_638 = tpu.memref_slice %arg10[%add3A_636, %dma_start3A_637] : memref<50x128xi32, #tpu.memory_space<vmem>> -> memref<1x128xi32, #tpu.memory_space<vmem>>
      %dma_start3A_639 = tpu.memref_squeeze %dma_start3A_638 : memref<1x128xi32, #tpu.memory_space<vmem>> -> memref<128xi32, #tpu.memory_space<vmem>>
      %dma_start3A_640 = arith.constant 0 : i32
      %dma_start3A_641 = arith.constant 0 : i32
      %dma_start3A_642 = tpu.memref_slice %arg12[%dma_start3A_640, %dma_start3A_641] : memref<4096x128xf32, #tpu.memory_space<vmem_shared>> -> memref<4096x128xf32, #tpu.memory_space<vmem_shared>>
      tpu.enqueue_indirect_dma source(%arg14 : memref<128x128xf32, #tpu.memory_space<vmem>>) target(%dma_start3A_642 : memref<4096x128xf32, #tpu.memory_space<vmem_shared>>) offsets(%dma_start3A_639 : memref<128xi32, #tpu.memory_space<vmem>>) semaphore(%arg24 : memref<!tpu.dma_semaphore, #tpu.memory_space<semaphore_mem>>) {add = true}
      %dma_wait3A_643 = arith.constant 0 : i32
      %dma_wait3A_644 = arith.constant 0 : i32
      %dma_wait3A_645 = tpu.memref_slice %arg9[%dma_wait3A_643, %dma_wait3A_644] : memref<50x128xi32, #tpu.memory_space<vmem>> -> memref<1x128xi32, #tpu.memory_space<vmem>>
      %dma_wait3A_646 = tpu.memref_squeeze %dma_wait3A_645 : memref<1x128xi32, #tpu.memory_space<vmem>> -> memref<128xi32, #tpu.memory_space<vmem>>
      %dma_wait3A_647 = arith.constant 0 : i32
      %dma_wait3A_648 = arith.constant 0 : i32
      %dma_wait3A_649 = tpu.memref_slice %arg2[%dma_wait3A_647, %dma_wait3A_648] : memref<503808x128xf32, #tpu.memory_space<hbm>> -> memref<503808x128xf32, #tpu.memory_space<hbm>>
      tpu.wait_indirect_dma semaphore(%arg20 : memref<!tpu.dma_semaphore, #tpu.memory_space<semaphore_mem>>) src(%dma_wait3A_649 : memref<503808x128xf32, #tpu.memory_space<hbm>>) dst(%arg15 : memref<128x128xf32, #tpu.memory_space<vmem>>)
      %mul3A_650 = arith.constant 5 : i32
      %mul3A_651 = arith.muli %scan3A_608, %mul3A_650 : i32
      %add3A_652 = arith.constant 2 : i32
      %add3A_653 = arith.addi %mul3A_651, %add3A_652 : i32
      %dma_start3A_654 = arith.constant 0 : i32
      %dma_start3A_655 = tpu.memref_slice %arg10[%add3A_653, %dma_start3A_654] : memref<50x128xi32, #tpu.memory_space<vmem>> -> memref<1x128xi32, #tpu.memory_space<vmem>>
      %dma_start3A_656 = tpu.memref_squeeze %dma_start3A_655 : memref<1x128xi32, #tpu.memory_space<vmem>> -> memref<128xi32, #tpu.memory_space<vmem>>
      %dma_start3A_657 = arith.constant 0 : i32
      %dma_start3A_658 = arith.constant 0 : i32
      %dma_start3A_659 = tpu.memref_slice %arg12[%dma_start3A_657, %dma_start3A_658] : memref<4096x128xf32, #tpu.memory_space<vmem_shared>> -> memref<4096x128xf32, #tpu.memory_space<vmem_shared>>
      tpu.enqueue_indirect_dma source(%arg15 : memref<128x128xf32, #tpu.memory_space<vmem>>) target(%dma_start3A_659 : memref<4096x128xf32, #tpu.memory_space<vmem_shared>>) offsets(%dma_start3A_656 : memref<128xi32, #tpu.memory_space<vmem>>) semaphore(%arg25 : memref<!tpu.dma_semaphore, #tpu.memory_space<semaphore_mem>>) {add = true}
      %dma_wait3A_660 = arith.constant 0 : i32
      %dma_wait3A_661 = arith.constant 0 : i32
      %dma_wait3A_662 = tpu.memref_slice %arg9[%dma_wait3A_660, %dma_wait3A_661] : memref<50x128xi32, #tpu.memory_space<vmem>> -> memref<1x128xi32, #tpu.memory_space<vmem>>
      %dma_wait3A_663 = tpu.memref_squeeze %dma_wait3A_662 : memref<1x128xi32, #tpu.memory_space<vmem>> -> memref<128xi32, #tpu.memory_space<vmem>>
      %dma_wait3A_664 = arith.constant 0 : i32
      %dma_wait3A_665 = arith.constant 0 : i32
      %dma_wait3A_666 = tpu.memref_slice %arg2[%dma_wait3A_664, %dma_wait3A_665] : memref<503808x128xf32, #tpu.memory_space<hbm>> -> memref<503808x128xf32, #tpu.memory_space<hbm>>
      tpu.wait_indirect_dma semaphore(%arg21 : memref<!tpu.dma_semaphore, #tpu.memory_space<semaphore_mem>>) src(%dma_wait3A_666 : memref<503808x128xf32, #tpu.memory_space<hbm>>) dst(%arg16 : memref<128x128xf32, #tpu.memory_space<vmem>>)
      %mul3A_667 = arith.constant 5 : i32
      %mul3A_668 = arith.muli %scan3A_608, %mul3A_667 : i32
      %add3A_669 = arith.constant 3 : i32
      %add3A_670 = arith.addi %mul3A_668, %add3A_669 : i32
      %dma_start3A_671 = arith.constant 0 : i32
      %dma_start3A_672 = tpu.memref_slice %arg10[%add3A_670, %dma_start3A_671] : memref<50x128xi32, #tpu.memory_space<vmem>> -> memref<1x128xi32, #tpu.memory_space<vmem>>
      %dma_start3A_673 = tpu.memref_squeeze %dma_start3A_672 : memref<1x128xi32, #tpu.memory_space<vmem>> -> memref<128xi32, #tpu.memory_space<vmem>>
      %dma_start3A_674 = arith.constant 0 : i32
      %dma_start3A_675 = arith.constant 0 : i32
      %dma_start3A_676 = tpu.memref_slice %arg12[%dma_start3A_674, %dma_start3A_675] : memref<4096x128xf32, #tpu.memory_space<vmem_shared>> -> memref<4096x128xf32, #tpu.memory_space<vmem_shared>>
      tpu.enqueue_indirect_dma source(%arg16 : memref<128x128xf32, #tpu.memory_space<vmem>>) target(%dma_start3A_676 : memref<4096x128xf32, #tpu.memory_space<vmem_shared>>) offsets(%dma_start3A_673 : memref<128xi32, #tpu.memory_space<vmem>>) semaphore(%arg26 : memref<!tpu.dma_semaphore, #tpu.memory_space<semaphore_mem>>) {add = true}
      %dma_wait3A_677 = arith.constant 0 : i32
      %dma_wait3A_678 = arith.constant 0 : i32
      %dma_wait3A_679 = tpu.memref_slice %arg9[%dma_wait3A_677, %dma_wait3A_678] : memref<50x128xi32, #tpu.memory_space<vmem>> -> memref<1x128xi32, #tpu.memory_space<vmem>>
      %dma_wait3A_680 = tpu.memref_squeeze %dma_wait3A_679 : memref<1x128xi32, #tpu.memory_space<vmem>> -> memref<128xi32, #tpu.memory_space<vmem>>
      %dma_wait3A_681 = arith.constant 0 : i32
      %dma_wait3A_682 = arith.constant 0 : i32
      %dma_wait3A_683 = tpu.memref_slice %arg2[%dma_wait3A_681, %dma_wait3A_682] : memref<503808x128xf32, #tpu.memory_space<hbm>> -> memref<503808x128xf32, #tpu.memory_space<hbm>>
      tpu.wait_indirect_dma semaphore(%arg22 : memref<!tpu.dma_semaphore, #tpu.memory_space<semaphore_mem>>) src(%dma_wait3A_683 : memref<503808x128xf32, #tpu.memory_space<hbm>>) dst(%arg17 : memref<128x128xf32, #tpu.memory_space<vmem>>)
      %mul3A_684 = arith.constant 5 : i32
      %mul3A_685 = arith.muli %scan3A_608, %mul3A_684 : i32
      %add3A_686 = arith.constant 4 : i32
      %add3A_687 = arith.addi %mul3A_685, %add3A_686 : i32
      %dma_start3A_688 = arith.constant 0 : i32
      %dma_start3A_689 = tpu.memref_slice %arg10[%add3A_687, %dma_start3A_688] : memref<50x128xi32, #tpu.memory_space<vmem>> -> memref<1x128xi32, #tpu.memory_space<vmem>>
      %dma_start3A_690 = tpu.memref_squeeze %dma_start3A_689 : memref<1x128xi32, #tpu.memory_space<vmem>> -> memref<128xi32, #tpu.memory_space<vmem>>
      %dma_start3A_691 = arith.constant 0 : i32
      %dma_start3A_692 = arith.constant 0 : i32
      %dma_start3A_693 = tpu.memref_slice %arg12[%dma_start3A_691, %dma_start3A_692] : memref<4096x128xf32, #tpu.memory_space<vmem_shared>> -> memref<4096x128xf32, #tpu.memory_space<vmem_shared>>
      tpu.enqueue_indirect_dma source(%arg17 : memref<128x128xf32, #tpu.memory_space<vmem>>) target(%dma_start3A_693 : memref<4096x128xf32, #tpu.memory_space<vmem_shared>>) offsets(%dma_start3A_690 : memref<128xi32, #tpu.memory_space<vmem>>) semaphore(%arg27 : memref<!tpu.dma_semaphore, #tpu.memory_space<semaphore_mem>>) {add = true}
      %dma_wait3A_694 = arith.constant 0 : i32
      %dma_wait3A_695 = arith.constant 0 : i32
      %dma_wait3A_696 = tpu.memref_slice %arg10[%dma_wait3A_694, %dma_wait3A_695] : memref<50x128xi32, #tpu.memory_space<vmem>> -> memref<1x128xi32, #tpu.memory_space<vmem>>
      %dma_wait3A_697 = tpu.memref_squeeze %dma_wait3A_696 : memref<1x128xi32, #tpu.memory_space<vmem>> -> memref<128xi32, #tpu.memory_space<vmem>>
      %dma_wait3A_698 = arith.constant 0 : i32
      %dma_wait3A_699 = arith.constant 0 : i32
      %dma_wait3A_700 = tpu.memref_slice %arg12[%dma_wait3A_698, %dma_wait3A_699] : memref<4096x128xf32, #tpu.memory_space<vmem_shared>> -> memref<4096x128xf32, #tpu.memory_space<vmem_shared>>
      tpu.wait_indirect_dma semaphore(%arg23 : memref<!tpu.dma_semaphore, #tpu.memory_space<semaphore_mem>>) src(%arg13 : memref<128x128xf32, #tpu.memory_space<vmem>>) dst(%dma_wait3A_700 : memref<4096x128xf32, #tpu.memory_space<vmem_shared>>)
      %mul3A_701 = arith.constant 5 : i32
      %mul3A_702 = arith.muli %scan3A_608, %mul3A_701 : i32
      %add3A_703 = arith.constant 0 : i32
      %add3A_704 = arith.addi %mul3A_702, %add3A_703 : i32
      %add3A_705 = arith.constant 5 : i32
      %add3A_706 = arith.addi %add3A_704, %add3A_705 : i32
      %rem3A = arith.constant 50 : i32
      %rem3A_707 = arith.remsi %add3A_706, %rem3A : i32
      %dma_start3A_708 = arith.constant 0 : i32
      %dma_start3A_709 = tpu.memref_slice %arg9[%rem3A_707, %dma_start3A_708] : memref<50x128xi32, #tpu.memory_space<vmem>> -> memref<1x128xi32, #tpu.memory_space<vmem>>
      %dma_start3A_710 = tpu.memref_squeeze %dma_start3A_709 : memref<1x128xi32, #tpu.memory_space<vmem>> -> memref<128xi32, #tpu.memory_space<vmem>>
      %dma_start3A_711 = arith.constant 0 : i32
      %dma_start3A_712 = arith.constant 0 : i32
      %dma_start3A_713 = tpu.memref_slice %arg2[%dma_start3A_711, %dma_start3A_712] : memref<503808x128xf32, #tpu.memory_space<hbm>> -> memref<503808x128xf32, #tpu.memory_space<hbm>>
      tpu.enqueue_indirect_dma source(%dma_start3A_713 : memref<503808x128xf32, #tpu.memory_space<hbm>>) target(%arg13 : memref<128x128xf32, #tpu.memory_space<vmem>>) offsets(%dma_start3A_710 : memref<128xi32, #tpu.memory_space<vmem>>) semaphore(%arg18 : memref<!tpu.dma_semaphore, #tpu.memory_space<semaphore_mem>>)
      %dma_wait3A_714 = arith.constant 0 : i32
      %dma_wait3A_715 = arith.constant 0 : i32
      %dma_wait3A_716 = tpu.memref_slice %arg10[%dma_wait3A_714, %dma_wait3A_715] : memref<50x128xi32, #tpu.memory_space<vmem>> -> memref<1x128xi32, #tpu.memory_space<vmem>>
      %dma_wait3A_717 = tpu.memref_squeeze %dma_wait3A_716 : memref<1x128xi32, #tpu.memory_space<vmem>> -> memref<128xi32, #tpu.memory_space<vmem>>
      %dma_wait3A_718 = arith.constant 0 : i32
      %dma_wait3A_719 = arith.constant 0 : i32
      %dma_wait3A_720 = tpu.memref_slice %arg12[%dma_wait3A_718, %dma_wait3A_719] : memref<4096x128xf32, #tpu.memory_space<vmem_shared>> -> memref<4096x128xf32, #tpu.memory_space<vmem_shared>>
      tpu.wait_indirect_dma semaphore(%arg24 : memref<!tpu.dma_semaphore, #tpu.memory_space<semaphore_mem>>) src(%arg14 : memref<128x128xf32, #tpu.memory_space<vmem>>) dst(%dma_wait3A_720 : memref<4096x128xf32, #tpu.memory_space<vmem_shared>>)
      %mul3A_721 = arith.constant 5 : i32
      %mul3A_722 = arith.muli %scan3A_608, %mul3A_721 : i32
      %add3A_723 = arith.constant 1 : i32
      %add3A_724 = arith.addi %mul3A_722, %add3A_723 : i32
      %add3A_725 = arith.constant 5 : i32
      %add3A_726 = arith.addi %add3A_724, %add3A_725 : i32
      %rem3A_727 = arith.constant 50 : i32
      %rem3A_728 = arith.remsi %add3A_726, %rem3A_727 : i32
      %dma_start3A_729 = arith.constant 0 : i32
      %dma_start3A_730 = tpu.memref_slice %arg9[%rem3A_728, %dma_start3A_729] : memref<50x128xi32, #tpu.memory_space<vmem>> -> memref<1x128xi32, #tpu.memory_space<vmem>>
      %dma_start3A_731 = tpu.memref_squeeze %dma_start3A_730 : memref<1x128xi32, #tpu.memory_space<vmem>> -> memref<128xi32, #tpu.memory_space<vmem>>
      %dma_start3A_732 = arith.constant 0 : i32
      %dma_start3A_733 = arith.constant 0 : i32
      %dma_start3A_734 = tpu.memref_slice %arg2[%dma_start3A_732, %dma_start3A_733] : memref<503808x128xf32, #tpu.memory_space<hbm>> -> memref<503808x128xf32, #tpu.memory_space<hbm>>
      tpu.enqueue_indirect_dma source(%dma_start3A_734 : memref<503808x128xf32, #tpu.memory_space<hbm>>) target(%arg14 : memref<128x128xf32, #tpu.memory_space<vmem>>) offsets(%dma_start3A_731 : memref<128xi32, #tpu.memory_space<vmem>>) semaphore(%arg19 : memref<!tpu.dma_semaphore, #tpu.memory_space<semaphore_mem>>)
      %dma_wait3A_735 = arith.constant 0 : i32
      %dma_wait3A_736 = arith.constant 0 : i32
      %dma_wait3A_737 = tpu.memref_slice %arg10[%dma_wait3A_735, %dma_wait3A_736] : memref<50x128xi32, #tpu.memory_space<vmem>> -> memref<1x128xi32, #tpu.memory_space<vmem>>
      %dma_wait3A_738 = tpu.memref_squeeze %dma_wait3A_737 : memref<1x128xi32, #tpu.memory_space<vmem>> -> memref<128xi32, #tpu.memory_space<vmem>>
      %dma_wait3A_739 = arith.constant 0 : i32
      %dma_wait3A_740 = arith.constant 0 : i32
      %dma_wait3A_741 = tpu.memref_slice %arg12[%dma_wait3A_739, %dma_wait3A_740] : memref<4096x128xf32, #tpu.memory_space<vmem_shared>> -> memref<4096x128xf32, #tpu.memory_space<vmem_shared>>
      tpu.wait_indirect_dma semaphore(%arg25 : memref<!tpu.dma_semaphore, #tpu.memory_space<semaphore_mem>>) src(%arg15 : memref<128x128xf32, #tpu.memory_space<vmem>>) dst(%dma_wait3A_741 : memref<4096x128xf32, #tpu.memory_space<vmem_shared>>)
      %mul3A_742 = arith.constant 5 : i32
      %mul3A_743 = arith.muli %scan3A_608, %mul3A_742 : i32
      %add3A_744 = arith.constant 2 : i32
      %add3A_745 = arith.addi %mul3A_743, %add3A_744 : i32
      %add3A_746 = arith.constant 5 : i32
      %add3A_747 = arith.addi %add3A_745, %add3A_746 : i32
      %rem3A_748 = arith.constant 50 : i32
      %rem3A_749 = arith.remsi %add3A_747, %rem3A_748 : i32
      %dma_start3A_750 = arith.constant 0 : i32
      %dma_start3A_751 = tpu.memref_slice %arg9[%rem3A_749, %dma_start3A_750] : memref<50x128xi32, #tpu.memory_space<vmem>> -> memref<1x128xi32, #tpu.memory_space<vmem>>
      %dma_start3A_752 = tpu.memref_squeeze %dma_start3A_751 : memref<1x128xi32, #tpu.memory_space<vmem>> -> memref<128xi32, #tpu.memory_space<vmem>>
      %dma_start3A_753 = arith.constant 0 : i32
      %dma_start3A_754 = arith.constant 0 : i32
      %dma_start3A_755 = tpu.memref_slice %arg2[%dma_start3A_753, %dma_start3A_754] : memref<503808x128xf32, #tpu.memory_space<hbm>> -> memref<503808x128xf32, #tpu.memory_space<hbm>>
      tpu.enqueue_indirect_dma source(%dma_start3A_755 : memref<503808x128xf32, #tpu.memory_space<hbm>>) target(%arg15 : memref<128x128xf32, #tpu.memory_space<vmem>>) offsets(%dma_start3A_752 : memref<128xi32, #tpu.memory_space<vmem>>) semaphore(%arg20 : memref<!tpu.dma_semaphore, #tpu.memory_space<semaphore_mem>>)
      %dma_wait3A_756 = arith.constant 0 : i32
      %dma_wait3A_757 = arith.constant 0 : i32
      %dma_wait3A_758 = tpu.memref_slice %arg10[%dma_wait3A_756, %dma_wait3A_757] : memref<50x128xi32, #tpu.memory_space<vmem>> -> memref<1x128xi32, #tpu.memory_space<vmem>>
      %dma_wait3A_759 = tpu.memref_squeeze %dma_wait3A_758 : memref<1x128xi32, #tpu.memory_space<vmem>> -> memref<128xi32, #tpu.memory_space<vmem>>
      %dma_wait3A_760 = arith.constant 0 : i32
      %dma_wait3A_761 = arith.constant 0 : i32
      %dma_wait3A_762 = tpu.memref_slice %arg12[%dma_wait3A_760, %dma_wait3A_761] : memref<4096x128xf32, #tpu.memory_space<vmem_shared>> -> memref<4096x128xf32, #tpu.memory_space<vmem_shared>>
      tpu.wait_indirect_dma semaphore(%arg26 : memref<!tpu.dma_semaphore, #tpu.memory_space<semaphore_mem>>) src(%arg16 : memref<128x128xf32, #tpu.memory_space<vmem>>) dst(%dma_wait3A_762 : memref<4096x128xf32, #tpu.memory_space<vmem_shared>>)
      %mul3A_763 = arith.constant 5 : i32
      %mul3A_764 = arith.muli %scan3A_608, %mul3A_763 : i32
      %add3A_765 = arith.constant 3 : i32
      %add3A_766 = arith.addi %mul3A_764, %add3A_765 : i32
      %add3A_767 = arith.constant 5 : i32
      %add3A_768 = arith.addi %add3A_766, %add3A_767 : i32
      %rem3A_769 = arith.constant 50 : i32
      %rem3A_770 = arith.remsi %add3A_768, %rem3A_769 : i32
      %dma_start3A_771 = arith.constant 0 : i32
      %dma_start3A_772 = tpu.memref_slice %arg9[%rem3A_770, %dma_start3A_771] : memref<50x128xi32, #tpu.memory_space<vmem>> -> memref<1x128xi32, #tpu.memory_space<vmem>>
      %dma_start3A_773 = tpu.memref_squeeze %dma_start3A_772 : memref<1x128xi32, #tpu.memory_space<vmem>> -> memref<128xi32, #tpu.memory_space<vmem>>
      %dma_start3A_774 = arith.constant 0 : i32
      %dma_start3A_775 = arith.constant 0 : i32
      %dma_start3A_776 = tpu.memref_slice %arg2[%dma_start3A_774, %dma_start3A_775] : memref<503808x128xf32, #tpu.memory_space<hbm>> -> memref<503808x128xf32, #tpu.memory_space<hbm>>
      tpu.enqueue_indirect_dma source(%dma_start3A_776 : memref<503808x128xf32, #tpu.memory_space<hbm>>) target(%arg16 : memref<128x128xf32, #tpu.memory_space<vmem>>) offsets(%dma_start3A_773 : memref<128xi32, #tpu.memory_space<vmem>>) semaphore(%arg21 : memref<!tpu.dma_semaphore, #tpu.memory_space<semaphore_mem>>)
      %dma_wait3A_777 = arith.constant 0 : i32
      %dma_wait3A_778 = arith.constant 0 : i32
      %dma_wait3A_779 = tpu.memref_slice %arg10[%dma_wait3A_777, %dma_wait3A_778] : memref<50x128xi32, #tpu.memory_space<vmem>> -> memref<1x128xi32, #tpu.memory_space<vmem>>
      %dma_wait3A_780 = tpu.memref_squeeze %dma_wait3A_779 : memref<1x128xi32, #tpu.memory_space<vmem>> -> memref<128xi32, #tpu.memory_space<vmem>>
      %dma_wait3A_781 = arith.constant 0 : i32
      %dma_wait3A_782 = arith.constant 0 : i32
      %dma_wait3A_783 = tpu.memref_slice %arg12[%dma_wait3A_781, %dma_wait3A_782] : memref<4096x128xf32, #tpu.memory_space<vmem_shared>> -> memref<4096x128xf32, #tpu.memory_space<vmem_shared>>
      tpu.wait_indirect_dma semaphore(%arg27 : memref<!tpu.dma_semaphore, #tpu.memory_space<semaphore_mem>>) src(%arg17 : memref<128x128xf32, #tpu.memory_space<vmem>>) dst(%dma_wait3A_783 : memref<4096x128xf32, #tpu.memory_space<vmem_shared>>)
      %mul3A_784 = arith.constant 5 : i32
      %mul3A_785 = arith.muli %scan3A_608, %mul3A_784 : i32
      %add3A_786 = arith.constant 4 : i32
      %add3A_787 = arith.addi %mul3A_785, %add3A_786 : i32
      %add3A_788 = arith.constant 5 : i32
      %add3A_789 = arith.addi %add3A_787, %add3A_788 : i32
      %rem3A_790 = arith.constant 50 : i32
      %rem3A_791 = arith.remsi %add3A_789, %rem3A_790 : i32
      %dma_start3A_792 = arith.constant 0 : i32
      %dma_start3A_793 = tpu.memref_slice %arg9[%rem3A_791, %dma_start3A_792] : memref<50x128xi32, #tpu.memory_space<vmem>> -> memref<1x128xi32, #tpu.memory_space<vmem>>
      %dma_start3A_794 = tpu.memref_squeeze %dma_start3A_793 : memref<1x128xi32, #tpu.memory_space<vmem>> -> memref<128xi32, #tpu.memory_space<vmem>>
      %dma_start3A_795 = arith.constant 0 : i32
      %dma_start3A_796 = arith.constant 0 : i32
      %dma_start3A_797 = tpu.memref_slice %arg2[%dma_start3A_795, %dma_start3A_796] : memref<503808x128xf32, #tpu.memory_space<hbm>> -> memref<503808x128xf32, #tpu.memory_space<hbm>>
      tpu.enqueue_indirect_dma source(%dma_start3A_797 : memref<503808x128xf32, #tpu.memory_space<hbm>>) target(%arg17 : memref<128x128xf32, #tpu.memory_space<vmem>>) offsets(%dma_start3A_794 : memref<128xi32, #tpu.memory_space<vmem>>) semaphore(%arg22 : memref<!tpu.dma_semaphore, #tpu.memory_space<semaphore_mem>>)
    }
    %scan3A_57 = arith.constant 10 : i32
    %dma_wait3A = arith.constant 0 : i32
    %dma_wait3A_58 = arith.constant 0 : i32
    %dma_wait3A_59 = tpu.memref_slice %arg9[%dma_wait3A, %dma_wait3A_58] : memref<50x128xi32, #tpu.memory_space<vmem>> -> memref<1x128xi32, #tpu.memory_space<vmem>>
    %dma_wait3A_60 = tpu.memref_squeeze %dma_wait3A_59 : memref<1x128xi32, #tpu.memory_space<vmem>> -> memref<128xi32, #tpu.memory_space<vmem>>
    %dma_wait3A_61 = arith.constant 0 : i32
    %dma_wait3A_62 = arith.constant 0 : i32
    %dma_wait3A_63 = tpu.memref_slice %arg2[%dma_wait3A_61, %dma_wait3A_62] : memref<503808x128xf32, #tpu.memory_space<hbm>> -> memref<503808x128xf32, #tpu.memory_space<hbm>>
    tpu.wait_indirect_dma semaphore(%arg18 : memref<!tpu.dma_semaphore, #tpu.memory_space<semaphore_mem>>) src(%dma_wait3A_63 : memref<503808x128xf32, #tpu.memory_space<hbm>>) dst(%arg13 : memref<128x128xf32, #tpu.memory_space<vmem>>)
    %dma_wait3A_64 = arith.constant 0 : i32
    %dma_wait3A_65 = arith.constant 0 : i32
    %dma_wait3A_66 = tpu.memref_slice %arg9[%dma_wait3A_64, %dma_wait3A_65] : memref<50x128xi32, #tpu.memory_space<vmem>> -> memref<1x128xi32, #tpu.memory_space<vmem>>
    %dma_wait3A_67 = tpu.memref_squeeze %dma_wait3A_66 : memref<1x128xi32, #tpu.memory_space<vmem>> -> memref<128xi32, #tpu.memory_space<vmem>>
    %dma_wait3A_68 = arith.constant 0 : i32
    %dma_wait3A_69 = arith.constant 0 : i32
    %dma_wait3A_70 = tpu.memref_slice %arg2[%dma_wait3A_68, %dma_wait3A_69] : memref<503808x128xf32, #tpu.memory_space<hbm>> -> memref<503808x128xf32, #tpu.memory_space<hbm>>
    tpu.wait_indirect_dma semaphore(%arg19 : memref<!tpu.dma_semaphore, #tpu.memory_space<semaphore_mem>>) src(%dma_wait3A_70 : memref<503808x128xf32, #tpu.memory_space<hbm>>) dst(%arg14 : memref<128x128xf32, #tpu.memory_space<vmem>>)
    %dma_wait3A_71 = arith.constant 0 : i32
    %dma_wait3A_72 = arith.constant 0 : i32
    %dma_wait3A_73 = tpu.memref_slice %arg9[%dma_wait3A_71, %dma_wait3A_72] : memref<50x128xi32, #tpu.memory_space<vmem>> -> memref<1x128xi32, #tpu.memory_space<vmem>>
    %dma_wait3A_74 = tpu.memref_squeeze %dma_wait3A_73 : memref<1x128xi32, #tpu.memory_space<vmem>> -> memref<128xi32, #tpu.memory_space<vmem>>
    %dma_wait3A_75 = arith.constant 0 : i32
    %dma_wait3A_76 = arith.constant 0 : i32
    %dma_wait3A_77 = tpu.memref_slice %arg2[%dma_wait3A_75, %dma_wait3A_76] : memref<503808x128xf32, #tpu.memory_space<hbm>> -> memref<503808x128xf32, #tpu.memory_space<hbm>>
    tpu.wait_indirect_dma semaphore(%arg20 : memref<!tpu.dma_semaphore, #tpu.memory_space<semaphore_mem>>) src(%dma_wait3A_77 : memref<503808x128xf32, #tpu.memory_space<hbm>>) dst(%arg15 : memref<128x128xf32, #tpu.memory_space<vmem>>)
    %dma_wait3A_78 = arith.constant 0 : i32
    %dma_wait3A_79 = arith.constant 0 : i32
    %dma_wait3A_80 = tpu.memref_slice %arg9[%dma_wait3A_78, %dma_wait3A_79] : memref<50x128xi32, #tpu.memory_space<vmem>> -> memref<1x128xi32, #tpu.memory_space<vmem>>
    %dma_wait3A_81 = tpu.memref_squeeze %dma_wait3A_80 : memref<1x128xi32, #tpu.memory_space<vmem>> -> memref<128xi32, #tpu.memory_space<vmem>>
    %dma_wait3A_82 = arith.constant 0 : i32
    %dma_wait3A_83 = arith.constant 0 : i32
    %dma_wait3A_84 = tpu.memref_slice %arg2[%dma_wait3A_82, %dma_wait3A_83] : memref<503808x128xf32, #tpu.memory_space<hbm>> -> memref<503808x128xf32, #tpu.memory_space<hbm>>
    tpu.wait_indirect_dma semaphore(%arg21 : memref<!tpu.dma_semaphore, #tpu.memory_space<semaphore_mem>>) src(%dma_wait3A_84 : memref<503808x128xf32, #tpu.memory_space<hbm>>) dst(%arg16 : memref<128x128xf32, #tpu.memory_space<vmem>>)
    %dma_wait3A_85 = arith.constant 0 : i32
    %dma_wait3A_86 = arith.constant 0 : i32
    %dma_wait3A_87 = tpu.memref_slice %arg9[%dma_wait3A_85, %dma_wait3A_86] : memref<50x128xi32, #tpu.memory_space<vmem>> -> memref<1x128xi32, #tpu.memory_space<vmem>>
    %dma_wait3A_88 = tpu.memref_squeeze %dma_wait3A_87 : memref<1x128xi32, #tpu.memory_space<vmem>> -> memref<128xi32, #tpu.memory_space<vmem>>
    %dma_wait3A_89 = arith.constant 0 : i32
    %dma_wait3A_90 = arith.constant 0 : i32
    %dma_wait3A_91 = tpu.memref_slice %arg2[%dma_wait3A_89, %dma_wait3A_90] : memref<503808x128xf32, #tpu.memory_space<hbm>> -> memref<503808x128xf32, #tpu.memory_space<hbm>>
    tpu.wait_indirect_dma semaphore(%arg22 : memref<!tpu.dma_semaphore, #tpu.memory_space<semaphore_mem>>) src(%dma_wait3A_91 : memref<503808x128xf32, #tpu.memory_space<hbm>>) dst(%arg17 : memref<128x128xf32, #tpu.memory_space<vmem>>)
    %mul3A_92 = arith.constant 256 : i32
    %mul3A_93 = arith.muli %arg1, %mul3A_92 : i32
    %add3A_94 = arith.constant 0 : i32
    %add3A_95 = arith.addi %mul3A_2, %add3A_94 : i32
    %dma_start3A_96 = arith.constant 0 : i32
    %dma_start3A_97 = tpu.memref_slice %arg6[%add3A_95, %dma_start3A_96] : memref<16384x128xf32, #tpu.memory_space<hbm>> -> memref<128x128xf32, #tpu.memory_space<hbm>>
    %dma_start3A_98 = arith.constant 0 : i32
    %dma_start3A_99 = tpu.memref_slice %arg12[%mul3A_93, %dma_start3A_98] : memref<4096x128xf32, #tpu.memory_space<vmem_shared>> -> memref<128x128xf32, #tpu.memory_space<vmem_shared>>
    tpu.enqueue_dma source(%dma_start3A_99 : memref<128x128xf32, #tpu.memory_space<vmem_shared>>) target(%dma_start3A_97 : memref<128x128xf32, #tpu.memory_space<hbm>>) target_semaphore(%arg28 : memref<!tpu.dma_semaphore, #tpu.memory_space<semaphore_mem>>)
    %mul3A_100 = arith.constant 256 : i32
    %mul3A_101 = arith.muli %arg1, %mul3A_100 : i32
    %add3A_102 = arith.constant 128 : i32
    %add3A_103 = arith.addi %mul3A_101, %add3A_102 : i32
    %add3A_104 = arith.constant 0 : i32
    %add3A_105 = arith.addi %mul3A_2, %add3A_104 : i32
    %dma_start3A_106 = arith.constant 0 : i32
    %dma_start3A_107 = tpu.memref_slice %arg7[%add3A_105, %dma_start3A_106] : memref<16384x128xf32, #tpu.memory_space<hbm>> -> memref<128x128xf32, #tpu.memory_space<hbm>>
    %dma_start3A_108 = arith.constant 0 : i32
    %dma_start3A_109 = tpu.memref_slice %arg12[%add3A_103, %dma_start3A_108] : memref<4096x128xf32, #tpu.memory_space<vmem_shared>> -> memref<128x128xf32, #tpu.memory_space<vmem_shared>>
    tpu.enqueue_dma source(%dma_start3A_109 : memref<128x128xf32, #tpu.memory_space<vmem_shared>>) target(%dma_start3A_107 : memref<128x128xf32, #tpu.memory_space<hbm>>) target_semaphore(%arg28 : memref<!tpu.dma_semaphore, #tpu.memory_space<semaphore_mem>>)
    %add3A_110 = arith.constant 0 : i32
    %add3A_111 = arith.addi %mul3A_2, %add3A_110 : i32
    %mul3A_112 = arith.constant 256 : i32
    %mul3A_113 = arith.muli %arg1, %mul3A_112 : i32
    %dma_wait3A_114 = arith.constant 0 : i32
    %dma_wait3A_115 = tpu.memref_slice %arg6[%add3A_111, %dma_wait3A_114] : memref<16384x128xf32, #tpu.memory_space<hbm>> -> memref<128x128xf32, #tpu.memory_space<hbm>>
    %dma_wait3A_116 = arith.constant 0 : i32
    %dma_wait3A_117 = tpu.memref_slice %arg12[%mul3A_113, %dma_wait3A_116] : memref<4096x128xf32, #tpu.memory_space<vmem_shared>> -> memref<128x128xf32, #tpu.memory_space<vmem_shared>>
    tpu.wait_dma2 semaphore(%arg28 : memref<!tpu.dma_semaphore, #tpu.memory_space<semaphore_mem>>) src(%dma_wait3A_117 : memref<128x128xf32, #tpu.memory_space<vmem_shared>>) dst(%dma_wait3A_115 : memref<128x128xf32, #tpu.memory_space<hbm>>)
    %mul3A_118 = arith.constant 256 : i32
    %mul3A_119 = arith.muli %arg1, %mul3A_118 : i32
    %add3A_120 = arith.constant 128 : i32
    %add3A_121 = arith.addi %mul3A_119, %add3A_120 : i32
    %dma_wait3A_122 = arith.constant 0 : i32
    %dma_wait3A_123 = tpu.memref_slice %arg7[%add3A_111, %dma_wait3A_122] : memref<16384x128xf32, #tpu.memory_space<hbm>> -> memref<128x128xf32, #tpu.memory_space<hbm>>
    %dma_wait3A_124 = arith.constant 0 : i32
    %dma_wait3A_125 = tpu.memref_slice %arg12[%add3A_121, %dma_wait3A_124] : memref<4096x128xf32, #tpu.memory_space<vmem_shared>> -> memref<128x128xf32, #tpu.memory_space<vmem_shared>>
    tpu.wait_dma2 semaphore(%arg28 : memref<!tpu.dma_semaphore, #tpu.memory_space<semaphore_mem>>) src(%dma_wait3A_125 : memref<128x128xf32, #tpu.memory_space<vmem_shared>>) dst(%dma_wait3A_123 : memref<128x128xf32, #tpu.memory_space<hbm>>)
    %scan3A_126 = arith.constant 0 : i32
    %scan3A_127 = arith.constant 0 : i32
    %scan3A_128 = arith.constant 128 : i32
    %scan3A_129 = arith.addi %scan3A_127, %scan3A_128 : i32
    %scan3A_130 = arith.constant 1 : i32
    scf.for %scan3A_608 = %scan3A_127 to %scan3A_129 step %scan3A_130  : i32 {
      %swap3A = arith.index_cast %scan3A_608 : i32 to index
      %swap3A_609 = arith.constant 0 : index
      %swap3A_610 = tpu.vector_load %arg13[%swap3A, %swap3A_609] {strides = array<i32>} : memref<128x128xf32, #tpu.memory_space<vmem>>, vector<1x16xf32>,
      %swap3A_611 = vector.shape_cast %swap3A_610 : vector<1x16xf32> to vector<16xf32>
      %swap3A_612 = vector.shape_cast %broadcast_in_dim3A_3 : vector<16xf32> to vector<1x16xf32>
      tpu.vector_store %arg13[%swap3A, %swap3A_609], %swap3A_612 {strides = array<i32>} : memref<128x128xf32, #tpu.memory_space<vmem>>, vector<1x16xf32>,
      %swap3A_613 = arith.index_cast %scan3A_608 : i32 to index
      %swap3A_614 = arith.constant 16 : index
      %swap3A_615 = tpu.vector_load %arg13[%swap3A_613, %swap3A_614] {strides = array<i32>} : memref<128x128xf32, #tpu.memory_space<vmem>>, vector<1x16xf32>,
      %swap3A_616 = vector.shape_cast %swap3A_615 : vector<1x16xf32> to vector<16xf32>
      %swap3A_617 = vector.shape_cast %broadcast_in_dim3A_3 : vector<16xf32> to vector<1x16xf32>
      tpu.vector_store %arg13[%swap3A_613, %swap3A_614], %swap3A_617 {strides = array<i32>} : memref<128x128xf32, #tpu.memory_space<vmem>>, vector<1x16xf32>,
      %swap3A_618 = arith.index_cast %scan3A_608 : i32 to index
      %swap3A_619 = arith.constant 32 : index
      %swap3A_620 = tpu.vector_load %arg13[%swap3A_618, %swap3A_619] {strides = array<i32>} : memref<128x128xf32, #tpu.memory_space<vmem>>, vector<1x16xf32>,
      %swap3A_621 = vector.shape_cast %swap3A_620 : vector<1x16xf32> to vector<16xf32>
      %swap3A_622 = vector.shape_cast %broadcast_in_dim3A_3 : vector<16xf32> to vector<1x16xf32>
      tpu.vector_store %arg13[%swap3A_618, %swap3A_619], %swap3A_622 {strides = array<i32>} : memref<128x128xf32, #tpu.memory_space<vmem>>, vector<1x16xf32>,
      %swap3A_623 = arith.index_cast %scan3A_608 : i32 to index
      %swap3A_624 = arith.constant 48 : index
      %swap3A_625 = tpu.vector_load %arg13[%swap3A_623, %swap3A_624] {strides = array<i32>} : memref<128x128xf32, #tpu.memory_space<vmem>>, vector<1x16xf32>,
      %swap3A_626 = vector.shape_cast %swap3A_625 : vector<1x16xf32> to vector<16xf32>
      %swap3A_627 = vector.shape_cast %broadcast_in_dim3A_3 : vector<16xf32> to vector<1x16xf32>
      tpu.vector_store %arg13[%swap3A_623, %swap3A_624], %swap3A_627 {strides = array<i32>} : memref<128x128xf32, #tpu.memory_space<vmem>>, vector<1x16xf32>,
      %swap3A_628 = arith.index_cast %scan3A_608 : i32 to index
      %swap3A_629 = arith.constant 64 : index
      %swap3A_630 = tpu.vector_load %arg13[%swap3A_628, %swap3A_629] {strides = array<i32>} : memref<128x128xf32, #tpu.memory_space<vmem>>, vector<1x16xf32>,
      %swap3A_631 = vector.shape_cast %swap3A_630 : vector<1x16xf32> to vector<16xf32>
      %swap3A_632 = vector.shape_cast %broadcast_in_dim3A_3 : vector<16xf32> to vector<1x16xf32>
      tpu.vector_store %arg13[%swap3A_628, %swap3A_629], %swap3A_632 {strides = array<i32>} : memref<128x128xf32, #tpu.memory_space<vmem>>, vector<1x16xf32>,
      %swap3A_633 = arith.index_cast %scan3A_608 : i32 to index
      %swap3A_634 = arith.constant 80 : index
      %swap3A_635 = tpu.vector_load %arg13[%swap3A_633, %swap3A_634] {strides = array<i32>} : memref<128x128xf32, #tpu.memory_space<vmem>>, vector<1x16xf32>,
      %swap3A_636 = vector.shape_cast %swap3A_635 : vector<1x16xf32> to vector<16xf32>
      %swap3A_637 = vector.shape_cast %broadcast_in_dim3A_3 : vector<16xf32> to vector<1x16xf32>
      tpu.vector_store %arg13[%swap3A_633, %swap3A_634], %swap3A_637 {strides = array<i32>} : memref<128x128xf32, #tpu.memory_space<vmem>>, vector<1x16xf32>,
      %swap3A_638 = arith.index_cast %scan3A_608 : i32 to index
      %swap3A_639 = arith.constant 96 : index
      %swap3A_640 = tpu.vector_load %arg13[%swap3A_638, %swap3A_639] {strides = array<i32>} : memref<128x128xf32, #tpu.memory_space<vmem>>, vector<1x16xf32>,
      %swap3A_641 = vector.shape_cast %swap3A_640 : vector<1x16xf32> to vector<16xf32>
      %swap3A_642 = vector.shape_cast %broadcast_in_dim3A_3 : vector<16xf32> to vector<1x16xf32>
      tpu.vector_store %arg13[%swap3A_638, %swap3A_639], %swap3A_642 {strides = array<i32>} : memref<128x128xf32, #tpu.memory_space<vmem>>, vector<1x16xf32>,
      %swap3A_643 = arith.index_cast %scan3A_608 : i32 to index
      %swap3A_644 = arith.constant 112 : index
      %swap3A_645 = tpu.vector_load %arg13[%swap3A_643, %swap3A_644] {strides = array<i32>} : memref<128x128xf32, #tpu.memory_space<vmem>>, vector<1x16xf32>,
      %swap3A_646 = vector.shape_cast %swap3A_645 : vector<1x16xf32> to vector<16xf32>
      %swap3A_647 = vector.shape_cast %broadcast_in_dim3A_3 : vector<16xf32> to vector<1x16xf32>
      tpu.vector_store %arg13[%swap3A_643, %swap3A_644], %swap3A_647 {strides = array<i32>} : memref<128x128xf32, #tpu.memory_space<vmem>>, vector<1x16xf32>,
    }
    %scan3A_131 = arith.constant 128 : i32
    %mul3A_132 = arith.constant 256 : i32
    %mul3A_133 = arith.muli %arg1, %mul3A_132 : i32
    %add3A_134 = arith.constant 0 : i32
    %add3A_135 = arith.addi %mul3A_133, %add3A_134 : i32
    "tpu.region"() ({
      %run_scoped3A_608 = tpu.sem_alloc : memref<!tpu.dma_semaphore, #tpu.memory_space<semaphore_mem>>
      %dma_start3A_609 = arith.constant 0 : i32
      %dma_start3A_610 = tpu.memref_slice %arg12[%add3A_135, %dma_start3A_609] : memref<4096x128xf32, #tpu.memory_space<vmem_shared>> -> memref<128x128xf32, #tpu.memory_space<vmem_shared>>
      %dma_start3A_611 = arith.constant 0 : i32
      %dma_start3A_612 = tpu.memref_slice %arg12[%add3A_135, %dma_start3A_611] : memref<4096x128xf32, #tpu.memory_space<vmem_shared>> -> memref<128x128xf32, #tpu.memory_space<vmem_shared>>
      tpu.enqueue_dma source(%arg13 : memref<128x128xf32, #tpu.memory_space<vmem>>) target(%dma_start3A_612 : memref<128x128xf32, #tpu.memory_space<vmem_shared>>) target_semaphore(%run_scoped3A_608 : memref<!tpu.dma_semaphore, #tpu.memory_space<semaphore_mem>>)
      %dma_wait3A_613 = arith.constant 0 : i32
      %dma_wait3A_614 = tpu.memref_slice %arg12[%add3A_135, %dma_wait3A_613] : memref<4096x128xf32, #tpu.memory_space<vmem_shared>> -> memref<128x128xf32, #tpu.memory_space<vmem_shared>>
      %dma_wait3A_615 = arith.constant 0 : i32
      %dma_wait3A_616 = tpu.memref_slice %arg12[%add3A_135, %dma_wait3A_615] : memref<4096x128xf32, #tpu.memory_space<vmem_shared>> -> memref<128x128xf32, #tpu.memory_space<vmem_shared>>
      tpu.wait_dma2 semaphore(%run_scoped3A_608 : memref<!tpu.dma_semaphore, #tpu.memory_space<semaphore_mem>>) src(%arg13 : memref<128x128xf32, #tpu.memory_space<vmem>>) dst(%dma_wait3A_616 : memref<128x128xf32, #tpu.memory_space<vmem_shared>>)
      tpu.yield
    }) : () -> ()
    %mul3A_136 = arith.constant 256 : i32
    %mul3A_137 = arith.muli %arg1, %mul3A_136 : i32
    %add3A_138 = arith.constant 128 : i32
    %add3A_139 = arith.addi %mul3A_137, %add3A_138 : i32
    "tpu.region"() ({
      %run_scoped3A_608 = tpu.sem_alloc : memref<!tpu.dma_semaphore, #tpu.memory_space<semaphore_mem>>
      %dma_start3A_609 = arith.constant 0 : i32
      %dma_start3A_610 = tpu.memref_slice %arg12[%add3A_139, %dma_start3A_609] : memref<4096x128xf32, #tpu.memory_space<vmem_shared>> -> memref<128x128xf32, #tpu.memory_space<vmem_shared>>
      %dma_start3A_611 = arith.constant 0 : i32
      %dma_start3A_612 = tpu.memref_slice %arg12[%add3A_139, %dma_start3A_611] : memref<4096x128xf32, #tpu.memory_space<vmem_shared>> -> memref<128x128xf32, #tpu.memory_space<vmem_shared>>
      tpu.enqueue_dma source(%arg13 : memref<128x128xf32, #tpu.memory_space<vmem>>) target(%dma_start3A_612 : memref<128x128xf32, #tpu.memory_space<vmem_shared>>) target_semaphore(%run_scoped3A_608 : memref<!tpu.dma_semaphore, #tpu.memory_space<semaphore_mem>>)
      %dma_wait3A_613 = arith.constant 0 : i32
      %dma_wait3A_614 = tpu.memref_slice %arg12[%add3A_139, %dma_wait3A_613] : memref<4096x128xf32, #tpu.memory_space<vmem_shared>> -> memref<128x128xf32, #tpu.memory_space<vmem_shared>>
      %dma_wait3A_615 = arith.constant 0 : i32
      %dma_wait3A_616 = tpu.memref_slice %arg12[%add3A_139, %dma_wait3A_615] : memref<4096x128xf32, #tpu.memory_space<vmem_shared>> -> memref<128x128xf32, #tpu.memory_space<vmem_shared>>
      tpu.wait_dma2 semaphore(%run_scoped3A_608 : memref<!tpu.dma_semaphore, #tpu.memory_space<semaphore_mem>>) src(%arg13 : memref<128x128xf32, #tpu.memory_space<vmem>>) dst(%dma_wait3A_616 : memref<128x128xf32, #tpu.memory_space<vmem_shared>>)
      tpu.yield
    }) : () -> ()
    %run_scoped3A_140 = arith.constant 1 : i32
    "tpu.region"() ({
      %run_scoped3A_608 = tpu.sem_alloc : memref<!tpu.dma_semaphore, #tpu.memory_space<semaphore_mem>>
      %dma_start3A_609 = arith.constant 0 : i32
      %dma_start3A_610 = arith.constant 0 : i32
      %dma_start3A_611 = tpu.memref_slice %arg3[%add3A, %run_scoped3A_140, %dma_start3A_609, %dma_start3A_610] : memref<32x4x50x128xi32, #tpu.memory_space<hbm>> -> memref<1x1x50x128xi32, #tpu.memory_space<hbm>>
      %dma_start3A_612 = tpu.memref_squeeze %dma_start3A_611 : memref<1x1x50x128xi32, #tpu.memory_space<hbm>> -> memref<50x128xi32, #tpu.memory_space<hbm>>
      %dma_start3A_613 = arith.constant 0 : i32
      %dma_start3A_614 = arith.constant 0 : i32
      %dma_start3A_615 = tpu.memref_slice %arg3[%add3A, %run_scoped3A_140, %dma_start3A_613, %dma_start3A_614] : memref<32x4x50x128xi32, #tpu.memory_space<hbm>> -> memref<1x1x50x128xi32, #tpu.memory_space<hbm>>
      %dma_start3A_616 = tpu.memref_squeeze %dma_start3A_615 : memref<1x1x50x128xi32, #tpu.memory_space<hbm>> -> memref<50x128xi32, #tpu.memory_space<hbm>>
      tpu.enqueue_dma source(%dma_start3A_616 : memref<50x128xi32, #tpu.memory_space<hbm>>) target(%arg9 : memref<50x128xi32, #tpu.memory_space<vmem>>) target_semaphore(%run_scoped3A_608 : memref<!tpu.dma_semaphore, #tpu.memory_space<semaphore_mem>>)
      %dma_wait3A_617 = arith.constant 0 : i32
      %dma_wait3A_618 = arith.constant 0 : i32
      %dma_wait3A_619 = tpu.memref_slice %arg3[%add3A, %run_scoped3A_140, %dma_wait3A_617, %dma_wait3A_618] : memref<32x4x50x128xi32, #tpu.memory_space<hbm>> -> memref<1x1x50x128xi32, #tpu.memory_space<hbm>>
      %dma_wait3A_620 = tpu.memref_squeeze %dma_wait3A_619 : memref<1x1x50x128xi32, #tpu.memory_space<hbm>> -> memref<50x128xi32, #tpu.memory_space<hbm>>
      %dma_wait3A_621 = arith.constant 0 : i32
      %dma_wait3A_622 = arith.constant 0 : i32
      %dma_wait3A_623 = tpu.memref_slice %arg3[%add3A, %run_scoped3A_140, %dma_wait3A_621, %dma_wait3A_622] : memref<32x4x50x128xi32, #tpu.memory_space<hbm>> -> memref<1x1x50x128xi32, #tpu.memory_space<hbm>>
      %dma_wait3A_624 = tpu.memref_squeeze %dma_wait3A_623 : memref<1x1x50x128xi32, #tpu.memory_space<hbm>> -> memref<50x128xi32, #tpu.memory_space<hbm>>
      tpu.wait_dma2 semaphore(%run_scoped3A_608 : memref<!tpu.dma_semaphore, #tpu.memory_space<semaphore_mem>>) src(%dma_wait3A_624 : memref<50x128xi32, #tpu.memory_space<hbm>>) dst(%arg9 : memref<50x128xi32, #tpu.memory_space<vmem>>)
      tpu.yield
    }) : () -> ()
    %run_scoped3A_141 = arith.constant 1 : i32
    "tpu.region"() ({
      %run_scoped3A_608 = tpu.sem_alloc : memref<!tpu.dma_semaphore, #tpu.memory_space<semaphore_mem>>
      %dma_start3A_609 = arith.constant 0 : i32
      %dma_start3A_610 = arith.constant 0 : i32
      %dma_start3A_611 = tpu.memref_slice %arg4[%add3A, %run_scoped3A_141, %dma_start3A_609, %dma_start3A_610] : memref<32x4x50x128xi32, #tpu.memory_space<hbm>> -> memref<1x1x50x128xi32, #tpu.memory_space<hbm>>
      %dma_start3A_612 = tpu.memref_squeeze %dma_start3A_611 : memref<1x1x50x128xi32, #tpu.memory_space<hbm>> -> memref<50x128xi32, #tpu.memory_space<hbm>>
      %dma_start3A_613 = arith.constant 0 : i32
      %dma_start3A_614 = arith.constant 0 : i32
      %dma_start3A_615 = tpu.memref_slice %arg4[%add3A, %run_scoped3A_141, %dma_start3A_613, %dma_start3A_614] : memref<32x4x50x128xi32, #tpu.memory_space<hbm>> -> memref<1x1x50x128xi32, #tpu.memory_space<hbm>>
      %dma_start3A_616 = tpu.memref_squeeze %dma_start3A_615 : memref<1x1x50x128xi32, #tpu.memory_space<hbm>> -> memref<50x128xi32, #tpu.memory_space<hbm>>
      tpu.enqueue_dma source(%dma_start3A_616 : memref<50x128xi32, #tpu.memory_space<hbm>>) target(%arg10 : memref<50x128xi32, #tpu.memory_space<vmem>>) target_semaphore(%run_scoped3A_608 : memref<!tpu.dma_semaphore, #tpu.memory_space<semaphore_mem>>)
      %dma_wait3A_617 = arith.constant 0 : i32
      %dma_wait3A_618 = arith.constant 0 : i32
      %dma_wait3A_619 = tpu.memref_slice %arg4[%add3A, %run_scoped3A_141, %dma_wait3A_617, %dma_wait3A_618] : memref<32x4x50x128xi32, #tpu.memory_space<hbm>> -> memref<1x1x50x128xi32, #tpu.memory_space<hbm>>
      %dma_wait3A_620 = tpu.memref_squeeze %dma_wait3A_619 : memref<1x1x50x128xi32, #tpu.memory_space<hbm>> -> memref<50x128xi32, #tpu.memory_space<hbm>>
      %dma_wait3A_621 = arith.constant 0 : i32
      %dma_wait3A_622 = arith.constant 0 : i32
      %dma_wait3A_623 = tpu.memref_slice %arg4[%add3A, %run_scoped3A_141, %dma_wait3A_621, %dma_wait3A_622] : memref<32x4x50x128xi32, #tpu.memory_space<hbm>> -> memref<1x1x50x128xi32, #tpu.memory_space<hbm>>
      %dma_wait3A_624 = tpu.memref_squeeze %dma_wait3A_623 : memref<1x1x50x128xi32, #tpu.memory_space<hbm>> -> memref<50x128xi32, #tpu.memory_space<hbm>>
      tpu.wait_dma2 semaphore(%run_scoped3A_608 : memref<!tpu.dma_semaphore, #tpu.memory_space<semaphore_mem>>) src(%dma_wait3A_624 : memref<50x128xi32, #tpu.memory_space<hbm>>) dst(%arg10 : memref<50x128xi32, #tpu.memory_space<vmem>>)
      tpu.yield
    }) : () -> ()
    %dma_start3A_142 = arith.constant 0 : i32
    %dma_start3A_143 = arith.constant 0 : i32
    %dma_start3A_144 = tpu.memref_slice %arg9[%dma_start3A_142, %dma_start3A_143] : memref<50x128xi32, #tpu.memory_space<vmem>> -> memref<1x128xi32, #tpu.memory_space<vmem>>
    %dma_start3A_145 = tpu.memref_squeeze %dma_start3A_144 : memref<1x128xi32, #tpu.memory_space<vmem>> -> memref<128xi32, #tpu.memory_space<vmem>>
    %dma_start3A_146 = arith.constant 0 : i32
    %dma_start3A_147 = arith.constant 0 : i32
    %dma_start3A_148 = tpu.memref_slice %arg2[%dma_start3A_146, %dma_start3A_147] : memref<503808x128xf32, #tpu.memory_space<hbm>> -> memref<503808x128xf32, #tpu.memory_space<hbm>>
    tpu.enqueue_indirect_dma source(%dma_start3A_148 : memref<503808x128xf32, #tpu.memory_space<hbm>>) target(%arg13 : memref<128x128xf32, #tpu.memory_space<vmem>>) offsets(%dma_start3A_145 : memref<128xi32, #tpu.memory_space<vmem>>) semaphore(%arg18 : memref<!tpu.dma_semaphore, #tpu.memory_space<semaphore_mem>>)
    %dma_start3A_149 = arith.constant 1 : i32
    %dma_start3A_150 = arith.constant 0 : i32
    %dma_start3A_151 = tpu.memref_slice %arg9[%dma_start3A_149, %dma_start3A_150] : memref<50x128xi32, #tpu.memory_space<vmem>> -> memref<1x128xi32, #tpu.memory_space<vmem>>
    %dma_start3A_152 = tpu.memref_squeeze %dma_start3A_151 : memref<1x128xi32, #tpu.memory_space<vmem>> -> memref<128xi32, #tpu.memory_space<vmem>>
    %dma_start3A_153 = arith.constant 0 : i32
    %dma_start3A_154 = arith.constant 0 : i32
    %dma_start3A_155 = tpu.memref_slice %arg2[%dma_start3A_153, %dma_start3A_154] : memref<503808x128xf32, #tpu.memory_space<hbm>> -> memref<503808x128xf32, #tpu.memory_space<hbm>>
    tpu.enqueue_indirect_dma source(%dma_start3A_155 : memref<503808x128xf32, #tpu.memory_space<hbm>>) target(%arg14 : memref<128x128xf32, #tpu.memory_space<vmem>>) offsets(%dma_start3A_152 : memref<128xi32, #tpu.memory_space<vmem>>) semaphore(%arg19 : memref<!tpu.dma_semaphore, #tpu.memory_space<semaphore_mem>>)
    %dma_start3A_156 = arith.constant 2 : i32
    %dma_start3A_157 = arith.constant 0 : i32
    %dma_start3A_158 = tpu.memref_slice %arg9[%dma_start3A_156, %dma_start3A_157] : memref<50x128xi32, #tpu.memory_space<vmem>> -> memref<1x128xi32, #tpu.memory_space<vmem>>
    %dma_start3A_159 = tpu.memref_squeeze %dma_start3A_158 : memref<1x128xi32, #tpu.memory_space<vmem>> -> memref<128xi32, #tpu.memory_space<vmem>>
    %dma_start3A_160 = arith.constant 0 : i32
    %dma_start3A_161 = arith.constant 0 : i32
    %dma_start3A_162 = tpu.memref_slice %arg2[%dma_start3A_160, %dma_start3A_161] : memref<503808x128xf32, #tpu.memory_space<hbm>> -> memref<503808x128xf32, #tpu.memory_space<hbm>>
    tpu.enqueue_indirect_dma source(%dma_start3A_162 : memref<503808x128xf32, #tpu.memory_space<hbm>>) target(%arg15 : memref<128x128xf32, #tpu.memory_space<vmem>>) offsets(%dma_start3A_159 : memref<128xi32, #tpu.memory_space<vmem>>) semaphore(%arg20 : memref<!tpu.dma_semaphore, #tpu.memory_space<semaphore_mem>>)
    %dma_start3A_163 = arith.constant 3 : i32
    %dma_start3A_164 = arith.constant 0 : i32
    %dma_start3A_165 = tpu.memref_slice %arg9[%dma_start3A_163, %dma_start3A_164] : memref<50x128xi32, #tpu.memory_space<vmem>> -> memref<1x128xi32, #tpu.memory_space<vmem>>
    %dma_start3A_166 = tpu.memref_squeeze %dma_start3A_165 : memref<1x128xi32, #tpu.memory_space<vmem>> -> memref<128xi32, #tpu.memory_space<vmem>>
    %dma_start3A_167 = arith.constant 0 : i32
    %dma_start3A_168 = arith.constant 0 : i32
    %dma_start3A_169 = tpu.memref_slice %arg2[%dma_start3A_167, %dma_start3A_168] : memref<503808x128xf32, #tpu.memory_space<hbm>> -> memref<503808x128xf32, #tpu.memory_space<hbm>>
    tpu.enqueue_indirect_dma source(%dma_start3A_169 : memref<503808x128xf32, #tpu.memory_space<hbm>>) target(%arg16 : memref<128x128xf32, #tpu.memory_space<vmem>>) offsets(%dma_start3A_166 : memref<128xi32, #tpu.memory_space<vmem>>) semaphore(%arg21 : memref<!tpu.dma_semaphore, #tpu.memory_space<semaphore_mem>>)
    %dma_start3A_170 = arith.constant 4 : i32
    %dma_start3A_171 = arith.constant 0 : i32
    %dma_start3A_172 = tpu.memref_slice %arg9[%dma_start3A_170, %dma_start3A_171] : memref<50x128xi32, #tpu.memory_space<vmem>> -> memref<1x128xi32, #tpu.memory_space<vmem>>
    %dma_start3A_173 = tpu.memref_squeeze %dma_start3A_172 : memref<1x128xi32, #tpu.memory_space<vmem>> -> memref<128xi32, #tpu.memory_space<vmem>>
    %dma_start3A_174 = arith.constant 0 : i32
    %dma_start3A_175 = arith.constant 0 : i32
    %dma_start3A_176 = tpu.memref_slice %arg2[%dma_start3A_174, %dma_start3A_175] : memref<503808x128xf32, #tpu.memory_space<hbm>> -> memref<503808x128xf32, #tpu.memory_space<hbm>>
    tpu.enqueue_indirect_dma source(%dma_start3A_176 : memref<503808x128xf32, #tpu.memory_space<hbm>>) target(%arg17 : memref<128x128xf32, #tpu.memory_space<vmem>>) offsets(%dma_start3A_173 : memref<128xi32, #tpu.memory_space<vmem>>) semaphore(%arg22 : memref<!tpu.dma_semaphore, #tpu.memory_space<semaphore_mem>>)
    %scan3A_177 = arith.constant 0 : i32
    %scan3A_178 = arith.constant 0 : i32
    %scan3A_179 = arith.constant 10 : i32
    %scan3A_180 = arith.addi %scan3A_178, %scan3A_179 : i32
    %scan3A_181 = arith.constant 1 : i32
    scf.for %scan3A_608 = %scan3A_178 to %scan3A_180 step %scan3A_181  : i32 {
      %dma_wait3A_609 = arith.constant 0 : i32
      %dma_wait3A_610 = arith.constant 0 : i32
      %dma_wait3A_611 = tpu.memref_slice %arg9[%dma_wait3A_609, %dma_wait3A_610] : memref<50x128xi32, #tpu.memory_space<vmem>> -> memref<1x128xi32, #tpu.memory_space<vmem>>
      %dma_wait3A_612 = tpu.memref_squeeze %dma_wait3A_611 : memref<1x128xi32, #tpu.memory_space<vmem>> -> memref<128xi32, #tpu.memory_space<vmem>>
      %dma_wait3A_613 = arith.constant 0 : i32
      %dma_wait3A_614 = arith.constant 0 : i32
      %dma_wait3A_615 = tpu.memref_slice %arg2[%dma_wait3A_613, %dma_wait3A_614] : memref<503808x128xf32, #tpu.memory_space<hbm>> -> memref<503808x128xf32, #tpu.memory_space<hbm>>
      tpu.wait_indirect_dma semaphore(%arg18 : memref<!tpu.dma_semaphore, #tpu.memory_space<semaphore_mem>>) src(%dma_wait3A_615 : memref<503808x128xf32, #tpu.memory_space<hbm>>) dst(%arg13 : memref<128x128xf32, #tpu.memory_space<vmem>>)
      %mul3A_616 = arith.constant 5 : i32
      %mul3A_617 = arith.muli %scan3A_608, %mul3A_616 : i32
      %add3A_618 = arith.constant 0 : i32
      %add3A_619 = arith.addi %mul3A_617, %add3A_618 : i32
      %dma_start3A_620 = arith.constant 0 : i32
      %dma_start3A_621 = tpu.memref_slice %arg10[%add3A_619, %dma_start3A_620] : memref<50x128xi32, #tpu.memory_space<vmem>> -> memref<1x128xi32, #tpu.memory_space<vmem>>
      %dma_start3A_622 = tpu.memref_squeeze %dma_start3A_621 : memref<1x128xi32, #tpu.memory_space<vmem>> -> memref<128xi32, #tpu.memory_space<vmem>>
      %dma_start3A_623 = arith.constant 0 : i32
      %dma_start3A_624 = arith.constant 0 : i32
      %dma_start3A_625 = tpu.memref_slice %arg12[%dma_start3A_623, %dma_start3A_624] : memref<4096x128xf32, #tpu.memory_space<vmem_shared>> -> memref<4096x128xf32, #tpu.memory_space<vmem_shared>>
      tpu.enqueue_indirect_dma source(%arg13 : memref<128x128xf32, #tpu.memory_space<vmem>>) target(%dma_start3A_625 : memref<4096x128xf32, #tpu.memory_space<vmem_shared>>) offsets(%dma_start3A_622 : memref<128xi32, #tpu.memory_space<vmem>>) semaphore(%arg23 : memref<!tpu.dma_semaphore, #tpu.memory_space<semaphore_mem>>) {add = true}
      %dma_wait3A_626 = arith.constant 0 : i32
      %dma_wait3A_627 = arith.constant 0 : i32
      %dma_wait3A_628 = tpu.memref_slice %arg9[%dma_wait3A_626, %dma_wait3A_627] : memref<50x128xi32, #tpu.memory_space<vmem>> -> memref<1x128xi32, #tpu.memory_space<vmem>>
      %dma_wait3A_629 = tpu.memref_squeeze %dma_wait3A_628 : memref<1x128xi32, #tpu.memory_space<vmem>> -> memref<128xi32, #tpu.memory_space<vmem>>
      %dma_wait3A_630 = arith.constant 0 : i32
      %dma_wait3A_631 = arith.constant 0 : i32
      %dma_wait3A_632 = tpu.memref_slice %arg2[%dma_wait3A_630, %dma_wait3A_631] : memref<503808x128xf32, #tpu.memory_space<hbm>> -> memref<503808x128xf32, #tpu.memory_space<hbm>>
      tpu.wait_indirect_dma semaphore(%arg19 : memref<!tpu.dma_semaphore, #tpu.memory_space<semaphore_mem>>) src(%dma_wait3A_632 : memref<503808x128xf32, #tpu.memory_space<hbm>>) dst(%arg14 : memref<128x128xf32, #tpu.memory_space<vmem>>)
      %mul3A_633 = arith.constant 5 : i32
      %mul3A_634 = arith.muli %scan3A_608, %mul3A_633 : i32
      %add3A_635 = arith.constant 1 : i32
      %add3A_636 = arith.addi %mul3A_634, %add3A_635 : i32
      %dma_start3A_637 = arith.constant 0 : i32
      %dma_start3A_638 = tpu.memref_slice %arg10[%add3A_636, %dma_start3A_637] : memref<50x128xi32, #tpu.memory_space<vmem>> -> memref<1x128xi32, #tpu.memory_space<vmem>>
      %dma_start3A_639 = tpu.memref_squeeze %dma_start3A_638 : memref<1x128xi32, #tpu.memory_space<vmem>> -> memref<128xi32, #tpu.memory_space<vmem>>
      %dma_start3A_640 = arith.constant 0 : i32
      %dma_start3A_641 = arith.constant 0 : i32
      %dma_start3A_642 = tpu.memref_slice %arg12[%dma_start3A_640, %dma_start3A_641] : memref<4096x128xf32, #tpu.memory_space<vmem_shared>> -> memref<4096x128xf32, #tpu.memory_space<vmem_shared>>
      tpu.enqueue_indirect_dma source(%arg14 : memref<128x128xf32, #tpu.memory_space<vmem>>) target(%dma_start3A_642 : memref<4096x128xf32, #tpu.memory_space<vmem_shared>>) offsets(%dma_start3A_639 : memref<128xi32, #tpu.memory_space<vmem>>) semaphore(%arg24 : memref<!tpu.dma_semaphore, #tpu.memory_space<semaphore_mem>>) {add = true}
      %dma_wait3A_643 = arith.constant 0 : i32
      %dma_wait3A_644 = arith.constant 0 : i32
      %dma_wait3A_645 = tpu.memref_slice %arg9[%dma_wait3A_643, %dma_wait3A_644] : memref<50x128xi32, #tpu.memory_space<vmem>> -> memref<1x128xi32, #tpu.memory_space<vmem>>
      %dma_wait3A_646 = tpu.memref_squeeze %dma_wait3A_645 : memref<1x128xi32, #tpu.memory_space<vmem>> -> memref<128xi32, #tpu.memory_space<vmem>>
      %dma_wait3A_647 = arith.constant 0 : i32
      %dma_wait3A_648 = arith.constant 0 : i32
      %dma_wait3A_649 = tpu.memref_slice %arg2[%dma_wait3A_647, %dma_wait3A_648] : memref<503808x128xf32, #tpu.memory_space<hbm>> -> memref<503808x128xf32, #tpu.memory_space<hbm>>
      tpu.wait_indirect_dma semaphore(%arg20 : memref<!tpu.dma_semaphore, #tpu.memory_space<semaphore_mem>>) src(%dma_wait3A_649 : memref<503808x128xf32, #tpu.memory_space<hbm>>) dst(%arg15 : memref<128x128xf32, #tpu.memory_space<vmem>>)
      %mul3A_650 = arith.constant 5 : i32
      %mul3A_651 = arith.muli %scan3A_608, %mul3A_650 : i32
      %add3A_652 = arith.constant 2 : i32
      %add3A_653 = arith.addi %mul3A_651, %add3A_652 : i32
      %dma_start3A_654 = arith.constant 0 : i32
      %dma_start3A_655 = tpu.memref_slice %arg10[%add3A_653, %dma_start3A_654] : memref<50x128xi32, #tpu.memory_space<vmem>> -> memref<1x128xi32, #tpu.memory_space<vmem>>
      %dma_start3A_656 = tpu.memref_squeeze %dma_start3A_655 : memref<1x128xi32, #tpu.memory_space<vmem>> -> memref<128xi32, #tpu.memory_space<vmem>>
      %dma_start3A_657 = arith.constant 0 : i32
      %dma_start3A_658 = arith.constant 0 : i32
      %dma_start3A_659 = tpu.memref_slice %arg12[%dma_start3A_657, %dma_start3A_658] : memref<4096x128xf32, #tpu.memory_space<vmem_shared>> -> memref<4096x128xf32, #tpu.memory_space<vmem_shared>>
      tpu.enqueue_indirect_dma source(%arg15 : memref<128x128xf32, #tpu.memory_space<vmem>>) target(%dma_start3A_659 : memref<4096x128xf32, #tpu.memory_space<vmem_shared>>) offsets(%dma_start3A_656 : memref<128xi32, #tpu.memory_space<vmem>>) semaphore(%arg25 : memref<!tpu.dma_semaphore, #tpu.memory_space<semaphore_mem>>) {add = true}
      %dma_wait3A_660 = arith.constant 0 : i32
      %dma_wait3A_661 = arith.constant 0 : i32
      %dma_wait3A_662 = tpu.memref_slice %arg9[%dma_wait3A_660, %dma_wait3A_661] : memref<50x128xi32, #tpu.memory_space<vmem>> -> memref<1x128xi32, #tpu.memory_space<vmem>>
      %dma_wait3A_663 = tpu.memref_squeeze %dma_wait3A_662 : memref<1x128xi32, #tpu.memory_space<vmem>> -> memref<128xi32, #tpu.memory_space<vmem>>
      %dma_wait3A_664 = arith.constant 0 : i32
      %dma_wait3A_665 = arith.constant 0 : i32
      %dma_wait3A_666 = tpu.memref_slice %arg2[%dma_wait3A_664, %dma_wait3A_665] : memref<503808x128xf32, #tpu.memory_space<hbm>> -> memref<503808x128xf32, #tpu.memory_space<hbm>>
      tpu.wait_indirect_dma semaphore(%arg21 : memref<!tpu.dma_semaphore, #tpu.memory_space<semaphore_mem>>) src(%dma_wait3A_666 : memref<503808x128xf32, #tpu.memory_space<hbm>>) dst(%arg16 : memref<128x128xf32, #tpu.memory_space<vmem>>)
      %mul3A_667 = arith.constant 5 : i32
      %mul3A_668 = arith.muli %scan3A_608, %mul3A_667 : i32
      %add3A_669 = arith.constant 3 : i32
      %add3A_670 = arith.addi %mul3A_668, %add3A_669 : i32
      %dma_start3A_671 = arith.constant 0 : i32
      %dma_start3A_672 = tpu.memref_slice %arg10[%add3A_670, %dma_start3A_671] : memref<50x128xi32, #tpu.memory_space<vmem>> -> memref<1x128xi32, #tpu.memory_space<vmem>>
      %dma_start3A_673 = tpu.memref_squeeze %dma_start3A_672 : memref<1x128xi32, #tpu.memory_space<vmem>> -> memref<128xi32, #tpu.memory_space<vmem>>
      %dma_start3A_674 = arith.constant 0 : i32
      %dma_start3A_675 = arith.constant 0 : i32
      %dma_start3A_676 = tpu.memref_slice %arg12[%dma_start3A_674, %dma_start3A_675] : memref<4096x128xf32, #tpu.memory_space<vmem_shared>> -> memref<4096x128xf32, #tpu.memory_space<vmem_shared>>
      tpu.enqueue_indirect_dma source(%arg16 : memref<128x128xf32, #tpu.memory_space<vmem>>) target(%dma_start3A_676 : memref<4096x128xf32, #tpu.memory_space<vmem_shared>>) offsets(%dma_start3A_673 : memref<128xi32, #tpu.memory_space<vmem>>) semaphore(%arg26 : memref<!tpu.dma_semaphore, #tpu.memory_space<semaphore_mem>>) {add = true}
      %dma_wait3A_677 = arith.constant 0 : i32
      %dma_wait3A_678 = arith.constant 0 : i32
      %dma_wait3A_679 = tpu.memref_slice %arg9[%dma_wait3A_677, %dma_wait3A_678] : memref<50x128xi32, #tpu.memory_space<vmem>> -> memref<1x128xi32, #tpu.memory_space<vmem>>
      %dma_wait3A_680 = tpu.memref_squeeze %dma_wait3A_679 : memref<1x128xi32, #tpu.memory_space<vmem>> -> memref<128xi32, #tpu.memory_space<vmem>>
      %dma_wait3A_681 = arith.constant 0 : i32
      %dma_wait3A_682 = arith.constant 0 : i32
      %dma_wait3A_683 = tpu.memref_slice %arg2[%dma_wait3A_681, %dma_wait3A_682] : memref<503808x128xf32, #tpu.memory_space<hbm>> -> memref<503808x128xf32, #tpu.memory_space<hbm>>
      tpu.wait_indirect_dma semaphore(%arg22 : memref<!tpu.dma_semaphore, #tpu.memory_space<semaphore_mem>>) src(%dma_wait3A_683 : memref<503808x128xf32, #tpu.memory_space<hbm>>) dst(%arg17 : memref<128x128xf32, #tpu.memory_space<vmem>>)
      %mul3A_684 = arith.constant 5 : i32
      %mul3A_685 = arith.muli %scan3A_608, %mul3A_684 : i32
      %add3A_686 = arith.constant 4 : i32
      %add3A_687 = arith.addi %mul3A_685, %add3A_686 : i32
      %dma_start3A_688 = arith.constant 0 : i32
      %dma_start3A_689 = tpu.memref_slice %arg10[%add3A_687, %dma_start3A_688] : memref<50x128xi32, #tpu.memory_space<vmem>> -> memref<1x128xi32, #tpu.memory_space<vmem>>
      %dma_start3A_690 = tpu.memref_squeeze %dma_start3A_689 : memref<1x128xi32, #tpu.memory_space<vmem>> -> memref<128xi32, #tpu.memory_space<vmem>>
      %dma_start3A_691 = arith.constant 0 : i32
      %dma_start3A_692 = arith.constant 0 : i32
      %dma_start3A_693 = tpu.memref_slice %arg12[%dma_start3A_691, %dma_start3A_692] : memref<4096x128xf32, #tpu.memory_space<vmem_shared>> -> memref<4096x128xf32, #tpu.memory_space<vmem_shared>>
      tpu.enqueue_indirect_dma source(%arg17 : memref<128x128xf32, #tpu.memory_space<vmem>>) target(%dma_start3A_693 : memref<4096x128xf32, #tpu.memory_space<vmem_shared>>) offsets(%dma_start3A_690 : memref<128xi32, #tpu.memory_space<vmem>>) semaphore(%arg27 : memref<!tpu.dma_semaphore, #tpu.memory_space<semaphore_mem>>) {add = true}
      %dma_wait3A_694 = arith.constant 0 : i32
      %dma_wait3A_695 = arith.constant 0 : i32
      %dma_wait3A_696 = tpu.memref_slice %arg10[%dma_wait3A_694, %dma_wait3A_695] : memref<50x128xi32, #tpu.memory_space<vmem>> -> memref<1x128xi32, #tpu.memory_space<vmem>>
      %dma_wait3A_697 = tpu.memref_squeeze %dma_wait3A_696 : memref<1x128xi32, #tpu.memory_space<vmem>> -> memref<128xi32, #tpu.memory_space<vmem>>
      %dma_wait3A_698 = arith.constant 0 : i32
      %dma_wait3A_699 = arith.constant 0 : i32
      %dma_wait3A_700 = tpu.memref_slice %arg12[%dma_wait3A_698, %dma_wait3A_699] : memref<4096x128xf32, #tpu.memory_space<vmem_shared>> -> memref<4096x128xf32, #tpu.memory_space<vmem_shared>>
      tpu.wait_indirect_dma semaphore(%arg23 : memref<!tpu.dma_semaphore, #tpu.memory_space<semaphore_mem>>) src(%arg13 : memref<128x128xf32, #tpu.memory_space<vmem>>) dst(%dma_wait3A_700 : memref<4096x128xf32, #tpu.memory_space<vmem_shared>>)
      %mul3A_701 = arith.constant 5 : i32
      %mul3A_702 = arith.muli %scan3A_608, %mul3A_701 : i32
      %add3A_703 = arith.constant 0 : i32
      %add3A_704 = arith.addi %mul3A_702, %add3A_703 : i32
      %add3A_705 = arith.constant 5 : i32
      %add3A_706 = arith.addi %add3A_704, %add3A_705 : i32
      %rem3A = arith.constant 50 : i32
      %rem3A_707 = arith.remsi %add3A_706, %rem3A : i32
      %dma_start3A_708 = arith.constant 0 : i32
      %dma_start3A_709 = tpu.memref_slice %arg9[%rem3A_707, %dma_start3A_708] : memref<50x128xi32, #tpu.memory_space<vmem>> -> memref<1x128xi32, #tpu.memory_space<vmem>>
      %dma_start3A_710 = tpu.memref_squeeze %dma_start3A_709 : memref<1x128xi32, #tpu.memory_space<vmem>> -> memref<128xi32, #tpu.memory_space<vmem>>
      %dma_start3A_711 = arith.constant 0 : i32
      %dma_start3A_712 = arith.constant 0 : i32
      %dma_start3A_713 = tpu.memref_slice %arg2[%dma_start3A_711, %dma_start3A_712] : memref<503808x128xf32, #tpu.memory_space<hbm>> -> memref<503808x128xf32, #tpu.memory_space<hbm>>
      tpu.enqueue_indirect_dma source(%dma_start3A_713 : memref<503808x128xf32, #tpu.memory_space<hbm>>) target(%arg13 : memref<128x128xf32, #tpu.memory_space<vmem>>) offsets(%dma_start3A_710 : memref<128xi32, #tpu.memory_space<vmem>>) semaphore(%arg18 : memref<!tpu.dma_semaphore, #tpu.memory_space<semaphore_mem>>)
      %dma_wait3A_714 = arith.constant 0 : i32
      %dma_wait3A_715 = arith.constant 0 : i32
      %dma_wait3A_716 = tpu.memref_slice %arg10[%dma_wait3A_714, %dma_wait3A_715] : memref<50x128xi32, #tpu.memory_space<vmem>> -> memref<1x128xi32, #tpu.memory_space<vmem>>
      %dma_wait3A_717 = tpu.memref_squeeze %dma_wait3A_716 : memref<1x128xi32, #tpu.memory_space<vmem>> -> memref<128xi32, #tpu.memory_space<vmem>>
      %dma_wait3A_718 = arith.constant 0 : i32
      %dma_wait3A_719 = arith.constant 0 : i32
      %dma_wait3A_720 = tpu.memref_slice %arg12[%dma_wait3A_718, %dma_wait3A_719] : memref<4096x128xf32, #tpu.memory_space<vmem_shared>> -> memref<4096x128xf32, #tpu.memory_space<vmem_shared>>
      tpu.wait_indirect_dma semaphore(%arg24 : memref<!tpu.dma_semaphore, #tpu.memory_space<semaphore_mem>>) src(%arg14 : memref<128x128xf32, #tpu.memory_space<vmem>>) dst(%dma_wait3A_720 : memref<4096x128xf32, #tpu.memory_space<vmem_shared>>)
      %mul3A_721 = arith.constant 5 : i32
      %mul3A_722 = arith.muli %scan3A_608, %mul3A_721 : i32
      %add3A_723 = arith.constant 1 : i32
      %add3A_724 = arith.addi %mul3A_722, %add3A_723 : i32
      %add3A_725 = arith.constant 5 : i32
      %add3A_726 = arith.addi %add3A_724, %add3A_725 : i32
      %rem3A_727 = arith.constant 50 : i32
      %rem3A_728 = arith.remsi %add3A_726, %rem3A_727 : i32
      %dma_start3A_729 = arith.constant 0 : i32
      %dma_start3A_730 = tpu.memref_slice %arg9[%rem3A_728, %dma_start3A_729] : memref<50x128xi32, #tpu.memory_space<vmem>> -> memref<1x128xi32, #tpu.memory_space<vmem>>
      %dma_start3A_731 = tpu.memref_squeeze %dma_start3A_730 : memref<1x128xi32, #tpu.memory_space<vmem>> -> memref<128xi32, #tpu.memory_space<vmem>>
      %dma_start3A_732 = arith.constant 0 : i32
      %dma_start3A_733 = arith.constant 0 : i32
      %dma_start3A_734 = tpu.memref_slice %arg2[%dma_start3A_732, %dma_start3A_733] : memref<503808x128xf32, #tpu.memory_space<hbm>> -> memref<503808x128xf32, #tpu.memory_space<hbm>>
      tpu.enqueue_indirect_dma source(%dma_start3A_734 : memref<503808x128xf32, #tpu.memory_space<hbm>>) target(%arg14 : memref<128x128xf32, #tpu.memory_space<vmem>>) offsets(%dma_start3A_731 : memref<128xi32, #tpu.memory_space<vmem>>) semaphore(%arg19 : memref<!tpu.dma_semaphore, #tpu.memory_space<semaphore_mem>>)
      %dma_wait3A_735 = arith.constant 0 : i32
      %dma_wait3A_736 = arith.constant 0 : i32
      %dma_wait3A_737 = tpu.memref_slice %arg10[%dma_wait3A_735, %dma_wait3A_736] : memref<50x128xi32, #tpu.memory_space<vmem>> -> memref<1x128xi32, #tpu.memory_space<vmem>>
      %dma_wait3A_738 = tpu.memref_squeeze %dma_wait3A_737 : memref<1x128xi32, #tpu.memory_space<vmem>> -> memref<128xi32, #tpu.memory_space<vmem>>
      %dma_wait3A_739 = arith.constant 0 : i32
      %dma_wait3A_740 = arith.constant 0 : i32
      %dma_wait3A_741 = tpu.memref_slice %arg12[%dma_wait3A_739, %dma_wait3A_740] : memref<4096x128xf32, #tpu.memory_space<vmem_shared>> -> memref<4096x128xf32, #tpu.memory_space<vmem_shared>>
      tpu.wait_indirect_dma semaphore(%arg25 : memref<!tpu.dma_semaphore, #tpu.memory_space<semaphore_mem>>) src(%arg15 : memref<128x128xf32, #tpu.memory_space<vmem>>) dst(%dma_wait3A_741 : memref<4096x128xf32, #tpu.memory_space<vmem_shared>>)
      %mul3A_742 = arith.constant 5 : i32
      %mul3A_743 = arith.muli %scan3A_608, %mul3A_742 : i32
      %add3A_744 = arith.constant 2 : i32
      %add3A_745 = arith.addi %mul3A_743, %add3A_744 : i32
      %add3A_746 = arith.constant 5 : i32
      %add3A_747 = arith.addi %add3A_745, %add3A_746 : i32
      %rem3A_748 = arith.constant 50 : i32
      %rem3A_749 = arith.remsi %add3A_747, %rem3A_748 : i32
      %dma_start3A_750 = arith.constant 0 : i32
      %dma_start3A_751 = tpu.memref_slice %arg9[%rem3A_749, %dma_start3A_750] : memref<50x128xi32, #tpu.memory_space<vmem>> -> memref<1x128xi32, #tpu.memory_space<vmem>>
      %dma_start3A_752 = tpu.memref_squeeze %dma_start3A_751 : memref<1x128xi32, #tpu.memory_space<vmem>> -> memref<128xi32, #tpu.memory_space<vmem>>
      %dma_start3A_753 = arith.constant 0 : i32
      %dma_start3A_754 = arith.constant 0 : i32
      %dma_start3A_755 = tpu.memref_slice %arg2[%dma_start3A_753, %dma_start3A_754] : memref<503808x128xf32, #tpu.memory_space<hbm>> -> memref<503808x128xf32, #tpu.memory_space<hbm>>
      tpu.enqueue_indirect_dma source(%dma_start3A_755 : memref<503808x128xf32, #tpu.memory_space<hbm>>) target(%arg15 : memref<128x128xf32, #tpu.memory_space<vmem>>) offsets(%dma_start3A_752 : memref<128xi32, #tpu.memory_space<vmem>>) semaphore(%arg20 : memref<!tpu.dma_semaphore, #tpu.memory_space<semaphore_mem>>)
      %dma_wait3A_756 = arith.constant 0 : i32
      %dma_wait3A_757 = arith.constant 0 : i32
      %dma_wait3A_758 = tpu.memref_slice %arg10[%dma_wait3A_756, %dma_wait3A_757] : memref<50x128xi32, #tpu.memory_space<vmem>> -> memref<1x128xi32, #tpu.memory_space<vmem>>
      %dma_wait3A_759 = tpu.memref_squeeze %dma_wait3A_758 : memref<1x128xi32, #tpu.memory_space<vmem>> -> memref<128xi32, #tpu.memory_space<vmem>>
      %dma_wait3A_760 = arith.constant 0 : i32
      %dma_wait3A_761 = arith.constant 0 : i32
      %dma_wait3A_762 = tpu.memref_slice %arg12[%dma_wait3A_760, %dma_wait3A_761] : memref<4096x128xf32, #tpu.memory_space<vmem_shared>> -> memref<4096x128xf32, #tpu.memory_space<vmem_shared>>
      tpu.wait_indirect_dma semaphore(%arg26 : memref<!tpu.dma_semaphore, #tpu.memory_space<semaphore_mem>>) src(%arg16 : memref<128x128xf32, #tpu.memory_space<vmem>>) dst(%dma_wait3A_762 : memref<4096x128xf32, #tpu.memory_space<vmem_shared>>)
      %mul3A_763 = arith.constant 5 : i32
      %mul3A_764 = arith.muli %scan3A_608, %mul3A_763 : i32
      %add3A_765 = arith.constant 3 : i32
      %add3A_766 = arith.addi %mul3A_764, %add3A_765 : i32
      %add3A_767 = arith.constant 5 : i32
      %add3A_768 = arith.addi %add3A_766, %add3A_767 : i32
      %rem3A_769 = arith.constant 50 : i32
      %rem3A_770 = arith.remsi %add3A_768, %rem3A_769 : i32
      %dma_start3A_771 = arith.constant 0 : i32
      %dma_start3A_772 = tpu.memref_slice %arg9[%rem3A_770, %dma_start3A_771] : memref<50x128xi32, #tpu.memory_space<vmem>> -> memref<1x128xi32, #tpu.memory_space<vmem>>
      %dma_start3A_773 = tpu.memref_squeeze %dma_start3A_772 : memref<1x128xi32, #tpu.memory_space<vmem>> -> memref<128xi32, #tpu.memory_space<vmem>>
      %dma_start3A_774 = arith.constant 0 : i32
      %dma_start3A_775 = arith.constant 0 : i32
      %dma_start3A_776 = tpu.memref_slice %arg2[%dma_start3A_774, %dma_start3A_775] : memref<503808x128xf32, #tpu.memory_space<hbm>> -> memref<503808x128xf32, #tpu.memory_space<hbm>>
      tpu.enqueue_indirect_dma source(%dma_start3A_776 : memref<503808x128xf32, #tpu.memory_space<hbm>>) target(%arg16 : memref<128x128xf32, #tpu.memory_space<vmem>>) offsets(%dma_start3A_773 : memref<128xi32, #tpu.memory_space<vmem>>) semaphore(%arg21 : memref<!tpu.dma_semaphore, #tpu.memory_space<semaphore_mem>>)
      %dma_wait3A_777 = arith.constant 0 : i32
      %dma_wait3A_778 = arith.constant 0 : i32
      %dma_wait3A_779 = tpu.memref_slice %arg10[%dma_wait3A_777, %dma_wait3A_778] : memref<50x128xi32, #tpu.memory_space<vmem>> -> memref<1x128xi32, #tpu.memory_space<vmem>>
      %dma_wait3A_780 = tpu.memref_squeeze %dma_wait3A_779 : memref<1x128xi32, #tpu.memory_space<vmem>> -> memref<128xi32, #tpu.memory_space<vmem>>
      %dma_wait3A_781 = arith.constant 0 : i32
      %dma_wait3A_782 = arith.constant 0 : i32
      %dma_wait3A_783 = tpu.memref_slice %arg12[%dma_wait3A_781, %dma_wait3A_782] : memref<4096x128xf32, #tpu.memory_space<vmem_shared>> -> memref<4096x128xf32, #tpu.memory_space<vmem_shared>>
      tpu.wait_indirect_dma semaphore(%arg27 : memref<!tpu.dma_semaphore, #tpu.memory_space<semaphore_mem>>) src(%arg17 : memref<128x128xf32, #tpu.memory_space<vmem>>) dst(%dma_wait3A_783 : memref<4096x128xf32, #tpu.memory_space<vmem_shared>>)
      %mul3A_784 = arith.constant 5 : i32
      %mul3A_785 = arith.muli %scan3A_608, %mul3A_784 : i32
      %add3A_786 = arith.constant 4 : i32
      %add3A_787 = arith.addi %mul3A_785, %add3A_786 : i32
      %add3A_788 = arith.constant 5 : i32
      %add3A_789 = arith.addi %add3A_787, %add3A_788 : i32
      %rem3A_790 = arith.constant 50 : i32
      %rem3A_791 = arith.remsi %add3A_789, %rem3A_790 : i32
      %dma_start3A_792 = arith.constant 0 : i32
      %dma_start3A_793 = tpu.memref_slice %arg9[%rem3A_791, %dma_start3A_792] : memref<50x128xi32, #tpu.memory_space<vmem>> -> memref<1x128xi32, #tpu.memory_space<vmem>>
      %dma_start3A_794 = tpu.memref_squeeze %dma_start3A_793 : memref<1x128xi32, #tpu.memory_space<vmem>> -> memref<128xi32, #tpu.memory_space<vmem>>
      %dma_start3A_795 = arith.constant 0 : i32
      %dma_start3A_796 = arith.constant 0 : i32
      %dma_start3A_797 = tpu.memref_slice %arg2[%dma_start3A_795, %dma_start3A_796] : memref<503808x128xf32, #tpu.memory_space<hbm>> -> memref<503808x128xf32, #tpu.memory_space<hbm>>
      tpu.enqueue_indirect_dma source(%dma_start3A_797 : memref<503808x128xf32, #tpu.memory_space<hbm>>) target(%arg17 : memref<128x128xf32, #tpu.memory_space<vmem>>) offsets(%dma_start3A_794 : memref<128xi32, #tpu.memory_space<vmem>>) semaphore(%arg22 : memref<!tpu.dma_semaphore, #tpu.memory_space<semaphore_mem>>)
    }
    %scan3A_182 = arith.constant 10 : i32
    %dma_wait3A_183 = arith.constant 0 : i32
    %dma_wait3A_184 = arith.constant 0 : i32
    %dma_wait3A_185 = tpu.memref_slice %arg9[%dma_wait3A_183, %dma_wait3A_184] : memref<50x128xi32, #tpu.memory_space<vmem>> -> memref<1x128xi32, #tpu.memory_space<vmem>>
    %dma_wait3A_186 = tpu.memref_squeeze %dma_wait3A_185 : memref<1x128xi32, #tpu.memory_space<vmem>> -> memref<128xi32, #tpu.memory_space<vmem>>
    %dma_wait3A_187 = arith.constant 0 : i32
    %dma_wait3A_188 = arith.constant 0 : i32
    %dma_wait3A_189 = tpu.memref_slice %arg2[%dma_wait3A_187, %dma_wait3A_188] : memref<503808x128xf32, #tpu.memory_space<hbm>> -> memref<503808x128xf32, #tpu.memory_space<hbm>>
    tpu.wait_indirect_dma semaphore(%arg18 : memref<!tpu.dma_semaphore, #tpu.memory_space<semaphore_mem>>) src(%dma_wait3A_189 : memref<503808x128xf32, #tpu.memory_space<hbm>>) dst(%arg13 : memref<128x128xf32, #tpu.memory_space<vmem>>)
    %dma_wait3A_190 = arith.constant 0 : i32
    %dma_wait3A_191 = arith.constant 0 : i32
    %dma_wait3A_192 = tpu.memref_slice %arg9[%dma_wait3A_190, %dma_wait3A_191] : memref<50x128xi32, #tpu.memory_space<vmem>> -> memref<1x128xi32, #tpu.memory_space<vmem>>
    %dma_wait3A_193 = tpu.memref_squeeze %dma_wait3A_192 : memref<1x128xi32, #tpu.memory_space<vmem>> -> memref<128xi32, #tpu.memory_space<vmem>>
    %dma_wait3A_194 = arith.constant 0 : i32
    %dma_wait3A_195 = arith.constant 0 : i32
    %dma_wait3A_196 = tpu.memref_slice %arg2[%dma_wait3A_194, %dma_wait3A_195] : memref<503808x128xf32, #tpu.memory_space<hbm>> -> memref<503808x128xf32, #tpu.memory_space<hbm>>
    tpu.wait_indirect_dma semaphore(%arg19 : memref<!tpu.dma_semaphore, #tpu.memory_space<semaphore_mem>>) src(%dma_wait3A_196 : memref<503808x128xf32, #tpu.memory_space<hbm>>) dst(%arg14 : memref<128x128xf32, #tpu.memory_space<vmem>>)
    %dma_wait3A_197 = arith.constant 0 : i32
    %dma_wait3A_198 = arith.constant 0 : i32
    %dma_wait3A_199 = tpu.memref_slice %arg9[%dma_wait3A_197, %dma_wait3A_198] : memref<50x128xi32, #tpu.memory_space<vmem>> -> memref<1x128xi32, #tpu.memory_space<vmem>>
    %dma_wait3A_200 = tpu.memref_squeeze %dma_wait3A_199 : memref<1x128xi32, #tpu.memory_space<vmem>> -> memref<128xi32, #tpu.memory_space<vmem>>
    %dma_wait3A_201 = arith.constant 0 : i32
    %dma_wait3A_202 = arith.constant 0 : i32
    %dma_wait3A_203 = tpu.memref_slice %arg2[%dma_wait3A_201, %dma_wait3A_202] : memref<503808x128xf32, #tpu.memory_space<hbm>> -> memref<503808x128xf32, #tpu.memory_space<hbm>>
    tpu.wait_indirect_dma semaphore(%arg20 : memref<!tpu.dma_semaphore, #tpu.memory_space<semaphore_mem>>) src(%dma_wait3A_203 : memref<503808x128xf32, #tpu.memory_space<hbm>>) dst(%arg15 : memref<128x128xf32, #tpu.memory_space<vmem>>)
    %dma_wait3A_204 = arith.constant 0 : i32
    %dma_wait3A_205 = arith.constant 0 : i32
    %dma_wait3A_206 = tpu.memref_slice %arg9[%dma_wait3A_204, %dma_wait3A_205] : memref<50x128xi32, #tpu.memory_space<vmem>> -> memref<1x128xi32, #tpu.memory_space<vmem>>
    %dma_wait3A_207 = tpu.memref_squeeze %dma_wait3A_206 : memref<1x128xi32, #tpu.memory_space<vmem>> -> memref<128xi32, #tpu.memory_space<vmem>>
    %dma_wait3A_208 = arith.constant 0 : i32
    %dma_wait3A_209 = arith.constant 0 : i32
    %dma_wait3A_210 = tpu.memref_slice %arg2[%dma_wait3A_208, %dma_wait3A_209] : memref<503808x128xf32, #tpu.memory_space<hbm>> -> memref<503808x128xf32, #tpu.memory_space<hbm>>
    tpu.wait_indirect_dma semaphore(%arg21 : memref<!tpu.dma_semaphore, #tpu.memory_space<semaphore_mem>>) src(%dma_wait3A_210 : memref<503808x128xf32, #tpu.memory_space<hbm>>) dst(%arg16 : memref<128x128xf32, #tpu.memory_space<vmem>>)
    %dma_wait3A_211 = arith.constant 0 : i32
    %dma_wait3A_212 = arith.constant 0 : i32
    %dma_wait3A_213 = tpu.memref_slice %arg9[%dma_wait3A_211, %dma_wait3A_212] : memref<50x128xi32, #tpu.memory_space<vmem>> -> memref<1x128xi32, #tpu.memory_space<vmem>>
    %dma_wait3A_214 = tpu.memref_squeeze %dma_wait3A_213 : memref<1x128xi32, #tpu.memory_space<vmem>> -> memref<128xi32, #tpu.memory_space<vmem>>
    %dma_wait3A_215 = arith.constant 0 : i32
    %dma_wait3A_216 = arith.constant 0 : i32
    %dma_wait3A_217 = tpu.memref_slice %arg2[%dma_wait3A_215, %dma_wait3A_216] : memref<503808x128xf32, #tpu.memory_space<hbm>> -> memref<503808x128xf32, #tpu.memory_space<hbm>>
    tpu.wait_indirect_dma semaphore(%arg22 : memref<!tpu.dma_semaphore, #tpu.memory_space<semaphore_mem>>) src(%dma_wait3A_217 : memref<503808x128xf32, #tpu.memory_space<hbm>>) dst(%arg17 : memref<128x128xf32, #tpu.memory_space<vmem>>)
    %mul3A_218 = arith.constant 256 : i32
    %mul3A_219 = arith.muli %arg1, %mul3A_218 : i32
    %add3A_220 = arith.constant 128 : i32
    %add3A_221 = arith.addi %mul3A_2, %add3A_220 : i32
    %dma_start3A_222 = arith.constant 0 : i32
    %dma_start3A_223 = tpu.memref_slice %arg6[%add3A_221, %dma_start3A_222] : memref<16384x128xf32, #tpu.memory_space<hbm>> -> memref<128x128xf32, #tpu.memory_space<hbm>>
    %dma_start3A_224 = arith.constant 0 : i32
    %dma_start3A_225 = tpu.memref_slice %arg12[%mul3A_219, %dma_start3A_224] : memref<4096x128xf32, #tpu.memory_space<vmem_shared>> -> memref<128x128xf32, #tpu.memory_space<vmem_shared>>
    tpu.enqueue_dma source(%dma_start3A_225 : memref<128x128xf32, #tpu.memory_space<vmem_shared>>) target(%dma_start3A_223 : memref<128x128xf32, #tpu.memory_space<hbm>>) target_semaphore(%arg28 : memref<!tpu.dma_semaphore, #tpu.memory_space<semaphore_mem>>)
    %mul3A_226 = arith.constant 256 : i32
    %mul3A_227 = arith.muli %arg1, %mul3A_226 : i32
    %add3A_228 = arith.constant 128 : i32
    %add3A_229 = arith.addi %mul3A_227, %add3A_228 : i32
    %add3A_230 = arith.constant 128 : i32
    %add3A_231 = arith.addi %mul3A_2, %add3A_230 : i32
    %dma_start3A_232 = arith.constant 0 : i32
    %dma_start3A_233 = tpu.memref_slice %arg7[%add3A_231, %dma_start3A_232] : memref<16384x128xf32, #tpu.memory_space<hbm>> -> memref<128x128xf32, #tpu.memory_space<hbm>>
    %dma_start3A_234 = arith.constant 0 : i32
    %dma_start3A_235 = tpu.memref_slice %arg12[%add3A_229, %dma_start3A_234] : memref<4096x128xf32, #tpu.memory_space<vmem_shared>> -> memref<128x128xf32, #tpu.memory_space<vmem_shared>>
    tpu.enqueue_dma source(%dma_start3A_235 : memref<128x128xf32, #tpu.memory_space<vmem_shared>>) target(%dma_start3A_233 : memref<128x128xf32, #tpu.memory_space<hbm>>) target_semaphore(%arg28 : memref<!tpu.dma_semaphore, #tpu.memory_space<semaphore_mem>>)
    %add3A_236 = arith.constant 128 : i32
    %add3A_237 = arith.addi %mul3A_2, %add3A_236 : i32
    %mul3A_238 = arith.constant 256 : i32
    %mul3A_239 = arith.muli %arg1, %mul3A_238 : i32
    %dma_wait3A_240 = arith.constant 0 : i32
    %dma_wait3A_241 = tpu.memref_slice %arg6[%add3A_237, %dma_wait3A_240] : memref<16384x128xf32, #tpu.memory_space<hbm>> -> memref<128x128xf32, #tpu.memory_space<hbm>>
    %dma_wait3A_242 = arith.constant 0 : i32
    %dma_wait3A_243 = tpu.memref_slice %arg12[%mul3A_239, %dma_wait3A_242] : memref<4096x128xf32, #tpu.memory_space<vmem_shared>> -> memref<128x128xf32, #tpu.memory_space<vmem_shared>>
    tpu.wait_dma2 semaphore(%arg28 : memref<!tpu.dma_semaphore, #tpu.memory_space<semaphore_mem>>) src(%dma_wait3A_243 : memref<128x128xf32, #tpu.memory_space<vmem_shared>>) dst(%dma_wait3A_241 : memref<128x128xf32, #tpu.memory_space<hbm>>)
    %mul3A_244 = arith.constant 256 : i32
    %mul3A_245 = arith.muli %arg1, %mul3A_244 : i32
    %add3A_246 = arith.constant 128 : i32
    %add3A_247 = arith.addi %mul3A_245, %add3A_246 : i32
    %dma_wait3A_248 = arith.constant 0 : i32
    %dma_wait3A_249 = tpu.memref_slice %arg7[%add3A_237, %dma_wait3A_248] : memref<16384x128xf32, #tpu.memory_space<hbm>> -> memref<128x128xf32, #tpu.memory_space<hbm>>
    %dma_wait3A_250 = arith.constant 0 : i32
    %dma_wait3A_251 = tpu.memref_slice %arg12[%add3A_247, %dma_wait3A_250] : memref<4096x128xf32, #tpu.memory_space<vmem_shared>> -> memref<128x128xf32, #tpu.memory_space<vmem_shared>>
    tpu.wait_dma2 semaphore(%arg28 : memref<!tpu.dma_semaphore, #tpu.memory_space<semaphore_mem>>) src(%dma_wait3A_251 : memref<128x128xf32, #tpu.memory_space<vmem_shared>>) dst(%dma_wait3A_249 : memref<128x128xf32, #tpu.memory_space<hbm>>)
    %scan3A_252 = arith.constant 0 : i32
    %scan3A_253 = arith.constant 0 : i32
    %scan3A_254 = arith.constant 128 : i32
    %scan3A_255 = arith.addi %scan3A_253, %scan3A_254 : i32
    %scan3A_256 = arith.constant 1 : i32
    scf.for %scan3A_608 = %scan3A_253 to %scan3A_255 step %scan3A_256  : i32 {
      %swap3A = arith.index_cast %scan3A_608 : i32 to index
      %swap3A_609 = arith.constant 0 : index
      %swap3A_610 = tpu.vector_load %arg13[%swap3A, %swap3A_609] {strides = array<i32>} : memref<128x128xf32, #tpu.memory_space<vmem>>, vector<1x16xf32>,
      %swap3A_611 = vector.shape_cast %swap3A_610 : vector<1x16xf32> to vector<16xf32>
      %swap3A_612 = vector.shape_cast %broadcast_in_dim3A_3 : vector<16xf32> to vector<1x16xf32>
      tpu.vector_store %arg13[%swap3A, %swap3A_609], %swap3A_612 {strides = array<i32>} : memref<128x128xf32, #tpu.memory_space<vmem>>, vector<1x16xf32>,
      %swap3A_613 = arith.index_cast %scan3A_608 : i32 to index
      %swap3A_614 = arith.constant 16 : index
      %swap3A_615 = tpu.vector_load %arg13[%swap3A_613, %swap3A_614] {strides = array<i32>} : memref<128x128xf32, #tpu.memory_space<vmem>>, vector<1x16xf32>,
      %swap3A_616 = vector.shape_cast %swap3A_615 : vector<1x16xf32> to vector<16xf32>
      %swap3A_617 = vector.shape_cast %broadcast_in_dim3A_3 : vector<16xf32> to vector<1x16xf32>
      tpu.vector_store %arg13[%swap3A_613, %swap3A_614], %swap3A_617 {strides = array<i32>} : memref<128x128xf32, #tpu.memory_space<vmem>>, vector<1x16xf32>,
      %swap3A_618 = arith.index_cast %scan3A_608 : i32 to index
      %swap3A_619 = arith.constant 32 : index
      %swap3A_620 = tpu.vector_load %arg13[%swap3A_618, %swap3A_619] {strides = array<i32>} : memref<128x128xf32, #tpu.memory_space<vmem>>, vector<1x16xf32>,
      %swap3A_621 = vector.shape_cast %swap3A_620 : vector<1x16xf32> to vector<16xf32>
      %swap3A_622 = vector.shape_cast %broadcast_in_dim3A_3 : vector<16xf32> to vector<1x16xf32>
      tpu.vector_store %arg13[%swap3A_618, %swap3A_619], %swap3A_622 {strides = array<i32>} : memref<128x128xf32, #tpu.memory_space<vmem>>, vector<1x16xf32>,
      %swap3A_623 = arith.index_cast %scan3A_608 : i32 to index
      %swap3A_624 = arith.constant 48 : index
      %swap3A_625 = tpu.vector_load %arg13[%swap3A_623, %swap3A_624] {strides = array<i32>} : memref<128x128xf32, #tpu.memory_space<vmem>>, vector<1x16xf32>,
      %swap3A_626 = vector.shape_cast %swap3A_625 : vector<1x16xf32> to vector<16xf32>
      %swap3A_627 = vector.shape_cast %broadcast_in_dim3A_3 : vector<16xf32> to vector<1x16xf32>
      tpu.vector_store %arg13[%swap3A_623, %swap3A_624], %swap3A_627 {strides = array<i32>} : memref<128x128xf32, #tpu.memory_space<vmem>>, vector<1x16xf32>,
      %swap3A_628 = arith.index_cast %scan3A_608 : i32 to index
      %swap3A_629 = arith.constant 64 : index
      %swap3A_630 = tpu.vector_load %arg13[%swap3A_628, %swap3A_629] {strides = array<i32>} : memref<128x128xf32, #tpu.memory_space<vmem>>, vector<1x16xf32>,
      %swap3A_631 = vector.shape_cast %swap3A_630 : vector<1x16xf32> to vector<16xf32>
      %swap3A_632 = vector.shape_cast %broadcast_in_dim3A_3 : vector<16xf32> to vector<1x16xf32>
      tpu.vector_store %arg13[%swap3A_628, %swap3A_629], %swap3A_632 {strides = array<i32>} : memref<128x128xf32, #tpu.memory_space<vmem>>, vector<1x16xf32>,
      %swap3A_633 = arith.index_cast %scan3A_608 : i32 to index
      %swap3A_634 = arith.constant 80 : index
      %swap3A_635 = tpu.vector_load %arg13[%swap3A_633, %swap3A_634] {strides = array<i32>} : memref<128x128xf32, #tpu.memory_space<vmem>>, vector<1x16xf32>,
      %swap3A_636 = vector.shape_cast %swap3A_635 : vector<1x16xf32> to vector<16xf32>
      %swap3A_637 = vector.shape_cast %broadcast_in_dim3A_3 : vector<16xf32> to vector<1x16xf32>
      tpu.vector_store %arg13[%swap3A_633, %swap3A_634], %swap3A_637 {strides = array<i32>} : memref<128x128xf32, #tpu.memory_space<vmem>>, vector<1x16xf32>,
      %swap3A_638 = arith.index_cast %scan3A_608 : i32 to index
      %swap3A_639 = arith.constant 96 : index
      %swap3A_640 = tpu.vector_load %arg13[%swap3A_638, %swap3A_639] {strides = array<i32>} : memref<128x128xf32, #tpu.memory_space<vmem>>, vector<1x16xf32>,
      %swap3A_641 = vector.shape_cast %swap3A_640 : vector<1x16xf32> to vector<16xf32>
      %swap3A_642 = vector.shape_cast %broadcast_in_dim3A_3 : vector<16xf32> to vector<1x16xf32>
      tpu.vector_store %arg13[%swap3A_638, %swap3A_639], %swap3A_642 {strides = array<i32>} : memref<128x128xf32, #tpu.memory_space<vmem>>, vector<1x16xf32>,
      %swap3A_643 = arith.index_cast %scan3A_608 : i32 to index
      %swap3A_644 = arith.constant 112 : index
      %swap3A_645 = tpu.vector_load %arg13[%swap3A_643, %swap3A_644] {strides = array<i32>} : memref<128x128xf32, #tpu.memory_space<vmem>>, vector<1x16xf32>,
      %swap3A_646 = vector.shape_cast %swap3A_645 : vector<1x16xf32> to vector<16xf32>
      %swap3A_647 = vector.shape_cast %broadcast_in_dim3A_3 : vector<16xf32> to vector<1x16xf32>
      tpu.vector_store %arg13[%swap3A_643, %swap3A_644], %swap3A_647 {strides = array<i32>} : memref<128x128xf32, #tpu.memory_space<vmem>>, vector<1x16xf32>,
    }
    %scan3A_257 = arith.constant 128 : i32
    %mul3A_258 = arith.constant 256 : i32
    %mul3A_259 = arith.muli %arg1, %mul3A_258 : i32
    %add3A_260 = arith.constant 0 : i32
    %add3A_261 = arith.addi %mul3A_259, %add3A_260 : i32
    "tpu.region"() ({
      %run_scoped3A_608 = tpu.sem_alloc : memref<!tpu.dma_semaphore, #tpu.memory_space<semaphore_mem>>
      %dma_start3A_609 = arith.constant 0 : i32
      %dma_start3A_610 = tpu.memref_slice %arg12[%add3A_261, %dma_start3A_609] : memref<4096x128xf32, #tpu.memory_space<vmem_shared>> -> memref<128x128xf32, #tpu.memory_space<vmem_shared>>
      %dma_start3A_611 = arith.constant 0 : i32
      %dma_start3A_612 = tpu.memref_slice %arg12[%add3A_261, %dma_start3A_611] : memref<4096x128xf32, #tpu.memory_space<vmem_shared>> -> memref<128x128xf32, #tpu.memory_space<vmem_shared>>
      tpu.enqueue_dma source(%arg13 : memref<128x128xf32, #tpu.memory_space<vmem>>) target(%dma_start3A_612 : memref<128x128xf32, #tpu.memory_space<vmem_shared>>) target_semaphore(%run_scoped3A_608 : memref<!tpu.dma_semaphore, #tpu.memory_space<semaphore_mem>>)
      %dma_wait3A_613 = arith.constant 0 : i32
      %dma_wait3A_614 = tpu.memref_slice %arg12[%add3A_261, %dma_wait3A_613] : memref<4096x128xf32, #tpu.memory_space<vmem_shared>> -> memref<128x128xf32, #tpu.memory_space<vmem_shared>>
      %dma_wait3A_615 = arith.constant 0 : i32
      %dma_wait3A_616 = tpu.memref_slice %arg12[%add3A_261, %dma_wait3A_615] : memref<4096x128xf32, #tpu.memory_space<vmem_shared>> -> memref<128x128xf32, #tpu.memory_space<vmem_shared>>
      tpu.wait_dma2 semaphore(%run_scoped3A_608 : memref<!tpu.dma_semaphore, #tpu.memory_space<semaphore_mem>>) src(%arg13 : memref<128x128xf32, #tpu.memory_space<vmem>>) dst(%dma_wait3A_616 : memref<128x128xf32, #tpu.memory_space<vmem_shared>>)
      tpu.yield
    }) : () -> ()
    %mul3A_262 = arith.constant 256 : i32
    %mul3A_263 = arith.muli %arg1, %mul3A_262 : i32
    %add3A_264 = arith.constant 128 : i32
    %add3A_265 = arith.addi %mul3A_263, %add3A_264 : i32
    "tpu.region"() ({
      %run_scoped3A_608 = tpu.sem_alloc : memref<!tpu.dma_semaphore, #tpu.memory_space<semaphore_mem>>
      %dma_start3A_609 = arith.constant 0 : i32
      %dma_start3A_610 = tpu.memref_slice %arg12[%add3A_265, %dma_start3A_609] : memref<4096x128xf32, #tpu.memory_space<vmem_shared>> -> memref<128x128xf32, #tpu.memory_space<vmem_shared>>
      %dma_start3A_611 = arith.constant 0 : i32
      %dma_start3A_612 = tpu.memref_slice %arg12[%add3A_265, %dma_start3A_611] : memref<4096x128xf32, #tpu.memory_space<vmem_shared>> -> memref<128x128xf32, #tpu.memory_space<vmem_shared>>
      tpu.enqueue_dma source(%arg13 : memref<128x128xf32, #tpu.memory_space<vmem>>) target(%dma_start3A_612 : memref<128x128xf32, #tpu.memory_space<vmem_shared>>) target_semaphore(%run_scoped3A_608 : memref<!tpu.dma_semaphore, #tpu.memory_space<semaphore_mem>>)
      %dma_wait3A_613 = arith.constant 0 : i32
      %dma_wait3A_614 = tpu.memref_slice %arg12[%add3A_265, %dma_wait3A_613] : memref<4096x128xf32, #tpu.memory_space<vmem_shared>> -> memref<128x128xf32, #tpu.memory_space<vmem_shared>>
      %dma_wait3A_615 = arith.constant 0 : i32
      %dma_wait3A_616 = tpu.memref_slice %arg12[%add3A_265, %dma_wait3A_615] : memref<4096x128xf32, #tpu.memory_space<vmem_shared>> -> memref<128x128xf32, #tpu.memory_space<vmem_shared>>
      tpu.wait_dma2 semaphore(%run_scoped3A_608 : memref<!tpu.dma_semaphore, #tpu.memory_space<semaphore_mem>>) src(%arg13 : memref<128x128xf32, #tpu.memory_space<vmem>>) dst(%dma_wait3A_616 : memref<128x128xf32, #tpu.memory_space<vmem_shared>>)
      tpu.yield
    }) : () -> ()
    %run_scoped3A_266 = arith.constant 2 : i32
    "tpu.region"() ({
      %run_scoped3A_608 = tpu.sem_alloc : memref<!tpu.dma_semaphore, #tpu.memory_space<semaphore_mem>>
      %dma_start3A_609 = arith.constant 0 : i32
      %dma_start3A_610 = arith.constant 0 : i32
      %dma_start3A_611 = tpu.memref_slice %arg3[%add3A, %run_scoped3A_266, %dma_start3A_609, %dma_start3A_610] : memref<32x4x50x128xi32, #tpu.memory_space<hbm>> -> memref<1x1x50x128xi32, #tpu.memory_space<hbm>>
      %dma_start3A_612 = tpu.memref_squeeze %dma_start3A_611 : memref<1x1x50x128xi32, #tpu.memory_space<hbm>> -> memref<50x128xi32, #tpu.memory_space<hbm>>
      %dma_start3A_613 = arith.constant 0 : i32
      %dma_start3A_614 = arith.constant 0 : i32
      %dma_start3A_615 = tpu.memref_slice %arg3[%add3A, %run_scoped3A_266, %dma_start3A_613, %dma_start3A_614] : memref<32x4x50x128xi32, #tpu.memory_space<hbm>> -> memref<1x1x50x128xi32, #tpu.memory_space<hbm>>
      %dma_start3A_616 = tpu.memref_squeeze %dma_start3A_615 : memref<1x1x50x128xi32, #tpu.memory_space<hbm>> -> memref<50x128xi32, #tpu.memory_space<hbm>>
      tpu.enqueue_dma source(%dma_start3A_616 : memref<50x128xi32, #tpu.memory_space<hbm>>) target(%arg9 : memref<50x128xi32, #tpu.memory_space<vmem>>) target_semaphore(%run_scoped3A_608 : memref<!tpu.dma_semaphore, #tpu.memory_space<semaphore_mem>>)
      %dma_wait3A_617 = arith.constant 0 : i32
      %dma_wait3A_618 = arith.constant 0 : i32
      %dma_wait3A_619 = tpu.memref_slice %arg3[%add3A, %run_scoped3A_266, %dma_wait3A_617, %dma_wait3A_618] : memref<32x4x50x128xi32, #tpu.memory_space<hbm>> -> memref<1x1x50x128xi32, #tpu.memory_space<hbm>>
      %dma_wait3A_620 = tpu.memref_squeeze %dma_wait3A_619 : memref<1x1x50x128xi32, #tpu.memory_space<hbm>> -> memref<50x128xi32, #tpu.memory_space<hbm>>
      %dma_wait3A_621 = arith.constant 0 : i32
      %dma_wait3A_622 = arith.constant 0 : i32
      %dma_wait3A_623 = tpu.memref_slice %arg3[%add3A, %run_scoped3A_266, %dma_wait3A_621, %dma_wait3A_622] : memref<32x4x50x128xi32, #tpu.memory_space<hbm>> -> memref<1x1x50x128xi32, #tpu.memory_space<hbm>>
      %dma_wait3A_624 = tpu.memref_squeeze %dma_wait3A_623 : memref<1x1x50x128xi32, #tpu.memory_space<hbm>> -> memref<50x128xi32, #tpu.memory_space<hbm>>
      tpu.wait_dma2 semaphore(%run_scoped3A_608 : memref<!tpu.dma_semaphore, #tpu.memory_space<semaphore_mem>>) src(%dma_wait3A_624 : memref<50x128xi32, #tpu.memory_space<hbm>>) dst(%arg9 : memref<50x128xi32, #tpu.memory_space<vmem>>)
      tpu.yield
    }) : () -> ()
    %run_scoped3A_267 = arith.constant 2 : i32
    "tpu.region"() ({
      %run_scoped3A_608 = tpu.sem_alloc : memref<!tpu.dma_semaphore, #tpu.memory_space<semaphore_mem>>
      %dma_start3A_609 = arith.constant 0 : i32
      %dma_start3A_610 = arith.constant 0 : i32
      %dma_start3A_611 = tpu.memref_slice %arg4[%add3A, %run_scoped3A_267, %dma_start3A_609, %dma_start3A_610] : memref<32x4x50x128xi32, #tpu.memory_space<hbm>> -> memref<1x1x50x128xi32, #tpu.memory_space<hbm>>
      %dma_start3A_612 = tpu.memref_squeeze %dma_start3A_611 : memref<1x1x50x128xi32, #tpu.memory_space<hbm>> -> memref<50x128xi32, #tpu.memory_space<hbm>>
      %dma_start3A_613 = arith.constant 0 : i32
      %dma_start3A_614 = arith.constant 0 : i32
      %dma_start3A_615 = tpu.memref_slice %arg4[%add3A, %run_scoped3A_267, %dma_start3A_613, %dma_start3A_614] : memref<32x4x50x128xi32, #tpu.memory_space<hbm>> -> memref<1x1x50x128xi32, #tpu.memory_space<hbm>>
      %dma_start3A_616 = tpu.memref_squeeze %dma_start3A_615 : memref<1x1x50x128xi32, #tpu.memory_space<hbm>> -> memref<50x128xi32, #tpu.memory_space<hbm>>
      tpu.enqueue_dma source(%dma_start3A_616 : memref<50x128xi32, #tpu.memory_space<hbm>>) target(%arg10 : memref<50x128xi32, #tpu.memory_space<vmem>>) target_semaphore(%run_scoped3A_608 : memref<!tpu.dma_semaphore, #tpu.memory_space<semaphore_mem>>)
      %dma_wait3A_617 = arith.constant 0 : i32
      %dma_wait3A_618 = arith.constant 0 : i32
      %dma_wait3A_619 = tpu.memref_slice %arg4[%add3A, %run_scoped3A_267, %dma_wait3A_617, %dma_wait3A_618] : memref<32x4x50x128xi32, #tpu.memory_space<hbm>> -> memref<1x1x50x128xi32, #tpu.memory_space<hbm>>
      %dma_wait3A_620 = tpu.memref_squeeze %dma_wait3A_619 : memref<1x1x50x128xi32, #tpu.memory_space<hbm>> -> memref<50x128xi32, #tpu.memory_space<hbm>>
      %dma_wait3A_621 = arith.constant 0 : i32
      %dma_wait3A_622 = arith.constant 0 : i32
      %dma_wait3A_623 = tpu.memref_slice %arg4[%add3A, %run_scoped3A_267, %dma_wait3A_621, %dma_wait3A_622] : memref<32x4x50x128xi32, #tpu.memory_space<hbm>> -> memref<1x1x50x128xi32, #tpu.memory_space<hbm>>
      %dma_wait3A_624 = tpu.memref_squeeze %dma_wait3A_623 : memref<1x1x50x128xi32, #tpu.memory_space<hbm>> -> memref<50x128xi32, #tpu.memory_space<hbm>>
      tpu.wait_dma2 semaphore(%run_scoped3A_608 : memref<!tpu.dma_semaphore, #tpu.memory_space<semaphore_mem>>) src(%dma_wait3A_624 : memref<50x128xi32, #tpu.memory_space<hbm>>) dst(%arg10 : memref<50x128xi32, #tpu.memory_space<vmem>>)
      tpu.yield
    }) : () -> ()
    %dma_start3A_268 = arith.constant 0 : i32
    %dma_start3A_269 = arith.constant 0 : i32
    %dma_start3A_270 = tpu.memref_slice %arg9[%dma_start3A_268, %dma_start3A_269] : memref<50x128xi32, #tpu.memory_space<vmem>> -> memref<1x128xi32, #tpu.memory_space<vmem>>
    %dma_start3A_271 = tpu.memref_squeeze %dma_start3A_270 : memref<1x128xi32, #tpu.memory_space<vmem>> -> memref<128xi32, #tpu.memory_space<vmem>>
    %dma_start3A_272 = arith.constant 0 : i32
    %dma_start3A_273 = arith.constant 0 : i32
    %dma_start3A_274 = tpu.memref_slice %arg2[%dma_start3A_272, %dma_start3A_273] : memref<503808x128xf32, #tpu.memory_space<hbm>> -> memref<503808x128xf32, #tpu.memory_space<hbm>>
    tpu.enqueue_indirect_dma source(%dma_start3A_274 : memref<503808x128xf32, #tpu.memory_space<hbm>>) target(%arg13 : memref<128x128xf32, #tpu.memory_space<vmem>>) offsets(%dma_start3A_271 : memref<128xi32, #tpu.memory_space<vmem>>) semaphore(%arg18 : memref<!tpu.dma_semaphore, #tpu.memory_space<semaphore_mem>>)
    %dma_start3A_275 = arith.constant 1 : i32
    %dma_start3A_276 = arith.constant 0 : i32
    %dma_start3A_277 = tpu.memref_slice %arg9[%dma_start3A_275, %dma_start3A_276] : memref<50x128xi32, #tpu.memory_space<vmem>> -> memref<1x128xi32, #tpu.memory_space<vmem>>
    %dma_start3A_278 = tpu.memref_squeeze %dma_start3A_277 : memref<1x128xi32, #tpu.memory_space<vmem>> -> memref<128xi32, #tpu.memory_space<vmem>>
    %dma_start3A_279 = arith.constant 0 : i32
    %dma_start3A_280 = arith.constant 0 : i32
    %dma_start3A_281 = tpu.memref_slice %arg2[%dma_start3A_279, %dma_start3A_280] : memref<503808x128xf32, #tpu.memory_space<hbm>> -> memref<503808x128xf32, #tpu.memory_space<hbm>>
    tpu.enqueue_indirect_dma source(%dma_start3A_281 : memref<503808x128xf32, #tpu.memory_space<hbm>>) target(%arg14 : memref<128x128xf32, #tpu.memory_space<vmem>>) offsets(%dma_start3A_278 : memref<128xi32, #tpu.memory_space<vmem>>) semaphore(%arg19 : memref<!tpu.dma_semaphore, #tpu.memory_space<semaphore_mem>>)
    %dma_start3A_282 = arith.constant 2 : i32
    %dma_start3A_283 = arith.constant 0 : i32
    %dma_start3A_284 = tpu.memref_slice %arg9[%dma_start3A_282, %dma_start3A_283] : memref<50x128xi32, #tpu.memory_space<vmem>> -> memref<1x128xi32, #tpu.memory_space<vmem>>
    %dma_start3A_285 = tpu.memref_squeeze %dma_start3A_284 : memref<1x128xi32, #tpu.memory_space<vmem>> -> memref<128xi32, #tpu.memory_space<vmem>>
    %dma_start3A_286 = arith.constant 0 : i32
    %dma_start3A_287 = arith.constant 0 : i32
    %dma_start3A_288 = tpu.memref_slice %arg2[%dma_start3A_286, %dma_start3A_287] : memref<503808x128xf32, #tpu.memory_space<hbm>> -> memref<503808x128xf32, #tpu.memory_space<hbm>>
    tpu.enqueue_indirect_dma source(%dma_start3A_288 : memref<503808x128xf32, #tpu.memory_space<hbm>>) target(%arg15 : memref<128x128xf32, #tpu.memory_space<vmem>>) offsets(%dma_start3A_285 : memref<128xi32, #tpu.memory_space<vmem>>) semaphore(%arg20 : memref<!tpu.dma_semaphore, #tpu.memory_space<semaphore_mem>>)
    %dma_start3A_289 = arith.constant 3 : i32
    %dma_start3A_290 = arith.constant 0 : i32
    %dma_start3A_291 = tpu.memref_slice %arg9[%dma_start3A_289, %dma_start3A_290] : memref<50x128xi32, #tpu.memory_space<vmem>> -> memref<1x128xi32, #tpu.memory_space<vmem>>
    %dma_start3A_292 = tpu.memref_squeeze %dma_start3A_291 : memref<1x128xi32, #tpu.memory_space<vmem>> -> memref<128xi32, #tpu.memory_space<vmem>>
    %dma_start3A_293 = arith.constant 0 : i32
    %dma_start3A_294 = arith.constant 0 : i32
    %dma_start3A_295 = tpu.memref_slice %arg2[%dma_start3A_293, %dma_start3A_294] : memref<503808x128xf32, #tpu.memory_space<hbm>> -> memref<503808x128xf32, #tpu.memory_space<hbm>>
    tpu.enqueue_indirect_dma source(%dma_start3A_295 : memref<503808x128xf32, #tpu.memory_space<hbm>>) target(%arg16 : memref<128x128xf32, #tpu.memory_space<vmem>>) offsets(%dma_start3A_292 : memref<128xi32, #tpu.memory_space<vmem>>) semaphore(%arg21 : memref<!tpu.dma_semaphore, #tpu.memory_space<semaphore_mem>>)
    %dma_start3A_296 = arith.constant 4 : i32
    %dma_start3A_297 = arith.constant 0 : i32
    %dma_start3A_298 = tpu.memref_slice %arg9[%dma_start3A_296, %dma_start3A_297] : memref<50x128xi32, #tpu.memory_space<vmem>> -> memref<1x128xi32, #tpu.memory_space<vmem>>
    %dma_start3A_299 = tpu.memref_squeeze %dma_start3A_298 : memref<1x128xi32, #tpu.memory_space<vmem>> -> memref<128xi32, #tpu.memory_space<vmem>>
    %dma_start3A_300 = arith.constant 0 : i32
    %dma_start3A_301 = arith.constant 0 : i32
    %dma_start3A_302 = tpu.memref_slice %arg2[%dma_start3A_300, %dma_start3A_301] : memref<503808x128xf32, #tpu.memory_space<hbm>> -> memref<503808x128xf32, #tpu.memory_space<hbm>>
    tpu.enqueue_indirect_dma source(%dma_start3A_302 : memref<503808x128xf32, #tpu.memory_space<hbm>>) target(%arg17 : memref<128x128xf32, #tpu.memory_space<vmem>>) offsets(%dma_start3A_299 : memref<128xi32, #tpu.memory_space<vmem>>) semaphore(%arg22 : memref<!tpu.dma_semaphore, #tpu.memory_space<semaphore_mem>>)
    %scan3A_303 = arith.constant 0 : i32
    %scan3A_304 = arith.constant 0 : i32
    %scan3A_305 = arith.constant 10 : i32
    %scan3A_306 = arith.addi %scan3A_304, %scan3A_305 : i32
    %scan3A_307 = arith.constant 1 : i32
    scf.for %scan3A_608 = %scan3A_304 to %scan3A_306 step %scan3A_307  : i32 {
      %dma_wait3A_609 = arith.constant 0 : i32
      %dma_wait3A_610 = arith.constant 0 : i32
      %dma_wait3A_611 = tpu.memref_slice %arg9[%dma_wait3A_609, %dma_wait3A_610] : memref<50x128xi32, #tpu.memory_space<vmem>> -> memref<1x128xi32, #tpu.memory_space<vmem>>
      %dma_wait3A_612 = tpu.memref_squeeze %dma_wait3A_611 : memref<1x128xi32, #tpu.memory_space<vmem>> -> memref<128xi32, #tpu.memory_space<vmem>>
      %dma_wait3A_613 = arith.constant 0 : i32
      %dma_wait3A_614 = arith.constant 0 : i32
      %dma_wait3A_615 = tpu.memref_slice %arg2[%dma_wait3A_613, %dma_wait3A_614] : memref<503808x128xf32, #tpu.memory_space<hbm>> -> memref<503808x128xf32, #tpu.memory_space<hbm>>
      tpu.wait_indirect_dma semaphore(%arg18 : memref<!tpu.dma_semaphore, #tpu.memory_space<semaphore_mem>>) src(%dma_wait3A_615 : memref<503808x128xf32, #tpu.memory_space<hbm>>) dst(%arg13 : memref<128x128xf32, #tpu.memory_space<vmem>>)
      %mul3A_616 = arith.constant 5 : i32
      %mul3A_617 = arith.muli %scan3A_608, %mul3A_616 : i32
      %add3A_618 = arith.constant 0 : i32
      %add3A_619 = arith.addi %mul3A_617, %add3A_618 : i32
      %dma_start3A_620 = arith.constant 0 : i32
      %dma_start3A_621 = tpu.memref_slice %arg10[%add3A_619, %dma_start3A_620] : memref<50x128xi32, #tpu.memory_space<vmem>> -> memref<1x128xi32, #tpu.memory_space<vmem>>
      %dma_start3A_622 = tpu.memref_squeeze %dma_start3A_621 : memref<1x128xi32, #tpu.memory_space<vmem>> -> memref<128xi32, #tpu.memory_space<vmem>>
      %dma_start3A_623 = arith.constant 0 : i32
      %dma_start3A_624 = arith.constant 0 : i32
      %dma_start3A_625 = tpu.memref_slice %arg12[%dma_start3A_623, %dma_start3A_624] : memref<4096x128xf32, #tpu.memory_space<vmem_shared>> -> memref<4096x128xf32, #tpu.memory_space<vmem_shared>>
      tpu.enqueue_indirect_dma source(%arg13 : memref<128x128xf32, #tpu.memory_space<vmem>>) target(%dma_start3A_625 : memref<4096x128xf32, #tpu.memory_space<vmem_shared>>) offsets(%dma_start3A_622 : memref<128xi32, #tpu.memory_space<vmem>>) semaphore(%arg23 : memref<!tpu.dma_semaphore, #tpu.memory_space<semaphore_mem>>) {add = true}
      %dma_wait3A_626 = arith.constant 0 : i32
      %dma_wait3A_627 = arith.constant 0 : i32
      %dma_wait3A_628 = tpu.memref_slice %arg9[%dma_wait3A_626, %dma_wait3A_627] : memref<50x128xi32, #tpu.memory_space<vmem>> -> memref<1x128xi32, #tpu.memory_space<vmem>>
      %dma_wait3A_629 = tpu.memref_squeeze %dma_wait3A_628 : memref<1x128xi32, #tpu.memory_space<vmem>> -> memref<128xi32, #tpu.memory_space<vmem>>
      %dma_wait3A_630 = arith.constant 0 : i32
      %dma_wait3A_631 = arith.constant 0 : i32
      %dma_wait3A_632 = tpu.memref_slice %arg2[%dma_wait3A_630, %dma_wait3A_631] : memref<503808x128xf32, #tpu.memory_space<hbm>> -> memref<503808x128xf32, #tpu.memory_space<hbm>>
      tpu.wait_indirect_dma semaphore(%arg19 : memref<!tpu.dma_semaphore, #tpu.memory_space<semaphore_mem>>) src(%dma_wait3A_632 : memref<503808x128xf32, #tpu.memory_space<hbm>>) dst(%arg14 : memref<128x128xf32, #tpu.memory_space<vmem>>)
      %mul3A_633 = arith.constant 5 : i32
      %mul3A_634 = arith.muli %scan3A_608, %mul3A_633 : i32
      %add3A_635 = arith.constant 1 : i32
      %add3A_636 = arith.addi %mul3A_634, %add3A_635 : i32
      %dma_start3A_637 = arith.constant 0 : i32
      %dma_start3A_638 = tpu.memref_slice %arg10[%add3A_636, %dma_start3A_637] : memref<50x128xi32, #tpu.memory_space<vmem>> -> memref<1x128xi32, #tpu.memory_space<vmem>>
      %dma_start3A_639 = tpu.memref_squeeze %dma_start3A_638 : memref<1x128xi32, #tpu.memory_space<vmem>> -> memref<128xi32, #tpu.memory_space<vmem>>
      %dma_start3A_640 = arith.constant 0 : i32
      %dma_start3A_641 = arith.constant 0 : i32
      %dma_start3A_642 = tpu.memref_slice %arg12[%dma_start3A_640, %dma_start3A_641] : memref<4096x128xf32, #tpu.memory_space<vmem_shared>> -> memref<4096x128xf32, #tpu.memory_space<vmem_shared>>
      tpu.enqueue_indirect_dma source(%arg14 : memref<128x128xf32, #tpu.memory_space<vmem>>) target(%dma_start3A_642 : memref<4096x128xf32, #tpu.memory_space<vmem_shared>>) offsets(%dma_start3A_639 : memref<128xi32, #tpu.memory_space<vmem>>) semaphore(%arg24 : memref<!tpu.dma_semaphore, #tpu.memory_space<semaphore_mem>>) {add = true}
      %dma_wait3A_643 = arith.constant 0 : i32
      %dma_wait3A_644 = arith.constant 0 : i32
      %dma_wait3A_645 = tpu.memref_slice %arg9[%dma_wait3A_643, %dma_wait3A_644] : memref<50x128xi32, #tpu.memory_space<vmem>> -> memref<1x128xi32, #tpu.memory_space<vmem>>
      %dma_wait3A_646 = tpu.memref_squeeze %dma_wait3A_645 : memref<1x128xi32, #tpu.memory_space<vmem>> -> memref<128xi32, #tpu.memory_space<vmem>>
      %dma_wait3A_647 = arith.constant 0 : i32
      %dma_wait3A_648 = arith.constant 0 : i32
      %dma_wait3A_649 = tpu.memref_slice %arg2[%dma_wait3A_647, %dma_wait3A_648] : memref<503808x128xf32, #tpu.memory_space<hbm>> -> memref<503808x128xf32, #tpu.memory_space<hbm>>
      tpu.wait_indirect_dma semaphore(%arg20 : memref<!tpu.dma_semaphore, #tpu.memory_space<semaphore_mem>>) src(%dma_wait3A_649 : memref<503808x128xf32, #tpu.memory_space<hbm>>) dst(%arg15 : memref<128x128xf32, #tpu.memory_space<vmem>>)
      %mul3A_650 = arith.constant 5 : i32
      %mul3A_651 = arith.muli %scan3A_608, %mul3A_650 : i32
      %add3A_652 = arith.constant 2 : i32
      %add3A_653 = arith.addi %mul3A_651, %add3A_652 : i32
      %dma_start3A_654 = arith.constant 0 : i32
      %dma_start3A_655 = tpu.memref_slice %arg10[%add3A_653, %dma_start3A_654] : memref<50x128xi32, #tpu.memory_space<vmem>> -> memref<1x128xi32, #tpu.memory_space<vmem>>
      %dma_start3A_656 = tpu.memref_squeeze %dma_start3A_655 : memref<1x128xi32, #tpu.memory_space<vmem>> -> memref<128xi32, #tpu.memory_space<vmem>>
      %dma_start3A_657 = arith.constant 0 : i32
      %dma_start3A_658 = arith.constant 0 : i32
      %dma_start3A_659 = tpu.memref_slice %arg12[%dma_start3A_657, %dma_start3A_658] : memref<4096x128xf32, #tpu.memory_space<vmem_shared>> -> memref<4096x128xf32, #tpu.memory_space<vmem_shared>>
      tpu.enqueue_indirect_dma source(%arg15 : memref<128x128xf32, #tpu.memory_space<vmem>>) target(%dma_start3A_659 : memref<4096x128xf32, #tpu.memory_space<vmem_shared>>) offsets(%dma_start3A_656 : memref<128xi32, #tpu.memory_space<vmem>>) semaphore(%arg25 : memref<!tpu.dma_semaphore, #tpu.memory_space<semaphore_mem>>) {add = true}
      %dma_wait3A_660 = arith.constant 0 : i32
      %dma_wait3A_661 = arith.constant 0 : i32
      %dma_wait3A_662 = tpu.memref_slice %arg9[%dma_wait3A_660, %dma_wait3A_661] : memref<50x128xi32, #tpu.memory_space<vmem>> -> memref<1x128xi32, #tpu.memory_space<vmem>>
      %dma_wait3A_663 = tpu.memref_squeeze %dma_wait3A_662 : memref<1x128xi32, #tpu.memory_space<vmem>> -> memref<128xi32, #tpu.memory_space<vmem>>
      %dma_wait3A_664 = arith.constant 0 : i32
      %dma_wait3A_665 = arith.constant 0 : i32
      %dma_wait3A_666 = tpu.memref_slice %arg2[%dma_wait3A_664, %dma_wait3A_665] : memref<503808x128xf32, #tpu.memory_space<hbm>> -> memref<503808x128xf32, #tpu.memory_space<hbm>>
      tpu.wait_indirect_dma semaphore(%arg21 : memref<!tpu.dma_semaphore, #tpu.memory_space<semaphore_mem>>) src(%dma_wait3A_666 : memref<503808x128xf32, #tpu.memory_space<hbm>>) dst(%arg16 : memref<128x128xf32, #tpu.memory_space<vmem>>)
      %mul3A_667 = arith.constant 5 : i32
      %mul3A_668 = arith.muli %scan3A_608, %mul3A_667 : i32
      %add3A_669 = arith.constant 3 : i32
      %add3A_670 = arith.addi %mul3A_668, %add3A_669 : i32
      %dma_start3A_671 = arith.constant 0 : i32
      %dma_start3A_672 = tpu.memref_slice %arg10[%add3A_670, %dma_start3A_671] : memref<50x128xi32, #tpu.memory_space<vmem>> -> memref<1x128xi32, #tpu.memory_space<vmem>>
      %dma_start3A_673 = tpu.memref_squeeze %dma_start3A_672 : memref<1x128xi32, #tpu.memory_space<vmem>> -> memref<128xi32, #tpu.memory_space<vmem>>
      %dma_start3A_674 = arith.constant 0 : i32
      %dma_start3A_675 = arith.constant 0 : i32
      %dma_start3A_676 = tpu.memref_slice %arg12[%dma_start3A_674, %dma_start3A_675] : memref<4096x128xf32, #tpu.memory_space<vmem_shared>> -> memref<4096x128xf32, #tpu.memory_space<vmem_shared>>
      tpu.enqueue_indirect_dma source(%arg16 : memref<128x128xf32, #tpu.memory_space<vmem>>) target(%dma_start3A_676 : memref<4096x128xf32, #tpu.memory_space<vmem_shared>>) offsets(%dma_start3A_673 : memref<128xi32, #tpu.memory_space<vmem>>) semaphore(%arg26 : memref<!tpu.dma_semaphore, #tpu.memory_space<semaphore_mem>>) {add = true}
      %dma_wait3A_677 = arith.constant 0 : i32
      %dma_wait3A_678 = arith.constant 0 : i32
      %dma_wait3A_679 = tpu.memref_slice %arg9[%dma_wait3A_677, %dma_wait3A_678] : memref<50x128xi32, #tpu.memory_space<vmem>> -> memref<1x128xi32, #tpu.memory_space<vmem>>
      %dma_wait3A_680 = tpu.memref_squeeze %dma_wait3A_679 : memref<1x128xi32, #tpu.memory_space<vmem>> -> memref<128xi32, #tpu.memory_space<vmem>>
      %dma_wait3A_681 = arith.constant 0 : i32
      %dma_wait3A_682 = arith.constant 0 : i32
      %dma_wait3A_683 = tpu.memref_slice %arg2[%dma_wait3A_681, %dma_wait3A_682] : memref<503808x128xf32, #tpu.memory_space<hbm>> -> memref<503808x128xf32, #tpu.memory_space<hbm>>
      tpu.wait_indirect_dma semaphore(%arg22 : memref<!tpu.dma_semaphore, #tpu.memory_space<semaphore_mem>>) src(%dma_wait3A_683 : memref<503808x128xf32, #tpu.memory_space<hbm>>) dst(%arg17 : memref<128x128xf32, #tpu.memory_space<vmem>>)
      %mul3A_684 = arith.constant 5 : i32
      %mul3A_685 = arith.muli %scan3A_608, %mul3A_684 : i32
      %add3A_686 = arith.constant 4 : i32
      %add3A_687 = arith.addi %mul3A_685, %add3A_686 : i32
      %dma_start3A_688 = arith.constant 0 : i32
      %dma_start3A_689 = tpu.memref_slice %arg10[%add3A_687, %dma_start3A_688] : memref<50x128xi32, #tpu.memory_space<vmem>> -> memref<1x128xi32, #tpu.memory_space<vmem>>
      %dma_start3A_690 = tpu.memref_squeeze %dma_start3A_689 : memref<1x128xi32, #tpu.memory_space<vmem>> -> memref<128xi32, #tpu.memory_space<vmem>>
      %dma_start3A_691 = arith.constant 0 : i32
      %dma_start3A_692 = arith.constant 0 : i32
      %dma_start3A_693 = tpu.memref_slice %arg12[%dma_start3A_691, %dma_start3A_692] : memref<4096x128xf32, #tpu.memory_space<vmem_shared>> -> memref<4096x128xf32, #tpu.memory_space<vmem_shared>>
      tpu.enqueue_indirect_dma source(%arg17 : memref<128x128xf32, #tpu.memory_space<vmem>>) target(%dma_start3A_693 : memref<4096x128xf32, #tpu.memory_space<vmem_shared>>) offsets(%dma_start3A_690 : memref<128xi32, #tpu.memory_space<vmem>>) semaphore(%arg27 : memref<!tpu.dma_semaphore, #tpu.memory_space<semaphore_mem>>) {add = true}
      %dma_wait3A_694 = arith.constant 0 : i32
      %dma_wait3A_695 = arith.constant 0 : i32
      %dma_wait3A_696 = tpu.memref_slice %arg10[%dma_wait3A_694, %dma_wait3A_695] : memref<50x128xi32, #tpu.memory_space<vmem>> -> memref<1x128xi32, #tpu.memory_space<vmem>>
      %dma_wait3A_697 = tpu.memref_squeeze %dma_wait3A_696 : memref<1x128xi32, #tpu.memory_space<vmem>> -> memref<128xi32, #tpu.memory_space<vmem>>
      %dma_wait3A_698 = arith.constant 0 : i32
      %dma_wait3A_699 = arith.constant 0 : i32
      %dma_wait3A_700 = tpu.memref_slice %arg12[%dma_wait3A_698, %dma_wait3A_699] : memref<4096x128xf32, #tpu.memory_space<vmem_shared>> -> memref<4096x128xf32, #tpu.memory_space<vmem_shared>>
      tpu.wait_indirect_dma semaphore(%arg23 : memref<!tpu.dma_semaphore, #tpu.memory_space<semaphore_mem>>) src(%arg13 : memref<128x128xf32, #tpu.memory_space<vmem>>) dst(%dma_wait3A_700 : memref<4096x128xf32, #tpu.memory_space<vmem_shared>>)
      %mul3A_701 = arith.constant 5 : i32
      %mul3A_702 = arith.muli %scan3A_608, %mul3A_701 : i32
      %add3A_703 = arith.constant 0 : i32
      %add3A_704 = arith.addi %mul3A_702, %add3A_703 : i32
      %add3A_705 = arith.constant 5 : i32
      %add3A_706 = arith.addi %add3A_704, %add3A_705 : i32
      %rem3A = arith.constant 50 : i32
      %rem3A_707 = arith.remsi %add3A_706, %rem3A : i32
      %dma_start3A_708 = arith.constant 0 : i32
      %dma_start3A_709 = tpu.memref_slice %arg9[%rem3A_707, %dma_start3A_708] : memref<50x128xi32, #tpu.memory_space<vmem>> -> memref<1x128xi32, #tpu.memory_space<vmem>>
      %dma_start3A_710 = tpu.memref_squeeze %dma_start3A_709 : memref<1x128xi32, #tpu.memory_space<vmem>> -> memref<128xi32, #tpu.memory_space<vmem>>
      %dma_start3A_711 = arith.constant 0 : i32
      %dma_start3A_712 = arith.constant 0 : i32
      %dma_start3A_713 = tpu.memref_slice %arg2[%dma_start3A_711, %dma_start3A_712] : memref<503808x128xf32, #tpu.memory_space<hbm>> -> memref<503808x128xf32, #tpu.memory_space<hbm>>
      tpu.enqueue_indirect_dma source(%dma_start3A_713 : memref<503808x128xf32, #tpu.memory_space<hbm>>) target(%arg13 : memref<128x128xf32, #tpu.memory_space<vmem>>) offsets(%dma_start3A_710 : memref<128xi32, #tpu.memory_space<vmem>>) semaphore(%arg18 : memref<!tpu.dma_semaphore, #tpu.memory_space<semaphore_mem>>)
      %dma_wait3A_714 = arith.constant 0 : i32
      %dma_wait3A_715 = arith.constant 0 : i32
      %dma_wait3A_716 = tpu.memref_slice %arg10[%dma_wait3A_714, %dma_wait3A_715] : memref<50x128xi32, #tpu.memory_space<vmem>> -> memref<1x128xi32, #tpu.memory_space<vmem>>
      %dma_wait3A_717 = tpu.memref_squeeze %dma_wait3A_716 : memref<1x128xi32, #tpu.memory_space<vmem>> -> memref<128xi32, #tpu.memory_space<vmem>>
      %dma_wait3A_718 = arith.constant 0 : i32
      %dma_wait3A_719 = arith.constant 0 : i32
      %dma_wait3A_720 = tpu.memref_slice %arg12[%dma_wait3A_718, %dma_wait3A_719] : memref<4096x128xf32, #tpu.memory_space<vmem_shared>> -> memref<4096x128xf32, #tpu.memory_space<vmem_shared>>
      tpu.wait_indirect_dma semaphore(%arg24 : memref<!tpu.dma_semaphore, #tpu.memory_space<semaphore_mem>>) src(%arg14 : memref<128x128xf32, #tpu.memory_space<vmem>>) dst(%dma_wait3A_720 : memref<4096x128xf32, #tpu.memory_space<vmem_shared>>)
      %mul3A_721 = arith.constant 5 : i32
      %mul3A_722 = arith.muli %scan3A_608, %mul3A_721 : i32
      %add3A_723 = arith.constant 1 : i32
      %add3A_724 = arith.addi %mul3A_722, %add3A_723 : i32
      %add3A_725 = arith.constant 5 : i32
      %add3A_726 = arith.addi %add3A_724, %add3A_725 : i32
      %rem3A_727 = arith.constant 50 : i32
      %rem3A_728 = arith.remsi %add3A_726, %rem3A_727 : i32
      %dma_start3A_729 = arith.constant 0 : i32
      %dma_start3A_730 = tpu.memref_slice %arg9[%rem3A_728, %dma_start3A_729] : memref<50x128xi32, #tpu.memory_space<vmem>> -> memref<1x128xi32, #tpu.memory_space<vmem>>
      %dma_start3A_731 = tpu.memref_squeeze %dma_start3A_730 : memref<1x128xi32, #tpu.memory_space<vmem>> -> memref<128xi32, #tpu.memory_space<vmem>>
      %dma_start3A_732 = arith.constant 0 : i32
      %dma_start3A_733 = arith.constant 0 : i32
      %dma_start3A_734 = tpu.memref_slice %arg2[%dma_start3A_732, %dma_start3A_733] : memref<503808x128xf32, #tpu.memory_space<hbm>> -> memref<503808x128xf32, #tpu.memory_space<hbm>>
      tpu.enqueue_indirect_dma source(%dma_start3A_734 : memref<503808x128xf32, #tpu.memory_space<hbm>>) target(%arg14 : memref<128x128xf32, #tpu.memory_space<vmem>>) offsets(%dma_start3A_731 : memref<128xi32, #tpu.memory_space<vmem>>) semaphore(%arg19 : memref<!tpu.dma_semaphore, #tpu.memory_space<semaphore_mem>>)
      %dma_wait3A_735 = arith.constant 0 : i32
      %dma_wait3A_736 = arith.constant 0 : i32
      %dma_wait3A_737 = tpu.memref_slice %arg10[%dma_wait3A_735, %dma_wait3A_736] : memref<50x128xi32, #tpu.memory_space<vmem>> -> memref<1x128xi32, #tpu.memory_space<vmem>>
      %dma_wait3A_738 = tpu.memref_squeeze %dma_wait3A_737 : memref<1x128xi32, #tpu.memory_space<vmem>> -> memref<128xi32, #tpu.memory_space<vmem>>
      %dma_wait3A_739 = arith.constant 0 : i32
      %dma_wait3A_740 = arith.constant 0 : i32
      %dma_wait3A_741 = tpu.memref_slice %arg12[%dma_wait3A_739, %dma_wait3A_740] : memref<4096x128xf32, #tpu.memory_space<vmem_shared>> -> memref<4096x128xf32, #tpu.memory_space<vmem_shared>>
      tpu.wait_indirect_dma semaphore(%arg25 : memref<!tpu.dma_semaphore, #tpu.memory_space<semaphore_mem>>) src(%arg15 : memref<128x128xf32, #tpu.memory_space<vmem>>) dst(%dma_wait3A_741 : memref<4096x128xf32, #tpu.memory_space<vmem_shared>>)
      %mul3A_742 = arith.constant 5 : i32
      %mul3A_743 = arith.muli %scan3A_608, %mul3A_742 : i32
      %add3A_744 = arith.constant 2 : i32
      %add3A_745 = arith.addi %mul3A_743, %add3A_744 : i32
      %add3A_746 = arith.constant 5 : i32
      %add3A_747 = arith.addi %add3A_745, %add3A_746 : i32
      %rem3A_748 = arith.constant 50 : i32
      %rem3A_749 = arith.remsi %add3A_747, %rem3A_748 : i32
      %dma_start3A_750 = arith.constant 0 : i32
      %dma_start3A_751 = tpu.memref_slice %arg9[%rem3A_749, %dma_start3A_750] : memref<50x128xi32, #tpu.memory_space<vmem>> -> memref<1x128xi32, #tpu.memory_space<vmem>>
      %dma_start3A_752 = tpu.memref_squeeze %dma_start3A_751 : memref<1x128xi32, #tpu.memory_space<vmem>> -> memref<128xi32, #tpu.memory_space<vmem>>
      %dma_start3A_753 = arith.constant 0 : i32
      %dma_start3A_754 = arith.constant 0 : i32
      %dma_start3A_755 = tpu.memref_slice %arg2[%dma_start3A_753, %dma_start3A_754] : memref<503808x128xf32, #tpu.memory_space<hbm>> -> memref<503808x128xf32, #tpu.memory_space<hbm>>
      tpu.enqueue_indirect_dma source(%dma_start3A_755 : memref<503808x128xf32, #tpu.memory_space<hbm>>) target(%arg15 : memref<128x128xf32, #tpu.memory_space<vmem>>) offsets(%dma_start3A_752 : memref<128xi32, #tpu.memory_space<vmem>>) semaphore(%arg20 : memref<!tpu.dma_semaphore, #tpu.memory_space<semaphore_mem>>)
      %dma_wait3A_756 = arith.constant 0 : i32
      %dma_wait3A_757 = arith.constant 0 : i32
      %dma_wait3A_758 = tpu.memref_slice %arg10[%dma_wait3A_756, %dma_wait3A_757] : memref<50x128xi32, #tpu.memory_space<vmem>> -> memref<1x128xi32, #tpu.memory_space<vmem>>
      %dma_wait3A_759 = tpu.memref_squeeze %dma_wait3A_758 : memref<1x128xi32, #tpu.memory_space<vmem>> -> memref<128xi32, #tpu.memory_space<vmem>>
      %dma_wait3A_760 = arith.constant 0 : i32
      %dma_wait3A_761 = arith.constant 0 : i32
      %dma_wait3A_762 = tpu.memref_slice %arg12[%dma_wait3A_760, %dma_wait3A_761] : memref<4096x128xf32, #tpu.memory_space<vmem_shared>> -> memref<4096x128xf32, #tpu.memory_space<vmem_shared>>
      tpu.wait_indirect_dma semaphore(%arg26 : memref<!tpu.dma_semaphore, #tpu.memory_space<semaphore_mem>>) src(%arg16 : memref<128x128xf32, #tpu.memory_space<vmem>>) dst(%dma_wait3A_762 : memref<4096x128xf32, #tpu.memory_space<vmem_shared>>)
      %mul3A_763 = arith.constant 5 : i32
      %mul3A_764 = arith.muli %scan3A_608, %mul3A_763 : i32
      %add3A_765 = arith.constant 3 : i32
      %add3A_766 = arith.addi %mul3A_764, %add3A_765 : i32
      %add3A_767 = arith.constant 5 : i32
      %add3A_768 = arith.addi %add3A_766, %add3A_767 : i32
      %rem3A_769 = arith.constant 50 : i32
      %rem3A_770 = arith.remsi %add3A_768, %rem3A_769 : i32
      %dma_start3A_771 = arith.constant 0 : i32
      %dma_start3A_772 = tpu.memref_slice %arg9[%rem3A_770, %dma_start3A_771] : memref<50x128xi32, #tpu.memory_space<vmem>> -> memref<1x128xi32, #tpu.memory_space<vmem>>
      %dma_start3A_773 = tpu.memref_squeeze %dma_start3A_772 : memref<1x128xi32, #tpu.memory_space<vmem>> -> memref<128xi32, #tpu.memory_space<vmem>>
      %dma_start3A_774 = arith.constant 0 : i32
      %dma_start3A_775 = arith.constant 0 : i32
      %dma_start3A_776 = tpu.memref_slice %arg2[%dma_start3A_774, %dma_start3A_775] : memref<503808x128xf32, #tpu.memory_space<hbm>> -> memref<503808x128xf32, #tpu.memory_space<hbm>>
      tpu.enqueue_indirect_dma source(%dma_start3A_776 : memref<503808x128xf32, #tpu.memory_space<hbm>>) target(%arg16 : memref<128x128xf32, #tpu.memory_space<vmem>>) offsets(%dma_start3A_773 : memref<128xi32, #tpu.memory_space<vmem>>) semaphore(%arg21 : memref<!tpu.dma_semaphore, #tpu.memory_space<semaphore_mem>>)
      %dma_wait3A_777 = arith.constant 0 : i32
      %dma_wait3A_778 = arith.constant 0 : i32
      %dma_wait3A_779 = tpu.memref_slice %arg10[%dma_wait3A_777, %dma_wait3A_778] : memref<50x128xi32, #tpu.memory_space<vmem>> -> memref<1x128xi32, #tpu.memory_space<vmem>>
      %dma_wait3A_780 = tpu.memref_squeeze %dma_wait3A_779 : memref<1x128xi32, #tpu.memory_space<vmem>> -> memref<128xi32, #tpu.memory_space<vmem>>
      %dma_wait3A_781 = arith.constant 0 : i32
      %dma_wait3A_782 = arith.constant 0 : i32
      %dma_wait3A_783 = tpu.memref_slice %arg12[%dma_wait3A_781, %dma_wait3A_782] : memref<4096x128xf32, #tpu.memory_space<vmem_shared>> -> memref<4096x128xf32, #tpu.memory_space<vmem_shared>>
      tpu.wait_indirect_dma semaphore(%arg27 : memref<!tpu.dma_semaphore, #tpu.memory_space<semaphore_mem>>) src(%arg17 : memref<128x128xf32, #tpu.memory_space<vmem>>) dst(%dma_wait3A_783 : memref<4096x128xf32, #tpu.memory_space<vmem_shared>>)
      %mul3A_784 = arith.constant 5 : i32
      %mul3A_785 = arith.muli %scan3A_608, %mul3A_784 : i32
      %add3A_786 = arith.constant 4 : i32
      %add3A_787 = arith.addi %mul3A_785, %add3A_786 : i32
      %add3A_788 = arith.constant 5 : i32
      %add3A_789 = arith.addi %add3A_787, %add3A_788 : i32
      %rem3A_790 = arith.constant 50 : i32
      %rem3A_791 = arith.remsi %add3A_789, %rem3A_790 : i32
      %dma_start3A_792 = arith.constant 0 : i32
      %dma_start3A_793 = tpu.memref_slice %arg9[%rem3A_791, %dma_start3A_792] : memref<50x128xi32, #tpu.memory_space<vmem>> -> memref<1x128xi32, #tpu.memory_space<vmem>>
      %dma_start3A_794 = tpu.memref_squeeze %dma_start3A_793 : memref<1x128xi32, #tpu.memory_space<vmem>> -> memref<128xi32, #tpu.memory_space<vmem>>
      %dma_start3A_795 = arith.constant 0 : i32
      %dma_start3A_796 = arith.constant 0 : i32
      %dma_start3A_797 = tpu.memref_slice %arg2[%dma_start3A_795, %dma_start3A_796] : memref<503808x128xf32, #tpu.memory_space<hbm>> -> memref<503808x128xf32, #tpu.memory_space<hbm>>
      tpu.enqueue_indirect_dma source(%dma_start3A_797 : memref<503808x128xf32, #tpu.memory_space<hbm>>) target(%arg17 : memref<128x128xf32, #tpu.memory_space<vmem>>) offsets(%dma_start3A_794 : memref<128xi32, #tpu.memory_space<vmem>>) semaphore(%arg22 : memref<!tpu.dma_semaphore, #tpu.memory_space<semaphore_mem>>)
    }
    %scan3A_308 = arith.constant 10 : i32
    %dma_wait3A_309 = arith.constant 0 : i32
    %dma_wait3A_310 = arith.constant 0 : i32
    %dma_wait3A_311 = tpu.memref_slice %arg9[%dma_wait3A_309, %dma_wait3A_310] : memref<50x128xi32, #tpu.memory_space<vmem>> -> memref<1x128xi32, #tpu.memory_space<vmem>>
    %dma_wait3A_312 = tpu.memref_squeeze %dma_wait3A_311 : memref<1x128xi32, #tpu.memory_space<vmem>> -> memref<128xi32, #tpu.memory_space<vmem>>
    %dma_wait3A_313 = arith.constant 0 : i32
    %dma_wait3A_314 = arith.constant 0 : i32
    %dma_wait3A_315 = tpu.memref_slice %arg2[%dma_wait3A_313, %dma_wait3A_314] : memref<503808x128xf32, #tpu.memory_space<hbm>> -> memref<503808x128xf32, #tpu.memory_space<hbm>>
    tpu.wait_indirect_dma semaphore(%arg18 : memref<!tpu.dma_semaphore, #tpu.memory_space<semaphore_mem>>) src(%dma_wait3A_315 : memref<503808x128xf32, #tpu.memory_space<hbm>>) dst(%arg13 : memref<128x128xf32, #tpu.memory_space<vmem>>)
    %dma_wait3A_316 = arith.constant 0 : i32
    %dma_wait3A_317 = arith.constant 0 : i32
    %dma_wait3A_318 = tpu.memref_slice %arg9[%dma_wait3A_316, %dma_wait3A_317] : memref<50x128xi32, #tpu.memory_space<vmem>> -> memref<1x128xi32, #tpu.memory_space<vmem>>
    %dma_wait3A_319 = tpu.memref_squeeze %dma_wait3A_318 : memref<1x128xi32, #tpu.memory_space<vmem>> -> memref<128xi32, #tpu.memory_space<vmem>>
    %dma_wait3A_320 = arith.constant 0 : i32
    %dma_wait3A_321 = arith.constant 0 : i32
    %dma_wait3A_322 = tpu.memref_slice %arg2[%dma_wait3A_320, %dma_wait3A_321] : memref<503808x128xf32, #tpu.memory_space<hbm>> -> memref<503808x128xf32, #tpu.memory_space<hbm>>
    tpu.wait_indirect_dma semaphore(%arg19 : memref<!tpu.dma_semaphore, #tpu.memory_space<semaphore_mem>>) src(%dma_wait3A_322 : memref<503808x128xf32, #tpu.memory_space<hbm>>) dst(%arg14 : memref<128x128xf32, #tpu.memory_space<vmem>>)
    %dma_wait3A_323 = arith.constant 0 : i32
    %dma_wait3A_324 = arith.constant 0 : i32
    %dma_wait3A_325 = tpu.memref_slice %arg9[%dma_wait3A_323, %dma_wait3A_324] : memref<50x128xi32, #tpu.memory_space<vmem>> -> memref<1x128xi32, #tpu.memory_space<vmem>>
    %dma_wait3A_326 = tpu.memref_squeeze %dma_wait3A_325 : memref<1x128xi32, #tpu.memory_space<vmem>> -> memref<128xi32, #tpu.memory_space<vmem>>
    %dma_wait3A_327 = arith.constant 0 : i32
    %dma_wait3A_328 = arith.constant 0 : i32
    %dma_wait3A_329 = tpu.memref_slice %arg2[%dma_wait3A_327, %dma_wait3A_328] : memref<503808x128xf32, #tpu.memory_space<hbm>> -> memref<503808x128xf32, #tpu.memory_space<hbm>>
    tpu.wait_indirect_dma semaphore(%arg20 : memref<!tpu.dma_semaphore, #tpu.memory_space<semaphore_mem>>) src(%dma_wait3A_329 : memref<503808x128xf32, #tpu.memory_space<hbm>>) dst(%arg15 : memref<128x128xf32, #tpu.memory_space<vmem>>)
    %dma_wait3A_330 = arith.constant 0 : i32
    %dma_wait3A_331 = arith.constant 0 : i32
    %dma_wait3A_332 = tpu.memref_slice %arg9[%dma_wait3A_330, %dma_wait3A_331] : memref<50x128xi32, #tpu.memory_space<vmem>> -> memref<1x128xi32, #tpu.memory_space<vmem>>
    %dma_wait3A_333 = tpu.memref_squeeze %dma_wait3A_332 : memref<1x128xi32, #tpu.memory_space<vmem>> -> memref<128xi32, #tpu.memory_space<vmem>>
    %dma_wait3A_334 = arith.constant 0 : i32
    %dma_wait3A_335 = arith.constant 0 : i32
    %dma_wait3A_336 = tpu.memref_slice %arg2[%dma_wait3A_334, %dma_wait3A_335] : memref<503808x128xf32, #tpu.memory_space<hbm>> -> memref<503808x128xf32, #tpu.memory_space<hbm>>
    tpu.wait_indirect_dma semaphore(%arg21 : memref<!tpu.dma_semaphore, #tpu.memory_space<semaphore_mem>>) src(%dma_wait3A_336 : memref<503808x128xf32, #tpu.memory_space<hbm>>) dst(%arg16 : memref<128x128xf32, #tpu.memory_space<vmem>>)
    %dma_wait3A_337 = arith.constant 0 : i32
    %dma_wait3A_338 = arith.constant 0 : i32
    %dma_wait3A_339 = tpu.memref_slice %arg9[%dma_wait3A_337, %dma_wait3A_338] : memref<50x128xi32, #tpu.memory_space<vmem>> -> memref<1x128xi32, #tpu.memory_space<vmem>>
    %dma_wait3A_340 = tpu.memref_squeeze %dma_wait3A_339 : memref<1x128xi32, #tpu.memory_space<vmem>> -> memref<128xi32, #tpu.memory_space<vmem>>
    %dma_wait3A_341 = arith.constant 0 : i32
    %dma_wait3A_342 = arith.constant 0 : i32
    %dma_wait3A_343 = tpu.memref_slice %arg2[%dma_wait3A_341, %dma_wait3A_342] : memref<503808x128xf32, #tpu.memory_space<hbm>> -> memref<503808x128xf32, #tpu.memory_space<hbm>>
    tpu.wait_indirect_dma semaphore(%arg22 : memref<!tpu.dma_semaphore, #tpu.memory_space<semaphore_mem>>) src(%dma_wait3A_343 : memref<503808x128xf32, #tpu.memory_space<hbm>>) dst(%arg17 : memref<128x128xf32, #tpu.memory_space<vmem>>)
    %mul3A_344 = arith.constant 256 : i32
    %mul3A_345 = arith.muli %arg1, %mul3A_344 : i32
    %add3A_346 = arith.constant 256 : i32
    %add3A_347 = arith.addi %mul3A_2, %add3A_346 : i32
    %dma_start3A_348 = arith.constant 0 : i32
    %dma_start3A_349 = tpu.memref_slice %arg6[%add3A_347, %dma_start3A_348] : memref<16384x128xf32, #tpu.memory_space<hbm>> -> memref<128x128xf32, #tpu.memory_space<hbm>>
    %dma_start3A_350 = arith.constant 0 : i32
    %dma_start3A_351 = tpu.memref_slice %arg12[%mul3A_345, %dma_start3A_350] : memref<4096x128xf32, #tpu.memory_space<vmem_shared>> -> memref<128x128xf32, #tpu.memory_space<vmem_shared>>
    tpu.enqueue_dma source(%dma_start3A_351 : memref<128x128xf32, #tpu.memory_space<vmem_shared>>) target(%dma_start3A_349 : memref<128x128xf32, #tpu.memory_space<hbm>>) target_semaphore(%arg28 : memref<!tpu.dma_semaphore, #tpu.memory_space<semaphore_mem>>)
    %mul3A_352 = arith.constant 256 : i32
    %mul3A_353 = arith.muli %arg1, %mul3A_352 : i32
    %add3A_354 = arith.constant 128 : i32
    %add3A_355 = arith.addi %mul3A_353, %add3A_354 : i32
    %add3A_356 = arith.constant 256 : i32
    %add3A_357 = arith.addi %mul3A_2, %add3A_356 : i32
    %dma_start3A_358 = arith.constant 0 : i32
    %dma_start3A_359 = tpu.memref_slice %arg7[%add3A_357, %dma_start3A_358] : memref<16384x128xf32, #tpu.memory_space<hbm>> -> memref<128x128xf32, #tpu.memory_space<hbm>>
    %dma_start3A_360 = arith.constant 0 : i32
    %dma_start3A_361 = tpu.memref_slice %arg12[%add3A_355, %dma_start3A_360] : memref<4096x128xf32, #tpu.memory_space<vmem_shared>> -> memref<128x128xf32, #tpu.memory_space<vmem_shared>>
    tpu.enqueue_dma source(%dma_start3A_361 : memref<128x128xf32, #tpu.memory_space<vmem_shared>>) target(%dma_start3A_359 : memref<128x128xf32, #tpu.memory_space<hbm>>) target_semaphore(%arg28 : memref<!tpu.dma_semaphore, #tpu.memory_space<semaphore_mem>>)
    %add3A_362 = arith.constant 256 : i32
    %add3A_363 = arith.addi %mul3A_2, %add3A_362 : i32
    %mul3A_364 = arith.constant 256 : i32
    %mul3A_365 = arith.muli %arg1, %mul3A_364 : i32
    %dma_wait3A_366 = arith.constant 0 : i32
    %dma_wait3A_367 = tpu.memref_slice %arg6[%add3A_363, %dma_wait3A_366] : memref<16384x128xf32, #tpu.memory_space<hbm>> -> memref<128x128xf32, #tpu.memory_space<hbm>>
    %dma_wait3A_368 = arith.constant 0 : i32
    %dma_wait3A_369 = tpu.memref_slice %arg12[%mul3A_365, %dma_wait3A_368] : memref<4096x128xf32, #tpu.memory_space<vmem_shared>> -> memref<128x128xf32, #tpu.memory_space<vmem_shared>>
    tpu.wait_dma2 semaphore(%arg28 : memref<!tpu.dma_semaphore, #tpu.memory_space<semaphore_mem>>) src(%dma_wait3A_369 : memref<128x128xf32, #tpu.memory_space<vmem_shared>>) dst(%dma_wait3A_367 : memref<128x128xf32, #tpu.memory_space<hbm>>)
    %mul3A_370 = arith.constant 256 : i32
    %mul3A_371 = arith.muli %arg1, %mul3A_370 : i32
    %add3A_372 = arith.constant 128 : i32
    %add3A_373 = arith.addi %mul3A_371, %add3A_372 : i32
    %dma_wait3A_374 = arith.constant 0 : i32
    %dma_wait3A_375 = tpu.memref_slice %arg7[%add3A_363, %dma_wait3A_374] : memref<16384x128xf32, #tpu.memory_space<hbm>> -> memref<128x128xf32, #tpu.memory_space<hbm>>
    %dma_wait3A_376 = arith.constant 0 : i32
    %dma_wait3A_377 = tpu.memref_slice %arg12[%add3A_373, %dma_wait3A_376] : memref<4096x128xf32, #tpu.memory_space<vmem_shared>> -> memref<128x128xf32, #tpu.memory_space<vmem_shared>>
    tpu.wait_dma2 semaphore(%arg28 : memref<!tpu.dma_semaphore, #tpu.memory_space<semaphore_mem>>) src(%dma_wait3A_377 : memref<128x128xf32, #tpu.memory_space<vmem_shared>>) dst(%dma_wait3A_375 : memref<128x128xf32, #tpu.memory_space<hbm>>)
    %scan3A_378 = arith.constant 0 : i32
    %scan3A_379 = arith.constant 0 : i32
    %scan3A_380 = arith.constant 128 : i32
    %scan3A_381 = arith.addi %scan3A_379, %scan3A_380 : i32
    %scan3A_382 = arith.constant 1 : i32
    scf.for %scan3A_608 = %scan3A_379 to %scan3A_381 step %scan3A_382  : i32 {
      %swap3A = arith.index_cast %scan3A_608 : i32 to index
      %swap3A_609 = arith.constant 0 : index
      %swap3A_610 = tpu.vector_load %arg13[%swap3A, %swap3A_609] {strides = array<i32>} : memref<128x128xf32, #tpu.memory_space<vmem>>, vector<1x16xf32>,
      %swap3A_611 = vector.shape_cast %swap3A_610 : vector<1x16xf32> to vector<16xf32>
      %swap3A_612 = vector.shape_cast %broadcast_in_dim3A_3 : vector<16xf32> to vector<1x16xf32>
      tpu.vector_store %arg13[%swap3A, %swap3A_609], %swap3A_612 {strides = array<i32>} : memref<128x128xf32, #tpu.memory_space<vmem>>, vector<1x16xf32>,
      %swap3A_613 = arith.index_cast %scan3A_608 : i32 to index
      %swap3A_614 = arith.constant 16 : index
      %swap3A_615 = tpu.vector_load %arg13[%swap3A_613, %swap3A_614] {strides = array<i32>} : memref<128x128xf32, #tpu.memory_space<vmem>>, vector<1x16xf32>,
      %swap3A_616 = vector.shape_cast %swap3A_615 : vector<1x16xf32> to vector<16xf32>
      %swap3A_617 = vector.shape_cast %broadcast_in_dim3A_3 : vector<16xf32> to vector<1x16xf32>
      tpu.vector_store %arg13[%swap3A_613, %swap3A_614], %swap3A_617 {strides = array<i32>} : memref<128x128xf32, #tpu.memory_space<vmem>>, vector<1x16xf32>,
      %swap3A_618 = arith.index_cast %scan3A_608 : i32 to index
      %swap3A_619 = arith.constant 32 : index
      %swap3A_620 = tpu.vector_load %arg13[%swap3A_618, %swap3A_619] {strides = array<i32>} : memref<128x128xf32, #tpu.memory_space<vmem>>, vector<1x16xf32>,
      %swap3A_621 = vector.shape_cast %swap3A_620 : vector<1x16xf32> to vector<16xf32>
      %swap3A_622 = vector.shape_cast %broadcast_in_dim3A_3 : vector<16xf32> to vector<1x16xf32>
      tpu.vector_store %arg13[%swap3A_618, %swap3A_619], %swap3A_622 {strides = array<i32>} : memref<128x128xf32, #tpu.memory_space<vmem>>, vector<1x16xf32>,
      %swap3A_623 = arith.index_cast %scan3A_608 : i32 to index
      %swap3A_624 = arith.constant 48 : index
      %swap3A_625 = tpu.vector_load %arg13[%swap3A_623, %swap3A_624] {strides = array<i32>} : memref<128x128xf32, #tpu.memory_space<vmem>>, vector<1x16xf32>,
      %swap3A_626 = vector.shape_cast %swap3A_625 : vector<1x16xf32> to vector<16xf32>
      %swap3A_627 = vector.shape_cast %broadcast_in_dim3A_3 : vector<16xf32> to vector<1x16xf32>
      tpu.vector_store %arg13[%swap3A_623, %swap3A_624], %swap3A_627 {strides = array<i32>} : memref<128x128xf32, #tpu.memory_space<vmem>>, vector<1x16xf32>,
      %swap3A_628 = arith.index_cast %scan3A_608 : i32 to index
      %swap3A_629 = arith.constant 64 : index
      %swap3A_630 = tpu.vector_load %arg13[%swap3A_628, %swap3A_629] {strides = array<i32>} : memref<128x128xf32, #tpu.memory_space<vmem>>, vector<1x16xf32>,
      %swap3A_631 = vector.shape_cast %swap3A_630 : vector<1x16xf32> to vector<16xf32>
      %swap3A_632 = vector.shape_cast %broadcast_in_dim3A_3 : vector<16xf32> to vector<1x16xf32>
      tpu.vector_store %arg13[%swap3A_628, %swap3A_629], %swap3A_632 {strides = array<i32>} : memref<128x128xf32, #tpu.memory_space<vmem>>, vector<1x16xf32>,
      %swap3A_633 = arith.index_cast %scan3A_608 : i32 to index
      %swap3A_634 = arith.constant 80 : index
      %swap3A_635 = tpu.vector_load %arg13[%swap3A_633, %swap3A_634] {strides = array<i32>} : memref<128x128xf32, #tpu.memory_space<vmem>>, vector<1x16xf32>,
      %swap3A_636 = vector.shape_cast %swap3A_635 : vector<1x16xf32> to vector<16xf32>
      %swap3A_637 = vector.shape_cast %broadcast_in_dim3A_3 : vector<16xf32> to vector<1x16xf32>
      tpu.vector_store %arg13[%swap3A_633, %swap3A_634], %swap3A_637 {strides = array<i32>} : memref<128x128xf32, #tpu.memory_space<vmem>>, vector<1x16xf32>,
      %swap3A_638 = arith.index_cast %scan3A_608 : i32 to index
      %swap3A_639 = arith.constant 96 : index
      %swap3A_640 = tpu.vector_load %arg13[%swap3A_638, %swap3A_639] {strides = array<i32>} : memref<128x128xf32, #tpu.memory_space<vmem>>, vector<1x16xf32>,
      %swap3A_641 = vector.shape_cast %swap3A_640 : vector<1x16xf32> to vector<16xf32>
      %swap3A_642 = vector.shape_cast %broadcast_in_dim3A_3 : vector<16xf32> to vector<1x16xf32>
      tpu.vector_store %arg13[%swap3A_638, %swap3A_639], %swap3A_642 {strides = array<i32>} : memref<128x128xf32, #tpu.memory_space<vmem>>, vector<1x16xf32>,
      %swap3A_643 = arith.index_cast %scan3A_608 : i32 to index
      %swap3A_644 = arith.constant 112 : index
      %swap3A_645 = tpu.vector_load %arg13[%swap3A_643, %swap3A_644] {strides = array<i32>} : memref<128x128xf32, #tpu.memory_space<vmem>>, vector<1x16xf32>,
      %swap3A_646 = vector.shape_cast %swap3A_645 : vector<1x16xf32> to vector<16xf32>
      %swap3A_647 = vector.shape_cast %broadcast_in_dim3A_3 : vector<16xf32> to vector<1x16xf32>
      tpu.vector_store %arg13[%swap3A_643, %swap3A_644], %swap3A_647 {strides = array<i32>} : memref<128x128xf32, #tpu.memory_space<vmem>>, vector<1x16xf32>,
    }
    %scan3A_383 = arith.constant 128 : i32
    %mul3A_384 = arith.constant 256 : i32
    %mul3A_385 = arith.muli %arg1, %mul3A_384 : i32
    %add3A_386 = arith.constant 0 : i32
    %add3A_387 = arith.addi %mul3A_385, %add3A_386 : i32
    "tpu.region"() ({
      %run_scoped3A_608 = tpu.sem_alloc : memref<!tpu.dma_semaphore, #tpu.memory_space<semaphore_mem>>
      %dma_start3A_609 = arith.constant 0 : i32
      %dma_start3A_610 = tpu.memref_slice %arg12[%add3A_387, %dma_start3A_609] : memref<4096x128xf32, #tpu.memory_space<vmem_shared>> -> memref<128x128xf32, #tpu.memory_space<vmem_shared>>
      %dma_start3A_611 = arith.constant 0 : i32
      %dma_start3A_612 = tpu.memref_slice %arg12[%add3A_387, %dma_start3A_611] : memref<4096x128xf32, #tpu.memory_space<vmem_shared>> -> memref<128x128xf32, #tpu.memory_space<vmem_shared>>
      tpu.enqueue_dma source(%arg13 : memref<128x128xf32, #tpu.memory_space<vmem>>) target(%dma_start3A_612 : memref<128x128xf32, #tpu.memory_space<vmem_shared>>) target_semaphore(%run_scoped3A_608 : memref<!tpu.dma_semaphore, #tpu.memory_space<semaphore_mem>>)
      %dma_wait3A_613 = arith.constant 0 : i32
      %dma_wait3A_614 = tpu.memref_slice %arg12[%add3A_387, %dma_wait3A_613] : memref<4096x128xf32, #tpu.memory_space<vmem_shared>> -> memref<128x128xf32, #tpu.memory_space<vmem_shared>>
      %dma_wait3A_615 = arith.constant 0 : i32
      %dma_wait3A_616 = tpu.memref_slice %arg12[%add3A_387, %dma_wait3A_615] : memref<4096x128xf32, #tpu.memory_space<vmem_shared>> -> memref<128x128xf32, #tpu.memory_space<vmem_shared>>
      tpu.wait_dma2 semaphore(%run_scoped3A_608 : memref<!tpu.dma_semaphore, #tpu.memory_space<semaphore_mem>>) src(%arg13 : memref<128x128xf32, #tpu.memory_space<vmem>>) dst(%dma_wait3A_616 : memref<128x128xf32, #tpu.memory_space<vmem_shared>>)
      tpu.yield
    }) : () -> ()
    %mul3A_388 = arith.constant 256 : i32
    %mul3A_389 = arith.muli %arg1, %mul3A_388 : i32
    %add3A_390 = arith.constant 128 : i32
    %add3A_391 = arith.addi %mul3A_389, %add3A_390 : i32
    "tpu.region"() ({
      %run_scoped3A_608 = tpu.sem_alloc : memref<!tpu.dma_semaphore, #tpu.memory_space<semaphore_mem>>
      %dma_start3A_609 = arith.constant 0 : i32
      %dma_start3A_610 = tpu.memref_slice %arg12[%add3A_391, %dma_start3A_609] : memref<4096x128xf32, #tpu.memory_space<vmem_shared>> -> memref<128x128xf32, #tpu.memory_space<vmem_shared>>
      %dma_start3A_611 = arith.constant 0 : i32
      %dma_start3A_612 = tpu.memref_slice %arg12[%add3A_391, %dma_start3A_611] : memref<4096x128xf32, #tpu.memory_space<vmem_shared>> -> memref<128x128xf32, #tpu.memory_space<vmem_shared>>
      tpu.enqueue_dma source(%arg13 : memref<128x128xf32, #tpu.memory_space<vmem>>) target(%dma_start3A_612 : memref<128x128xf32, #tpu.memory_space<vmem_shared>>) target_semaphore(%run_scoped3A_608 : memref<!tpu.dma_semaphore, #tpu.memory_space<semaphore_mem>>)
      %dma_wait3A_613 = arith.constant 0 : i32
      %dma_wait3A_614 = tpu.memref_slice %arg12[%add3A_391, %dma_wait3A_613] : memref<4096x128xf32, #tpu.memory_space<vmem_shared>> -> memref<128x128xf32, #tpu.memory_space<vmem_shared>>
      %dma_wait3A_615 = arith.constant 0 : i32
      %dma_wait3A_616 = tpu.memref_slice %arg12[%add3A_391, %dma_wait3A_615] : memref<4096x128xf32, #tpu.memory_space<vmem_shared>> -> memref<128x128xf32, #tpu.memory_space<vmem_shared>>
      tpu.wait_dma2 semaphore(%run_scoped3A_608 : memref<!tpu.dma_semaphore, #tpu.memory_space<semaphore_mem>>) src(%arg13 : memref<128x128xf32, #tpu.memory_space<vmem>>) dst(%dma_wait3A_616 : memref<128x128xf32, #tpu.memory_space<vmem_shared>>)
      tpu.yield
    }) : () -> ()
    %run_scoped3A_392 = arith.constant 3 : i32
    "tpu.region"() ({
      %run_scoped3A_608 = tpu.sem_alloc : memref<!tpu.dma_semaphore, #tpu.memory_space<semaphore_mem>>
      %dma_start3A_609 = arith.constant 0 : i32
      %dma_start3A_610 = arith.constant 0 : i32
      %dma_start3A_611 = tpu.memref_slice %arg3[%add3A, %run_scoped3A_392, %dma_start3A_609, %dma_start3A_610] : memref<32x4x50x128xi32, #tpu.memory_space<hbm>> -> memref<1x1x50x128xi32, #tpu.memory_space<hbm>>
      %dma_start3A_612 = tpu.memref_squeeze %dma_start3A_611 : memref<1x1x50x128xi32, #tpu.memory_space<hbm>> -> memref<50x128xi32, #tpu.memory_space<hbm>>
      %dma_start3A_613 = arith.constant 0 : i32
      %dma_start3A_614 = arith.constant 0 : i32
      %dma_start3A_615 = tpu.memref_slice %arg3[%add3A, %run_scoped3A_392, %dma_start3A_613, %dma_start3A_614] : memref<32x4x50x128xi32, #tpu.memory_space<hbm>> -> memref<1x1x50x128xi32, #tpu.memory_space<hbm>>
      %dma_start3A_616 = tpu.memref_squeeze %dma_start3A_615 : memref<1x1x50x128xi32, #tpu.memory_space<hbm>> -> memref<50x128xi32, #tpu.memory_space<hbm>>
      tpu.enqueue_dma source(%dma_start3A_616 : memref<50x128xi32, #tpu.memory_space<hbm>>) target(%arg9 : memref<50x128xi32, #tpu.memory_space<vmem>>) target_semaphore(%run_scoped3A_608 : memref<!tpu.dma_semaphore, #tpu.memory_space<semaphore_mem>>)
      %dma_wait3A_617 = arith.constant 0 : i32
      %dma_wait3A_618 = arith.constant 0 : i32
      %dma_wait3A_619 = tpu.memref_slice %arg3[%add3A, %run_scoped3A_392, %dma_wait3A_617, %dma_wait3A_618] : memref<32x4x50x128xi32, #tpu.memory_space<hbm>> -> memref<1x1x50x128xi32, #tpu.memory_space<hbm>>
      %dma_wait3A_620 = tpu.memref_squeeze %dma_wait3A_619 : memref<1x1x50x128xi32, #tpu.memory_space<hbm>> -> memref<50x128xi32, #tpu.memory_space<hbm>>
      %dma_wait3A_621 = arith.constant 0 : i32
      %dma_wait3A_622 = arith.constant 0 : i32
      %dma_wait3A_623 = tpu.memref_slice %arg3[%add3A, %run_scoped3A_392, %dma_wait3A_621, %dma_wait3A_622] : memref<32x4x50x128xi32, #tpu.memory_space<hbm>> -> memref<1x1x50x128xi32, #tpu.memory_space<hbm>>
      %dma_wait3A_624 = tpu.memref_squeeze %dma_wait3A_623 : memref<1x1x50x128xi32, #tpu.memory_space<hbm>> -> memref<50x128xi32, #tpu.memory_space<hbm>>
      tpu.wait_dma2 semaphore(%run_scoped3A_608 : memref<!tpu.dma_semaphore, #tpu.memory_space<semaphore_mem>>) src(%dma_wait3A_624 : memref<50x128xi32, #tpu.memory_space<hbm>>) dst(%arg9 : memref<50x128xi32, #tpu.memory_space<vmem>>)
      tpu.yield
    }) : () -> ()
    %run_scoped3A_393 = arith.constant 3 : i32
    "tpu.region"() ({
      %run_scoped3A_608 = tpu.sem_alloc : memref<!tpu.dma_semaphore, #tpu.memory_space<semaphore_mem>>
      %dma_start3A_609 = arith.constant 0 : i32
      %dma_start3A_610 = arith.constant 0 : i32
      %dma_start3A_611 = tpu.memref_slice %arg4[%add3A, %run_scoped3A_393, %dma_start3A_609, %dma_start3A_610] : memref<32x4x50x128xi32, #tpu.memory_space<hbm>> -> memref<1x1x50x128xi32, #tpu.memory_space<hbm>>
      %dma_start3A_612 = tpu.memref_squeeze %dma_start3A_611 : memref<1x1x50x128xi32, #tpu.memory_space<hbm>> -> memref<50x128xi32, #tpu.memory_space<hbm>>
      %dma_start3A_613 = arith.constant 0 : i32
      %dma_start3A_614 = arith.constant 0 : i32
      %dma_start3A_615 = tpu.memref_slice %arg4[%add3A, %run_scoped3A_393, %dma_start3A_613, %dma_start3A_614] : memref<32x4x50x128xi32, #tpu.memory_space<hbm>> -> memref<1x1x50x128xi32, #tpu.memory_space<hbm>>
      %dma_start3A_616 = tpu.memref_squeeze %dma_start3A_615 : memref<1x1x50x128xi32, #tpu.memory_space<hbm>> -> memref<50x128xi32, #tpu.memory_space<hbm>>
      tpu.enqueue_dma source(%dma_start3A_616 : memref<50x128xi32, #tpu.memory_space<hbm>>) target(%arg10 : memref<50x128xi32, #tpu.memory_space<vmem>>) target_semaphore(%run_scoped3A_608 : memref<!tpu.dma_semaphore, #tpu.memory_space<semaphore_mem>>)
      %dma_wait3A_617 = arith.constant 0 : i32
      %dma_wait3A_618 = arith.constant 0 : i32
      %dma_wait3A_619 = tpu.memref_slice %arg4[%add3A, %run_scoped3A_393, %dma_wait3A_617, %dma_wait3A_618] : memref<32x4x50x128xi32, #tpu.memory_space<hbm>> -> memref<1x1x50x128xi32, #tpu.memory_space<hbm>>
      %dma_wait3A_620 = tpu.memref_squeeze %dma_wait3A_619 : memref<1x1x50x128xi32, #tpu.memory_space<hbm>> -> memref<50x128xi32, #tpu.memory_space<hbm>>
      %dma_wait3A_621 = arith.constant 0 : i32
      %dma_wait3A_622 = arith.constant 0 : i32
      %dma_wait3A_623 = tpu.memref_slice %arg4[%add3A, %run_scoped3A_393, %dma_wait3A_621, %dma_wait3A_622] : memref<32x4x50x128xi32, #tpu.memory_space<hbm>> -> memref<1x1x50x128xi32, #tpu.memory_space<hbm>>
      %dma_wait3A_624 = tpu.memref_squeeze %dma_wait3A_623 : memref<1x1x50x128xi32, #tpu.memory_space<hbm>> -> memref<50x128xi32, #tpu.memory_space<hbm>>
      tpu.wait_dma2 semaphore(%run_scoped3A_608 : memref<!tpu.dma_semaphore, #tpu.memory_space<semaphore_mem>>) src(%dma_wait3A_624 : memref<50x128xi32, #tpu.memory_space<hbm>>) dst(%arg10 : memref<50x128xi32, #tpu.memory_space<vmem>>)
      tpu.yield
    }) : () -> ()
    %dma_start3A_394 = arith.constant 0 : i32
    %dma_start3A_395 = arith.constant 0 : i32
    %dma_start3A_396 = tpu.memref_slice %arg9[%dma_start3A_394, %dma_start3A_395] : memref<50x128xi32, #tpu.memory_space<vmem>> -> memref<1x128xi32, #tpu.memory_space<vmem>>
    %dma_start3A_397 = tpu.memref_squeeze %dma_start3A_396 : memref<1x128xi32, #tpu.memory_space<vmem>> -> memref<128xi32, #tpu.memory_space<vmem>>
    %dma_start3A_398 = arith.constant 0 : i32
    %dma_start3A_399 = arith.constant 0 : i32
    %dma_start3A_400 = tpu.memref_slice %arg2[%dma_start3A_398, %dma_start3A_399] : memref<503808x128xf32, #tpu.memory_space<hbm>> -> memref<503808x128xf32, #tpu.memory_space<hbm>>
    tpu.enqueue_indirect_dma source(%dma_start3A_400 : memref<503808x128xf32, #tpu.memory_space<hbm>>) target(%arg13 : memref<128x128xf32, #tpu.memory_space<vmem>>) offsets(%dma_start3A_397 : memref<128xi32, #tpu.memory_space<vmem>>) semaphore(%arg18 : memref<!tpu.dma_semaphore, #tpu.memory_space<semaphore_mem>>)
    %dma_start3A_401 = arith.constant 1 : i32
    %dma_start3A_402 = arith.constant 0 : i32
    %dma_start3A_403 = tpu.memref_slice %arg9[%dma_start3A_401, %dma_start3A_402] : memref<50x128xi32, #tpu.memory_space<vmem>> -> memref<1x128xi32, #tpu.memory_space<vmem>>
    %dma_start3A_404 = tpu.memref_squeeze %dma_start3A_403 : memref<1x128xi32, #tpu.memory_space<vmem>> -> memref<128xi32, #tpu.memory_space<vmem>>
    %dma_start3A_405 = arith.constant 0 : i32
    %dma_start3A_406 = arith.constant 0 : i32
    %dma_start3A_407 = tpu.memref_slice %arg2[%dma_start3A_405, %dma_start3A_406] : memref<503808x128xf32, #tpu.memory_space<hbm>> -> memref<503808x128xf32, #tpu.memory_space<hbm>>
    tpu.enqueue_indirect_dma source(%dma_start3A_407 : memref<503808x128xf32, #tpu.memory_space<hbm>>) target(%arg14 : memref<128x128xf32, #tpu.memory_space<vmem>>) offsets(%dma_start3A_404 : memref<128xi32, #tpu.memory_space<vmem>>) semaphore(%arg19 : memref<!tpu.dma_semaphore, #tpu.memory_space<semaphore_mem>>)
    %dma_start3A_408 = arith.constant 2 : i32
    %dma_start3A_409 = arith.constant 0 : i32
    %dma_start3A_410 = tpu.memref_slice %arg9[%dma_start3A_408, %dma_start3A_409] : memref<50x128xi32, #tpu.memory_space<vmem>> -> memref<1x128xi32, #tpu.memory_space<vmem>>
    %dma_start3A_411 = tpu.memref_squeeze %dma_start3A_410 : memref<1x128xi32, #tpu.memory_space<vmem>> -> memref<128xi32, #tpu.memory_space<vmem>>
    %dma_start3A_412 = arith.constant 0 : i32
    %dma_start3A_413 = arith.constant 0 : i32
    %dma_start3A_414 = tpu.memref_slice %arg2[%dma_start3A_412, %dma_start3A_413] : memref<503808x128xf32, #tpu.memory_space<hbm>> -> memref<503808x128xf32, #tpu.memory_space<hbm>>
    tpu.enqueue_indirect_dma source(%dma_start3A_414 : memref<503808x128xf32, #tpu.memory_space<hbm>>) target(%arg15 : memref<128x128xf32, #tpu.memory_space<vmem>>) offsets(%dma_start3A_411 : memref<128xi32, #tpu.memory_space<vmem>>) semaphore(%arg20 : memref<!tpu.dma_semaphore, #tpu.memory_space<semaphore_mem>>)
    %dma_start3A_415 = arith.constant 3 : i32
    %dma_start3A_416 = arith.constant 0 : i32
    %dma_start3A_417 = tpu.memref_slice %arg9[%dma_start3A_415, %dma_start3A_416] : memref<50x128xi32, #tpu.memory_space<vmem>> -> memref<1x128xi32, #tpu.memory_space<vmem>>
    %dma_start3A_418 = tpu.memref_squeeze %dma_start3A_417 : memref<1x128xi32, #tpu.memory_space<vmem>> -> memref<128xi32, #tpu.memory_space<vmem>>
    %dma_start3A_419 = arith.constant 0 : i32
    %dma_start3A_420 = arith.constant 0 : i32
    %dma_start3A_421 = tpu.memref_slice %arg2[%dma_start3A_419, %dma_start3A_420] : memref<503808x128xf32, #tpu.memory_space<hbm>> -> memref<503808x128xf32, #tpu.memory_space<hbm>>
    tpu.enqueue_indirect_dma source(%dma_start3A_421 : memref<503808x128xf32, #tpu.memory_space<hbm>>) target(%arg16 : memref<128x128xf32, #tpu.memory_space<vmem>>) offsets(%dma_start3A_418 : memref<128xi32, #tpu.memory_space<vmem>>) semaphore(%arg21 : memref<!tpu.dma_semaphore, #tpu.memory_space<semaphore_mem>>)
    %dma_start3A_422 = arith.constant 4 : i32
    %dma_start3A_423 = arith.constant 0 : i32
    %dma_start3A_424 = tpu.memref_slice %arg9[%dma_start3A_422, %dma_start3A_423] : memref<50x128xi32, #tpu.memory_space<vmem>> -> memref<1x128xi32, #tpu.memory_space<vmem>>
    %dma_start3A_425 = tpu.memref_squeeze %dma_start3A_424 : memref<1x128xi32, #tpu.memory_space<vmem>> -> memref<128xi32, #tpu.memory_space<vmem>>
    %dma_start3A_426 = arith.constant 0 : i32
    %dma_start3A_427 = arith.constant 0 : i32
    %dma_start3A_428 = tpu.memref_slice %arg2[%dma_start3A_426, %dma_start3A_427] : memref<503808x128xf32, #tpu.memory_space<hbm>> -> memref<503808x128xf32, #tpu.memory_space<hbm>>
    tpu.enqueue_indirect_dma source(%dma_start3A_428 : memref<503808x128xf32, #tpu.memory_space<hbm>>) target(%arg17 : memref<128x128xf32, #tpu.memory_space<vmem>>) offsets(%dma_start3A_425 : memref<128xi32, #tpu.memory_space<vmem>>) semaphore(%arg22 : memref<!tpu.dma_semaphore, #tpu.memory_space<semaphore_mem>>)
    %scan3A_429 = arith.constant 0 : i32
    %scan3A_430 = arith.constant 0 : i32
    %scan3A_431 = arith.constant 10 : i32
    %scan3A_432 = arith.addi %scan3A_430, %scan3A_431 : i32
    %scan3A_433 = arith.constant 1 : i32
    scf.for %scan3A_608 = %scan3A_430 to %scan3A_432 step %scan3A_433  : i32 {
      %dma_wait3A_609 = arith.constant 0 : i32
      %dma_wait3A_610 = arith.constant 0 : i32
      %dma_wait3A_611 = tpu.memref_slice %arg9[%dma_wait3A_609, %dma_wait3A_610] : memref<50x128xi32, #tpu.memory_space<vmem>> -> memref<1x128xi32, #tpu.memory_space<vmem>>
      %dma_wait3A_612 = tpu.memref_squeeze %dma_wait3A_611 : memref<1x128xi32, #tpu.memory_space<vmem>> -> memref<128xi32, #tpu.memory_space<vmem>>
      %dma_wait3A_613 = arith.constant 0 : i32
      %dma_wait3A_614 = arith.constant 0 : i32
      %dma_wait3A_615 = tpu.memref_slice %arg2[%dma_wait3A_613, %dma_wait3A_614] : memref<503808x128xf32, #tpu.memory_space<hbm>> -> memref<503808x128xf32, #tpu.memory_space<hbm>>
      tpu.wait_indirect_dma semaphore(%arg18 : memref<!tpu.dma_semaphore, #tpu.memory_space<semaphore_mem>>) src(%dma_wait3A_615 : memref<503808x128xf32, #tpu.memory_space<hbm>>) dst(%arg13 : memref<128x128xf32, #tpu.memory_space<vmem>>)
      %mul3A_616 = arith.constant 5 : i32
      %mul3A_617 = arith.muli %scan3A_608, %mul3A_616 : i32
      %add3A_618 = arith.constant 0 : i32
      %add3A_619 = arith.addi %mul3A_617, %add3A_618 : i32
      %dma_start3A_620 = arith.constant 0 : i32
      %dma_start3A_621 = tpu.memref_slice %arg10[%add3A_619, %dma_start3A_620] : memref<50x128xi32, #tpu.memory_space<vmem>> -> memref<1x128xi32, #tpu.memory_space<vmem>>
      %dma_start3A_622 = tpu.memref_squeeze %dma_start3A_621 : memref<1x128xi32, #tpu.memory_space<vmem>> -> memref<128xi32, #tpu.memory_space<vmem>>
      %dma_start3A_623 = arith.constant 0 : i32
      %dma_start3A_624 = arith.constant 0 : i32
      %dma_start3A_625 = tpu.memref_slice %arg12[%dma_start3A_623, %dma_start3A_624] : memref<4096x128xf32, #tpu.memory_space<vmem_shared>> -> memref<4096x128xf32, #tpu.memory_space<vmem_shared>>
      tpu.enqueue_indirect_dma source(%arg13 : memref<128x128xf32, #tpu.memory_space<vmem>>) target(%dma_start3A_625 : memref<4096x128xf32, #tpu.memory_space<vmem_shared>>) offsets(%dma_start3A_622 : memref<128xi32, #tpu.memory_space<vmem>>) semaphore(%arg23 : memref<!tpu.dma_semaphore, #tpu.memory_space<semaphore_mem>>) {add = true}
      %dma_wait3A_626 = arith.constant 0 : i32
      %dma_wait3A_627 = arith.constant 0 : i32
      %dma_wait3A_628 = tpu.memref_slice %arg9[%dma_wait3A_626, %dma_wait3A_627] : memref<50x128xi32, #tpu.memory_space<vmem>> -> memref<1x128xi32, #tpu.memory_space<vmem>>
      %dma_wait3A_629 = tpu.memref_squeeze %dma_wait3A_628 : memref<1x128xi32, #tpu.memory_space<vmem>> -> memref<128xi32, #tpu.memory_space<vmem>>
      %dma_wait3A_630 = arith.constant 0 : i32
      %dma_wait3A_631 = arith.constant 0 : i32
      %dma_wait3A_632 = tpu.memref_slice %arg2[%dma_wait3A_630, %dma_wait3A_631] : memref<503808x128xf32, #tpu.memory_space<hbm>> -> memref<503808x128xf32, #tpu.memory_space<hbm>>
      tpu.wait_indirect_dma semaphore(%arg19 : memref<!tpu.dma_semaphore, #tpu.memory_space<semaphore_mem>>) src(%dma_wait3A_632 : memref<503808x128xf32, #tpu.memory_space<hbm>>) dst(%arg14 : memref<128x128xf32, #tpu.memory_space<vmem>>)
      %mul3A_633 = arith.constant 5 : i32
      %mul3A_634 = arith.muli %scan3A_608, %mul3A_633 : i32
      %add3A_635 = arith.constant 1 : i32
      %add3A_636 = arith.addi %mul3A_634, %add3A_635 : i32
      %dma_start3A_637 = arith.constant 0 : i32
      %dma_start3A_638 = tpu.memref_slice %arg10[%add3A_636, %dma_start3A_637] : memref<50x128xi32, #tpu.memory_space<vmem>> -> memref<1x128xi32, #tpu.memory_space<vmem>>
      %dma_start3A_639 = tpu.memref_squeeze %dma_start3A_638 : memref<1x128xi32, #tpu.memory_space<vmem>> -> memref<128xi32, #tpu.memory_space<vmem>>
      %dma_start3A_640 = arith.constant 0 : i32
      %dma_start3A_641 = arith.constant 0 : i32
      %dma_start3A_642 = tpu.memref_slice %arg12[%dma_start3A_640, %dma_start3A_641] : memref<4096x128xf32, #tpu.memory_space<vmem_shared>> -> memref<4096x128xf32, #tpu.memory_space<vmem_shared>>
      tpu.enqueue_indirect_dma source(%arg14 : memref<128x128xf32, #tpu.memory_space<vmem>>) target(%dma_start3A_642 : memref<4096x128xf32, #tpu.memory_space<vmem_shared>>) offsets(%dma_start3A_639 : memref<128xi32, #tpu.memory_space<vmem>>) semaphore(%arg24 : memref<!tpu.dma_semaphore, #tpu.memory_space<semaphore_mem>>) {add = true}
      %dma_wait3A_643 = arith.constant 0 : i32
      %dma_wait3A_644 = arith.constant 0 : i32
      %dma_wait3A_645 = tpu.memref_slice %arg9[%dma_wait3A_643, %dma_wait3A_644] : memref<50x128xi32, #tpu.memory_space<vmem>> -> memref<1x128xi32, #tpu.memory_space<vmem>>
      %dma_wait3A_646 = tpu.memref_squeeze %dma_wait3A_645 : memref<1x128xi32, #tpu.memory_space<vmem>> -> memref<128xi32, #tpu.memory_space<vmem>>
      %dma_wait3A_647 = arith.constant 0 : i32
      %dma_wait3A_648 = arith.constant 0 : i32
      %dma_wait3A_649 = tpu.memref_slice %arg2[%dma_wait3A_647, %dma_wait3A_648] : memref<503808x128xf32, #tpu.memory_space<hbm>> -> memref<503808x128xf32, #tpu.memory_space<hbm>>
      tpu.wait_indirect_dma semaphore(%arg20 : memref<!tpu.dma_semaphore, #tpu.memory_space<semaphore_mem>>) src(%dma_wait3A_649 : memref<503808x128xf32, #tpu.memory_space<hbm>>) dst(%arg15 : memref<128x128xf32, #tpu.memory_space<vmem>>)
      %mul3A_650 = arith.constant 5 : i32
      %mul3A_651 = arith.muli %scan3A_608, %mul3A_650 : i32
      %add3A_652 = arith.constant 2 : i32
      %add3A_653 = arith.addi %mul3A_651, %add3A_652 : i32
      %dma_start3A_654 = arith.constant 0 : i32
      %dma_start3A_655 = tpu.memref_slice %arg10[%add3A_653, %dma_start3A_654] : memref<50x128xi32, #tpu.memory_space<vmem>> -> memref<1x128xi32, #tpu.memory_space<vmem>>
      %dma_start3A_656 = tpu.memref_squeeze %dma_start3A_655 : memref<1x128xi32, #tpu.memory_space<vmem>> -> memref<128xi32, #tpu.memory_space<vmem>>
      %dma_start3A_657 = arith.constant 0 : i32
      %dma_start3A_658 = arith.constant 0 : i32
      %dma_start3A_659 = tpu.memref_slice %arg12[%dma_start3A_657, %dma_start3A_658] : memref<4096x128xf32, #tpu.memory_space<vmem_shared>> -> memref<4096x128xf32, #tpu.memory_space<vmem_shared>>
      tpu.enqueue_indirect_dma source(%arg15 : memref<128x128xf32, #tpu.memory_space<vmem>>) target(%dma_start3A_659 : memref<4096x128xf32, #tpu.memory_space<vmem_shared>>) offsets(%dma_start3A_656 : memref<128xi32, #tpu.memory_space<vmem>>) semaphore(%arg25 : memref<!tpu.dma_semaphore, #tpu.memory_space<semaphore_mem>>) {add = true}
      %dma_wait3A_660 = arith.constant 0 : i32
      %dma_wait3A_661 = arith.constant 0 : i32
      %dma_wait3A_662 = tpu.memref_slice %arg9[%dma_wait3A_660, %dma_wait3A_661] : memref<50x128xi32, #tpu.memory_space<vmem>> -> memref<1x128xi32, #tpu.memory_space<vmem>>
      %dma_wait3A_663 = tpu.memref_squeeze %dma_wait3A_662 : memref<1x128xi32, #tpu.memory_space<vmem>> -> memref<128xi32, #tpu.memory_space<vmem>>
      %dma_wait3A_664 = arith.constant 0 : i32
      %dma_wait3A_665 = arith.constant 0 : i32
      %dma_wait3A_666 = tpu.memref_slice %arg2[%dma_wait3A_664, %dma_wait3A_665] : memref<503808x128xf32, #tpu.memory_space<hbm>> -> memref<503808x128xf32, #tpu.memory_space<hbm>>
      tpu.wait_indirect_dma semaphore(%arg21 : memref<!tpu.dma_semaphore, #tpu.memory_space<semaphore_mem>>) src(%dma_wait3A_666 : memref<503808x128xf32, #tpu.memory_space<hbm>>) dst(%arg16 : memref<128x128xf32, #tpu.memory_space<vmem>>)
      %mul3A_667 = arith.constant 5 : i32
      %mul3A_668 = arith.muli %scan3A_608, %mul3A_667 : i32
      %add3A_669 = arith.constant 3 : i32
      %add3A_670 = arith.addi %mul3A_668, %add3A_669 : i32
      %dma_start3A_671 = arith.constant 0 : i32
      %dma_start3A_672 = tpu.memref_slice %arg10[%add3A_670, %dma_start3A_671] : memref<50x128xi32, #tpu.memory_space<vmem>> -> memref<1x128xi32, #tpu.memory_space<vmem>>
      %dma_start3A_673 = tpu.memref_squeeze %dma_start3A_672 : memref<1x128xi32, #tpu.memory_space<vmem>> -> memref<128xi32, #tpu.memory_space<vmem>>
      %dma_start3A_674 = arith.constant 0 : i32
      %dma_start3A_675 = arith.constant 0 : i32
      %dma_start3A_676 = tpu.memref_slice %arg12[%dma_start3A_674, %dma_start3A_675] : memref<4096x128xf32, #tpu.memory_space<vmem_shared>> -> memref<4096x128xf32, #tpu.memory_space<vmem_shared>>
      tpu.enqueue_indirect_dma source(%arg16 : memref<128x128xf32, #tpu.memory_space<vmem>>) target(%dma_start3A_676 : memref<4096x128xf32, #tpu.memory_space<vmem_shared>>) offsets(%dma_start3A_673 : memref<128xi32, #tpu.memory_space<vmem>>) semaphore(%arg26 : memref<!tpu.dma_semaphore, #tpu.memory_space<semaphore_mem>>) {add = true}
      %dma_wait3A_677 = arith.constant 0 : i32
      %dma_wait3A_678 = arith.constant 0 : i32
      %dma_wait3A_679 = tpu.memref_slice %arg9[%dma_wait3A_677, %dma_wait3A_678] : memref<50x128xi32, #tpu.memory_space<vmem>> -> memref<1x128xi32, #tpu.memory_space<vmem>>
      %dma_wait3A_680 = tpu.memref_squeeze %dma_wait3A_679 : memref<1x128xi32, #tpu.memory_space<vmem>> -> memref<128xi32, #tpu.memory_space<vmem>>
      %dma_wait3A_681 = arith.constant 0 : i32
      %dma_wait3A_682 = arith.constant 0 : i32
      %dma_wait3A_683 = tpu.memref_slice %arg2[%dma_wait3A_681, %dma_wait3A_682] : memref<503808x128xf32, #tpu.memory_space<hbm>> -> memref<503808x128xf32, #tpu.memory_space<hbm>>
      tpu.wait_indirect_dma semaphore(%arg22 : memref<!tpu.dma_semaphore, #tpu.memory_space<semaphore_mem>>) src(%dma_wait3A_683 : memref<503808x128xf32, #tpu.memory_space<hbm>>) dst(%arg17 : memref<128x128xf32, #tpu.memory_space<vmem>>)
      %mul3A_684 = arith.constant 5 : i32
      %mul3A_685 = arith.muli %scan3A_608, %mul3A_684 : i32
      %add3A_686 = arith.constant 4 : i32
      %add3A_687 = arith.addi %mul3A_685, %add3A_686 : i32
      %dma_start3A_688 = arith.constant 0 : i32
      %dma_start3A_689 = tpu.memref_slice %arg10[%add3A_687, %dma_start3A_688] : memref<50x128xi32, #tpu.memory_space<vmem>> -> memref<1x128xi32, #tpu.memory_space<vmem>>
      %dma_start3A_690 = tpu.memref_squeeze %dma_start3A_689 : memref<1x128xi32, #tpu.memory_space<vmem>> -> memref<128xi32, #tpu.memory_space<vmem>>
      %dma_start3A_691 = arith.constant 0 : i32
      %dma_start3A_692 = arith.constant 0 : i32
      %dma_start3A_693 = tpu.memref_slice %arg12[%dma_start3A_691, %dma_start3A_692] : memref<4096x128xf32, #tpu.memory_space<vmem_shared>> -> memref<4096x128xf32, #tpu.memory_space<vmem_shared>>
      tpu.enqueue_indirect_dma source(%arg17 : memref<128x128xf32, #tpu.memory_space<vmem>>) target(%dma_start3A_693 : memref<4096x128xf32, #tpu.memory_space<vmem_shared>>) offsets(%dma_start3A_690 : memref<128xi32, #tpu.memory_space<vmem>>) semaphore(%arg27 : memref<!tpu.dma_semaphore, #tpu.memory_space<semaphore_mem>>) {add = true}
      %dma_wait3A_694 = arith.constant 0 : i32
      %dma_wait3A_695 = arith.constant 0 : i32
      %dma_wait3A_696 = tpu.memref_slice %arg10[%dma_wait3A_694, %dma_wait3A_695] : memref<50x128xi32, #tpu.memory_space<vmem>> -> memref<1x128xi32, #tpu.memory_space<vmem>>
      %dma_wait3A_697 = tpu.memref_squeeze %dma_wait3A_696 : memref<1x128xi32, #tpu.memory_space<vmem>> -> memref<128xi32, #tpu.memory_space<vmem>>
      %dma_wait3A_698 = arith.constant 0 : i32
      %dma_wait3A_699 = arith.constant 0 : i32
      %dma_wait3A_700 = tpu.memref_slice %arg12[%dma_wait3A_698, %dma_wait3A_699] : memref<4096x128xf32, #tpu.memory_space<vmem_shared>> -> memref<4096x128xf32, #tpu.memory_space<vmem_shared>>
      tpu.wait_indirect_dma semaphore(%arg23 : memref<!tpu.dma_semaphore, #tpu.memory_space<semaphore_mem>>) src(%arg13 : memref<128x128xf32, #tpu.memory_space<vmem>>) dst(%dma_wait3A_700 : memref<4096x128xf32, #tpu.memory_space<vmem_shared>>)
      %mul3A_701 = arith.constant 5 : i32
      %mul3A_702 = arith.muli %scan3A_608, %mul3A_701 : i32
      %add3A_703 = arith.constant 0 : i32
      %add3A_704 = arith.addi %mul3A_702, %add3A_703 : i32
      %add3A_705 = arith.constant 5 : i32
      %add3A_706 = arith.addi %add3A_704, %add3A_705 : i32
      %rem3A = arith.constant 50 : i32
      %rem3A_707 = arith.remsi %add3A_706, %rem3A : i32
      %dma_start3A_708 = arith.constant 0 : i32
      %dma_start3A_709 = tpu.memref_slice %arg9[%rem3A_707, %dma_start3A_708] : memref<50x128xi32, #tpu.memory_space<vmem>> -> memref<1x128xi32, #tpu.memory_space<vmem>>
      %dma_start3A_710 = tpu.memref_squeeze %dma_start3A_709 : memref<1x128xi32, #tpu.memory_space<vmem>> -> memref<128xi32, #tpu.memory_space<vmem>>
      %dma_start3A_711 = arith.constant 0 : i32
      %dma_start3A_712 = arith.constant 0 : i32
      %dma_start3A_713 = tpu.memref_slice %arg2[%dma_start3A_711, %dma_start3A_712] : memref<503808x128xf32, #tpu.memory_space<hbm>> -> memref<503808x128xf32, #tpu.memory_space<hbm>>
      tpu.enqueue_indirect_dma source(%dma_start3A_713 : memref<503808x128xf32, #tpu.memory_space<hbm>>) target(%arg13 : memref<128x128xf32, #tpu.memory_space<vmem>>) offsets(%dma_start3A_710 : memref<128xi32, #tpu.memory_space<vmem>>) semaphore(%arg18 : memref<!tpu.dma_semaphore, #tpu.memory_space<semaphore_mem>>)
      %dma_wait3A_714 = arith.constant 0 : i32
      %dma_wait3A_715 = arith.constant 0 : i32
      %dma_wait3A_716 = tpu.memref_slice %arg10[%dma_wait3A_714, %dma_wait3A_715] : memref<50x128xi32, #tpu.memory_space<vmem>> -> memref<1x128xi32, #tpu.memory_space<vmem>>
      %dma_wait3A_717 = tpu.memref_squeeze %dma_wait3A_716 : memref<1x128xi32, #tpu.memory_space<vmem>> -> memref<128xi32, #tpu.memory_space<vmem>>
      %dma_wait3A_718 = arith.constant 0 : i32
      %dma_wait3A_719 = arith.constant 0 : i32
      %dma_wait3A_720 = tpu.memref_slice %arg12[%dma_wait3A_718, %dma_wait3A_719] : memref<4096x128xf32, #tpu.memory_space<vmem_shared>> -> memref<4096x128xf32, #tpu.memory_space<vmem_shared>>
      tpu.wait_indirect_dma semaphore(%arg24 : memref<!tpu.dma_semaphore, #tpu.memory_space<semaphore_mem>>) src(%arg14 : memref<128x128xf32, #tpu.memory_space<vmem>>) dst(%dma_wait3A_720 : memref<4096x128xf32, #tpu.memory_space<vmem_shared>>)
      %mul3A_721 = arith.constant 5 : i32
      %mul3A_722 = arith.muli %scan3A_608, %mul3A_721 : i32
      %add3A_723 = arith.constant 1 : i32
      %add3A_724 = arith.addi %mul3A_722, %add3A_723 : i32
      %add3A_725 = arith.constant 5 : i32
      %add3A_726 = arith.addi %add3A_724, %add3A_725 : i32
      %rem3A_727 = arith.constant 50 : i32
      %rem3A_728 = arith.remsi %add3A_726, %rem3A_727 : i32
      %dma_start3A_729 = arith.constant 0 : i32
      %dma_start3A_730 = tpu.memref_slice %arg9[%rem3A_728, %dma_start3A_729] : memref<50x128xi32, #tpu.memory_space<vmem>> -> memref<1x128xi32, #tpu.memory_space<vmem>>
      %dma_start3A_731 = tpu.memref_squeeze %dma_start3A_730 : memref<1x128xi32, #tpu.memory_space<vmem>> -> memref<128xi32, #tpu.memory_space<vmem>>
      %dma_start3A_732 = arith.constant 0 : i32
      %dma_start3A_733 = arith.constant 0 : i32
      %dma_start3A_734 = tpu.memref_slice %arg2[%dma_start3A_732, %dma_start3A_733] : memref<503808x128xf32, #tpu.memory_space<hbm>> -> memref<503808x128xf32, #tpu.memory_space<hbm>>
      tpu.enqueue_indirect_dma source(%dma_start3A_734 : memref<503808x128xf32, #tpu.memory_space<hbm>>) target(%arg14 : memref<128x128xf32, #tpu.memory_space<vmem>>) offsets(%dma_start3A_731 : memref<128xi32, #tpu.memory_space<vmem>>) semaphore(%arg19 : memref<!tpu.dma_semaphore, #tpu.memory_space<semaphore_mem>>)
      %dma_wait3A_735 = arith.constant 0 : i32
      %dma_wait3A_736 = arith.constant 0 : i32
      %dma_wait3A_737 = tpu.memref_slice %arg10[%dma_wait3A_735, %dma_wait3A_736] : memref<50x128xi32, #tpu.memory_space<vmem>> -> memref<1x128xi32, #tpu.memory_space<vmem>>
      %dma_wait3A_738 = tpu.memref_squeeze %dma_wait3A_737 : memref<1x128xi32, #tpu.memory_space<vmem>> -> memref<128xi32, #tpu.memory_space<vmem>>
      %dma_wait3A_739 = arith.constant 0 : i32
      %dma_wait3A_740 = arith.constant 0 : i32
      %dma_wait3A_741 = tpu.memref_slice %arg12[%dma_wait3A_739, %dma_wait3A_740] : memref<4096x128xf32, #tpu.memory_space<vmem_shared>> -> memref<4096x128xf32, #tpu.memory_space<vmem_shared>>
      tpu.wait_indirect_dma semaphore(%arg25 : memref<!tpu.dma_semaphore, #tpu.memory_space<semaphore_mem>>) src(%arg15 : memref<128x128xf32, #tpu.memory_space<vmem>>) dst(%dma_wait3A_741 : memref<4096x128xf32, #tpu.memory_space<vmem_shared>>)
      %mul3A_742 = arith.constant 5 : i32
      %mul3A_743 = arith.muli %scan3A_608, %mul3A_742 : i32
      %add3A_744 = arith.constant 2 : i32
      %add3A_745 = arith.addi %mul3A_743, %add3A_744 : i32
      %add3A_746 = arith.constant 5 : i32
      %add3A_747 = arith.addi %add3A_745, %add3A_746 : i32
      %rem3A_748 = arith.constant 50 : i32
      %rem3A_749 = arith.remsi %add3A_747, %rem3A_748 : i32
      %dma_start3A_750 = arith.constant 0 : i32
      %dma_start3A_751 = tpu.memref_slice %arg9[%rem3A_749, %dma_start3A_750] : memref<50x128xi32, #tpu.memory_space<vmem>> -> memref<1x128xi32, #tpu.memory_space<vmem>>
      %dma_start3A_752 = tpu.memref_squeeze %dma_start3A_751 : memref<1x128xi32, #tpu.memory_space<vmem>> -> memref<128xi32, #tpu.memory_space<vmem>>
      %dma_start3A_753 = arith.constant 0 : i32
      %dma_start3A_754 = arith.constant 0 : i32
      %dma_start3A_755 = tpu.memref_slice %arg2[%dma_start3A_753, %dma_start3A_754] : memref<503808x128xf32, #tpu.memory_space<hbm>> -> memref<503808x128xf32, #tpu.memory_space<hbm>>
      tpu.enqueue_indirect_dma source(%dma_start3A_755 : memref<503808x128xf32, #tpu.memory_space<hbm>>) target(%arg15 : memref<128x128xf32, #tpu.memory_space<vmem>>) offsets(%dma_start3A_752 : memref<128xi32, #tpu.memory_space<vmem>>) semaphore(%arg20 : memref<!tpu.dma_semaphore, #tpu.memory_space<semaphore_mem>>)
      %dma_wait3A_756 = arith.constant 0 : i32
      %dma_wait3A_757 = arith.constant 0 : i32
      %dma_wait3A_758 = tpu.memref_slice %arg10[%dma_wait3A_756, %dma_wait3A_757] : memref<50x128xi32, #tpu.memory_space<vmem>> -> memref<1x128xi32, #tpu.memory_space<vmem>>
      %dma_wait3A_759 = tpu.memref_squeeze %dma_wait3A_758 : memref<1x128xi32, #tpu.memory_space<vmem>> -> memref<128xi32, #tpu.memory_space<vmem>>
      %dma_wait3A_760 = arith.constant 0 : i32
      %dma_wait3A_761 = arith.constant 0 : i32
      %dma_wait3A_762 = tpu.memref_slice %arg12[%dma_wait3A_760, %dma_wait3A_761] : memref<4096x128xf32, #tpu.memory_space<vmem_shared>> -> memref<4096x128xf32, #tpu.memory_space<vmem_shared>>
      tpu.wait_indirect_dma semaphore(%arg26 : memref<!tpu.dma_semaphore, #tpu.memory_space<semaphore_mem>>) src(%arg16 : memref<128x128xf32, #tpu.memory_space<vmem>>) dst(%dma_wait3A_762 : memref<4096x128xf32, #tpu.memory_space<vmem_shared>>)
      %mul3A_763 = arith.constant 5 : i32
      %mul3A_764 = arith.muli %scan3A_608, %mul3A_763 : i32
      %add3A_765 = arith.constant 3 : i32
      %add3A_766 = arith.addi %mul3A_764, %add3A_765 : i32
      %add3A_767 = arith.constant 5 : i32
      %add3A_768 = arith.addi %add3A_766, %add3A_767 : i32
      %rem3A_769 = arith.constant 50 : i32
      %rem3A_770 = arith.remsi %add3A_768, %rem3A_769 : i32
      %dma_start3A_771 = arith.constant 0 : i32
      %dma_start3A_772 = tpu.memref_slice %arg9[%rem3A_770, %dma_start3A_771] : memref<50x128xi32, #tpu.memory_space<vmem>> -> memref<1x128xi32, #tpu.memory_space<vmem>>
      %dma_start3A_773 = tpu.memref_squeeze %dma_start3A_772 : memref<1x128xi32, #tpu.memory_space<vmem>> -> memref<128xi32, #tpu.memory_space<vmem>>
      %dma_start3A_774 = arith.constant 0 : i32
      %dma_start3A_775 = arith.constant 0 : i32
      %dma_start3A_776 = tpu.memref_slice %arg2[%dma_start3A_774, %dma_start3A_775] : memref<503808x128xf32, #tpu.memory_space<hbm>> -> memref<503808x128xf32, #tpu.memory_space<hbm>>
      tpu.enqueue_indirect_dma source(%dma_start3A_776 : memref<503808x128xf32, #tpu.memory_space<hbm>>) target(%arg16 : memref<128x128xf32, #tpu.memory_space<vmem>>) offsets(%dma_start3A_773 : memref<128xi32, #tpu.memory_space<vmem>>) semaphore(%arg21 : memref<!tpu.dma_semaphore, #tpu.memory_space<semaphore_mem>>)
      %dma_wait3A_777 = arith.constant 0 : i32
      %dma_wait3A_778 = arith.constant 0 : i32
      %dma_wait3A_779 = tpu.memref_slice %arg10[%dma_wait3A_777, %dma_wait3A_778] : memref<50x128xi32, #tpu.memory_space<vmem>> -> memref<1x128xi32, #tpu.memory_space<vmem>>
      %dma_wait3A_780 = tpu.memref_squeeze %dma_wait3A_779 : memref<1x128xi32, #tpu.memory_space<vmem>> -> memref<128xi32, #tpu.memory_space<vmem>>
      %dma_wait3A_781 = arith.constant 0 : i32
      %dma_wait3A_782 = arith.constant 0 : i32
      %dma_wait3A_783 = tpu.memref_slice %arg12[%dma_wait3A_781, %dma_wait3A_782] : memref<4096x128xf32, #tpu.memory_space<vmem_shared>> -> memref<4096x128xf32, #tpu.memory_space<vmem_shared>>
      tpu.wait_indirect_dma semaphore(%arg27 : memref<!tpu.dma_semaphore, #tpu.memory_space<semaphore_mem>>) src(%arg17 : memref<128x128xf32, #tpu.memory_space<vmem>>) dst(%dma_wait3A_783 : memref<4096x128xf32, #tpu.memory_space<vmem_shared>>)
      %mul3A_784 = arith.constant 5 : i32
      %mul3A_785 = arith.muli %scan3A_608, %mul3A_784 : i32
      %add3A_786 = arith.constant 4 : i32
      %add3A_787 = arith.addi %mul3A_785, %add3A_786 : i32
      %add3A_788 = arith.constant 5 : i32
      %add3A_789 = arith.addi %add3A_787, %add3A_788 : i32
      %rem3A_790 = arith.constant 50 : i32
      %rem3A_791 = arith.remsi %add3A_789, %rem3A_790 : i32
      %dma_start3A_792 = arith.constant 0 : i32
      %dma_start3A_793 = tpu.memref_slice %arg9[%rem3A_791, %dma_start3A_792] : memref<50x128xi32, #tpu.memory_space<vmem>> -> memref<1x128xi32, #tpu.memory_space<vmem>>
      %dma_start3A_794 = tpu.memref_squeeze %dma_start3A_793 : memref<1x128xi32, #tpu.memory_space<vmem>> -> memref<128xi32, #tpu.memory_space<vmem>>
      %dma_start3A_795 = arith.constant 0 : i32
      %dma_start3A_796 = arith.constant 0 : i32
      %dma_start3A_797 = tpu.memref_slice %arg2[%dma_start3A_795, %dma_start3A_796] : memref<503808x128xf32, #tpu.memory_space<hbm>> -> memref<503808x128xf32, #tpu.memory_space<hbm>>
      tpu.enqueue_indirect_dma source(%dma_start3A_797 : memref<503808x128xf32, #tpu.memory_space<hbm>>) target(%arg17 : memref<128x128xf32, #tpu.memory_space<vmem>>) offsets(%dma_start3A_794 : memref<128xi32, #tpu.memory_space<vmem>>) semaphore(%arg22 : memref<!tpu.dma_semaphore, #tpu.memory_space<semaphore_mem>>)
    }
    %scan3A_434 = arith.constant 10 : i32
    %dma_wait3A_435 = arith.constant 0 : i32
    %dma_wait3A_436 = arith.constant 0 : i32
    %dma_wait3A_437 = tpu.memref_slice %arg9[%dma_wait3A_435, %dma_wait3A_436] : memref<50x128xi32, #tpu.memory_space<vmem>> -> memref<1x128xi32, #tpu.memory_space<vmem>>
    %dma_wait3A_438 = tpu.memref_squeeze %dma_wait3A_437 : memref<1x128xi32, #tpu.memory_space<vmem>> -> memref<128xi32, #tpu.memory_space<vmem>>
    %dma_wait3A_439 = arith.constant 0 : i32
    %dma_wait3A_440 = arith.constant 0 : i32
    %dma_wait3A_441 = tpu.memref_slice %arg2[%dma_wait3A_439, %dma_wait3A_440] : memref<503808x128xf32, #tpu.memory_space<hbm>> -> memref<503808x128xf32, #tpu.memory_space<hbm>>
    tpu.wait_indirect_dma semaphore(%arg18 : memref<!tpu.dma_semaphore, #tpu.memory_space<semaphore_mem>>) src(%dma_wait3A_441 : memref<503808x128xf32, #tpu.memory_space<hbm>>) dst(%arg13 : memref<128x128xf32, #tpu.memory_space<vmem>>)
    %dma_wait3A_442 = arith.constant 0 : i32
    %dma_wait3A_443 = arith.constant 0 : i32
    %dma_wait3A_444 = tpu.memref_slice %arg9[%dma_wait3A_442, %dma_wait3A_443] : memref<50x128xi32, #tpu.memory_space<vmem>> -> memref<1x128xi32, #tpu.memory_space<vmem>>
    %dma_wait3A_445 = tpu.memref_squeeze %dma_wait3A_444 : memref<1x128xi32, #tpu.memory_space<vmem>> -> memref<128xi32, #tpu.memory_space<vmem>>
    %dma_wait3A_446 = arith.constant 0 : i32
    %dma_wait3A_447 = arith.constant 0 : i32
    %dma_wait3A_448 = tpu.memref_slice %arg2[%dma_wait3A_446, %dma_wait3A_447] : memref<503808x128xf32, #tpu.memory_space<hbm>> -> memref<503808x128xf32, #tpu.memory_space<hbm>>
    tpu.wait_indirect_dma semaphore(%arg19 : memref<!tpu.dma_semaphore, #tpu.memory_space<semaphore_mem>>) src(%dma_wait3A_448 : memref<503808x128xf32, #tpu.memory_space<hbm>>) dst(%arg14 : memref<128x128xf32, #tpu.memory_space<vmem>>)
    %dma_wait3A_449 = arith.constant 0 : i32
    %dma_wait3A_450 = arith.constant 0 : i32
    %dma_wait3A_451 = tpu.memref_slice %arg9[%dma_wait3A_449, %dma_wait3A_450] : memref<50x128xi32, #tpu.memory_space<vmem>> -> memref<1x128xi32, #tpu.memory_space<vmem>>
    %dma_wait3A_452 = tpu.memref_squeeze %dma_wait3A_451 : memref<1x128xi32, #tpu.memory_space<vmem>> -> memref<128xi32, #tpu.memory_space<vmem>>
    %dma_wait3A_453 = arith.constant 0 : i32
    %dma_wait3A_454 = arith.constant 0 : i32
    %dma_wait3A_455 = tpu.memref_slice %arg2[%dma_wait3A_453, %dma_wait3A_454] : memref<503808x128xf32, #tpu.memory_space<hbm>> -> memref<503808x128xf32, #tpu.memory_space<hbm>>
    tpu.wait_indirect_dma semaphore(%arg20 : memref<!tpu.dma_semaphore, #tpu.memory_space<semaphore_mem>>) src(%dma_wait3A_455 : memref<503808x128xf32, #tpu.memory_space<hbm>>) dst(%arg15 : memref<128x128xf32, #tpu.memory_space<vmem>>)
    %dma_wait3A_456 = arith.constant 0 : i32
    %dma_wait3A_457 = arith.constant 0 : i32
    %dma_wait3A_458 = tpu.memref_slice %arg9[%dma_wait3A_456, %dma_wait3A_457] : memref<50x128xi32, #tpu.memory_space<vmem>> -> memref<1x128xi32, #tpu.memory_space<vmem>>
    %dma_wait3A_459 = tpu.memref_squeeze %dma_wait3A_458 : memref<1x128xi32, #tpu.memory_space<vmem>> -> memref<128xi32, #tpu.memory_space<vmem>>
    %dma_wait3A_460 = arith.constant 0 : i32
    %dma_wait3A_461 = arith.constant 0 : i32
    %dma_wait3A_462 = tpu.memref_slice %arg2[%dma_wait3A_460, %dma_wait3A_461] : memref<503808x128xf32, #tpu.memory_space<hbm>> -> memref<503808x128xf32, #tpu.memory_space<hbm>>
    tpu.wait_indirect_dma semaphore(%arg21 : memref<!tpu.dma_semaphore, #tpu.memory_space<semaphore_mem>>) src(%dma_wait3A_462 : memref<503808x128xf32, #tpu.memory_space<hbm>>) dst(%arg16 : memref<128x128xf32, #tpu.memory_space<vmem>>)
    %dma_wait3A_463 = arith.constant 0 : i32
    %dma_wait3A_464 = arith.constant 0 : i32
    %dma_wait3A_465 = tpu.memref_slice %arg9[%dma_wait3A_463, %dma_wait3A_464] : memref<50x128xi32, #tpu.memory_space<vmem>> -> memref<1x128xi32, #tpu.memory_space<vmem>>
    %dma_wait3A_466 = tpu.memref_squeeze %dma_wait3A_465 : memref<1x128xi32, #tpu.memory_space<vmem>> -> memref<128xi32, #tpu.memory_space<vmem>>
    %dma_wait3A_467 = arith.constant 0 : i32
    %dma_wait3A_468 = arith.constant 0 : i32
    %dma_wait3A_469 = tpu.memref_slice %arg2[%dma_wait3A_467, %dma_wait3A_468] : memref<503808x128xf32, #tpu.memory_space<hbm>> -> memref<503808x128xf32, #tpu.memory_space<hbm>>
    tpu.wait_indirect_dma semaphore(%arg22 : memref<!tpu.dma_semaphore, #tpu.memory_space<semaphore_mem>>) src(%dma_wait3A_469 : memref<503808x128xf32, #tpu.memory_space<hbm>>) dst(%arg17 : memref<128x128xf32, #tpu.memory_space<vmem>>)
    %mul3A_470 = arith.constant 256 : i32
    %mul3A_471 = arith.muli %arg1, %mul3A_470 : i32
    %add3A_472 = arith.constant 384 : i32
    %add3A_473 = arith.addi %mul3A_2, %add3A_472 : i32
    %dma_start3A_474 = arith.constant 0 : i32
    %dma_start3A_475 = tpu.memref_slice %arg6[%add3A_473, %dma_start3A_474] : memref<16384x128xf32, #tpu.memory_space<hbm>> -> memref<128x128xf32, #tpu.memory_space<hbm>>
    %dma_start3A_476 = arith.constant 0 : i32
    %dma_start3A_477 = tpu.memref_slice %arg12[%mul3A_471, %dma_start3A_476] : memref<4096x128xf32, #tpu.memory_space<vmem_shared>> -> memref<128x128xf32, #tpu.memory_space<vmem_shared>>
    tpu.enqueue_dma source(%dma_start3A_477 : memref<128x128xf32, #tpu.memory_space<vmem_shared>>) target(%dma_start3A_475 : memref<128x128xf32, #tpu.memory_space<hbm>>) target_semaphore(%arg28 : memref<!tpu.dma_semaphore, #tpu.memory_space<semaphore_mem>>)
    %mul3A_478 = arith.constant 256 : i32
    %mul3A_479 = arith.muli %arg1, %mul3A_478 : i32
    %add3A_480 = arith.constant 128 : i32
    %add3A_481 = arith.addi %mul3A_479, %add3A_480 : i32
    %add3A_482 = arith.constant 384 : i32
    %add3A_483 = arith.addi %mul3A_2, %add3A_482 : i32
    %dma_start3A_484 = arith.constant 0 : i32
    %dma_start3A_485 = tpu.memref_slice %arg7[%add3A_483, %dma_start3A_484] : memref<16384x128xf32, #tpu.memory_space<hbm>> -> memref<128x128xf32, #tpu.memory_space<hbm>>
    %dma_start3A_486 = arith.constant 0 : i32
    %dma_start3A_487 = tpu.memref_slice %arg12[%add3A_481, %dma_start3A_486] : memref<4096x128xf32, #tpu.memory_space<vmem_shared>> -> memref<128x128xf32, #tpu.memory_space<vmem_shared>>
    tpu.enqueue_dma source(%dma_start3A_487 : memref<128x128xf32, #tpu.memory_space<vmem_shared>>) target(%dma_start3A_485 : memref<128x128xf32, #tpu.memory_space<hbm>>) target_semaphore(%arg28 : memref<!tpu.dma_semaphore, #tpu.memory_space<semaphore_mem>>)
    "tpu.region"() ({
      %run_scoped3A_608 = tpu.sem_alloc : memref<!tpu.dma_semaphore, #tpu.memory_space<semaphore_mem>>
      %dma_start3A_609 = arith.constant 0 : i32
      %dma_start3A_610 = arith.constant 0 : i32
      %dma_start3A_611 = tpu.memref_slice %arg5[%add3A, %dma_start3A_609, %dma_start3A_610] : memref<32x4x128xi32, #tpu.memory_space<hbm>> -> memref<1x4x128xi32, #tpu.memory_space<hbm>>
      %dma_start3A_612 = tpu.memref_squeeze %dma_start3A_611 : memref<1x4x128xi32, #tpu.memory_space<hbm>> -> memref<4x128xi32, #tpu.memory_space<hbm>>
      %dma_start3A_613 = arith.constant 0 : i32
      %dma_start3A_614 = arith.constant 0 : i32
      %dma_start3A_615 = tpu.memref_slice %arg5[%add3A, %dma_start3A_613, %dma_start3A_614] : memref<32x4x128xi32, #tpu.memory_space<hbm>> -> memref<1x4x128xi32, #tpu.memory_space<hbm>>
      %dma_start3A_616 = tpu.memref_squeeze %dma_start3A_615 : memref<1x4x128xi32, #tpu.memory_space<hbm>> -> memref<4x128xi32, #tpu.memory_space<hbm>>
      tpu.enqueue_dma source(%dma_start3A_616 : memref<4x128xi32, #tpu.memory_space<hbm>>) target(%arg11 : memref<4x128xi32, #tpu.memory_space<vmem>>) target_semaphore(%run_scoped3A_608 : memref<!tpu.dma_semaphore, #tpu.memory_space<semaphore_mem>>)
      %dma_wait3A_617 = arith.constant 0 : i32
      %dma_wait3A_618 = arith.constant 0 : i32
      %dma_wait3A_619 = tpu.memref_slice %arg5[%add3A, %dma_wait3A_617, %dma_wait3A_618] : memref<32x4x128xi32, #tpu.memory_space<hbm>> -> memref<1x4x128xi32, #tpu.memory_space<hbm>>
      %dma_wait3A_620 = tpu.memref_squeeze %dma_wait3A_619 : memref<1x4x128xi32, #tpu.memory_space<hbm>> -> memref<4x128xi32, #tpu.memory_space<hbm>>
      %dma_wait3A_621 = arith.constant 0 : i32
      %dma_wait3A_622 = arith.constant 0 : i32
      %dma_wait3A_623 = tpu.memref_slice %arg5[%add3A, %dma_wait3A_621, %dma_wait3A_622] : memref<32x4x128xi32, #tpu.memory_space<hbm>> -> memref<1x4x128xi32, #tpu.memory_space<hbm>>
      %dma_wait3A_624 = tpu.memref_squeeze %dma_wait3A_623 : memref<1x4x128xi32, #tpu.memory_space<hbm>> -> memref<4x128xi32, #tpu.memory_space<hbm>>
      tpu.wait_dma2 semaphore(%run_scoped3A_608 : memref<!tpu.dma_semaphore, #tpu.memory_space<semaphore_mem>>) src(%dma_wait3A_624 : memref<4x128xi32, #tpu.memory_space<hbm>>) dst(%arg11 : memref<4x128xi32, #tpu.memory_space<vmem>>)
      tpu.yield
    }) : () -> ()
    %dma_start3A_488 = arith.constant 0 : i32
    %dma_start3A_489 = arith.constant 0 : i32
    %dma_start3A_490 = tpu.memref_slice %arg11[%dma_start3A_488, %dma_start3A_489] : memref<4x128xi32, #tpu.memory_space<vmem>> -> memref<1x128xi32, #tpu.memory_space<vmem>>
    %dma_start3A_491 = tpu.memref_squeeze %dma_start3A_490 : memref<1x128xi32, #tpu.memory_space<vmem>> -> memref<128xi32, #tpu.memory_space<vmem>>
    %dma_start3A_492 = arith.constant 0 : i32
    %dma_start3A_493 = arith.constant 0 : i32
    %dma_start3A_494 = tpu.memref_slice %arg2[%dma_start3A_492, %dma_start3A_493] : memref<503808x128xf32, #tpu.memory_space<hbm>> -> memref<503808x128xf32, #tpu.memory_space<hbm>>
    tpu.enqueue_indirect_dma source(%dma_start3A_494 : memref<503808x128xf32, #tpu.memory_space<hbm>>) target(%arg13 : memref<128x128xf32, #tpu.memory_space<vmem>>) offsets(%dma_start3A_491 : memref<128xi32, #tpu.memory_space<vmem>>) semaphore(%arg18 : memref<!tpu.dma_semaphore, #tpu.memory_space<semaphore_mem>>)
    %dma_start3A_495 = arith.constant 1 : i32
    %dma_start3A_496 = arith.constant 0 : i32
    %dma_start3A_497 = tpu.memref_slice %arg11[%dma_start3A_495, %dma_start3A_496] : memref<4x128xi32, #tpu.memory_space<vmem>> -> memref<1x128xi32, #tpu.memory_space<vmem>>
    %dma_start3A_498 = tpu.memref_squeeze %dma_start3A_497 : memref<1x128xi32, #tpu.memory_space<vmem>> -> memref<128xi32, #tpu.memory_space<vmem>>
    %dma_start3A_499 = arith.constant 0 : i32
    %dma_start3A_500 = arith.constant 0 : i32
    %dma_start3A_501 = tpu.memref_slice %arg2[%dma_start3A_499, %dma_start3A_500] : memref<503808x128xf32, #tpu.memory_space<hbm>> -> memref<503808x128xf32, #tpu.memory_space<hbm>>
    tpu.enqueue_indirect_dma source(%dma_start3A_501 : memref<503808x128xf32, #tpu.memory_space<hbm>>) target(%arg14 : memref<128x128xf32, #tpu.memory_space<vmem>>) offsets(%dma_start3A_498 : memref<128xi32, #tpu.memory_space<vmem>>) semaphore(%arg19 : memref<!tpu.dma_semaphore, #tpu.memory_space<semaphore_mem>>)
    %dma_start3A_502 = arith.constant 2 : i32
    %dma_start3A_503 = arith.constant 0 : i32
    %dma_start3A_504 = tpu.memref_slice %arg11[%dma_start3A_502, %dma_start3A_503] : memref<4x128xi32, #tpu.memory_space<vmem>> -> memref<1x128xi32, #tpu.memory_space<vmem>>
    %dma_start3A_505 = tpu.memref_squeeze %dma_start3A_504 : memref<1x128xi32, #tpu.memory_space<vmem>> -> memref<128xi32, #tpu.memory_space<vmem>>
    %dma_start3A_506 = arith.constant 0 : i32
    %dma_start3A_507 = arith.constant 0 : i32
    %dma_start3A_508 = tpu.memref_slice %arg2[%dma_start3A_506, %dma_start3A_507] : memref<503808x128xf32, #tpu.memory_space<hbm>> -> memref<503808x128xf32, #tpu.memory_space<hbm>>
    tpu.enqueue_indirect_dma source(%dma_start3A_508 : memref<503808x128xf32, #tpu.memory_space<hbm>>) target(%arg15 : memref<128x128xf32, #tpu.memory_space<vmem>>) offsets(%dma_start3A_505 : memref<128xi32, #tpu.memory_space<vmem>>) semaphore(%arg20 : memref<!tpu.dma_semaphore, #tpu.memory_space<semaphore_mem>>)
    %dma_start3A_509 = arith.constant 3 : i32
    %dma_start3A_510 = arith.constant 0 : i32
    %dma_start3A_511 = tpu.memref_slice %arg11[%dma_start3A_509, %dma_start3A_510] : memref<4x128xi32, #tpu.memory_space<vmem>> -> memref<1x128xi32, #tpu.memory_space<vmem>>
    %dma_start3A_512 = tpu.memref_squeeze %dma_start3A_511 : memref<1x128xi32, #tpu.memory_space<vmem>> -> memref<128xi32, #tpu.memory_space<vmem>>
    %dma_start3A_513 = arith.constant 0 : i32
    %dma_start3A_514 = arith.constant 0 : i32
    %dma_start3A_515 = tpu.memref_slice %arg2[%dma_start3A_513, %dma_start3A_514] : memref<503808x128xf32, #tpu.memory_space<hbm>> -> memref<503808x128xf32, #tpu.memory_space<hbm>>
    tpu.enqueue_indirect_dma source(%dma_start3A_515 : memref<503808x128xf32, #tpu.memory_space<hbm>>) target(%arg16 : memref<128x128xf32, #tpu.memory_space<vmem>>) offsets(%dma_start3A_512 : memref<128xi32, #tpu.memory_space<vmem>>) semaphore(%arg21 : memref<!tpu.dma_semaphore, #tpu.memory_space<semaphore_mem>>)
    %dma_wait3A_516 = arith.constant 0 : i32
    %dma_wait3A_517 = arith.constant 0 : i32
    %dma_wait3A_518 = tpu.memref_slice %arg9[%dma_wait3A_516, %dma_wait3A_517] : memref<50x128xi32, #tpu.memory_space<vmem>> -> memref<1x128xi32, #tpu.memory_space<vmem>>
    %dma_wait3A_519 = tpu.memref_squeeze %dma_wait3A_518 : memref<1x128xi32, #tpu.memory_space<vmem>> -> memref<128xi32, #tpu.memory_space<vmem>>
    %dma_wait3A_520 = arith.constant 0 : i32
    %dma_wait3A_521 = arith.constant 0 : i32
    %dma_wait3A_522 = tpu.memref_slice %arg2[%dma_wait3A_520, %dma_wait3A_521] : memref<503808x128xf32, #tpu.memory_space<hbm>> -> memref<503808x128xf32, #tpu.memory_space<hbm>>
    tpu.wait_indirect_dma semaphore(%arg18 : memref<!tpu.dma_semaphore, #tpu.memory_space<semaphore_mem>>) src(%dma_wait3A_522 : memref<503808x128xf32, #tpu.memory_space<hbm>>) dst(%arg13 : memref<128x128xf32, #tpu.memory_space<vmem>>)
    %add3A_523 = arith.constant 0 : i32
    %add3A_524 = arith.addi %mul3A_2, %add3A_523 : i32
    %dma_start3A_525 = arith.constant 0 : i32
    %dma_start3A_526 = tpu.memref_slice %arg8[%add3A_524, %dma_start3A_525] : memref<16384x128xf32, #tpu.memory_space<hbm>> -> memref<128x128xf32, #tpu.memory_space<hbm>>
    %dma_start3A_527 = arith.constant 0 : i32
    %dma_start3A_528 = tpu.memref_slice %arg8[%add3A_524, %dma_start3A_527] : memref<16384x128xf32, #tpu.memory_space<hbm>> -> memref<128x128xf32, #tpu.memory_space<hbm>>
    tpu.enqueue_dma source(%arg13 : memref<128x128xf32, #tpu.memory_space<vmem>>) target(%dma_start3A_528 : memref<128x128xf32, #tpu.memory_space<hbm>>) target_semaphore(%arg23 : memref<!tpu.dma_semaphore, #tpu.memory_space<semaphore_mem>>)
    %dma_wait3A_529 = arith.constant 0 : i32
    %dma_wait3A_530 = arith.constant 0 : i32
    %dma_wait3A_531 = tpu.memref_slice %arg9[%dma_wait3A_529, %dma_wait3A_530] : memref<50x128xi32, #tpu.memory_space<vmem>> -> memref<1x128xi32, #tpu.memory_space<vmem>>
    %dma_wait3A_532 = tpu.memref_squeeze %dma_wait3A_531 : memref<1x128xi32, #tpu.memory_space<vmem>> -> memref<128xi32, #tpu.memory_space<vmem>>
    %dma_wait3A_533 = arith.constant 0 : i32
    %dma_wait3A_534 = arith.constant 0 : i32
    %dma_wait3A_535 = tpu.memref_slice %arg2[%dma_wait3A_533, %dma_wait3A_534] : memref<503808x128xf32, #tpu.memory_space<hbm>> -> memref<503808x128xf32, #tpu.memory_space<hbm>>
    tpu.wait_indirect_dma semaphore(%arg19 : memref<!tpu.dma_semaphore, #tpu.memory_space<semaphore_mem>>) src(%dma_wait3A_535 : memref<503808x128xf32, #tpu.memory_space<hbm>>) dst(%arg14 : memref<128x128xf32, #tpu.memory_space<vmem>>)
    %add3A_536 = arith.constant 128 : i32
    %add3A_537 = arith.addi %mul3A_2, %add3A_536 : i32
    %dma_start3A_538 = arith.constant 0 : i32
    %dma_start3A_539 = tpu.memref_slice %arg8[%add3A_537, %dma_start3A_538] : memref<16384x128xf32, #tpu.memory_space<hbm>> -> memref<128x128xf32, #tpu.memory_space<hbm>>
    %dma_start3A_540 = arith.constant 0 : i32
    %dma_start3A_541 = tpu.memref_slice %arg8[%add3A_537, %dma_start3A_540] : memref<16384x128xf32, #tpu.memory_space<hbm>> -> memref<128x128xf32, #tpu.memory_space<hbm>>
    tpu.enqueue_dma source(%arg14 : memref<128x128xf32, #tpu.memory_space<vmem>>) target(%dma_start3A_541 : memref<128x128xf32, #tpu.memory_space<hbm>>) target_semaphore(%arg24 : memref<!tpu.dma_semaphore, #tpu.memory_space<semaphore_mem>>)
    %dma_wait3A_542 = arith.constant 0 : i32
    %dma_wait3A_543 = arith.constant 0 : i32
    %dma_wait3A_544 = tpu.memref_slice %arg9[%dma_wait3A_542, %dma_wait3A_543] : memref<50x128xi32, #tpu.memory_space<vmem>> -> memref<1x128xi32, #tpu.memory_space<vmem>>
    %dma_wait3A_545 = tpu.memref_squeeze %dma_wait3A_544 : memref<1x128xi32, #tpu.memory_space<vmem>> -> memref<128xi32, #tpu.memory_space<vmem>>
    %dma_wait3A_546 = arith.constant 0 : i32
    %dma_wait3A_547 = arith.constant 0 : i32
    %dma_wait3A_548 = tpu.memref_slice %arg2[%dma_wait3A_546, %dma_wait3A_547] : memref<503808x128xf32, #tpu.memory_space<hbm>> -> memref<503808x128xf32, #tpu.memory_space<hbm>>
    tpu.wait_indirect_dma semaphore(%arg20 : memref<!tpu.dma_semaphore, #tpu.memory_space<semaphore_mem>>) src(%dma_wait3A_548 : memref<503808x128xf32, #tpu.memory_space<hbm>>) dst(%arg15 : memref<128x128xf32, #tpu.memory_space<vmem>>)
    %add3A_549 = arith.constant 256 : i32
    %add3A_550 = arith.addi %mul3A_2, %add3A_549 : i32
    %dma_start3A_551 = arith.constant 0 : i32
    %dma_start3A_552 = tpu.memref_slice %arg8[%add3A_550, %dma_start3A_551] : memref<16384x128xf32, #tpu.memory_space<hbm>> -> memref<128x128xf32, #tpu.memory_space<hbm>>
    %dma_start3A_553 = arith.constant 0 : i32
    %dma_start3A_554 = tpu.memref_slice %arg8[%add3A_550, %dma_start3A_553] : memref<16384x128xf32, #tpu.memory_space<hbm>> -> memref<128x128xf32, #tpu.memory_space<hbm>>
    tpu.enqueue_dma source(%arg15 : memref<128x128xf32, #tpu.memory_space<vmem>>) target(%dma_start3A_554 : memref<128x128xf32, #tpu.memory_space<hbm>>) target_semaphore(%arg25 : memref<!tpu.dma_semaphore, #tpu.memory_space<semaphore_mem>>)
    %dma_wait3A_555 = arith.constant 0 : i32
    %dma_wait3A_556 = arith.constant 0 : i32
    %dma_wait3A_557 = tpu.memref_slice %arg9[%dma_wait3A_555, %dma_wait3A_556] : memref<50x128xi32, #tpu.memory_space<vmem>> -> memref<1x128xi32, #tpu.memory_space<vmem>>
    %dma_wait3A_558 = tpu.memref_squeeze %dma_wait3A_557 : memref<1x128xi32, #tpu.memory_space<vmem>> -> memref<128xi32, #tpu.memory_space<vmem>>
    %dma_wait3A_559 = arith.constant 0 : i32
    %dma_wait3A_560 = arith.constant 0 : i32
    %dma_wait3A_561 = tpu.memref_slice %arg2[%dma_wait3A_559, %dma_wait3A_560] : memref<503808x128xf32, #tpu.memory_space<hbm>> -> memref<503808x128xf32, #tpu.memory_space<hbm>>
    tpu.wait_indirect_dma semaphore(%arg21 : memref<!tpu.dma_semaphore, #tpu.memory_space<semaphore_mem>>) src(%dma_wait3A_561 : memref<503808x128xf32, #tpu.memory_space<hbm>>) dst(%arg16 : memref<128x128xf32, #tpu.memory_space<vmem>>)
    %add3A_562 = arith.constant 384 : i32
    %add3A_563 = arith.addi %mul3A_2, %add3A_562 : i32
    %dma_start3A_564 = arith.constant 0 : i32
    %dma_start3A_565 = tpu.memref_slice %arg8[%add3A_563, %dma_start3A_564] : memref<16384x128xf32, #tpu.memory_space<hbm>> -> memref<128x128xf32, #tpu.memory_space<hbm>>
    %dma_start3A_566 = arith.constant 0 : i32
    %dma_start3A_567 = tpu.memref_slice %arg8[%add3A_563, %dma_start3A_566] : memref<16384x128xf32, #tpu.memory_space<hbm>> -> memref<128x128xf32, #tpu.memory_space<hbm>>
    tpu.enqueue_dma source(%arg16 : memref<128x128xf32, #tpu.memory_space<vmem>>) target(%dma_start3A_567 : memref<128x128xf32, #tpu.memory_space<hbm>>) target_semaphore(%arg26 : memref<!tpu.dma_semaphore, #tpu.memory_space<semaphore_mem>>)
    %add3A_568 = arith.constant 0 : i32
    %add3A_569 = arith.addi %mul3A_2, %add3A_568 : i32
    %dma_wait3A_570 = arith.constant 0 : i32
    %dma_wait3A_571 = tpu.memref_slice %arg8[%add3A_569, %dma_wait3A_570] : memref<16384x128xf32, #tpu.memory_space<hbm>> -> memref<128x128xf32, #tpu.memory_space<hbm>>
    %dma_wait3A_572 = arith.constant 0 : i32
    %dma_wait3A_573 = tpu.memref_slice %arg8[%add3A_569, %dma_wait3A_572] : memref<16384x128xf32, #tpu.memory_space<hbm>> -> memref<128x128xf32, #tpu.memory_space<hbm>>
    tpu.wait_dma2 semaphore(%arg23 : memref<!tpu.dma_semaphore, #tpu.memory_space<semaphore_mem>>) src(%arg13 : memref<128x128xf32, #tpu.memory_space<vmem>>) dst(%dma_wait3A_573 : memref<128x128xf32, #tpu.memory_space<hbm>>)
    %add3A_574 = arith.constant 128 : i32
    %add3A_575 = arith.addi %mul3A_2, %add3A_574 : i32
    %dma_wait3A_576 = arith.constant 0 : i32
    %dma_wait3A_577 = tpu.memref_slice %arg8[%add3A_575, %dma_wait3A_576] : memref<16384x128xf32, #tpu.memory_space<hbm>> -> memref<128x128xf32, #tpu.memory_space<hbm>>
    %dma_wait3A_578 = arith.constant 0 : i32
    %dma_wait3A_579 = tpu.memref_slice %arg8[%add3A_575, %dma_wait3A_578] : memref<16384x128xf32, #tpu.memory_space<hbm>> -> memref<128x128xf32, #tpu.memory_space<hbm>>
    tpu.wait_dma2 semaphore(%arg24 : memref<!tpu.dma_semaphore, #tpu.memory_space<semaphore_mem>>) src(%arg14 : memref<128x128xf32, #tpu.memory_space<vmem>>) dst(%dma_wait3A_579 : memref<128x128xf32, #tpu.memory_space<hbm>>)
    %add3A_580 = arith.constant 256 : i32
    %add3A_581 = arith.addi %mul3A_2, %add3A_580 : i32
    %dma_wait3A_582 = arith.constant 0 : i32
    %dma_wait3A_583 = tpu.memref_slice %arg8[%add3A_581, %dma_wait3A_582] : memref<16384x128xf32, #tpu.memory_space<hbm>> -> memref<128x128xf32, #tpu.memory_space<hbm>>
    %dma_wait3A_584 = arith.constant 0 : i32
    %dma_wait3A_585 = tpu.memref_slice %arg8[%add3A_581, %dma_wait3A_584] : memref<16384x128xf32, #tpu.memory_space<hbm>> -> memref<128x128xf32, #tpu.memory_space<hbm>>
    tpu.wait_dma2 semaphore(%arg25 : memref<!tpu.dma_semaphore, #tpu.memory_space<semaphore_mem>>) src(%arg15 : memref<128x128xf32, #tpu.memory_space<vmem>>) dst(%dma_wait3A_585 : memref<128x128xf32, #tpu.memory_space<hbm>>)
    %add3A_586 = arith.constant 384 : i32
    %add3A_587 = arith.addi %mul3A_2, %add3A_586 : i32
    %dma_wait3A_588 = arith.constant 0 : i32
    %dma_wait3A_589 = tpu.memref_slice %arg8[%add3A_587, %dma_wait3A_588] : memref<16384x128xf32, #tpu.memory_space<hbm>> -> memref<128x128xf32, #tpu.memory_space<hbm>>
    %dma_wait3A_590 = arith.constant 0 : i32
    %dma_wait3A_591 = tpu.memref_slice %arg8[%add3A_587, %dma_wait3A_590] : memref<16384x128xf32, #tpu.memory_space<hbm>> -> memref<128x128xf32, #tpu.memory_space<hbm>>
    tpu.wait_dma2 semaphore(%arg26 : memref<!tpu.dma_semaphore, #tpu.memory_space<semaphore_mem>>) src(%arg16 : memref<128x128xf32, #tpu.memory_space<vmem>>) dst(%dma_wait3A_591 : memref<128x128xf32, #tpu.memory_space<hbm>>)
    %add3A_592 = arith.constant 384 : i32
    %add3A_593 = arith.addi %mul3A_2, %add3A_592 : i32
    %mul3A_594 = arith.constant 256 : i32
    %mul3A_595 = arith.muli %arg1, %mul3A_594 : i32
    %dma_wait3A_596 = arith.constant 0 : i32
    %dma_wait3A_597 = tpu.memref_slice %arg6[%add3A_593, %dma_wait3A_596] : memref<16384x128xf32, #tpu.memory_space<hbm>> -> memref<128x128xf32, #tpu.memory_space<hbm>>
    %dma_wait3A_598 = arith.constant 0 : i32
    %dma_wait3A_599 = tpu.memref_slice %arg12[%mul3A_595, %dma_wait3A_598] : memref<4096x128xf32, #tpu.memory_space<vmem_shared>> -> memref<128x128xf32, #tpu.memory_space<vmem_shared>>
    tpu.wait_dma2 semaphore(%arg28 : memref<!tpu.dma_semaphore, #tpu.memory_space<semaphore_mem>>) src(%dma_wait3A_599 : memref<128x128xf32, #tpu.memory_space<vmem_shared>>) dst(%dma_wait3A_597 : memref<128x128xf32, #tpu.memory_space<hbm>>)
    %mul3A_600 = arith.constant 256 : i32
    %mul3A_601 = arith.muli %arg1, %mul3A_600 : i32
    %add3A_602 = arith.constant 128 : i32
    %add3A_603 = arith.addi %mul3A_601, %add3A_602 : i32
    %dma_wait3A_604 = arith.constant 0 : i32
    %dma_wait3A_605 = tpu.memref_slice %arg7[%add3A_593, %dma_wait3A_604] : memref<16384x128xf32, #tpu.memory_space<hbm>> -> memref<128x128xf32, #tpu.memory_space<hbm>>
    %dma_wait3A_606 = arith.constant 0 : i32
    %dma_wait3A_607 = tpu.memref_slice %arg12[%add3A_603, %dma_wait3A_606] : memref<4096x128xf32, #tpu.memory_space<vmem_shared>> -> memref<128x128xf32, #tpu.memory_space<vmem_shared>>
    tpu.wait_dma2 semaphore(%arg28 : memref<!tpu.dma_semaphore, #tpu.memory_space<semaphore_mem>>) src(%dma_wait3A_607 : memref<128x128xf32, #tpu.memory_space<vmem_shared>>) dst(%dma_wait3A_605 : memref<128x128xf32, #tpu.memory_space<hbm>>)
    return
  }
}

module attributes {stable_mosaic.version = 14 : i64} {
  func.func @_pack_body(%arg0: i32, %arg1: memref<64x4096xf32, #tpu.memory_space<vmem>>, %arg2: memref<64x4096xf32, #tpu.memory_space<vmem>>, %arg3: memref<4096x128xf32, #tpu.memory_space<vmem>>) attributes {dimension_semantics = [#tpu.dimension_semantics<arbitrary>], iteration_bounds = array<i64: 123>, scalar_prefetch = 0 : i64, scratch_operands = 0 : i64, tpu.core_type = #tpu.core_type<tc>, window_params = [{transform_indices = @transform_0, window_bounds = array<i64: 64, 4096>}, {transform_indices = @transform_1, window_bounds = array<i64: 64, 4096>}, {transform_indices = @transform_2, window_bounds = array<i64: 4096, 128>}]} {
    %get3A = arith.constant 0 : index
    %get3A_0 = arith.constant 0 : index
    %get3A_1 = vector.load %arg1[%get3A, %get3A_0] : memref<64x4096xf32, #tpu.memory_space<vmem>>, vector<64x4096xf32>
    %transpose3A = tpu.transpose %get3A_1, [1, 0] : vector<64x4096xf32> -> vector<4096x64xf32>
    %get3A_2 = arith.constant 0 : index
    %get3A_3 = arith.constant 0 : index
    %get3A_4 = vector.load %arg2[%get3A_2, %get3A_3] : memref<64x4096xf32, #tpu.memory_space<vmem>>, vector<64x4096xf32>
    %transpose3A_5 = tpu.transpose %get3A_4, [1, 0] : vector<64x4096xf32> -> vector<4096x64xf32>
    %concatenate3A = tpu.concatenate %transpose3A, %transpose3A_5 in 1 : vector<4096x64xf32>, vector<4096x64xf32> -> vector<4096x128xf32>
    %swap3A = arith.constant 0 : index
    %swap3A_6 = arith.constant 0 : index
    %swap3A_7 = vector.load %arg3[%swap3A, %swap3A_6] : memref<4096x128xf32, #tpu.memory_space<vmem>>, vector<4096x128xf32>
    tpu.vector_store %arg3[%swap3A, %swap3A_6], %concatenate3A {strides = array<i32>} : memref<4096x128xf32, #tpu.memory_space<vmem>>, vector<4096x128xf32>,
    return
  }
  func.func @transform_0(%arg0: i32) -> (i32, i32) {
    %c0_i32 = arith.constant 0 : i32
    %c0_i32_0 = arith.constant 0 : i32
    return %c0_i32, %arg0 : i32, i32
  }
  func.func @transform_1(%arg0: i32) -> (i32, i32) {
    %add3A = arith.constant 123 : i32
    %add3A_0 = arith.addi %arg0, %add3A : i32
    %min3A = arith.constant 244 : i32
    %min3A_1 = arith.minsi %add3A_0, %min3A : i32
    %c0_i32 = arith.constant 0 : i32
    %c0_i32_2 = arith.constant 0 : i32
    return %c0_i32, %min3A_1 : i32, i32
  }
  func.func @transform_2(%arg0: i32) -> (i32, i32) {
    %c0_i32 = arith.constant 0 : i32
    %c0_i32_0 = arith.constant 0 : i32
    return %arg0, %c0_i32 : i32, i32
  }
}

module attributes {stable_mosaic.version = 14 : i64} {
  func.func @_tower_kernel(%arg0: i32, %arg1: memref<1024x128xf32, #tpu.memory_space<vmem>>, %arg2: memref<1024x128xf32, #tpu.memory_space<vmem>>, %arg3: memref<1024x128xf32, #tpu.memory_space<vmem>>, %arg4: memref<1024x128xf32, #tpu.memory_space<vmem>>, %arg5: memref<1024x1xf32, #tpu.memory_space<vmem>>, %arg6: memref<1024x1xf32, #tpu.memory_space<vmem>>, %arg7: memref<1024x50xi32, #tpu.memory_space<vmem>>, %arg8: memref<1024x8xi32, #tpu.memory_space<vmem>>, %arg9: memref<1024x8xi32, #tpu.memory_space<vmem>>, %arg10: memref<1024x2xf32, #tpu.memory_space<vmem>>, %arg11: memref<1024x3xf32, #tpu.memory_space<vmem>>, %arg12: memref<256x128xf32, #tpu.memory_space<vmem>>, %arg13: memref<2x64xf32, #tpu.memory_space<vmem>>, %arg14: memref<1x64xf32, #tpu.memory_space<vmem>>, %arg15: memref<64x128xf32, #tpu.memory_space<vmem>>, %arg16: memref<64x128xf32, #tpu.memory_space<vmem>>, %arg17: memref<64x128xf32, #tpu.memory_space<vmem>>, %arg18: memref<64x128xf32, #tpu.memory_space<vmem>>, %arg19: memref<1x128xf32, #tpu.memory_space<vmem>>, %arg20: memref<128x64xf32, #tpu.memory_space<vmem>>, %arg21: memref<1x64xf32, #tpu.memory_space<vmem>>, %arg22: memref<3x64xf32, #tpu.memory_space<vmem>>, %arg23: memref<1x64xf32, #tpu.memory_space<vmem>>, %arg24: memref<64x128xf32, #tpu.memory_space<vmem>>, %arg25: memref<64x128xf32, #tpu.memory_space<vmem>>, %arg26: memref<64x128xf32, #tpu.memory_space<vmem>>, %arg27: memref<1x128xf32, #tpu.memory_space<vmem>>, %arg28: memref<128x64xf32, #tpu.memory_space<vmem>>, %arg29: memref<1x64xf32, #tpu.memory_space<vmem>>, %arg30: memref<1024x64xf32, #tpu.memory_space<vmem>>, %arg31: memref<1024x64xf32, #tpu.memory_space<vmem>>) attributes {dimension_semantics = [#tpu.dimension_semantics<arbitrary>], iteration_bounds = array<i64: 16>, scalar_prefetch = 0 : i64, scratch_operands = 0 : i64, tpu.core_type = #tpu.core_type<tc>, window_params = [{transform_indices = @transform_0, window_bounds = array<i64: 1024, 128>}, {transform_indices = @transform_1, window_bounds = array<i64: 1024, 128>}, {transform_indices = @transform_2, window_bounds = array<i64: 1024, 128>}, {transform_indices = @transform_3, window_bounds = array<i64: 1024, 128>}, {transform_indices = @transform_4, window_bounds = array<i64: 1024, 1>}, {transform_indices = @transform_5, window_bounds = array<i64: 1024, 1>}, {transform_indices = @transform_6, window_bounds = array<i64: 1024, 50>}, {transform_indices = @transform_7, window_bounds = array<i64: 1024, 8>}, {transform_indices = @transform_8, window_bounds = array<i64: 1024, 8>}, {transform_indices = @transform_9, window_bounds = array<i64: 1024, 2>}, {transform_indices = @transform_10, window_bounds = array<i64: 1024, 3>}, {pipeline_mode = #tpu.pipeline_mode<synchronous>, transform_indices = @transform_11, window_bounds = array<i64: 256, 128>}, {pipeline_mode = #tpu.pipeline_mode<synchronous>, transform_indices = @transform_12, window_bounds = array<i64: 2, 64>}, {pipeline_mode = #tpu.pipeline_mode<synchronous>, transform_indices = @transform_13, window_bounds = array<i64: 1, 64>}, {pipeline_mode = #tpu.pipeline_mode<synchronous>, transform_indices = @transform_14, window_bounds = array<i64: 64, 128>}, {pipeline_mode = #tpu.pipeline_mode<synchronous>, transform_indices = @transform_15, window_bounds = array<i64: 64, 128>}, {pipeline_mode = #tpu.pipeline_mode<synchronous>, transform_indices = @transform_16, window_bounds = array<i64: 64, 128>}, {pipeline_mode = #tpu.pipeline_mode<synchronous>, transform_indices = @transform_17, window_bounds = array<i64: 64, 128>}, {pipeline_mode = #tpu.pipeline_mode<synchronous>, transform_indices = @transform_18, window_bounds = array<i64: 1, 128>}, {pipeline_mode = #tpu.pipeline_mode<synchronous>, transform_indices = @transform_19, window_bounds = array<i64: 128, 64>}, {pipeline_mode = #tpu.pipeline_mode<synchronous>, transform_indices = @transform_20, window_bounds = array<i64: 1, 64>}, {pipeline_mode = #tpu.pipeline_mode<synchronous>, transform_indices = @transform_21, window_bounds = array<i64: 3, 64>}, {pipeline_mode = #tpu.pipeline_mode<synchronous>, transform_indices = @transform_22, window_bounds = array<i64: 1, 64>}, {pipeline_mode = #tpu.pipeline_mode<synchronous>, transform_indices = @transform_23, window_bounds = array<i64: 64, 128>}, {pipeline_mode = #tpu.pipeline_mode<synchronous>, transform_indices = @transform_24, window_bounds = array<i64: 64, 128>}, {pipeline_mode = #tpu.pipeline_mode<synchronous>, transform_indices = @transform_25, window_bounds = array<i64: 64, 128>}, {pipeline_mode = #tpu.pipeline_mode<synchronous>, transform_indices = @transform_26, window_bounds = array<i64: 1, 128>}, {pipeline_mode = #tpu.pipeline_mode<synchronous>, transform_indices = @transform_27, window_bounds = array<i64: 128, 64>}, {pipeline_mode = #tpu.pipeline_mode<synchronous>, transform_indices = @transform_28, window_bounds = array<i64: 1, 64>}, {transform_indices = @transform_29, window_bounds = array<i64: 1024, 64>}, {transform_indices = @transform_30, window_bounds = array<i64: 1024, 64>}]} {
    %get3A = arith.constant 0 : index
    %get3A_0 = arith.constant 0 : index
    %get3A_1 = vector.load %arg7[%get3A, %get3A_0] : memref<1024x50xi32, #tpu.memory_space<vmem>>, vector<1024x50xi32>
    %gt3A = arith.constant 0 : i32
    %gt3A_2 = vector.broadcast %gt3A : i32 to vector<1024x50xi32>
    %gt3A_3 = arith.cmpi sgt, %get3A_1, %gt3A_2 : vector<1024x50xi32>
    %convert_element_type3A = arith.extui %gt3A_3 : vector<1024x50xi1> to vector<1024x50xi32>
    %convert_element_type3A_4 = arith.sitofp %convert_element_type3A : vector<1024x50xi32> to vector<1024x50xf32>
    %reduce_sum3A = arith.constant dense<0.000000e+00> : vector<1024xf32>
    %reduce_sum3A_5 = vector.multi_reduction <add>, %convert_element_type3A_4, %reduce_sum3A [1] : vector<1024x50xf32> to vector<1024xf32>
    %broadcast_in_dim3A = vector.shape_cast %reduce_sum3A_5 : vector<1024xf32> to vector<1024x1xf32>
    %get3A_6 = arith.constant 0 : index
    %get3A_7 = arith.constant 0 : index
    %get3A_8 = vector.load %arg1[%get3A_6, %get3A_7] : memref<1024x128xf32, #tpu.memory_space<vmem>>, vector<1024x64xf32>
    %get3A_9 = arith.constant 0 : index
    %get3A_10 = arith.constant 64 : index
    %get3A_11 = vector.load %arg2[%get3A_9, %get3A_10] : memref<1024x128xf32, #tpu.memory_space<vmem>>, vector<1024x64xf32>
    %add3A = arith.addf %get3A_8, %get3A_11 : vector<1024x64xf32>
    %add3A_12 = arith.constant 9.99999993E-9 : f32
    %add3A_13 = vector.broadcast %add3A_12 : f32 to vector<1024x1xf32>
    %add3A_14 = arith.addf %broadcast_in_dim3A, %add3A_13 : vector<1024x1xf32>
    %div3A = vector.broadcast %add3A_14 : vector<1024x1xf32> to vector<1024x64xf32>
    %div3A_15 = arith.divf %add3A, %div3A : vector<1024x64xf32>
    %get3A_16 = arith.constant 0 : index
    %get3A_17 = arith.constant 0 : index
    %get3A_18 = vector.load %arg8[%get3A_16, %get3A_17] : memref<1024x8xi32, #tpu.memory_space<vmem>>, vector<1024x8xi32>
    %iota3A = tpu.iota {dimensions = array<i32: 1>} : vector<8x256xi32>
    %shift_right_arithmetic3A = arith.constant 5 : i32
    %shift_right_arithmetic3A_19 = vector.broadcast %shift_right_arithmetic3A : i32 to vector<8x256xi32>
    %shift_right_arithmetic3A_20 = arith.shrsi %iota3A, %shift_right_arithmetic3A_19 : vector<8x256xi32>
    %iota3A_21 = tpu.iota {dimensions = array<i32: 0>} : vector<8x256xi32>
    %eq3A = arith.cmpi eq, %iota3A_21, %shift_right_arithmetic3A_20 : vector<8x256xi32>
    %convert_element_type3A_22 = arith.extui %eq3A : vector<8x256xi1> to vector<8x256xi32>
    %convert_element_type3A_23 = arith.sitofp %convert_element_type3A_22 : vector<8x256xi32> to vector<8x256xf32>
    %convert_element_type3A_24 = arith.sitofp %get3A_18 : vector<1024x8xi32> to vector<1024x8xf32>
    %dot_general3A = arith.constant dense<0.000000e+00> : vector<1024x256xf32>
    %dot_general3A_25 = tpu.matmul %convert_element_type3A_24, %convert_element_type3A_23, %dot_general3A {dimension_numbers = #tpu.dot_dimension_numbers<[1], [0], [0], [1], [0, 0, 1, 1], [], []>, transpose_lhs_hint = false} : vector<1024x8xf32>, vector<8x256xf32>, vector<1024x256xf32> -> vector<1024x256xf32>
    %iota3A_26 = tpu.iota {dimensions = array<i32: 1>} : vector<1024x256xi32>
    %and3A = arith.constant 31 : i32
    %and3A_27 = vector.broadcast %and3A : i32 to vector<1024x256xi32>
    %and3A_28 = arith.andi %iota3A_26, %and3A_27 : vector<1024x256xi32>
    %convert_element_type3A_29 = arith.sitofp %and3A_28 : vector<1024x256xi32> to vector<1024x256xf32>
    %eq3A_30 = arith.cmpf oeq, %dot_general3A_25, %convert_element_type3A_29 : vector<1024x256xf32>
    %convert_element_type3A_31 = arith.extui %eq3A_30 : vector<1024x256xi1> to vector<1024x256xi32>
    %convert_element_type3A_32 = arith.sitofp %convert_element_type3A_31 : vector<1024x256xi32> to vector<1024x256xf32>
    %get3A_33 = arith.constant 0 : index
    %get3A_34 = arith.constant 0 : index
    %get3A_35 = vector.load %arg12[%get3A_33, %get3A_34] : memref<256x128xf32, #tpu.memory_space<vmem>>, vector<256x128xf32>
    %dot_general3A_36 = arith.constant dense<0.000000e+00> : vector<1024x128xf32>
    %dot_general3A_37 = tpu.matmul %convert_element_type3A_32, %get3A_35, %dot_general3A_36 {dimension_numbers = #tpu.dot_dimension_numbers<[1], [0], [0], [1], [0, 0, 1, 1], [], []>, transpose_lhs_hint = false} : vector<1024x256xf32>, vector<256x128xf32>, vector<1024x128xf32> -> vector<1024x128xf32>
    %slice3A = vector.extract_strided_slice %dot_general3A_37 {offsets = [0, 0], sizes = [1024, 64], strides = [1, 1]} : vector<1024x128xf32> to vector<1024x64xf32>
    %slice3A_38 = vector.extract_strided_slice %dot_general3A_37 {offsets = [0, 64], sizes = [1024, 1], strides = [1, 1]} : vector<1024x128xf32> to vector<1024x1xf32>
    %add3A_39 = arith.constant 9.99999993E-9 : f32
    %add3A_40 = vector.broadcast %add3A_39 : f32 to vector<1024x1xf32>
    %add3A_41 = arith.addf %slice3A_38, %add3A_40 : vector<1024x1xf32>
    %div3A_42 = vector.broadcast %add3A_41 : vector<1024x1xf32> to vector<1024x64xf32>
    %div3A_43 = arith.divf %slice3A, %div3A_42 : vector<1024x64xf32>
    %get3A_44 = arith.constant 0 : index
    %get3A_45 = arith.constant 0 : index
    %get3A_46 = vector.load %arg10[%get3A_44, %get3A_45] : memref<1024x2xf32, #tpu.memory_space<vmem>>, vector<1024x2xf32>
    %get3A_47 = arith.constant 0 : index
    %get3A_48 = arith.constant 0 : index
    %get3A_49 = vector.load %arg13[%get3A_47, %get3A_48] : memref<2x64xf32, #tpu.memory_space<vmem>>, vector<2x64xf32>
    %dot_general3A_50 = arith.constant dense<0.000000e+00> : vector<1024x64xf32>
    %dot_general3A_51 = tpu.matmul %get3A_46, %get3A_49, %dot_general3A_50 {dimension_numbers = #tpu.dot_dimension_numbers<[1], [0], [0], [1], [0, 0, 1, 1], [], []>, transpose_lhs_hint = false} : vector<1024x2xf32>, vector<2x64xf32>, vector<1024x64xf32> -> vector<1024x64xf32>
    %get3A_52 = arith.constant 0 : index
    %get3A_53 = arith.constant 0 : index
    %get3A_54 = vector.load %arg14[%get3A_52, %get3A_53] : memref<1x64xf32, #tpu.memory_space<vmem>>, vector<1x64xf32>
    %add3A_55 = vector.broadcast %get3A_54 : vector<1x64xf32> to vector<1024x64xf32>
    %add3A_56 = arith.addf %dot_general3A_51, %add3A_55 : vector<1024x64xf32>
    %max3A = arith.constant 0.000000e+00 : f32
    %max3A_57 = vector.broadcast %max3A : f32 to vector<1024x64xf32>
    %max3A_58 = arith.maximumf %add3A_56, %max3A_57 : vector<1024x64xf32>
    %get3A_59 = arith.constant 0 : index
    %get3A_60 = arith.constant 0 : index
    %get3A_61 = vector.load %arg3[%get3A_59, %get3A_60] : memref<1024x128xf32, #tpu.memory_space<vmem>>, vector<1024x128xf32>
    %get3A_62 = arith.constant 0 : index
    %get3A_63 = arith.constant 0 : index
    %get3A_64 = vector.load %arg5[%get3A_62, %get3A_63] : memref<1024x1xf32, #tpu.memory_space<vmem>>, vector<1024x1xf32>
    %slice3A_65 = vector.extract_strided_slice %get3A_61 {offsets = [0, 0], sizes = [1024, 64], strides = [1, 1]} : vector<1024x128xf32> to vector<1024x64xf32>
    %sub3A = arith.constant 1.000000e+00 : f32
    %sub3A_66 = vector.broadcast %sub3A : f32 to vector<1024x1xf32>
    %sub3A_67 = arith.subf %sub3A_66, %get3A_64 : vector<1024x1xf32>
    %mul3A = vector.broadcast %sub3A_67 : vector<1024x1xf32> to vector<1024x64xf32>
    %mul3A_68 = arith.mulf %slice3A_65, %mul3A : vector<1024x64xf32>
    %slice3A_69 = vector.extract_strided_slice %get3A_61 {offsets = [0, 64], sizes = [1024, 64], strides = [1, 1]} : vector<1024x128xf32> to vector<1024x64xf32>
    %mul3A_70 = vector.broadcast %get3A_64 : vector<1024x1xf32> to vector<1024x64xf32>
    %mul3A_71 = arith.mulf %slice3A_69, %mul3A_70 : vector<1024x64xf32>
    %add3A_72 = arith.addf %mul3A_68, %mul3A_71 : vector<1024x64xf32>
    %get3A_73 = arith.constant 0 : index
    %get3A_74 = arith.constant 0 : index
    %get3A_75 = vector.load %arg15[%get3A_73, %get3A_74] : memref<64x128xf32, #tpu.memory_space<vmem>>, vector<64x128xf32>
    %dot_general3A_76 = arith.constant dense<0.000000e+00> : vector<1024x128xf32>
    %dot_general3A_77 = tpu.matmul %add3A_72, %get3A_75, %dot_general3A_76 {dimension_numbers = #tpu.dot_dimension_numbers<[1], [0], [0], [1], [0, 0, 1, 1], [], []>, transpose_lhs_hint = false} : vector<1024x64xf32>, vector<64x128xf32>, vector<1024x128xf32> -> vector<1024x128xf32>
    %get3A_78 = arith.constant 0 : index
    %get3A_79 = arith.constant 0 : index
    %get3A_80 = vector.load %arg16[%get3A_78, %get3A_79] : memref<64x128xf32, #tpu.memory_space<vmem>>, vector<64x128xf32>
    %dot_general3A_81 = arith.constant dense<0.000000e+00> : vector<1024x128xf32>
    %dot_general3A_82 = tpu.matmul %div3A_15, %get3A_80, %dot_general3A_81 {dimension_numbers = #tpu.dot_dimension_numbers<[1], [0], [0], [1], [0, 0, 1, 1], [], []>, transpose_lhs_hint = false} : vector<1024x64xf32>, vector<64x128xf32>, vector<1024x128xf32> -> vector<1024x128xf32>
    %add3A_83 = arith.addf %dot_general3A_77, %dot_general3A_82 : vector<1024x128xf32>
    %get3A_84 = arith.constant 0 : index
    %get3A_85 = arith.constant 0 : index
    %get3A_86 = vector.load %arg17[%get3A_84, %get3A_85] : memref<64x128xf32, #tpu.memory_space<vmem>>, vector<64x128xf32>
    %dot_general3A_87 = arith.constant dense<0.000000e+00> : vector<1024x128xf32>
    %dot_general3A_88 = tpu.matmul %div3A_43, %get3A_86, %dot_general3A_87 {dimension_numbers = #tpu.dot_dimension_numbers<[1], [0], [0], [1], [0, 0, 1, 1], [], []>, transpose_lhs_hint = false} : vector<1024x64xf32>, vector<64x128xf32>, vector<1024x128xf32> -> vector<1024x128xf32>
    %add3A_89 = arith.addf %add3A_83, %dot_general3A_88 : vector<1024x128xf32>
    %get3A_90 = arith.constant 0 : index
    %get3A_91 = arith.constant 0 : index
    %get3A_92 = vector.load %arg18[%get3A_90, %get3A_91] : memref<64x128xf32, #tpu.memory_space<vmem>>, vector<64x128xf32>
    %dot_general3A_93 = arith.constant dense<0.000000e+00> : vector<1024x128xf32>
    %dot_general3A_94 = tpu.matmul %max3A_58, %get3A_92, %dot_general3A_93 {dimension_numbers = #tpu.dot_dimension_numbers<[1], [0], [0], [1], [0, 0, 1, 1], [], []>, transpose_lhs_hint = false} : vector<1024x64xf32>, vector<64x128xf32>, vector<1024x128xf32> -> vector<1024x128xf32>
    %add3A_95 = arith.addf %add3A_89, %dot_general3A_94 : vector<1024x128xf32>
    %get3A_96 = arith.constant 0 : index
    %get3A_97 = arith.constant 0 : index
    %get3A_98 = vector.load %arg19[%get3A_96, %get3A_97] : memref<1x128xf32, #tpu.memory_space<vmem>>, vector<1x128xf32>
    %add3A_99 = vector.broadcast %get3A_98 : vector<1x128xf32> to vector<1024x128xf32>
    %add3A_100 = arith.addf %add3A_95, %add3A_99 : vector<1024x128xf32>
    %max3A_101 = arith.constant 0.000000e+00 : f32
    %max3A_102 = vector.broadcast %max3A_101 : f32 to vector<1024x128xf32>
    %max3A_103 = arith.maximumf %add3A_100, %max3A_102 : vector<1024x128xf32>
    %get3A_104 = arith.constant 0 : index
    %get3A_105 = arith.constant 0 : index
    %get3A_106 = vector.load %arg20[%get3A_104, %get3A_105] : memref<128x64xf32, #tpu.memory_space<vmem>>, vector<128x64xf32>
    %dot_general3A_107 = arith.constant dense<0.000000e+00> : vector<1024x64xf32>
    %dot_general3A_108 = tpu.matmul %max3A_103, %get3A_106, %dot_general3A_107 {dimension_numbers = #tpu.dot_dimension_numbers<[1], [0], [0], [1], [0, 0, 1, 1], [], []>, transpose_lhs_hint = false} : vector<1024x128xf32>, vector<128x64xf32>, vector<1024x64xf32> -> vector<1024x64xf32>
    %get3A_109 = arith.constant 0 : index
    %get3A_110 = arith.constant 0 : index
    %get3A_111 = vector.load %arg21[%get3A_109, %get3A_110] : memref<1x64xf32, #tpu.memory_space<vmem>>, vector<1x64xf32>
    %add3A_112 = vector.broadcast %get3A_111 : vector<1x64xf32> to vector<1024x64xf32>
    %add3A_113 = arith.addf %dot_general3A_108, %add3A_112 : vector<1024x64xf32>
    %mul3A_114 = arith.mulf %add3A_113, %add3A_113 : vector<1024x64xf32>
    %reduce_sum3A_115 = arith.constant dense<0.000000e+00> : vector<1024xf32>
    %reduce_sum3A_116 = vector.multi_reduction <add>, %mul3A_114, %reduce_sum3A_115 [1] : vector<1024x64xf32> to vector<1024xf32>
    %broadcast_in_dim3A_117 = vector.shape_cast %reduce_sum3A_116 : vector<1024xf32> to vector<1024x1xf32>
    %sqrt3A = math.sqrt %broadcast_in_dim3A_117 : vector<1024x1xf32>
    %max3A_118 = arith.constant 9.99999996E-13 : f32
    %max3A_119 = vector.broadcast %max3A_118 : f32 to vector<1024x1xf32>
    %max3A_120 = arith.maximumf %sqrt3A, %max3A_119 : vector<1024x1xf32>
    %div3A_121 = vector.broadcast %max3A_120 : vector<1024x1xf32> to vector<1024x64xf32>
    %div3A_122 = arith.divf %add3A_113, %div3A_121 : vector<1024x64xf32>
    %swap3A = arith.constant 0 : index
    %swap3A_123 = arith.constant 0 : index
    %swap3A_124 = vector.load %arg30[%swap3A, %swap3A_123] : memref<1024x64xf32, #tpu.memory_space<vmem>>, vector<1024x64xf32>
    tpu.vector_store %arg30[%swap3A, %swap3A_123], %div3A_122 {strides = array<i32>} : memref<1024x64xf32, #tpu.memory_space<vmem>>, vector<1024x64xf32>,
    %get3A_125 = arith.constant 0 : index
    %get3A_126 = arith.constant 0 : index
    %get3A_127 = vector.load %arg9[%get3A_125, %get3A_126] : memref<1024x8xi32, #tpu.memory_space<vmem>>, vector<1024x8xi32>
    %iota3A_128 = tpu.iota {dimensions = array<i32: 1>} : vector<8x256xi32>
    %shift_right_arithmetic3A_129 = arith.constant 5 : i32
    %shift_right_arithmetic3A_130 = vector.broadcast %shift_right_arithmetic3A_129 : i32 to vector<8x256xi32>
    %shift_right_arithmetic3A_131 = arith.shrsi %iota3A_128, %shift_right_arithmetic3A_130 : vector<8x256xi32>
    %iota3A_132 = tpu.iota {dimensions = array<i32: 0>} : vector<8x256xi32>
    %eq3A_133 = arith.cmpi eq, %iota3A_132, %shift_right_arithmetic3A_131 : vector<8x256xi32>
    %convert_element_type3A_134 = arith.extui %eq3A_133 : vector<8x256xi1> to vector<8x256xi32>
    %convert_element_type3A_135 = arith.sitofp %convert_element_type3A_134 : vector<8x256xi32> to vector<8x256xf32>
    %convert_element_type3A_136 = arith.sitofp %get3A_127 : vector<1024x8xi32> to vector<1024x8xf32>
    %dot_general3A_137 = arith.constant dense<0.000000e+00> : vector<1024x256xf32>
    %dot_general3A_138 = tpu.matmul %convert_element_type3A_136, %convert_element_type3A_135, %dot_general3A_137 {dimension_numbers = #tpu.dot_dimension_numbers<[1], [0], [0], [1], [0, 0, 1, 1], [], []>, transpose_lhs_hint = false} : vector<1024x8xf32>, vector<8x256xf32>, vector<1024x256xf32> -> vector<1024x256xf32>
    %iota3A_139 = tpu.iota {dimensions = array<i32: 1>} : vector<1024x256xi32>
    %and3A_140 = arith.constant 31 : i32
    %and3A_141 = vector.broadcast %and3A_140 : i32 to vector<1024x256xi32>
    %and3A_142 = arith.andi %iota3A_139, %and3A_141 : vector<1024x256xi32>
    %convert_element_type3A_143 = arith.sitofp %and3A_142 : vector<1024x256xi32> to vector<1024x256xf32>
    %eq3A_144 = arith.cmpf oeq, %dot_general3A_138, %convert_element_type3A_143 : vector<1024x256xf32>
    %convert_element_type3A_145 = arith.extui %eq3A_144 : vector<1024x256xi1> to vector<1024x256xi32>
    %convert_element_type3A_146 = arith.sitofp %convert_element_type3A_145 : vector<1024x256xi32> to vector<1024x256xf32>
    %get3A_147 = arith.constant 0 : index
    %get3A_148 = arith.constant 0 : index
    %get3A_149 = vector.load %arg12[%get3A_147, %get3A_148] : memref<256x128xf32, #tpu.memory_space<vmem>>, vector<256x128xf32>
    %dot_general3A_150 = arith.constant dense<0.000000e+00> : vector<1024x128xf32>
    %dot_general3A_151 = tpu.matmul %convert_element_type3A_146, %get3A_149, %dot_general3A_150 {dimension_numbers = #tpu.dot_dimension_numbers<[1], [0], [0], [1], [0, 0, 1, 1], [], []>, transpose_lhs_hint = false} : vector<1024x256xf32>, vector<256x128xf32>, vector<1024x128xf32> -> vector<1024x128xf32>
    %slice3A_152 = vector.extract_strided_slice %dot_general3A_151 {offsets = [0, 0], sizes = [1024, 64], strides = [1, 1]} : vector<1024x128xf32> to vector<1024x64xf32>
    %slice3A_153 = vector.extract_strided_slice %dot_general3A_151 {offsets = [0, 64], sizes = [1024, 1], strides = [1, 1]} : vector<1024x128xf32> to vector<1024x1xf32>
    %add3A_154 = arith.constant 9.99999993E-9 : f32
    %add3A_155 = vector.broadcast %add3A_154 : f32 to vector<1024x1xf32>
    %add3A_156 = arith.addf %slice3A_153, %add3A_155 : vector<1024x1xf32>
    %div3A_157 = vector.broadcast %add3A_156 : vector<1024x1xf32> to vector<1024x64xf32>
    %div3A_158 = arith.divf %slice3A_152, %div3A_157 : vector<1024x64xf32>
    %get3A_159 = arith.constant 0 : index
    %get3A_160 = arith.constant 0 : index
    %get3A_161 = vector.load %arg11[%get3A_159, %get3A_160] : memref<1024x3xf32, #tpu.memory_space<vmem>>, vector<1024x3xf32>
    %get3A_162 = arith.constant 0 : index
    %get3A_163 = arith.constant 0 : index
    %get3A_164 = vector.load %arg22[%get3A_162, %get3A_163] : memref<3x64xf32, #tpu.memory_space<vmem>>, vector<3x64xf32>
    %dot_general3A_165 = arith.constant dense<0.000000e+00> : vector<1024x64xf32>
    %dot_general3A_166 = tpu.matmul %get3A_161, %get3A_164, %dot_general3A_165 {dimension_numbers = #tpu.dot_dimension_numbers<[1], [0], [0], [1], [0, 0, 1, 1], [], []>, transpose_lhs_hint = false} : vector<1024x3xf32>, vector<3x64xf32>, vector<1024x64xf32> -> vector<1024x64xf32>
    %get3A_167 = arith.constant 0 : index
    %get3A_168 = arith.constant 0 : index
    %get3A_169 = vector.load %arg23[%get3A_167, %get3A_168] : memref<1x64xf32, #tpu.memory_space<vmem>>, vector<1x64xf32>
    %add3A_170 = vector.broadcast %get3A_169 : vector<1x64xf32> to vector<1024x64xf32>
    %add3A_171 = arith.addf %dot_general3A_166, %add3A_170 : vector<1024x64xf32>
    %max3A_172 = arith.constant 0.000000e+00 : f32
    %max3A_173 = vector.broadcast %max3A_172 : f32 to vector<1024x64xf32>
    %max3A_174 = arith.maximumf %add3A_171, %max3A_173 : vector<1024x64xf32>
    %get3A_175 = arith.constant 0 : index
    %get3A_176 = arith.constant 0 : index
    %get3A_177 = vector.load %arg4[%get3A_175, %get3A_176] : memref<1024x128xf32, #tpu.memory_space<vmem>>, vector<1024x128xf32>
    %get3A_178 = arith.constant 0 : index
    %get3A_179 = arith.constant 0 : index
    %get3A_180 = vector.load %arg6[%get3A_178, %get3A_179] : memref<1024x1xf32, #tpu.memory_space<vmem>>, vector<1024x1xf32>
    %slice3A_181 = vector.extract_strided_slice %get3A_177 {offsets = [0, 0], sizes = [1024, 64], strides = [1, 1]} : vector<1024x128xf32> to vector<1024x64xf32>
    %sub3A_182 = arith.constant 1.000000e+00 : f32
    %sub3A_183 = vector.broadcast %sub3A_182 : f32 to vector<1024x1xf32>
    %sub3A_184 = arith.subf %sub3A_183, %get3A_180 : vector<1024x1xf32>
    %mul3A_185 = vector.broadcast %sub3A_184 : vector<1024x1xf32> to vector<1024x64xf32>
    %mul3A_186 = arith.mulf %slice3A_181, %mul3A_185 : vector<1024x64xf32>
    %slice3A_187 = vector.extract_strided_slice %get3A_177 {offsets = [0, 64], sizes = [1024, 64], strides = [1, 1]} : vector<1024x128xf32> to vector<1024x64xf32>
    %mul3A_188 = vector.broadcast %get3A_180 : vector<1024x1xf32> to vector<1024x64xf32>
    %mul3A_189 = arith.mulf %slice3A_187, %mul3A_188 : vector<1024x64xf32>
    %add3A_190 = arith.addf %mul3A_186, %mul3A_189 : vector<1024x64xf32>
    %get3A_191 = arith.constant 0 : index
    %get3A_192 = arith.constant 0 : index
    %get3A_193 = vector.load %arg24[%get3A_191, %get3A_192] : memref<64x128xf32, #tpu.memory_space<vmem>>, vector<64x128xf32>
    %dot_general3A_194 = arith.constant dense<0.000000e+00> : vector<1024x128xf32>
    %dot_general3A_195 = tpu.matmul %add3A_190, %get3A_193, %dot_general3A_194 {dimension_numbers = #tpu.dot_dimension_numbers<[1], [0], [0], [1], [0, 0, 1, 1], [], []>, transpose_lhs_hint = false} : vector<1024x64xf32>, vector<64x128xf32>, vector<1024x128xf32> -> vector<1024x128xf32>
    %get3A_196 = arith.constant 0 : index
    %get3A_197 = arith.constant 0 : index
    %get3A_198 = vector.load %arg25[%get3A_196, %get3A_197] : memref<64x128xf32, #tpu.memory_space<vmem>>, vector<64x128xf32>
    %dot_general3A_199 = arith.constant dense<0.000000e+00> : vector<1024x128xf32>
    %dot_general3A_200 = tpu.matmul %div3A_158, %get3A_198, %dot_general3A_199 {dimension_numbers = #tpu.dot_dimension_numbers<[1], [0], [0], [1], [0, 0, 1, 1], [], []>, transpose_lhs_hint = false} : vector<1024x64xf32>, vector<64x128xf32>, vector<1024x128xf32> -> vector<1024x128xf32>
    %add3A_201 = arith.addf %dot_general3A_195, %dot_general3A_200 : vector<1024x128xf32>
    %get3A_202 = arith.constant 0 : index
    %get3A_203 = arith.constant 0 : index
    %get3A_204 = vector.load %arg26[%get3A_202, %get3A_203] : memref<64x128xf32, #tpu.memory_space<vmem>>, vector<64x128xf32>
    %dot_general3A_205 = arith.constant dense<0.000000e+00> : vector<1024x128xf32>
    %dot_general3A_206 = tpu.matmul %max3A_174, %get3A_204, %dot_general3A_205 {dimension_numbers = #tpu.dot_dimension_numbers<[1], [0], [0], [1], [0, 0, 1, 1], [], []>, transpose_lhs_hint = false} : vector<1024x64xf32>, vector<64x128xf32>, vector<1024x128xf32> -> vector<1024x128xf32>
    %add3A_207 = arith.addf %add3A_201, %dot_general3A_206 : vector<1024x128xf32>
    %get3A_208 = arith.constant 0 : index
    %get3A_209 = arith.constant 0 : index
    %get3A_210 = vector.load %arg27[%get3A_208, %get3A_209] : memref<1x128xf32, #tpu.memory_space<vmem>>, vector<1x128xf32>
    %add3A_211 = vector.broadcast %get3A_210 : vector<1x128xf32> to vector<1024x128xf32>
    %add3A_212 = arith.addf %add3A_207, %add3A_211 : vector<1024x128xf32>
    %max3A_213 = arith.constant 0.000000e+00 : f32
    %max3A_214 = vector.broadcast %max3A_213 : f32 to vector<1024x128xf32>
    %max3A_215 = arith.maximumf %add3A_212, %max3A_214 : vector<1024x128xf32>
    %get3A_216 = arith.constant 0 : index
    %get3A_217 = arith.constant 0 : index
    %get3A_218 = vector.load %arg28[%get3A_216, %get3A_217] : memref<128x64xf32, #tpu.memory_space<vmem>>, vector<128x64xf32>
    %dot_general3A_219 = arith.constant dense<0.000000e+00> : vector<1024x64xf32>
    %dot_general3A_220 = tpu.matmul %max3A_215, %get3A_218, %dot_general3A_219 {dimension_numbers = #tpu.dot_dimension_numbers<[1], [0], [0], [1], [0, 0, 1, 1], [], []>, transpose_lhs_hint = false} : vector<1024x128xf32>, vector<128x64xf32>, vector<1024x64xf32> -> vector<1024x64xf32>
    %get3A_221 = arith.constant 0 : index
    %get3A_222 = arith.constant 0 : index
    %get3A_223 = vector.load %arg29[%get3A_221, %get3A_222] : memref<1x64xf32, #tpu.memory_space<vmem>>, vector<1x64xf32>
    %add3A_224 = vector.broadcast %get3A_223 : vector<1x64xf32> to vector<1024x64xf32>
    %add3A_225 = arith.addf %dot_general3A_220, %add3A_224 : vector<1024x64xf32>
    %mul3A_226 = arith.mulf %add3A_225, %add3A_225 : vector<1024x64xf32>
    %reduce_sum3A_227 = arith.constant dense<0.000000e+00> : vector<1024xf32>
    %reduce_sum3A_228 = vector.multi_reduction <add>, %mul3A_226, %reduce_sum3A_227 [1] : vector<1024x64xf32> to vector<1024xf32>
    %broadcast_in_dim3A_229 = vector.shape_cast %reduce_sum3A_228 : vector<1024xf32> to vector<1024x1xf32>
    %sqrt3A_230 = math.sqrt %broadcast_in_dim3A_229 : vector<1024x1xf32>
    %max3A_231 = arith.constant 9.99999996E-13 : f32
    %max3A_232 = vector.broadcast %max3A_231 : f32 to vector<1024x1xf32>
    %max3A_233 = arith.maximumf %sqrt3A_230, %max3A_232 : vector<1024x1xf32>
    %div3A_234 = vector.broadcast %max3A_233 : vector<1024x1xf32> to vector<1024x64xf32>
    %div3A_235 = arith.divf %add3A_225, %div3A_234 : vector<1024x64xf32>
    %swap3A_236 = arith.constant 0 : index
    %swap3A_237 = arith.constant 0 : index
    %swap3A_238 = vector.load %arg31[%swap3A_236, %swap3A_237] : memref<1024x64xf32, #tpu.memory_space<vmem>>, vector<1024x64xf32>
    tpu.vector_store %arg31[%swap3A_236, %swap3A_237], %div3A_235 {strides = array<i32>} : memref<1024x64xf32, #tpu.memory_space<vmem>>, vector<1024x64xf32>,
    return
  }
  func.func @transform_0(%arg0: i32) -> (i32, i32) {
    %c0_i32 = arith.constant 0 : i32
    %c0_i32_0 = arith.constant 0 : i32
    return %arg0, %c0_i32 : i32, i32
  }
  func.func @transform_1(%arg0: i32) -> (i32, i32) {
    %c0_i32 = arith.constant 0 : i32
    %c0_i32_0 = arith.constant 0 : i32
    return %arg0, %c0_i32 : i32, i32
  }
  func.func @transform_2(%arg0: i32) -> (i32, i32) {
    %c0_i32 = arith.constant 0 : i32
    %c0_i32_0 = arith.constant 0 : i32
    return %arg0, %c0_i32 : i32, i32
  }
  func.func @transform_3(%arg0: i32) -> (i32, i32) {
    %c0_i32 = arith.constant 0 : i32
    %c0_i32_0 = arith.constant 0 : i32
    return %arg0, %c0_i32 : i32, i32
  }
  func.func @transform_4(%arg0: i32) -> (i32, i32) {
    %c0_i32 = arith.constant 0 : i32
    %c0_i32_0 = arith.constant 0 : i32
    return %arg0, %c0_i32 : i32, i32
  }
  func.func @transform_5(%arg0: i32) -> (i32, i32) {
    %c0_i32 = arith.constant 0 : i32
    %c0_i32_0 = arith.constant 0 : i32
    return %arg0, %c0_i32 : i32, i32
  }
  func.func @transform_6(%arg0: i32) -> (i32, i32) {
    %c0_i32 = arith.constant 0 : i32
    %c0_i32_0 = arith.constant 0 : i32
    return %arg0, %c0_i32 : i32, i32
  }
  func.func @transform_7(%arg0: i32) -> (i32, i32) {
    %c0_i32 = arith.constant 0 : i32
    %c0_i32_0 = arith.constant 0 : i32
    return %arg0, %c0_i32 : i32, i32
  }
  func.func @transform_8(%arg0: i32) -> (i32, i32) {
    %c0_i32 = arith.constant 0 : i32
    %c0_i32_0 = arith.constant 0 : i32
    return %arg0, %c0_i32 : i32, i32
  }
  func.func @transform_9(%arg0: i32) -> (i32, i32) {
    %c0_i32 = arith.constant 0 : i32
    %c0_i32_0 = arith.constant 0 : i32
    return %arg0, %c0_i32 : i32, i32
  }
  func.func @transform_10(%arg0: i32) -> (i32, i32) {
    %c0_i32 = arith.constant 0 : i32
    %c0_i32_0 = arith.constant 0 : i32
    return %arg0, %c0_i32 : i32, i32
  }
  func.func @transform_11(%arg0: i32) -> (i32, i32) {
    %c0_i32 = arith.constant 0 : i32
    %c0_i32_0 = arith.constant 0 : i32
    %c0_i32_1 = arith.constant 0 : i32
    return %c0_i32, %c0_i32_0 : i32, i32
  }
  func.func @transform_12(%arg0: i32) -> (i32, i32) {
    %c0_i32 = arith.constant 0 : i32
    %c0_i32_0 = arith.constant 0 : i32
    %c0_i32_1 = arith.constant 0 : i32
    return %c0_i32, %c0_i32_0 : i32, i32
  }
  func.func @transform_13(%arg0: i32) -> (i32, i32) {
    %c0_i32 = arith.constant 0 : i32
    %c0_i32_0 = arith.constant 0 : i32
    %c0_i32_1 = arith.constant 0 : i32
    return %c0_i32, %c0_i32_0 : i32, i32
  }
  func.func @transform_14(%arg0: i32) -> (i32, i32) {
    %c0_i32 = arith.constant 0 : i32
    %c0_i32_0 = arith.constant 0 : i32
    %c0_i32_1 = arith.constant 0 : i32
    return %c0_i32, %c0_i32_0 : i32, i32
  }
  func.func @transform_15(%arg0: i32) -> (i32, i32) {
    %c0_i32 = arith.constant 0 : i32
    %c0_i32_0 = arith.constant 0 : i32
    %c0_i32_1 = arith.constant 0 : i32
    return %c0_i32, %c0_i32_0 : i32, i32
  }
  func.func @transform_16(%arg0: i32) -> (i32, i32) {
    %c0_i32 = arith.constant 0 : i32
    %c0_i32_0 = arith.constant 0 : i32
    %c0_i32_1 = arith.constant 0 : i32
    return %c0_i32, %c0_i32_0 : i32, i32
  }
  func.func @transform_17(%arg0: i32) -> (i32, i32) {
    %c0_i32 = arith.constant 0 : i32
    %c0_i32_0 = arith.constant 0 : i32
    %c0_i32_1 = arith.constant 0 : i32
    return %c0_i32, %c0_i32_0 : i32, i32
  }
  func.func @transform_18(%arg0: i32) -> (i32, i32) {
    %c0_i32 = arith.constant 0 : i32
    %c0_i32_0 = arith.constant 0 : i32
    %c0_i32_1 = arith.constant 0 : i32
    return %c0_i32, %c0_i32_0 : i32, i32
  }
  func.func @transform_19(%arg0: i32) -> (i32, i32) {
    %c0_i32 = arith.constant 0 : i32
    %c0_i32_0 = arith.constant 0 : i32
    %c0_i32_1 = arith.constant 0 : i32
    return %c0_i32, %c0_i32_0 : i32, i32
  }
  func.func @transform_20(%arg0: i32) -> (i32, i32) {
    %c0_i32 = arith.constant 0 : i32
    %c0_i32_0 = arith.constant 0 : i32
    %c0_i32_1 = arith.constant 0 : i32
    return %c0_i32, %c0_i32_0 : i32, i32
  }
  func.func @transform_21(%arg0: i32) -> (i32, i32) {
    %c0_i32 = arith.constant 0 : i32
    %c0_i32_0 = arith.constant 0 : i32
    %c0_i32_1 = arith.constant 0 : i32
    return %c0_i32, %c0_i32_0 : i32, i32
  }
  func.func @transform_22(%arg0: i32) -> (i32, i32) {
    %c0_i32 = arith.constant 0 : i32
    %c0_i32_0 = arith.constant 0 : i32
    %c0_i32_1 = arith.constant 0 : i32
    return %c0_i32, %c0_i32_0 : i32, i32
  }
  func.func @transform_23(%arg0: i32) -> (i32, i32) {
    %c0_i32 = arith.constant 0 : i32
    %c0_i32_0 = arith.constant 0 : i32
    %c0_i32_1 = arith.constant 0 : i32
    return %c0_i32, %c0_i32_0 : i32, i32
  }
  func.func @transform_24(%arg0: i32) -> (i32, i32) {
    %c0_i32 = arith.constant 0 : i32
    %c0_i32_0 = arith.constant 0 : i32
    %c0_i32_1 = arith.constant 0 : i32
    return %c0_i32, %c0_i32_0 : i32, i32
  }
  func.func @transform_25(%arg0: i32) -> (i32, i32) {
    %c0_i32 = arith.constant 0 : i32
    %c0_i32_0 = arith.constant 0 : i32
    %c0_i32_1 = arith.constant 0 : i32
    return %c0_i32, %c0_i32_0 : i32, i32
  }
  func.func @transform_26(%arg0: i32) -> (i32, i32) {
    %c0_i32 = arith.constant 0 : i32
    %c0_i32_0 = arith.constant 0 : i32
    %c0_i32_1 = arith.constant 0 : i32
    return %c0_i32, %c0_i32_0 : i32, i32
  }
  func.func @transform_27(%arg0: i32) -> (i32, i32) {
    %c0_i32 = arith.constant 0 : i32
    %c0_i32_0 = arith.constant 0 : i32
    %c0_i32_1 = arith.constant 0 : i32
    return %c0_i32, %c0_i32_0 : i32, i32
  }
  func.func @transform_28(%arg0: i32) -> (i32, i32) {
    %c0_i32 = arith.constant 0 : i32
    %c0_i32_0 = arith.constant 0 : i32
    %c0_i32_1 = arith.constant 0 : i32
    return %c0_i32, %c0_i32_0 : i32, i32
  }
  func.func @transform_29(%arg0: i32) -> (i32, i32) {
    %c0_i32 = arith.constant 0 : i32
    %c0_i32_0 = arith.constant 0 : i32
    return %arg0, %c0_i32 : i32, i32
  }
  func.func @transform_30(%arg0: i32) -> (i32, i32) {
    %c0_i32 = arith.constant 0 : i32
    %c0_i32_0 = arith.constant 0 : i32
    return %arg0, %c0_i32 : i32, i32
  }
}

</mosaic_0001>

<sc_bundles>
// kernel: kernel.10.cloned.1.call-start
scs
__scs_entry_jumppad:
0x0: {  	(pc) =	sbr.rel $0x88, $3  }
0x1: {  	(tag) =	ssettag $0x0;
	lr =	simm.s32 $0x1  }
0x2: {  	[smem:$0x3F88] =	sst lr;
	_ =	strace $0xD0000000  }
0x3: {  	_ = 	snop  }
0x4: {  	_ = 	snop  }
0x5: {  	_ = 	snop  }
0x6: {  	_ = 	snop  }
0x7: {  	_ = 	snop  }
__scs_overlays_trampoline_lowered:
0x8: {  	[smem:$0x3F97] =	sst s0  }
0x9: {  	[smem:$0x3F98] =	sst s1  }
0xa: {  	[smem:$0x3F99] =	sst s2  }
0xb: {  	[smem:$0x3F9A] =	sst s3  }
0xc: {  	[smem:$0x3F9B] =	sst s4  }
0xd: {  	[smem:$0x3F9C] =	sst s5  }
0xe: {  	[smem:$0x3F9D] =	sst s6  }
0xf: {  	[smem:$0x3F9E] =	sst s7  }
0x10: {  	[smem:$0x3F9F] =	sst s8  }
0x11: {  	[smem:$0x3FA0] =	sst s9;
	s0 =	simm.s32 @!p0 $0x0  }
0x12: {  	s1 =	sld [smem:$0x3F86];
	s0 =	simm.s32 @p0 $0x1  }
0x13: {  	[smem:$0x3FA1] =	sst s0;
	s0 =	simm.s32 @!p1 $0x0  }
0x14: {  	s2 =	sld [smem:$0x3F85];
	s0 =	simm.s32 @p1 $0x1  }
0x15: {  	[smem:$0x3FA2] =	sst s0;
	s0 =	simm.s32 @!p2 $0x0  }
0x16: {  	s3 =	sld [smem:$0x3FDB];
	s0 =	simm.s32 @p2 $0x1  }
0x17: {  	s4 =	simm.s32 $0x1BF5;
	[smem:$0x3FA4] =	sst s0  }
0x18: {  	s0 =	sld [smem:$0x3F87];
	_ =	swait.ge [sflag:s4], $0x0  }
0x19: {  	s7 =	sld [smem:$0x3F88]  }
0x1a: {  	s8 =	sadd.s32 $0xFFFFE003, lr  }
0x1b: {  	s9 =	sadd.s32 $0xFFFFFEF7, lr;
	s5 =	simm.s32 $0xFFFFFFFF;
	p2 =	slt.u32 s8, $0xFFFFF086  }
0x1c: {  	p1 =	slt.u32 s9, $0xF7A;
	s5 =	simm.s32 @!p2 $0x0  }
0x1d: {  	s5 =	simm.s32 @p1 $0x1;
	p0 =	seq.s32 s7, s2  }
0x1e: {  	s7 =	smul.u32 @!p0 $0xF7A, s2;
	p2 =	seq.s32 @!p0 s5, $0x0  }
0x1f: {  	s9 =	smul.u32 $0xF7A, s1;
	s8 =	simm.s32 @!p0 $0x1BF5;
	p2 =	por !p2, p0  }
0x20: {  	[sflag:s8] =	ssyncset.s32 @!p0 $0xFFFFF086;
	s6 =	sadd.s32 @!p0 s3, s7;
	s7 =	simm.s32 @!p0 $0x108  }
0x21: {  	s3 =	sadd.s32 s3, s9;
	s6 =	sadd.s32 @!p0 $0x88, s6;
	s7 =	simm.s32 @p2 $0x1082  }
0x22: {  	[simem:s7], [sflag:s8] =	dma.local @!p0 [hbm:s6], $0xF7A  }
0x23: {  	s9 =	sor.u32 $0xD0000000, s2;
	s6 =	simm.s32 $0x108;
	_ =	swait.ge @!p0 [sflag:s8], $0x0  }
0x24: {  	s3 =	sadd.s32 $0x88, s3;
	s6 =	simm.s32 @!p1 $0x1082;
	[sflag:s4] =	ssyncset.s32 $0xFFFFF086  }
0x25: {  	[simem:s6], [sflag:s4] =	dma.local [hbm:s3], $0xF7A  }
0x26: {  	[smem:$0x3F88] =	sst s1;
	(tag) =	ssettag s2;
	_ =	strace s9  }
0x27: {  	s1 =	sld [smem:$0x3F98]  }
0x28: {  	s2 =	sld [smem:$0x3F99]  }
0x29: {  	s4 =	sld [smem:$0x3F9B]  }
0x2a: {  	p0 =	seq.s32 s5, $0x0;
	s5 =	sld [smem:$0x3F9C]  }
0x2b: {  	s6 =	sld [smem:$0x3F9D]  }
0x2c: {  	s7 =	sld [smem:$0x3F9E]  }
0x2d: {  	s3 =	simm.s32 $0x108;
	s8 =	sld [smem:$0x3F9F]  }
0x2e: {  	s3 =	simm.s32 @!p0 $0x1082;
	s9 =	sld [smem:$0x3FA0]  }
0x2f: {  	lr =	sadd.s32 s0, s3;
	s0 =	sld [smem:$0x3F97]  }
0x30: {  	s3 =	sld [smem:$0x3F9A]  }
0x31: {  	[smem:$0x3FA3] =	sst s10  }
0x32: {  	s10 =	sld [smem:$0x3FA1];
	_ =	sdelay $0x3  }
0x33: {  	p0 =	seq.s32 s10, $0x1;
	s10 =	sld [smem:$0x3FA3];
	_ =	sdelay $0x3  }
0x34: {  	[smem:$0x3FA3] =	sst s10  }
0x35: {  	s10 =	sld [smem:$0x3FA2];
	_ =	sdelay $0x3  }
0x36: {  	p1 =	seq.s32 s10, $0x1;
	s10 =	sld [smem:$0x3FA3];
	_ =	sdelay $0x3  }
0x37: {  	[smem:$0x3FA3] =	sst s10  }
0x38: {  	s10 =	sld [smem:$0x3FA4]  }
0x39: {  	_ = 	snop;
	(pc) =	sbr.ind lr, $3  }
0x3a: {  	_ = 	snop  }
0x3b: {  	_ = 	snop  }
0x3c: {  	p2 =	seq.s32 s10, $0x1;
	s10 =	sld [smem:$0x3FA3]  }
0x3d: {  	_ =	shalt  }
0x3e: {  	_ =	shalt  }
0x3f: {  	_ =	shalt  }
0x40: {  	_ =	shalt  }
0x41: {  	_ =	shalt  }
0x42: {  	_ =	shalt  }
0x43: {  	_ =	shalt  }
0x44: {  	_ =	shalt  }
0x45: {  	_ =	shalt  }
0x46: {  	_ =	shalt  }
0x47: {  	_ =	shalt  }
0x48: {  	_ =	shalt  }
0x49: {  	_ =	shalt  }
0x4a: {  	_ =	shalt  }
0x4b: {  	_ =	shalt  }
0x4c: {  	_ =	shalt  }
0x4d: {  	_ =	shalt  }
0x4e: {  	_ =	shalt  }
0x4f: {  	_ =	shalt  }
0x50: {  	_ =	shalt  }
0x51: {  	_ =	shalt  }
0x52: {  	_ =	shalt  }
0x53: {  	_ =	shalt  }
0x54: {  	_ =	shalt  }
0x55: {  	_ =	shalt  }
0x56: {  	_ =	shalt  }
0x57: {  	_ =	shalt  }
0x58: {  	_ =	shalt  }
0x59: {  	_ =	shalt  }
0x5a: {  	_ =	shalt  }
0x5b: {  	_ =	shalt  }
0x5c: {  	_ =	shalt  }
0x5d: {  	_ =	shalt  }
0x5e: {  	_ =	shalt  }
0x5f: {  	_ =	shalt  }
0x60: {  	_ =	shalt  }
0x61: {  	_ =	shalt  }
0x62: {  	_ =	shalt  }
0x63: {  	_ =	shalt  }
0x64: {  	_ =	shalt  }
0x65: {  	_ =	shalt  }
0x66: {  	_ =	shalt  }
0x67: {  	_ =	shalt  }
0x68: {  	_ =	shalt  }
0x69: {  	_ =	shalt  }
0x6a: {  	_ =	shalt  }
0x6b: {  	_ =	shalt  }
0x6c: {  	_ =	shalt  }
0x6d: {  	_ =	shalt  }
0x6e: {  	_ =	shalt  }
0x6f: {  	_ =	shalt  }
0x70: {  	_ =	shalt  }
0x71: {  	_ =	shalt  }
0x72: {  	_ =	shalt  }
0x73: {  	_ =	shalt  }
0x74: {  	_ =	shalt  }
0x75: {  	_ =	shalt  }
0x76: {  	_ =	shalt  }
0x77: {  	_ =	shalt  }
0x78: {  	_ =	shalt  }
0x79: {  	_ =	shalt  }
0x7a: {  	_ =	shalt  }
0x7b: {  	_ =	shalt  }
0x7c: {  	_ =	shalt  }
0x7d: {  	_ =	shalt  }
0x7e: {  	_ =	shalt  }
0x7f: {  	_ =	shalt  }
0x80: {  	_ =	shalt  }
0x81: {  	_ =	shalt  }
0x82: {  	_ =	shalt  }
0x83: {  	_ =	shalt  }
0x84: {  	_ =	shalt  }
0x85: {  	_ =	shalt  }
0x86: {  	_ =	shalt  }
0x87: {  	_ =	shalt  }
.Lfunc_end0:
.L_simem_size_0:
called_computation.1_lowered:
.L_overlay_start_0:
0x88: {  	s2 =	sld [smem:$0x3FD9]  }
0x89: {  	s3 =	sld [smem:$0x3FFE];
	_ =	sdelay $0x1  }
0x8a: {  	s1 =	srdreg.scid  }
0x8b: {  	s0 =	sand.u32 $0x1, s1  }
0x8c: {  	s17 =	sshll.u32 s0, $0xA;
	s2 =	sadd.s32 s3, s2  }
0x8d: {  	s2 =	sadd.s32 s2, s17  }
0x8e: {  	[smem:$0x3FAF] =	sst s2  }
0x8f: {  	_ = 	snop  }
0x90: {  	(tm) =	ssettm $0x1  }
0x91: {  	s18 =	sld [smem:$0x3FFB];
	_ =	sdelay $0x3  }
0x92: {  	_ =	strace s18  }
0x93: {  	s2 =	sld [smem:$0x3FFC];
	_ =	sdelay $0x3  }
0x94: {  	_ =	strace s2  }
0x95: {  	s2 =	sld [smem:$0x3FFD];
	_ =	sdelay $0x3  }
0x96: {  	_ =	strace s2  }
0x97: {  	_ =	strace $0x8FFFFFFF  }
0x98: {  	s19 =	sld [smem:$0x3FDB];
	_ =	sdelay $0x1  }
0x99: {  	s20 =	simm.s32 $_scs_section_size  }
0x9a: {  	s4 =	simm.s32 $_size__tile_overlayer_lowered;
	s5 =	simm.s32 $_tile_overlayer_lowered  }
0x9b: {  	s6 =	simm.s32 $0x1BFF;
	s21 =	sshll.u32 s5, $0x1;
	s3 =	sadd.s32 s20, s19  }
0x9c: {  	s22 =	simm.s32 $0x0;
	s4 =	sshll.u32 s4, $0x1;
	s5 =	sadd.s32 s21, s3  }
0x9d: {  	[timem:s22], [sflag:s6] =	dma.local [hbm:s5], s4  }
0x9e: {  	_ =	swait.ge [sflag:s6], s4  }
0x9f: {  	s4 =	ssub.s32 $0x0, s4;
	[sflag:s6] =	ssyncset.done $0x0  }
0xa0: {  	[sflag:s6] =	ssyncadd.s32 s4;
	_ =	sdelay $0x1  }
0xa1: {  	s23 =	simm.s32 $0x1B8B  }
0xa2: {  	_ =	swait.ge [sflag:s23], $0x1  }
0xa3: {  	[sflag:s23] =	ssyncset.done $0x0  }
0xa4: {  	[sflag:s23] =	ssyncadd.s32 $0xFFFFFFFF  }
0xa5: {  	s4 =	sld [smem:$0x0]  }
0xa6: {  	s5 =	sand.u32 $0xFFFFFFFE, s1  }
0xa7: {  	p0 =	sne.s32 s1, s5  }
0xa8: {  	s5 =	sshll.u32 @p0 s5, $0xE  }
0xa9: {  	s5 =	sadd.s32 @p0 $0x11B8D, s5;
	s6 =	sshll.u32 @p0 s4, $0x11  }
0xaa: {  	s5 =	sor.u32 @p0 s6, s5  }
0xab: {  	[sflag:s5] =	ssyncadd.remote.s32 @p0 $0x1;
	_ =	sdelay $0x1  }
0xac: {  	s5 =	simm.s32 @p0 $0x1B8D  }
0xad: {  	_ =	swait.eq @p0 [sflag:s5], $0x1  }
0xae: {  	[sflag:s5] =	ssyncadd.s32 @p0 $0xFFFFFFFF  }
0xaf: {  	s6 =	sshll.u32 @!p0 s1, $0xE  }
0xb0: {  	s6 =	sor.u32 @!p0 $0x4000, s6;
	s5 =	simm.s32 @!p0 $0x1B8D  }
0xb1: {  	s4 =	sshll.u32 @!p0 s4, $0x11;
	s6 =	sadd.s32 @!p0 $0x11B8D, s6;
	_ =	swait.eq @!p0 [sflag:s5], $0x1  }
0xb2: {  	s4 =	sor.u32 @!p0 s4, s6;
	[sflag:s5] =	ssyncadd.s32 @!p0 $0xFFFFFFFF  }
0xb3: {  	s25 =	simm.s32 $0x1B8E;
	s24 =	sld [smem:$0x3FFE];
	[sflag:s4] =	ssyncadd.remote.s32 @!p0 $0x1  }
0xb4: {  	s26 =	simm.s32 $execute0_lowered;
	[smem:$0x3FD2] =	sst s25  }
0xb5: {  	s5 =	sshll.u32 s26, $0x1;
	_ =	strace $0x80000049;
	[dreg:$0x1] =	wrdreg $0xFFFFFFFF  }
0xb6: {  	s28 =	simm.s32 $_size_execute0_lowered;
	s3 =	sadd.s32 s3, s5;
	[dreg:$0x0] =	wrdreg $0x0  }
0xb7: {  	s5 =	sshll.u32 s28, $0x1;
	[dreg:$0x2] =	wrdreg s3  }
0xb8: {  	[dreg:$0x3] =	wrdreg s5  }
0xb9: {  	[dreg:$0x4] =	wrdreg $0xC0  }
0xba: {  	_ =	task [dreg:s22], $0x5FFFF  }
0xbb: {  	[dreg:$0x1] =	wrdreg $0xFFFFFFFF  }
0xbc: {  	[dreg:$0x0] =	wrdreg $0x60  }
0xbd: {  	[dreg:$0x2] =	wrdreg s24  }
0xbe: {  	[dreg:$0x3] =	wrdreg $0xA  }
0xbf: {  	_ =	task.clear_ibuf [dreg:s22], $0x4FFFF;
	_ =	strace $0x90000049  }
0xc0: {  	s29 =	simm.s32 $0xA;
	_ =	strace $0x8000004B  }
0xc1: {  	_ =	swait.ge [sflag:s29], $0x1  }
0xc2: {  	[sflag:s29] =	ssyncadd.s32 $0xFFFFFFFF  }
0xc3: {  	_ =	strace $0x9000004B  }
0xc4: {  	_ =	sfence  }
0xc5: {  	s30 =	sld [smem:$0x0];
	_ =	sdelay $0x2  }
0xc6: {  	s31 =	sshll.u32 s1, $0xD;
	s1 =	sshrl.u32 s1, $0x2  }
0xc7: {  	s4 =	sand.u32 $0x4000, s31;
	s1 =	sadd.s32 s1, s30  }
0xc8: {  	s0 =	sor.u32 s4, s0;
	s1 =	sshll.u32 s1, $0x11  }
0xc9: {  	s0 =	sor.u32 s1, s0  }
0xca: {  	s0 =	sadd.s32 $0x8F2B, s0  }
0xcb: {  	[sflag:s0] =	ssyncadd.remote.s32 $0x1  }
0xcc: {  	_ =	sfence.sel $0xFFFF  }
0xcd: {  	[dreg:$0x0] =	wrdreg $0xFFFFFFFF;
	(pc) =	sbr.abs _section_cstart, $3  }
0xce: {  	[dreg:$0x1] =	wrdreg $0xFFFFFFFF  }
0xcf: {  	_ =	task.clear_ibuf [dreg:s22], $0x2FFFF;
	_ =	strace $0x9FFFFFFF  }
0xd0: {  	(tm) =	ssettm $0x7FFFFFFF  }
0xd1: {  	_ =	shalt  }
tec
execute0_lowered:
.L_overlay_start_1:
0x0: {  	(tag) =	ssettag $0x1  }
0x1: {  	s1 =	srdreg.scid  }
0x2: {  	s0 =	stileid.u32;
	s23 =	sand.u32 $0x1, s1  }
0x3: {  	s31 =	sshll.u32 s0, $0xA;
	s2 =	sshll.u32 s23, $0x9  }
0x4: {  	s15 =	sor.u32 s2, s31  }
0x5: {  	s14 =	rddreg [dreg:$0x0];
	s2 =	simm.s32 $0x0;
	s3 =	sshrl.u32 s15, $0x3  }
0x6: {  	s4 =	simm.s32 $0x9;
	[smem:$0x7FF] =	sst s2;
	s3 =	sadd.s32 s3, s14  }
0x7: {  	s1 =	rddreg [dreg:$0x1];
	_ =	strace $0x8000004A;
	s3 =	sadd.s32 $0x1065000, s3  }
0x8: {  	[tilespmem:s2], [sflag:$0x9] =	stream.linear.gather [hbm4b:s3+s2], $0x200, $0x38;
	[tilespmem:$0x10200] =	vst v63  }
0x9: {  	_ =	swait.ge [sflag:s4], $0x200  }
0xa: {  	s6 =	simm.s32 $0x80;
	[sflag:s4] =	ssyncset.done $0x0  }
0xb: {  	s7 =	simm.s32 $0x200;
	s5 =	sadd.s32 $0x8B5000, s14;
	[sflag:s4] =	ssyncadd.s32 $0xFFFFFE00  }
0xc: {  	[tilespmem:s7], [sflag:$0x1] =	stream.indirect.gather [hbm4b:s5+s6], $0x80, s2, s6, $0xb8;
	[tilespmem:$0x10200] =	vst v63  }
0xd: {  	s8 =	simm.s32 $0x4200  }
0xe: {  	[tilespmem:s8], [sflag:$0x2] =	stream.indirect.gather [hbm4b:s5+s6], $0x80, s6, s6, $0xb8;
	[tilespmem:$0x10200] =	vst v63  }
0xf: {  	s9 =	simm.s32 $0x100;
	s10 =	simm.s32 $0x8200  }
0x10: {  	[tilespmem:s10], [sflag:$0x3] =	stream.indirect.gather [hbm4b:s5+s6], $0x80, s9, s6, $0xb8;
	[tilespmem:$0x10200] =	vst v63  }
0x11: {  	s11 =	simm.s32 $0x180;
	s12 =	simm.s32 $0xC200;
	s13 =	simm.s32 $0x1  }
0x12: {  	[tilespmem:s12], [sflag:$0x4] =	stream.indirect.gather [hbm4b:s5+s6], $0x80, s11, s6, $0xb8;
	[tilespmem:$0x10200] =	vst v63  }
0x13: {  	s15 =	sshll.u32 s15, $0x4;
	_ =	swait.ge [sflag:s13], $0x4000  }
0x14: {  	s20 =	sadd.s32 s15, s14;
	[sflag:s13] =	ssyncset.done $0x0  }
0x15: {  	s15 =	simm.s32 $0x2;
	s14 =	sadd.s32 $0x1065800, s20;
	[sflag:s13] =	ssyncadd.s32 $0xFFFFC000  }
0x16: {  	[hbm4b:s14+s2] =	stream.linear.scatter [tilespmem:s7], [sflag:$0x5], $0x4000, $0x38;
	[tilespmem:$0x10200] =	vst v63  }
0x17: {  	_ =	swait.ge [sflag:s15], $0x4000  }
0x18: {  	[sflag:s15] =	ssyncset.done $0x0  }
0x19: {  	s17 =	simm.s32 $0x3;
	s16 =	sadd.s32 $0x1066000, s20;
	[sflag:s15] =	ssyncadd.s32 $0xFFFFC000  }
0x1a: {  	[hbm4b:s16+s2] =	stream.linear.scatter [tilespmem:s8], [sflag:$0x6], $0x4000, $0x38;
	[tilespmem:$0x10200] =	vst v63  }
0x1b: {  	_ =	swait.ge [sflag:s17], $0x4000  }
0x1c: {  	[sflag:s17] =	ssyncset.done $0x0  }
0x1d: {  	s19 =	simm.s32 $0x4;
	s18 =	sadd.s32 $0x1066800, s20;
	[sflag:s17] =	ssyncadd.s32 $0xFFFFC000  }
0x1e: {  	[hbm4b:s18+s2] =	stream.linear.scatter [tilespmem:s10], [sflag:$0x7], $0x4000, $0x38;
	[tilespmem:$0x10200] =	vst v63  }
0x1f: {  	_ =	swait.ge [sflag:s19], $0x4000  }
0x20: {  	[sflag:s19] =	ssyncset.done $0x0  }
0x21: {  	s21 =	simm.s32 $0x5;
	s20 =	sadd.s32 $0x1067000, s20;
	[sflag:s19] =	ssyncadd.s32 $0xFFFFC000  }
0x22: {  	[hbm4b:s20+s2] =	stream.linear.scatter [tilespmem:s12], [sflag:$0x8], $0x4000, $0x38;
	[tilespmem:$0x10200] =	vst v63  }
0x23: {  	_ =	swait.ge [sflag:s21], $0x4000  }
0x24: {  	s24 =	ssub.s32 $0x2, s23;
	[sflag:s21] =	ssyncset.done $0x0  }
0x25: {  	s22 =	simm.s32 $0x6;
	s25 =	sshrl.u32 s24, $0x1;
	[sflag:s21] =	ssyncadd.s32 $0xFFFFC000  }
0x26: {  	s24 =	ssub.s32 s24, s25;
	_ =	swait.ge [sflag:s22], $0x4000  }
0x27: {  	s25 =	smax.u32 s24, $0x1;
	[sflag:s22] =	ssyncset.done $0x0  }
0x28: {  	s23 =	simm.s32 $0x7;
	p0 =	sne.s32 s25, $0x1;
	[sflag:s22] =	ssyncadd.s32 $0xFFFFC000  }
.Ltmp0:
0x29: {  	_ =	swait.ge [sflag:s23], $0x4000;
	(pc) =	sbr.rel @!p0 .LBB2_2-.Ltmp0, $4  }
0x2a: {  	[sflag:s23] =	ssyncset.done $0x0  }
0x2b: {  	s24 =	simm.s32 $0x8;
	[sflag:s23] =	ssyncadd.s32 $0xFFFFC000  }
0x2c: {  	_ =	swait.ge [sflag:s24], $0x4000  }
0x2d: {  	s25 =	sadd.s32 $0xFFFFFFFF, s25;
	[sflag:s24] =	ssyncset.done $0x0  }
.LBB2_1:
0x2e: {  	p0 =	sne.s32 s25, $0x1;
	s25 =	sadd.s32 $0xFFFFFFFF, s25;
	[sflag:s24] =	ssyncadd.s32 $0xFFFFC000  }
0x2f: {  	[tilespmem:s2], [sflag:$0x9] =	stream.linear.gather [hbm4b:s3+s2], $0x200, $0x38;
	[tilespmem:$0x10200] =	vst v63  }
0x30: {  	_ =	swait.ge [sflag:s4], $0x200  }
0x31: {  	[sflag:s4] =	ssyncset.done $0x0  }
0x32: {  	[sflag:s4] =	ssyncadd.s32 $0xFFFFFE00  }
0x33: {  	[tilespmem:s7], [sflag:$0x1] =	stream.indirect.gather [hbm4b:s5+s6], $0x80, s2, s6, $0xb8;
	[tilespmem:$0x10200] =	vst v63  }
0x34: {  	_ = 	snop  }
0x35: {  	[tilespmem:s8], [sflag:$0x2] =	stream.indirect.gather [hbm4b:s5+s6], $0x80, s6, s6, $0xb8;
	[tilespmem:$0x10200] =	vst v63  }
0x36: {  	_ = 	snop  }
0x37: {  	[tilespmem:s10], [sflag:$0x3] =	stream.indirect.gather [hbm4b:s5+s6], $0x80, s9, s6, $0xb8;
	[tilespmem:$0x10200] =	vst v63  }
0x38: {  	_ = 	snop  }
0x39: {  	[tilespmem:s12], [sflag:$0x4] =	stream.indirect.gather [hbm4b:s5+s6], $0x80, s11, s6, $0xb8;
	[tilespmem:$0x10200] =	vst v63  }
0x3a: {  	_ =	swait.ge [sflag:s13], $0x4000  }
0x3b: {  	[sflag:s13] =	ssyncset.done $0x0  }
0x3c: {  	[sflag:s13] =	ssyncadd.s32 $0xFFFFC000  }
0x3d: {  	[hbm4b:s14+s2] =	stream.linear.scatter [tilespmem:s7], [sflag:$0x5], $0x4000, $0x38;
	[tilespmem:$0x10200] =	vst v63  }
0x3e: {  	_ =	swait.ge [sflag:s15], $0x4000  }
0x3f: {  	[sflag:s15] =	ssyncset.done $0x0  }
0x40: {  	[sflag:s15] =	ssyncadd.s32 $0xFFFFC000  }
0x41: {  	[hbm4b:s16+s2] =	stream.linear.scatter [tilespmem:s8], [sflag:$0x6], $0x4000, $0x38;
	[tilespmem:$0x10200] =	vst v63  }
0x42: {  	_ =	swait.ge [sflag:s17], $0x4000  }
0x43: {  	[sflag:s17] =	ssyncset.done $0x0  }
0x44: {  	[sflag:s17] =	ssyncadd.s32 $0xFFFFC000  }
0x45: {  	[hbm4b:s18+s2] =	stream.linear.scatter [tilespmem:s10], [sflag:$0x7], $0x4000, $0x38;
	[tilespmem:$0x10200] =	vst v63  }
0x46: {  	_ =	swait.ge [sflag:s19], $0x4000  }
0x47: {  	[sflag:s19] =	ssyncset.done $0x0  }
0x48: {  	[sflag:s19] =	ssyncadd.s32 $0xFFFFC000  }
0x49: {  	[hbm4b:s20+s2] =	stream.linear.scatter [tilespmem:s12], [sflag:$0x8], $0x4000, $0x38;
	[tilespmem:$0x10200] =	vst v63  }
0x4a: {  	_ =	swait.ge [sflag:s21], $0x4000  }
0x4b: {  	[sflag:s21] =	ssyncset.done $0x0  }
0x4c: {  	[sflag:s21] =	ssyncadd.s32 $0xFFFFC000  }
0x4d: {  	_ =	swait.ge [sflag:s22], $0x4000  }
0x4e: {  	[sflag:s22] =	ssyncset.done $0x0  }
0x4f: {  	[sflag:s22] =	ssyncadd.s32 $0xFFFFC000  }
.Ltmp1:
0x50: {  	_ =	swait.ge [sflag:s23], $0x4000;
	(pc) =	sbr.rel @p0 .LBB2_1-.Ltmp1, $4  }
0x51: {  	[sflag:s23] =	ssyncset.done $0x0  }
0x52: {  	[sflag:s23] =	ssyncadd.s32 $0xFFFFC000  }
0x53: {  	_ =	swait.ge [sflag:s24], $0x4000  }
0x54: {  	[sflag:s24] =	ssyncset.done $0x0  }
.LBB2_2:
0x55: {  	[sflag:s24] =	ssyncadd.s32 $0xFFFFC000  }
0x56: {  	_ =	sfence.sel $0x180000  }
0x57: {  	[bflag:$0x0] =	sbarrier.arrive $0xFFFF  }
0x58: {  	p0 =	sne.s32 s0, $0x0;
	_ =	strace $0x9000004A  }
0x59: {  	s0 =	sadd.s32 @!p0 $0x100000, s1;
	[bflag:$0x2] =	sbarrier.arrive $0xFFFF  }
0x5a: {  	[sflag:s0] =	ssyncadd.tile.s32 @!p0 $0x1;
	_ =	shalt  }
.Lfunc_end2:
_tile_overlayer_lowered:
.L_overlay_start_2:
0x5b: {  	(tag) =	ssettag $0x2  }
0x5c: {  	s0 =	rddreg [dreg:$0x0];
	s2 =	stileid.u32  }
0x5d: {  	s1 =	rddreg [dreg:$0x1];
	p0 =	sne.s32 s2, $0x0  }
0x5e: {  	s3 =	rddreg [dreg:$0x2];
	[bflag:$0x3] =	sbarrier.arrive $0xFFFF;
	s2 =	simm.s32 @!p0 $0x1C09  }
0x5f: {  	[timem:s3], [sflag:s2] =	dma.local @!p0 [hbm:s0], s1  }
0x60: {  	s0 =	simm.s32 @!p0 $0x9  }
0x61: {  	_ =	swait.ge @!p0 [sflag:s0], s1  }
0x62: {  	s1 =	ssub.s32 @!p0 $0x0, s1;
	[sflag:s0] =	ssyncset.done @!p0 $0x0  }
0x63: {  	[sflag:s0] =	ssyncadd.s32 @!p0 s1  }
0x64: {  	[bflag:$0x3] =	sbarrier.arrive $0xFFFF  }
0x65: {  	_ =	shalt  }

// kernel: kernel.7.cloned.1.call-start
scs
__scs_entry_jumppad:
0x0: {  	(pc) =	sbr.rel $0x88, $3  }
0x1: {  	(tag) =	ssettag $0x0;
	lr =	simm.s32 $0x1  }
0x2: {  	[smem:$0x3F88] =	sst lr;
	_ =	strace $0xD0000000  }
0x3: {  	_ = 	snop  }
0x4: {  	_ = 	snop  }
0x5: {  	_ = 	snop  }
0x6: {  	_ = 	snop  }
0x7: {  	_ = 	snop  }
__scs_overlays_trampoline_lowered:
0x8: {  	[smem:$0x3F97] =	sst s0  }
0x9: {  	[smem:$0x3F98] =	sst s1  }
0xa: {  	[smem:$0x3F99] =	sst s2  }
0xb: {  	[smem:$0x3F9A] =	sst s3  }
0xc: {  	[smem:$0x3F9B] =	sst s4  }
0xd: {  	[smem:$0x3F9C] =	sst s5  }
0xe: {  	[smem:$0x3F9D] =	sst s6  }
0xf: {  	[smem:$0x3F9E] =	sst s7  }
0x10: {  	[smem:$0x3F9F] =	sst s8  }
0x11: {  	[smem:$0x3FA0] =	sst s9;
	s0 =	simm.s32 @!p0 $0x0  }
0x12: {  	s1 =	sld [smem:$0x3F86];
	s0 =	simm.s32 @p0 $0x1  }
0x13: {  	[smem:$0x3FA1] =	sst s0;
	s0 =	simm.s32 @!p1 $0x0  }
0x14: {  	s2 =	sld [smem:$0x3F85];
	s0 =	simm.s32 @p1 $0x1  }
0x15: {  	[smem:$0x3FA2] =	sst s0;
	s0 =	simm.s32 @!p2 $0x0  }
0x16: {  	s3 =	sld [smem:$0x3FDB];
	s0 =	simm.s32 @p2 $0x1  }
0x17: {  	s4 =	simm.s32 $0x1BF5;
	[smem:$0x3FA4] =	sst s0  }
0x18: {  	s0 =	sld [smem:$0x3F87];
	_ =	swait.ge [sflag:s4], $0x0  }
0x19: {  	s7 =	sld [smem:$0x3F88]  }
0x1a: {  	s8 =	sadd.s32 $0xFFFFE003, lr  }
0x1b: {  	s9 =	sadd.s32 $0xFFFFFEF7, lr;
	s5 =	simm.s32 $0xFFFFFFFF;
	p2 =	slt.u32 s8, $0xFFFFF086  }
0x1c: {  	p1 =	slt.u32 s9, $0xF7A;
	s5 =	simm.s32 @!p2 $0x0  }
0x1d: {  	s5 =	simm.s32 @p1 $0x1;
	p0 =	seq.s32 s7, s2  }
0x1e: {  	s7 =	smul.u32 @!p0 $0xF7A, s2;
	p2 =	seq.s32 @!p0 s5, $0x0  }
0x1f: {  	s9 =	smul.u32 $0xF7A, s1;
	s8 =	simm.s32 @!p0 $0x1BF5;
	p2 =	por !p2, p0  }
0x20: {  	[sflag:s8] =	ssyncset.s32 @!p0 $0xFFFFF086;
	s6 =	sadd.s32 @!p0 s3, s7;
	s7 =	simm.s32 @!p0 $0x108  }
0x21: {  	s3 =	sadd.s32 s3, s9;
	s6 =	sadd.s32 @!p0 $0x88, s6;
	s7 =	simm.s32 @p2 $0x1082  }
0x22: {  	[simem:s7], [sflag:s8] =	dma.local @!p0 [hbm:s6], $0xF7A  }
0x23: {  	s9 =	sor.u32 $0xD0000000, s2;
	s6 =	simm.s32 $0x108;
	_ =	swait.ge @!p0 [sflag:s8], $0x0  }
0x24: {  	s3 =	sadd.s32 $0x88, s3;
	s6 =	simm.s32 @!p1 $0x1082;
	[sflag:s4] =	ssyncset.s32 $0xFFFFF086  }
0x25: {  	[simem:s6], [sflag:s4] =	dma.local [hbm:s3], $0xF7A  }
0x26: {  	[smem:$0x3F88] =	sst s1;
	(tag) =	ssettag s2;
	_ =	strace s9  }
0x27: {  	s1 =	sld [smem:$0x3F98]  }
0x28: {  	s2 =	sld [smem:$0x3F99]  }
0x29: {  	s4 =	sld [smem:$0x3F9B]  }
0x2a: {  	p0 =	seq.s32 s5, $0x0;
	s5 =	sld [smem:$0x3F9C]  }
0x2b: {  	s6 =	sld [smem:$0x3F9D]  }
0x2c: {  	s7 =	sld [smem:$0x3F9E]  }
0x2d: {  	s3 =	simm.s32 $0x108;
	s8 =	sld [smem:$0x3F9F]  }
0x2e: {  	s3 =	simm.s32 @!p0 $0x1082;
	s9 =	sld [smem:$0x3FA0]  }
0x2f: {  	lr =	sadd.s32 s0, s3;
	s0 =	sld [smem:$0x3F97]  }
0x30: {  	s3 =	sld [smem:$0x3F9A]  }
0x31: {  	[smem:$0x3FA3] =	sst s10  }
0x32: {  	s10 =	sld [smem:$0x3FA1];
	_ =	sdelay $0x3  }
0x33: {  	p0 =	seq.s32 s10, $0x1;
	s10 =	sld [smem:$0x3FA3];
	_ =	sdelay $0x3  }
0x34: {  	[smem:$0x3FA3] =	sst s10  }
0x35: {  	s10 =	sld [smem:$0x3FA2];
	_ =	sdelay $0x3  }
0x36: {  	p1 =	seq.s32 s10, $0x1;
	s10 =	sld [smem:$0x3FA3];
	_ =	sdelay $0x3  }
0x37: {  	[smem:$0x3FA3] =	sst s10  }
0x38: {  	s10 =	sld [smem:$0x3FA4]  }
0x39: {  	_ = 	snop;
	(pc) =	sbr.ind lr, $3  }
0x3a: {  	_ = 	snop  }
0x3b: {  	_ = 	snop  }
0x3c: {  	p2 =	seq.s32 s10, $0x1;
	s10 =	sld [smem:$0x3FA3]  }
0x3d: {  	_ =	shalt  }
0x3e: {  	_ =	shalt  }
0x3f: {  	_ =	shalt  }
0x40: {  	_ =	shalt  }
0x41: {  	_ =	shalt  }
0x42: {  	_ =	shalt  }
0x43: {  	_ =	shalt  }
0x44: {  	_ =	shalt  }
0x45: {  	_ =	shalt  }
0x46: {  	_ =	shalt  }
0x47: {  	_ =	shalt  }
0x48: {  	_ =	shalt  }
0x49: {  	_ =	shalt  }
0x4a: {  	_ =	shalt  }
0x4b: {  	_ =	shalt  }
0x4c: {  	_ =	shalt  }
0x4d: {  	_ =	shalt  }
0x4e: {  	_ =	shalt  }
0x4f: {  	_ =	shalt  }
0x50: {  	_ =	shalt  }
0x51: {  	_ =	shalt  }
0x52: {  	_ =	shalt  }
0x53: {  	_ =	shalt  }
0x54: {  	_ =	shalt  }
0x55: {  	_ =	shalt  }
0x56: {  	_ =	shalt  }
0x57: {  	_ =	shalt  }
0x58: {  	_ =	shalt  }
0x59: {  	_ =	shalt  }
0x5a: {  	_ =	shalt  }
0x5b: {  	_ =	shalt  }
0x5c: {  	_ =	shalt  }
0x5d: {  	_ =	shalt  }
0x5e: {  	_ =	shalt  }
0x5f: {  	_ =	shalt  }
0x60: {  	_ =	shalt  }
0x61: {  	_ =	shalt  }
0x62: {  	_ =	shalt  }
0x63: {  	_ =	shalt  }
0x64: {  	_ =	shalt  }
0x65: {  	_ =	shalt  }
0x66: {  	_ =	shalt  }
0x67: {  	_ =	shalt  }
0x68: {  	_ =	shalt  }
0x69: {  	_ =	shalt  }
0x6a: {  	_ =	shalt  }
0x6b: {  	_ =	shalt  }
0x6c: {  	_ =	shalt  }
0x6d: {  	_ =	shalt  }
0x6e: {  	_ =	shalt  }
0x6f: {  	_ =	shalt  }
0x70: {  	_ =	shalt  }
0x71: {  	_ =	shalt  }
0x72: {  	_ =	shalt  }
0x73: {  	_ =	shalt  }
0x74: {  	_ =	shalt  }
0x75: {  	_ =	shalt  }
0x76: {  	_ =	shalt  }
0x77: {  	_ =	shalt  }
0x78: {  	_ =	shalt  }
0x79: {  	_ =	shalt  }
0x7a: {  	_ =	shalt  }
0x7b: {  	_ =	shalt  }
0x7c: {  	_ =	shalt  }
0x7d: {  	_ =	shalt  }
0x7e: {  	_ =	shalt  }
0x7f: {  	_ =	shalt  }
0x80: {  	_ =	shalt  }
0x81: {  	_ =	shalt  }
0x82: {  	_ =	shalt  }
0x83: {  	_ =	shalt  }
0x84: {  	_ =	shalt  }
0x85: {  	_ =	shalt  }
0x86: {  	_ =	shalt  }
0x87: {  	_ =	shalt  }
.Lfunc_end0:
.L_simem_size_0:
called_computation_lowered:
.L_overlay_start_0:
0x88: {  	s2 =	sld [smem:$0x3FD9]  }
0x89: {  	s3 =	sld [smem:$0x3FFE];
	_ =	sdelay $0x1  }
0x8a: {  	s1 =	srdreg.scid  }
0x8b: {  	s0 =	sand.u32 $0x1, s1  }
0x8c: {  	s14 =	sshll.u32 s0, $0xA;
	s2 =	sadd.s32 s3, s2  }
0x8d: {  	s2 =	sadd.s32 s2, s14  }
0x8e: {  	[smem:$0x3FAF] =	sst s2  }
0x8f: {  	_ = 	snop  }
0x90: {  	s2 =	sld [smem:$0x3FD0];
	_ =	sdelay $0x2  }
0x91: {  	s15 =	simm.s32 $0xB;
	s4 =	simm.s32 $0x10  }
0x92: {  	[smem:s4], [sflag:s15] =	dma.local [hbm:s2], $0x1  }
0x93: {  	_ =	swait.eq [sflag:s15], $0x1  }
0x94: {  	[sflag:s15] =	ssyncset.done $0x0  }
0x95: {  	s16 =	sld [smem:$0x10];
	[sflag:s15] =	ssyncadd.s32 $0xFFFFFFFF  }
0x96: {  	s17 =	sld [smem:$0x11];
	(tm) =	ssettm $0x1  }
0x97: {  	s18 =	sld [smem:$0x3FFB];
	_ =	sdelay $0x3  }
0x98: {  	_ =	strace s18  }
0x99: {  	s4 =	sld [smem:$0x3FFC];
	_ =	sdelay $0x3  }
0x9a: {  	_ =	strace s4  }
0x9b: {  	s4 =	sld [smem:$0x3FFD];
	_ =	sdelay $0x3  }
0x9c: {  	_ =	strace s4  }
0x9d: {  	_ =	strace $0x8FFFFFFF  }
0x9e: {  	s19 =	sld [smem:$0x3FDB];
	_ =	sdelay $0x1  }
0x9f: {  	s5 =	simm.s32 $_scs_section_size  }
0xa0: {  	s6 =	simm.s32 $_size__tile_overlayer_lowered;
	s7 =	simm.s32 $_tile_overlayer_lowered  }
0xa1: {  	s22 =	simm.s32 $0x1BFF;
	s21 =	sshll.u32 s7, $0x1;
	s4 =	sadd.s32 s5, s19  }
0xa2: {  	s8 =	simm.s32 $0x0;
	s20 =	sshll.u32 s6, $0x1;
	s6 =	sadd.s32 s21, s4  }
0xa3: {  	[timem:s8], [sflag:s22] =	dma.local [hbm:s6], s20  }
0xa4: {  	_ =	swait.ge [sflag:s22], s20  }
0xa5: {  	s5 =	ssub.s32 $0x0, s20;
	[sflag:s22] =	ssyncset.done $0x0  }
0xa6: {  	[sflag:s22] =	ssyncadd.s32 s5;
	_ =	sdelay $0x1  }
0xa7: {  	s23 =	simm.s32 $0x1B8B  }
0xa8: {  	_ =	swait.ge [sflag:s23], $0x1  }
0xa9: {  	[sflag:s23] =	ssyncset.done $0x0  }
0xaa: {  	s25 =	simm.s32 $0x1B8E;
	s24 =	sld [smem:$0x3FFE];
	[sflag:s23] =	ssyncadd.s32 $0xFFFFFFFF  }
0xab: {  	s26 =	simm.s32 $execute0_lowered;
	[smem:$0x3FD2] =	sst s25  }
0xac: {  	s6 =	sshll.u32 s26, $0x1;
	_ =	strace $0x80000046;
	[dreg:$0x1] =	wrdreg $0xFFFFFFFF  }
0xad: {  	s28 =	simm.s32 $_size_execute0_lowered;
	s4 =	sadd.s32 s4, s6;
	[dreg:$0x0] =	wrdreg $0x0  }
0xae: {  	s6 =	sshll.u32 s28, $0x1;
	[dreg:$0x2] =	wrdreg s4  }
0xaf: {  	[dreg:$0x3] =	wrdreg s6  }
0xb0: {  	[dreg:$0x4] =	wrdreg $0xC0  }
0xb1: {  	_ =	task [dreg:s8], $0x5FFFF  }
0xb2: {  	[dreg:$0x1] =	wrdreg $0xFFFFFFFF  }
0xb3: {  	[dreg:$0x0] =	wrdreg $0x60  }
0xb4: {  	[dreg:$0x2] =	wrdreg s24  }
0xb5: {  	[dreg:$0x3] =	wrdreg s16  }
0xb6: {  	[dreg:$0x4] =	wrdreg s17  }
0xb7: {  	[dreg:$0x5] =	wrdreg $0x3A000  }
0xb8: {  	[dreg:$0x6] =	wrdreg $0x9  }
0xb9: {  	_ =	task.clear_ibuf [dreg:s8], $0x7FFFF;
	_ =	strace $0x90000046  }
0xba: {  	s29 =	simm.s32 $0x9;
	_ =	strace $0x80000048  }
0xbb: {  	_ =	swait.ge [sflag:s29], $0x1  }
0xbc: {  	[sflag:s29] =	ssyncadd.s32 $0xFFFFFFFF  }
0xbd: {  	_ =	strace $0x90000048  }
0xbe: {  	_ =	sfence  }
0xbf: {  	s30 =	sld [smem:$0x0];
	_ =	sdelay $0x2  }
0xc0: {  	s31 =	sshll.u32 s1, $0xD;
	s1 =	sshrl.u32 s1, $0x2  }
0xc1: {  	s3 =	sand.u32 $0x4000, s31;
	s1 =	sadd.s32 s1, s30  }
0xc2: {  	s0 =	sor.u32 s3, s0;
	s1 =	sshll.u32 s1, $0x11  }
0xc3: {  	s0 =	sor.u32 s1, s0  }
0xc4: {  	s0 =	sadd.s32 $0x8F2B, s0  }
0xc5: {  	[sflag:s0] =	ssyncadd.remote.s32 $0x1  }
0xc6: {  	_ =	sfence.sel $0xFFFF  }
0xc7: {  	[dreg:$0x0] =	wrdreg $0xFFFFFFFF;
	(pc) =	sbr.abs _section_cstart, $3  }
0xc8: {  	[dreg:$0x1] =	wrdreg $0xFFFFFFFF  }
0xc9: {  	_ =	task.clear_ibuf [dreg:s8], $0x2FFFF;
	_ =	strace $0x9FFFFFFF  }
0xca: {  	(tm) =	ssettm $0x7FFFFFFF  }
0xcb: {  	_ =	shalt  }
tec
execute0_lowered:
.L_overlay_start_1:
0x0: {  	(tag) =	ssettag $0x1  }
0x1: {  	s1 =	rddreg [dreg:$0x0]  }
0x2: {  	s0 =	srdreg.scid;
	s3 =	rddreg [dreg:$0x1]  }
0x3: {  	s12 =	stileid.u32;
	s4 =	rddreg [dreg:$0x2]  }
0x4: {  	s6 =	simm.s32 $0x0;
	s30 =	simm.s32 $0xBA00;
	s31 =	simm.s32 $0xC  }
0x5: {  	s0 =	sand.u32 $0x1, s0;
	s2 =	sshll.u32 s12, $0x1;
	[smem:$0x7FF] =	sst s6  }
0x6: {  	s21 =	sadd.s32 $0x7F5000, s1;
	s7 =	sadd.s32 $0x835000, s1;
	s9 =	sadd.s32 $0x875000, s1  }
0x7: {  	s6 =	simm.s32 $0x17A00;
	s2 =	sor.u32 s0, s2;
	s0 =	ssub.s32 $0x2, s0  }
0x8: {  	s5 =	smul.u32 $0x7000, s2;
	s8 =	sshrl.u32 s0, $0x1;
	s24 =	sshll.u32 s2, $0xD  }
0x9: {  	s2 =	sshll.u32 s2, $0x6;
	s0 =	ssub.s32 s0, s8;
	s11 =	sadd.s32 s21, s24  }
0xa: {  	s25 =	sadd.s32 s7, s24;
	s28 =	sor.u32 $0x800, s24;
	[dreg:$0x7] =	wrdreg s11  }
0xb: {  	s17 =	sor.u32 $0x1000, s24;
	[dreg:$0x8] =	wrdreg s25;
	s13 =	sadd.s32 s21, s28  }
0xc: {  	s19 =	sor.u32 $0x1800, s24;
	s15 =	sadd.s32 s7, s28;
	[dreg:$0xb] =	wrdreg s13  }
0xd: {  	s2 =	sadd.s32 s2, s1;
	s18 =	sadd.s32 s21, s17;
	[dreg:$0xc] =	wrdreg s15  }
0xe: {  	s8 =	simm.s32 $0x1BA00;
	s20 =	sadd.s32 s7, s17;
	[dreg:$0xf] =	wrdreg s18  }
0xf: {  	s5 =	sshrl.u32 s5, $0x3;
	s21 =	sadd.s32 s21, s19;
	[dreg:$0x12] =	wrdreg s20  }
0x10: {  	s25 =	sadd.s32 s9, s17;
	s0 =	smax.u32 s0, $0x1;
	[dreg:$0x13] =	wrdreg s21  }
0x11: {  	s17 =	simm.s32 $0x8;
	s22 =	sadd.s32 s3, s5;
	s20 =	rddreg [dreg:$0x3]  }
0x12: {  	s23 =	sadd.s32 s4, s5;
	s10 =	sadd.s32 $0x380, s5;
	[dreg:$0x17] =	wrdreg s25  }
0x13: {  	s14 =	sadd.s32 $0x700, s5;
	s5 =	sadd.s32 $0xA80, s5;
	[dreg:$0x5] =	wrdreg s22  }
0x14: {  	s13 =	simm.s32 $0x5;
	[dreg:$0x6] =	wrdreg s23;
	s26 =	sadd.s32 s3, s10  }
0x15: {  	s15 =	simm.s32 $0x7;
	s10 =	sadd.s32 s4, s10;
	[dreg:$0x9] =	wrdreg s26  }
0x16: {  	s18 =	simm.s32 $0x9;
	s16 =	sadd.s32 s3, s14;
	[dreg:$0xa] =	wrdreg s10  }
0x17: {  	s21 =	simm.s32 $0x0;
	s11 =	sadd.s32 s4, s14;
	[dreg:$0xd] =	wrdreg s16  }
0x18: {  	s3 =	sadd.s32 s3, s5;
	s4 =	sadd.s32 s4, s5;
	[dreg:$0xe] =	wrdreg s11  }
0x19: {  	s22 =	sadd.s32 s7, s19;
	s23 =	sadd.s32 s9, s24;
	[dreg:$0x10] =	wrdreg s3  }
0x1a: {  	s24 =	sadd.s32 s9, s28;
	s28 =	sadd.s32 $0x7F4800, s2;
	[dreg:$0x11] =	wrdreg s4  }
0x1b: {  	s2 =	simm.s32 $0xFA00;
	s5 =	simm.s32 $0x180;
	[dreg:$0x14] =	wrdreg s22  }
0x1c: {  	s7 =	simm.s32 $0x200;
	s14 =	simm.s32 $0x6;
	[dreg:$0x15] =	wrdreg s23  }
0x1d: {  	[dreg:$0x16] =	wrdreg s24;
	s3 =	sadd.s32 s9, s19;
	s24 =	sadd.s32 $0x4800, s1  }
0x1e: {  	s26 =	sshll.u32 s12, $0xF;
	s4 =	simm.s32 $0x13A00;
	s9 =	simm.s32 $0x1  }
0x1f: {  	s10 =	simm.s32 $0x2;
	s11 =	simm.s32 $0x3;
	s12 =	simm.s32 $0x4  }
0x20: {  	s19 =	simm.s32 $0xA;
	s16 =	simm.s32 $0xB;
	[dreg:$0x18] =	wrdreg s3  }
0x21: {  	s25 =	sadd.s32 s26, s20;
	_ =	strace $0x80000047;
	[dreg:$0x19] =	wrdreg s28  }
0x22: {  	v0 =	vimm.f32 $0.0e+00;
	[dreg:$0x1a] =	wrdreg s0;
	s29 =	sadd.s32 $0x4000, s25;
	s0 =	simm.s32 $0x80  }
.LBB2_1:
0x23: {  	s1 =	simm.s32 $0x0;
	s22 =	simm.s32 $0x200  }
.LBB2_2:
0x24: {  	p0 =	sne.s32 s22, $0xFE00;
	[tilespmem:s1+$0xBA70] =	vst v0  }
0x25: {  	[tilespmem:s1+$0xBA00] =	vst v0  }
0x26: {  	[tilespmem:s1+$0xBA10] =	vst v0  }
.Ltmp0:
0x27: {  	[tilespmem:s1+$0xBA20] =	vst v0;
	(pc) =	sbr.rel @p0 .LBB2_2-.Ltmp0, $4  }
0x28: {  	[tilespmem:s1+$0xBA30] =	vst v0  }
0x29: {  	[tilespmem:s1+$0xBA40] =	vst v0  }
0x2a: {  	[tilespmem:s1+$0xBA50] =	vst v0  }
0x2b: {  	[tilespmem:s1+$0xBA60] =	vst v0;
	s1 =	sshra.s32 s22, $0x2;
	s22 =	sadd.s32 $0x200, s22  }
0x2c: {  	[tilespmem:s1+$0xBA70] =	vst v0  }
0x2d: {  	[tilespmem:s1+$0xBA00] =	vst v0  }
0x2e: {  	[tilespmem:s1+$0xBA10] =	vst v0  }
0x2f: {  	[tilespmem:s1+$0xBA20] =	vst v0  }
0x30: {  	[tilespmem:s1+$0xBA30] =	vst v0  }
0x31: {  	[tilespmem:s1+$0xBA40] =	vst v0  }
0x32: {  	[tilespmem:s1+$0xBA50] =	vst v0  }
0x33: {  	[tilespmem:s1+$0xBA60] =	vst v0  }
0x34: {  	[spmem:s25] =	stream.linear.scatter [tilespmem:s30], [sflag:$0xC], $0x4000, $0x38;
	[tilespmem:$0x1FA00] =	vst v63  }
0x35: {  	_ =	swait.ge [sflag:s31], $0x4000  }
0x36: {  	[sflag:s31] =	ssyncset.done $0x0  }
0x37: {  	[sflag:s31] =	ssyncadd.s32 $0xFFFFC000  }
0x38: {  	[spmem:s29] =	stream.linear.scatter [tilespmem:s30], [sflag:$0xC], $0x4000, $0x38;
	[tilespmem:$0x1FA00] =	vst v63  }
0x39: {  	_ =	swait.ge [sflag:s31], $0x4000  }
0x3a: {  	[sflag:s31] =	ssyncset.done $0x0  }
0x3b: {  	s26 =	simm.s32 $0x0;
	s3 =	rddreg [dreg:$0x5];
	[sflag:s31] =	ssyncadd.s32 $0xFFFFC000  }
0x3c: {  	[tilespmem:s26], [sflag:$0xC] =	stream.linear.gather [hbm4b:s3+s26], $0x1900, $0x38;
	[tilespmem:$0x1FA00] =	vst v63  }
0x3d: {  	_ =	swait.ge [sflag:s31], $0x1900  }
0x3e: {  	[sflag:s31] =	ssyncset.done $0x0  }
0x3f: {  	s22 =	simm.s32 $0x1C00;
	s28 =	rddreg [dreg:$0x6];
	[sflag:s31] =	ssyncadd.s32 $0xFFFFE700  }
0x40: {  	[tilespmem:s22], [sflag:$0xC] =	stream.linear.gather [hbm4b:s28+s26], $0x1900, $0x38;
	[tilespmem:$0x1FA00] =	vst v63  }
0x41: {  	_ =	swait.ge [sflag:s31], $0x1900  }
0x42: {  	[sflag:s31] =	ssyncset.done $0x0  }
0x43: {  	[sflag:s31] =	ssyncadd.s32 $0xFFFFE700  }
0x44: {  	[tilespmem:s30], [sflag:$0x1] =	stream.indirect.gather [hbm4b:s24+s0], $0x80, s26, s0, $0xb8;
	[tilespmem:$0x1FA00] =	vst v63  }
0x45: {  	_ = 	snop  }
0x46: {  	[tilespmem:s2], [sflag:$0x2] =	stream.indirect.gather [hbm4b:s24+s0], $0x80, s0, s0, $0xb8;
	[tilespmem:$0x1FA00] =	vst v63  }
0x47: {  	s3 =	simm.s32 $0x100  }
0x48: {  	[tilespmem:s4], [sflag:$0x3] =	stream.indirect.gather [hbm4b:s24+s0], $0x80, s3, s0, $0xb8;
	[tilespmem:$0x1FA00] =	vst v63  }
0x49: {  	_ = 	snop  }
0x4a: {  	[tilespmem:s6], [sflag:$0x4] =	stream.indirect.gather [hbm4b:s24+s0], $0x80, s5, s0, $0xb8;
	[tilespmem:$0x1FA00] =	vst v63  }
0x4b: {  	_ = 	snop  }
0x4c: {  	[tilespmem:s8], [sflag:$0x5] =	stream.indirect.gather [hbm4b:s24+s0], $0x80, s7, s0, $0xb8;
	[tilespmem:$0x1FA00] =	vst v63  }
0x4d: {  	_ =	swait.ge [sflag:s9], $0x4000  }
0x4e: {  	[sflag:s9] =	ssyncset.done $0x0  }
0x4f: {  	s22 =	simm.s32 $0x1C00;
	[sflag:s9] =	ssyncadd.s32 $0xFFFFC000  }
0x50: {  	[spmem:s20] =	stream.indirect.scatter.add.f32 [tilespmem:s30], [sflag:$0x6], $0x80, s22, s0, $0xb8;
	[tilespmem:$0x1FA00] =	vst v63  }
0x51: {  	_ =	swait.ge [sflag:s10], $0x4000  }
0x52: {  	[sflag:s10] =	ssyncset.done $0x0  }
0x53: {  	s23 =	simm.s32 $0x1C80;
	[sflag:s10] =	ssyncadd.s32 $0xFFFFC000  }
0x54: {  	[spmem:s20] =	stream.indirect.scatter.add.f32 [tilespmem:s2], [sflag:$0x7], $0x80, s23, s0, $0xb8;
	[tilespmem:$0x1FA00] =	vst v63  }
0x55: {  	_ =	swait.ge [sflag:s11], $0x4000  }
0x56: {  	[sflag:s11] =	ssyncset.done $0x0  }
0x57: {  	s26 =	simm.s32 $0x1D00;
	[sflag:s11] =	ssyncadd.s32 $0xFFFFC000  }
0x58: {  	[spmem:s20] =	stream.indirect.scatter.add.f32 [tilespmem:s4], [sflag:$0x8], $0x80, s26, s0, $0xb8;
	[tilespmem:$0x1FA00] =	vst v63  }
0x59: {  	_ =	swait.ge [sflag:s12], $0x4000  }
0x5a: {  	[sflag:s12] =	ssyncset.done $0x0  }
0x5b: {  	s28 =	simm.s32 $0x1D80;
	[sflag:s12] =	ssyncadd.s32 $0xFFFFC000  }
0x5c: {  	[spmem:s20] =	stream.indirect.scatter.add.f32 [tilespmem:s6], [sflag:$0x9], $0x80, s28, s0, $0xb8;
	[tilespmem:$0x1FA00] =	vst v63  }
0x5d: {  	_ =	swait.ge [sflag:s13], $0x4000  }
0x5e: {  	[sflag:s13] =	ssyncset.done $0x0  }
0x5f: {  	s3 =	simm.s32 $0x1E00;
	[sflag:s13] =	ssyncadd.s32 $0xFFFFC000  }
0x60: {  	[spmem:s20] =	stream.indirect.scatter.add.f32 [tilespmem:s8], [sflag:$0xA], $0x80, s3, s0, $0xb8;
	[tilespmem:$0x1FA00] =	vst v63  }
0x61: {  	_ =	swait.ge [sflag:s14], $0x4000  }
0x62: {  	[sflag:s14] =	ssyncset.done $0x0  }
0x63: {  	s22 =	simm.s32 $0x280;
	[sflag:s14] =	ssyncadd.s32 $0xFFFFC000  }
0x64: {  	[tilespmem:s30], [sflag:$0x1] =	stream.indirect.gather [hbm4b:s24+s0], $0x80, s22, s0, $0xb8;
	[tilespmem:$0x1FA00] =	vst v63  }
0x65: {  	_ =	swait.ge [sflag:s15], $0x4000  }
0x66: {  	[sflag:s15] =	ssyncset.done $0x0  }
0x67: {  	s23 =	simm.s32 $0x300;
	[sflag:s15] =	ssyncadd.s32 $0xFFFFC000  }
0x68: {  	[tilespmem:s2], [sflag:$0x2] =	stream.indirect.gather [hbm4b:s24+s0], $0x80, s23, s0, $0xb8;
	[tilespmem:$0x1FA00] =	vst v63  }
0x69: {  	_ =	swait.ge [sflag:s17], $0x4000  }
0x6a: {  	[sflag:s17] =	ssyncset.done $0x0  }
0x6b: {  	s26 =	simm.s32 $0x380;
	[sflag:s17] =	ssyncadd.s32 $0xFFFFC000  }
0x6c: {  	[tilespmem:s4], [sflag:$0x3] =	stream.indirect.gather [hbm4b:s24+s0], $0x80, s26, s0, $0xb8;
	[tilespmem:$0x1FA00] =	vst v63  }
0x6d: {  	_ =	swait.ge [sflag:s18], $0x4000  }
0x6e: {  	[sflag:s18] =	ssyncset.done $0x0  }
0x6f: {  	s28 =	simm.s32 $0x400;
	[sflag:s18] =	ssyncadd.s32 $0xFFFFC000  }
0x70: {  	[tilespmem:s6], [sflag:$0x4] =	stream.indirect.gather [hbm4b:s24+s0], $0x80, s28, s0, $0xb8;
	[tilespmem:$0x1FA00] =	vst v63  }
0x71: {  	_ =	swait.ge [sflag:s19], $0x4000  }
0x72: {  	[sflag:s19] =	ssyncset.done $0x0  }
0x73: {  	s1 =	simm.s32 $0x480;
	s22 =	simm.s32 $0xA00;
	[sflag:s19] =	ssyncadd.s32 $0xFFFFC000  }
.LBB2_4:
0x74: {  	[tilespmem:s8], [sflag:$0x5] =	stream.indirect.gather [hbm4b:s24+s0], $0x80, s1, s0, $0xb8;
	[tilespmem:$0x1FA00] =	vst v63  }
0x75: {  	s1 =	smov.u32 s22  }
0x76: {  	p0 =	sne.s32 s22, $0x5000;
	s22 =	sadd.s32 $0xA00, s22;
	_ =	swait.ge [sflag:s9], $0x4000  }
0x77: {  	s23 =	sshra.s32 s1, $0x2;
	[sflag:s9] =	ssyncset.done $0x0  }
0x78: {  	s1 =	sadd.s32 $0x1C00, s23;
	[sflag:s9] =	ssyncadd.s32 $0xFFFFC000  }
0x79: {  	[spmem:s20] =	stream.indirect.scatter.add.f32 [tilespmem:s30], [sflag:$0x6], $0x80, s1, s0, $0xb8;
	[tilespmem:$0x1FA00] =	vst v63  }
0x7a: {  	_ =	swait.ge [sflag:s10], $0x4000  }
0x7b: {  	[sflag:s10] =	ssyncset.done $0x0  }
0x7c: {  	s1 =	sadd.s32 $0x1C80, s23;
	[sflag:s10] =	ssyncadd.s32 $0xFFFFC000  }
0x7d: {  	[spmem:s20] =	stream.indirect.scatter.add.f32 [tilespmem:s2], [sflag:$0x7], $0x80, s1, s0, $0xb8;
	[tilespmem:$0x1FA00] =	vst v63  }
0x7e: {  	_ =	swait.ge [sflag:s11], $0x4000  }
0x7f: {  	[sflag:s11] =	ssyncset.done $0x0  }
0x80: {  	s1 =	sadd.s32 $0x1D00, s23;
	[sflag:s11] =	ssyncadd.s32 $0xFFFFC000  }
0x81: {  	[spmem:s20] =	stream.indirect.scatter.add.f32 [tilespmem:s4], [sflag:$0x8], $0x80, s1, s0, $0xb8;
	[tilespmem:$0x1FA00] =	vst v63  }
0x82: {  	_ =	swait.ge [sflag:s12], $0x4000  }
0x83: {  	[sflag:s12] =	ssyncset.done $0x0  }
0x84: {  	s1 =	sadd.s32 $0x1D80, s23;
	[sflag:s12] =	ssyncadd.s32 $0xFFFFC000  }
0x85: {  	[spmem:s20] =	stream.indirect.scatter.add.f32 [tilespmem:s6], [sflag:$0x9], $0x80, s1, s0, $0xb8;
	[tilespmem:$0x1FA00] =	vst v63  }
0x86: {  	_ =	swait.ge [sflag:s13], $0x4000  }
0x87: {  	[sflag:s13] =	ssyncset.done $0x0  }
0x88: {  	s1 =	sadd.s32 $0x1E00, s23;
	[sflag:s13] =	ssyncadd.s32 $0xFFFFC000  }
0x89: {  	[spmem:s20] =	stream.indirect.scatter.add.f32 [tilespmem:s8], [sflag:$0xA], $0x80, s1, s0, $0xb8;
	[tilespmem:$0x1FA00] =	vst v63  }
0x8a: {  	_ =	swait.ge [sflag:s14], $0x4000  }
0x8b: {  	[sflag:s14] =	ssyncset.done $0x0  }
0x8c: {  	s1 =	sadd.s32 $0x280, s23;
	[sflag:s14] =	ssyncadd.s32 $0xFFFFC000  }
0x8d: {  	[tilespmem:s30], [sflag:$0x1] =	stream.indirect.gather [hbm4b:s24+s0], $0x80, s1, s0, $0xb8;
	[tilespmem:$0x1FA00] =	vst v63  }
0x8e: {  	_ =	swait.ge [sflag:s15], $0x4000  }
0x8f: {  	[sflag:s15] =	ssyncset.done $0x0  }
0x90: {  	s1 =	sadd.s32 $0x300, s23;
	[sflag:s15] =	ssyncadd.s32 $0xFFFFC000  }
0x91: {  	[tilespmem:s2], [sflag:$0x2] =	stream.indirect.gather [hbm4b:s24+s0], $0x80, s1, s0, $0xb8;
	[tilespmem:$0x1FA00] =	vst v63  }
0x92: {  	_ =	swait.ge [sflag:s17], $0x4000  }
0x93: {  	[sflag:s17] =	ssyncset.done $0x0  }
0x94: {  	s1 =	sadd.s32 $0x380, s23;
	[sflag:s17] =	ssyncadd.s32 $0xFFFFC000  }
0x95: {  	[tilespmem:s4], [sflag:$0x3] =	stream.indirect.gather [hbm4b:s24+s0], $0x80, s1, s0, $0xb8;
	[tilespmem:$0x1FA00] =	vst v63  }
0x96: {  	_ =	swait.ge [sflag:s18], $0x4000  }
0x97: {  	[sflag:s18] =	ssyncset.done $0x0  }
.Ltmp1:
0x98: {  	s1 =	sadd.s32 $0x400, s23;
	[sflag:s18] =	ssyncadd.s32 $0xFFFFC000;
	(pc) =	sbr.rel @p0 .LBB2_4-.Ltmp1, $4  }
0x99: {  	[tilespmem:s6], [sflag:$0x4] =	stream.indirect.gather [hbm4b:s24+s0], $0x80, s1, s0, $0xb8;
	[tilespmem:$0x1FA00] =	vst v63  }
0x9a: {  	_ =	swait.ge [sflag:s19], $0x4000  }
0x9b: {  	[sflag:s19] =	ssyncset.done $0x0  }
0x9c: {  	s1 =	sadd.s32 $0x480, s23;
	[sflag:s19] =	ssyncadd.s32 $0xFFFFC000  }
0x9d: {  	[tilespmem:s8], [sflag:$0x5] =	stream.indirect.gather [hbm4b:s24+s0], $0x80, s1, s0, $0xb8;
	[tilespmem:$0x1FA00] =	vst v63  }
0x9e: {  	_ =	swait.ge [sflag:s9], $0x4000  }
0x9f: {  	[sflag:s9] =	ssyncset.done $0x0  }
0xa0: {  	s26 =	simm.s32 $0x3280;
	[sflag:s9] =	ssyncadd.s32 $0xFFFFC000  }
0xa1: {  	[spmem:s20] =	stream.indirect.scatter.add.f32 [tilespmem:s30], [sflag:$0x6], $0x80, s26, s0, $0xb8;
	[tilespmem:$0x1FA00] =	vst v63  }
0xa2: {  	_ =	swait.ge [sflag:s10], $0x4000  }
0xa3: {  	[sflag:s10] =	ssyncset.done $0x0  }
0xa4: {  	s3 =	simm.s32 $0x3300;
	[sflag:s10] =	ssyncadd.s32 $0xFFFFC000  }
0xa5: {  	[spmem:s20] =	stream.indirect.scatter.add.f32 [tilespmem:s2], [sflag:$0x7], $0x80, s3, s0, $0xb8;
	[tilespmem:$0x1FA00] =	vst v63  }
0xa6: {  	_ =	swait.ge [sflag:s11], $0x4000  }
0xa7: {  	[sflag:s11] =	ssyncset.done $0x0  }
0xa8: {  	s22 =	simm.s32 $0x3380;
	[sflag:s11] =	ssyncadd.s32 $0xFFFFC000  }
0xa9: {  	[spmem:s20] =	stream.indirect.scatter.add.f32 [tilespmem:s4], [sflag:$0x8], $0x80, s22, s0, $0xb8;
	[tilespmem:$0x1FA00] =	vst v63  }
0xaa: {  	_ =	swait.ge [sflag:s12], $0x4000  }
0xab: {  	[sflag:s12] =	ssyncset.done $0x0  }
0xac: {  	s23 =	simm.s32 $0x3400;
	[sflag:s12] =	ssyncadd.s32 $0xFFFFC000  }
0xad: {  	[spmem:s20] =	stream.indirect.scatter.add.f32 [tilespmem:s6], [sflag:$0x9], $0x80, s23, s0, $0xb8;
	[tilespmem:$0x1FA00] =	vst v63  }
0xae: {  	_ =	swait.ge [sflag:s13], $0x4000  }
0xaf: {  	[sflag:s13] =	ssyncset.done $0x0  }
0xb0: {  	s26 =	simm.s32 $0x3480;
	[sflag:s13] =	ssyncadd.s32 $0xFFFFC000  }
0xb1: {  	[spmem:s20] =	stream.indirect.scatter.add.f32 [tilespmem:s8], [sflag:$0xA], $0x80, s26, s0, $0xb8;
	[tilespmem:$0x1FA00] =	vst v63  }
0xb2: {  	_ =	swait.ge [sflag:s14], $0x4000  }
0xb3: {  	[sflag:s14] =	ssyncset.done $0x0  }
0xb4: {  	s3 =	simm.s32 $0x0;
	[sflag:s14] =	ssyncadd.s32 $0xFFFFC000  }
0xb5: {  	[tilespmem:s30], [sflag:$0x1] =	stream.indirect.gather [hbm4b:s24+s0], $0x80, s3, s0, $0xb8;
	[tilespmem:$0x1FA00] =	vst v63  }
0xb6: {  	_ =	swait.ge [sflag:s15], $0x4000  }
0xb7: {  	[sflag:s15] =	ssyncset.done $0x0  }
0xb8: {  	[sflag:s15] =	ssyncadd.s32 $0xFFFFC000  }
0xb9: {  	[tilespmem:s2], [sflag:$0x2] =	stream.indirect.gather [hbm4b:s24+s0], $0x80, s0, s0, $0xb8;
	[tilespmem:$0x1FA00] =	vst v63  }
0xba: {  	_ =	swait.ge [sflag:s17], $0x4000  }
0xbb: {  	[sflag:s17] =	ssyncset.done $0x0  }
0xbc: {  	s22 =	simm.s32 $0x100;
	[sflag:s17] =	ssyncadd.s32 $0xFFFFC000  }
0xbd: {  	[tilespmem:s4], [sflag:$0x3] =	stream.indirect.gather [hbm4b:s24+s0], $0x80, s22, s0, $0xb8;
	[tilespmem:$0x1FA00] =	vst v63  }
0xbe: {  	_ =	swait.ge [sflag:s18], $0x4000  }
0xbf: {  	[sflag:s18] =	ssyncset.done $0x0  }
0xc0: {  	[sflag:s18] =	ssyncadd.s32 $0xFFFFC000  }
0xc1: {  	[tilespmem:s6], [sflag:$0x4] =	stream.indirect.gather [hbm4b:s24+s0], $0x80, s5, s0, $0xb8;
	[tilespmem:$0x1FA00] =	vst v63  }
0xc2: {  	_ =	swait.ge [sflag:s19], $0x4000  }
0xc3: {  	[sflag:s19] =	ssyncset.done $0x0  }
0xc4: {  	[sflag:s19] =	ssyncadd.s32 $0xFFFFC000  }
0xc5: {  	[tilespmem:s8], [sflag:$0x5] =	stream.indirect.gather [hbm4b:s24+s0], $0x80, s7, s0, $0xb8;
	[tilespmem:$0x1FA00] =	vst v63  }
0xc6: {  	_ =	swait.ge [sflag:s9], $0x4000  }
0xc7: {  	[sflag:s9] =	ssyncset.done $0x0  }
0xc8: {  	[sflag:s9] =	ssyncadd.s32 $0xFFFFC000  }
0xc9: {  	_ =	swait.ge [sflag:s10], $0x4000  }
0xca: {  	[sflag:s10] =	ssyncset.done $0x0  }
0xcb: {  	[sflag:s10] =	ssyncadd.s32 $0xFFFFC000  }
0xcc: {  	_ =	swait.ge [sflag:s11], $0x4000  }
0xcd: {  	[sflag:s11] =	ssyncset.done $0x0  }
0xce: {  	[sflag:s11] =	ssyncadd.s32 $0xFFFFC000  }
0xcf: {  	_ =	swait.ge [sflag:s12], $0x4000  }
0xd0: {  	[sflag:s12] =	ssyncset.done $0x0  }
0xd1: {  	[sflag:s12] =	ssyncadd.s32 $0xFFFFC000  }
0xd2: {  	s23 =	stileid.u32;
	_ =	swait.ge [sflag:s13], $0x4000  }
0xd3: {  	s1 =	sshll.u32 s23, $0x6;
	s23 =	sshrl.u32 s25, $0x3;
	[sflag:s13] =	ssyncset.done $0x0  }
0xd4: {  	s22 =	sor.u32 $0x1C0B, s1;
	s26 =	rddreg [dreg:$0x7];
	[sflag:s13] =	ssyncadd.s32 $0xFFFFC000  }
0xd5: {  	[hbm:s26], [sflag:s22] =	dma.local [spmem:s23], $0x800  }
0xd6: {  	s26 =	sshrl.u32 s29, $0x3;
	s1 =	rddreg [dreg:$0x8]  }
0xd7: {  	[hbm:s1], [sflag:s22] =	dma.local [spmem:s26], $0x800  }
0xd8: {  	_ =	swait.ge [sflag:s16], $0x800  }
0xd9: {  	[sflag:s16] =	ssyncset.done $0x0  }
0xda: {  	[sflag:s16] =	ssyncadd.s32 $0xFFFFF800  }
0xdb: {  	_ =	swait.ge [sflag:s16], $0x800  }
0xdc: {  	[sflag:s16] =	ssyncset.done $0x0  }
0xdd: {  	s28 =	simm.s32 $0x200;
	s1 =	simm.s32 $0x0;
	[sflag:s16] =	ssyncadd.s32 $0xFFFFF800  }
.LBB2_6:
0xde: {  	p0 =	sne.s32 s28, $0xFE00;
	[tilespmem:s1+$0xBA70] =	vst v0  }
0xdf: {  	[tilespmem:s1+$0xBA00] =	vst v0  }
0xe0: {  	[tilespmem:s1+$0xBA10] =	vst v0  }
.Ltmp2:
0xe1: {  	[tilespmem:s1+$0xBA20] =	vst v0;
	(pc) =	sbr.rel @p0 .LBB2_6-.Ltmp2, $4  }
0xe2: {  	[tilespmem:s1+$0xBA30] =	vst v0  }
0xe3: {  	[tilespmem:s1+$0xBA40] =	vst v0  }
0xe4: {  	[tilespmem:s1+$0xBA50] =	vst v0  }
0xe5: {  	[tilespmem:s1+$0xBA60] =	vst v0;
	s1 =	sshra.s32 s28, $0x2;
	s28 =	sadd.s32 $0x200, s28  }
0xe6: {  	[tilespmem:s1+$0xBA70] =	vst v0  }
0xe7: {  	[tilespmem:s1+$0xBA00] =	vst v0  }
0xe8: {  	[tilespmem:s1+$0xBA10] =	vst v0  }
0xe9: {  	[tilespmem:s1+$0xBA20] =	vst v0  }
0xea: {  	[tilespmem:s1+$0xBA30] =	vst v0  }
0xeb: {  	[tilespmem:s1+$0xBA40] =	vst v0  }
0xec: {  	[tilespmem:s1+$0xBA50] =	vst v0  }
0xed: {  	[tilespmem:s1+$0xBA60] =	vst v0  }
0xee: {  	[spmem:s25] =	stream.linear.scatter [tilespmem:s30], [sflag:$0xC], $0x4000, $0x38;
	[tilespmem:$0x1FA00] =	vst v63  }
0xef: {  	_ =	swait.ge [sflag:s31], $0x4000  }
0xf0: {  	[sflag:s31] =	ssyncset.done $0x0  }
0xf1: {  	[sflag:s31] =	ssyncadd.s32 $0xFFFFC000  }
0xf2: {  	[spmem:s29] =	stream.linear.scatter [tilespmem:s30], [sflag:$0xC], $0x4000, $0x38;
	[tilespmem:$0x1FA00] =	vst v63  }
0xf3: {  	_ =	swait.ge [sflag:s31], $0x4000  }
0xf4: {  	[sflag:s31] =	ssyncset.done $0x0  }
0xf5: {  	s1 =	simm.s32 $0x0;
	s3 =	rddreg [dreg:$0x9];
	[sflag:s31] =	ssyncadd.s32 $0xFFFFC000  }
0xf6: {  	[tilespmem:s1], [sflag:$0xC] =	stream.linear.gather [hbm4b:s3+s1], $0x1900, $0x38;
	[tilespmem:$0x1FA00] =	vst v63  }
0xf7: {  	_ =	swait.ge [sflag:s31], $0x1900  }
0xf8: {  	[sflag:s31] =	ssyncset.done $0x0  }
0xf9: {  	s28 =	simm.s32 $0x1C00;
	s3 =	rddreg [dreg:$0xa];
	[sflag:s31] =	ssyncadd.s32 $0xFFFFE700  }
0xfa: {  	[tilespmem:s28], [sflag:$0xC] =	stream.linear.gather [hbm4b:s3+s1], $0x1900, $0x38;
	[tilespmem:$0x1FA00] =	vst v63  }
0xfb: {  	_ =	swait.ge [sflag:s31], $0x1900  }
0xfc: {  	[sflag:s31] =	ssyncset.done $0x0  }
0xfd: {  	[sflag:s31] =	ssyncadd.s32 $0xFFFFE700  }
0xfe: {  	[tilespmem:s30], [sflag:$0x1] =	stream.indirect.gather [hbm4b:s24+s0], $0x80, s1, s0, $0xb8;
	[tilespmem:$0x1FA00] =	vst v63  }
0xff: {  	_ = 	snop  }
0x100: {  	[tilespmem:s2], [sflag:$0x2] =	stream.indirect.gather [hbm4b:s24+s0], $0x80, s0, s0, $0xb8;
	[tilespmem:$0x1FA00] =	vst v63  }
0x101: {  	s3 =	simm.s32 $0x100  }
0x102: {  	[tilespmem:s4], [sflag:$0x3] =	stream.indirect.gather [hbm4b:s24+s0], $0x80, s3, s0, $0xb8;
	[tilespmem:$0x1FA00] =	vst v63  }
0x103: {  	_ = 	snop  }
0x104: {  	[tilespmem:s6], [sflag:$0x4] =	stream.indirect.gather [hbm4b:s24+s0], $0x80, s5, s0, $0xb8;
	[tilespmem:$0x1FA00] =	vst v63  }
0x105: {  	_ = 	snop  }
0x106: {  	[tilespmem:s8], [sflag:$0x5] =	stream.indirect.gather [hbm4b:s24+s0], $0x80, s7, s0, $0xb8;
	[tilespmem:$0x1FA00] =	vst v63  }
0x107: {  	_ =	swait.ge [sflag:s9], $0x4000  }
0x108: {  	[sflag:s9] =	ssyncset.done $0x0  }
0x109: {  	s3 =	simm.s32 $0x1C00;
	[sflag:s9] =	ssyncadd.s32 $0xFFFFC000  }
0x10a: {  	[spmem:s20] =	stream.indirect.scatter.add.f32 [tilespmem:s30], [sflag:$0x6], $0x80, s3, s0, $0xb8;
	[tilespmem:$0x1FA00] =	vst v63  }
0x10b: {  	_ =	swait.ge [sflag:s10], $0x4000  }
0x10c: {  	[sflag:s10] =	ssyncset.done $0x0  }
0x10d: {  	s3 =	simm.s32 $0x1C80;
	[sflag:s10] =	ssyncadd.s32 $0xFFFFC000  }
0x10e: {  	[spmem:s20] =	stream.indirect.scatter.add.f32 [tilespmem:s2], [sflag:$0x7], $0x80, s3, s0, $0xb8;
	[tilespmem:$0x1FA00] =	vst v63  }
0x10f: {  	_ =	swait.ge [sflag:s11], $0x4000  }
0x110: {  	[sflag:s11] =	ssyncset.done $0x0  }
0x111: {  	s3 =	simm.s32 $0x1D00;
	[sflag:s11] =	ssyncadd.s32 $0xFFFFC000  }
0x112: {  	[spmem:s20] =	stream.indirect.scatter.add.f32 [tilespmem:s4], [sflag:$0x8], $0x80, s3, s0, $0xb8;
	[tilespmem:$0x1FA00] =	vst v63  }
0x113: {  	_ =	swait.ge [sflag:s12], $0x4000  }
0x114: {  	[sflag:s12] =	ssyncset.done $0x0  }
0x115: {  	s3 =	simm.s32 $0x1D80;
	[sflag:s12] =	ssyncadd.s32 $0xFFFFC000  }
0x116: {  	[spmem:s20] =	stream.indirect.scatter.add.f32 [tilespmem:s6], [sflag:$0x9], $0x80, s3, s0, $0xb8;
	[tilespmem:$0x1FA00] =	vst v63  }
0x117: {  	_ =	swait.ge [sflag:s13], $0x4000  }
0x118: {  	[sflag:s13] =	ssyncset.done $0x0  }
0x119: {  	s3 =	simm.s32 $0x1E00;
	[sflag:s13] =	ssyncadd.s32 $0xFFFFC000  }
0x11a: {  	[spmem:s20] =	stream.indirect.scatter.add.f32 [tilespmem:s8], [sflag:$0xA], $0x80, s3, s0, $0xb8;
	[tilespmem:$0x1FA00] =	vst v63  }
0x11b: {  	_ =	swait.ge [sflag:s14], $0x4000  }
0x11c: {  	[sflag:s14] =	ssyncset.done $0x0  }
0x11d: {  	s3 =	simm.s32 $0x280;
	[sflag:s14] =	ssyncadd.s32 $0xFFFFC000  }
0x11e: {  	[tilespmem:s30], [sflag:$0x1] =	stream.indirect.gather [hbm4b:s24+s0], $0x80, s3, s0, $0xb8;
	[tilespmem:$0x1FA00] =	vst v63  }
0x11f: {  	_ =	swait.ge [sflag:s15], $0x4000  }
0x120: {  	[sflag:s15] =	ssyncset.done $0x0  }
0x121: {  	s3 =	simm.s32 $0x300;
	[sflag:s15] =	ssyncadd.s32 $0xFFFFC000  }
0x122: {  	[tilespmem:s2], [sflag:$0x2] =	stream.indirect.gather [hbm4b:s24+s0], $0x80, s3, s0, $0xb8;
	[tilespmem:$0x1FA00] =	vst v63  }
0x123: {  	_ =	swait.ge [sflag:s17], $0x4000  }
0x124: {  	[sflag:s17] =	ssyncset.done $0x0  }
0x125: {  	s3 =	simm.s32 $0x380;
	[sflag:s17] =	ssyncadd.s32 $0xFFFFC000  }
0x126: {  	[tilespmem:s4], [sflag:$0x3] =	stream.indirect.gather [hbm4b:s24+s0], $0x80, s3, s0, $0xb8;
	[tilespmem:$0x1FA00] =	vst v63  }
0x127: {  	_ =	swait.ge [sflag:s18], $0x4000  }
0x128: {  	[sflag:s18] =	ssyncset.done $0x0  }
0x129: {  	s3 =	simm.s32 $0x400;
	[sflag:s18] =	ssyncadd.s32 $0xFFFFC000  }
0x12a: {  	[tilespmem:s6], [sflag:$0x4] =	stream.indirect.gather [hbm4b:s24+s0], $0x80, s3, s0, $0xb8;
	[tilespmem:$0x1FA00] =	vst v63  }
0x12b: {  	_ =	swait.ge [sflag:s19], $0x4000  }
0x12c: {  	[sflag:s19] =	ssyncset.done $0x0  }
0x12d: {  	s28 =	simm.s32 $0xA00;
	s1 =	simm.s32 $0x480;
	[sflag:s19] =	ssyncadd.s32 $0xFFFFC000  }
.LBB2_8:
0x12e: {  	[tilespmem:s8], [sflag:$0x5] =	stream.indirect.gather [hbm4b:s24+s0], $0x80, s1, s0, $0xb8;
	[tilespmem:$0x1FA00] =	vst v63  }
0x12f: {  	s1 =	smov.u32 s28  }
0x130: {  	p0 =	sne.s32 s28, $0x5000;
	s28 =	sadd.s32 $0xA00, s28;
	_ =	swait.ge [sflag:s9], $0x4000  }
0x131: {  	s1 =	sshra.s32 s1, $0x2;
	[sflag:s9] =	ssyncset.done $0x0  }
0x132: {  	s3 =	sadd.s32 $0x1C00, s1;
	[sflag:s9] =	ssyncadd.s32 $0xFFFFC000  }
0x133: {  	[spmem:s20] =	stream.indirect.scatter.add.f32 [tilespmem:s30], [sflag:$0x6], $0x80, s3, s0, $0xb8;
	[tilespmem:$0x1FA00] =	vst v63  }
0x134: {  	_ =	swait.ge [sflag:s10], $0x4000  }
0x135: {  	[sflag:s10] =	ssyncset.done $0x0  }
0x136: {  	s3 =	sadd.s32 $0x1C80, s1;
	[sflag:s10] =	ssyncadd.s32 $0xFFFFC000  }
0x137: {  	[spmem:s20] =	stream.indirect.scatter.add.f32 [tilespmem:s2], [sflag:$0x7], $0x80, s3, s0, $0xb8;
	[tilespmem:$0x1FA00] =	vst v63  }
0x138: {  	_ =	swait.ge [sflag:s11], $0x4000  }
0x139: {  	[sflag:s11] =	ssyncset.done $0x0  }
0x13a: {  	s3 =	sadd.s32 $0x1D00, s1;
	[sflag:s11] =	ssyncadd.s32 $0xFFFFC000  }
0x13b: {  	[spmem:s20] =	stream.indirect.scatter.add.f32 [tilespmem:s4], [sflag:$0x8], $0x80, s3, s0, $0xb8;
	[tilespmem:$0x1FA00] =	vst v63  }
0x13c: {  	_ =	swait.ge [sflag:s12], $0x4000  }
0x13d: {  	[sflag:s12] =	ssyncset.done $0x0  }
0x13e: {  	s3 =	sadd.s32 $0x1D80, s1;
	[sflag:s12] =	ssyncadd.s32 $0xFFFFC000  }
0x13f: {  	[spmem:s20] =	stream.indirect.scatter.add.f32 [tilespmem:s6], [sflag:$0x9], $0x80, s3, s0, $0xb8;
	[tilespmem:$0x1FA00] =	vst v63  }
0x140: {  	_ =	swait.ge [sflag:s13], $0x4000  }
0x141: {  	[sflag:s13] =	ssyncset.done $0x0  }
0x142: {  	s3 =	sadd.s32 $0x1E00, s1;
	[sflag:s13] =	ssyncadd.s32 $0xFFFFC000  }
0x143: {  	[spmem:s20] =	stream.indirect.scatter.add.f32 [tilespmem:s8], [sflag:$0xA], $0x80, s3, s0, $0xb8;
	[tilespmem:$0x1FA00] =	vst v63  }
0x144: {  	_ =	swait.ge [sflag:s14], $0x4000  }
0x145: {  	[sflag:s14] =	ssyncset.done $0x0  }
0x146: {  	s3 =	sadd.s32 $0x280, s1;
	[sflag:s14] =	ssyncadd.s32 $0xFFFFC000  }
0x147: {  	[tilespmem:s30], [sflag:$0x1] =	stream.indirect.gather [hbm4b:s24+s0], $0x80, s3, s0, $0xb8;
	[tilespmem:$0x1FA00] =	vst v63  }
0x148: {  	_ =	swait.ge [sflag:s15], $0x4000  }
0x149: {  	[sflag:s15] =	ssyncset.done $0x0  }
0x14a: {  	s3 =	sadd.s32 $0x300, s1;
	[sflag:s15] =	ssyncadd.s32 $0xFFFFC000  }
0x14b: {  	[tilespmem:s2], [sflag:$0x2] =	stream.indirect.gather [hbm4b:s24+s0], $0x80, s3, s0, $0xb8;
	[tilespmem:$0x1FA00] =	vst v63  }
0x14c: {  	_ =	swait.ge [sflag:s17], $0x4000  }
0x14d: {  	[sflag:s17] =	ssyncset.done $0x0  }
0x14e: {  	s3 =	sadd.s32 $0x380, s1;
	[sflag:s17] =	ssyncadd.s32 $0xFFFFC000  }
0x14f: {  	[tilespmem:s4], [sflag:$0x3] =	stream.indirect.gather [hbm4b:s24+s0], $0x80, s3, s0, $0xb8;
	[tilespmem:$0x1FA00] =	vst v63  }
0x150: {  	_ =	swait.ge [sflag:s18], $0x4000  }
0x151: {  	[sflag:s18] =	ssyncset.done $0x0  }
.Ltmp3:
0x152: {  	s3 =	sadd.s32 $0x400, s1;
	[sflag:s18] =	ssyncadd.s32 $0xFFFFC000;
	(pc) =	sbr.rel @p0 .LBB2_8-.Ltmp3, $4  }
0x153: {  	[tilespmem:s6], [sflag:$0x4] =	stream.indirect.gather [hbm4b:s24+s0], $0x80, s3, s0, $0xb8;
	[tilespmem:$0x1FA00] =	vst v63  }
0x154: {  	_ =	swait.ge [sflag:s19], $0x4000  }
0x155: {  	[sflag:s19] =	ssyncset.done $0x0  }
0x156: {  	s1 =	sadd.s32 $0x480, s1;
	[sflag:s19] =	ssyncadd.s32 $0xFFFFC000  }
0x157: {  	[tilespmem:s8], [sflag:$0x5] =	stream.indirect.gather [hbm4b:s24+s0], $0x80, s1, s0, $0xb8;
	[tilespmem:$0x1FA00] =	vst v63  }
0x158: {  	_ =	swait.ge [sflag:s9], $0x4000  }
0x159: {  	[sflag:s9] =	ssyncset.done $0x0  }
0x15a: {  	s3 =	simm.s32 $0x3280;
	[sflag:s9] =	ssyncadd.s32 $0xFFFFC000  }
0x15b: {  	[spmem:s20] =	stream.indirect.scatter.add.f32 [tilespmem:s30], [sflag:$0x6], $0x80, s3, s0, $0xb8;
	[tilespmem:$0x1FA00] =	vst v63  }
0x15c: {  	_ =	swait.ge [sflag:s10], $0x4000  }
0x15d: {  	[sflag:s10] =	ssyncset.done $0x0  }
0x15e: {  	s3 =	simm.s32 $0x3300;
	[sflag:s10] =	ssyncadd.s32 $0xFFFFC000  }
0x15f: {  	[spmem:s20] =	stream.indirect.scatter.add.f32 [tilespmem:s2], [sflag:$0x7], $0x80, s3, s0, $0xb8;
	[tilespmem:$0x1FA00] =	vst v63  }
0x160: {  	_ =	swait.ge [sflag:s11], $0x4000  }
0x161: {  	[sflag:s11] =	ssyncset.done $0x0  }
0x162: {  	s3 =	simm.s32 $0x3380;
	[sflag:s11] =	ssyncadd.s32 $0xFFFFC000  }
0x163: {  	[spmem:s20] =	stream.indirect.scatter.add.f32 [tilespmem:s4], [sflag:$0x8], $0x80, s3, s0, $0xb8;
	[tilespmem:$0x1FA00] =	vst v63  }
0x164: {  	_ =	swait.ge [sflag:s12], $0x4000  }
0x165: {  	[sflag:s12] =	ssyncset.done $0x0  }
0x166: {  	s3 =	simm.s32 $0x3400;
	[sflag:s12] =	ssyncadd.s32 $0xFFFFC000  }
0x167: {  	[spmem:s20] =	stream.indirect.scatter.add.f32 [tilespmem:s6], [sflag:$0x9], $0x80, s3, s0, $0xb8;
	[tilespmem:$0x1FA00] =	vst v63  }
0x168: {  	_ =	swait.ge [sflag:s13], $0x4000  }
0x169: {  	[sflag:s13] =	ssyncset.done $0x0  }
0x16a: {  	s3 =	simm.s32 $0x3480;
	[sflag:s13] =	ssyncadd.s32 $0xFFFFC000  }
0x16b: {  	[spmem:s20] =	stream.indirect.scatter.add.f32 [tilespmem:s8], [sflag:$0xA], $0x80, s3, s0, $0xb8;
	[tilespmem:$0x1FA00] =	vst v63  }
0x16c: {  	_ =	swait.ge [sflag:s14], $0x4000  }
0x16d: {  	[sflag:s14] =	ssyncset.done $0x0  }
0x16e: {  	s3 =	simm.s32 $0x0;
	[sflag:s14] =	ssyncadd.s32 $0xFFFFC000  }
0x16f: {  	[tilespmem:s30], [sflag:$0x1] =	stream.indirect.gather [hbm4b:s24+s0], $0x80, s3, s0, $0xb8;
	[tilespmem:$0x1FA00] =	vst v63  }
0x170: {  	_ =	swait.ge [sflag:s15], $0x4000  }
0x171: {  	[sflag:s15] =	ssyncset.done $0x0  }
0x172: {  	[sflag:s15] =	ssyncadd.s32 $0xFFFFC000  }
0x173: {  	[tilespmem:s2], [sflag:$0x2] =	stream.indirect.gather [hbm4b:s24+s0], $0x80, s0, s0, $0xb8;
	[tilespmem:$0x1FA00] =	vst v63  }
0x174: {  	_ =	swait.ge [sflag:s17], $0x4000  }
0x175: {  	[sflag:s17] =	ssyncset.done $0x0  }
0x176: {  	s3 =	simm.s32 $0x100;
	[sflag:s17] =	ssyncadd.s32 $0xFFFFC000  }
0x177: {  	[tilespmem:s4], [sflag:$0x3] =	stream.indirect.gather [hbm4b:s24+s0], $0x80, s3, s0, $0xb8;
	[tilespmem:$0x1FA00] =	vst v63  }
0x178: {  	_ =	swait.ge [sflag:s18], $0x4000  }
0x179: {  	[sflag:s18] =	ssyncset.done $0x0  }
0x17a: {  	[sflag:s18] =	ssyncadd.s32 $0xFFFFC000  }
0x17b: {  	[tilespmem:s6], [sflag:$0x4] =	stream.indirect.gather [hbm4b:s24+s0], $0x80, s5, s0, $0xb8;
	[tilespmem:$0x1FA00] =	vst v63  }
0x17c: {  	_ =	swait.ge [sflag:s19], $0x4000  }
0x17d: {  	[sflag:s19] =	ssyncset.done $0x0  }
0x17e: {  	[sflag:s19] =	ssyncadd.s32 $0xFFFFC000  }
0x17f: {  	[tilespmem:s8], [sflag:$0x5] =	stream.indirect.gather [hbm4b:s24+s0], $0x80, s7, s0, $0xb8;
	[tilespmem:$0x1FA00] =	vst v63  }
0x180: {  	_ =	swait.ge [sflag:s9], $0x4000  }
0x181: {  	[sflag:s9] =	ssyncset.done $0x0  }
0x182: {  	[sflag:s9] =	ssyncadd.s32 $0xFFFFC000  }
0x183: {  	_ =	swait.ge [sflag:s10], $0x4000  }
0x184: {  	[sflag:s10] =	ssyncset.done $0x0  }
0x185: {  	[sflag:s10] =	ssyncadd.s32 $0xFFFFC000  }
0x186: {  	_ =	swait.ge [sflag:s11], $0x4000  }
0x187: {  	[sflag:s11] =	ssyncset.done $0x0  }
0x188: {  	[sflag:s11] =	ssyncadd.s32 $0xFFFFC000  }
0x189: {  	_ =	swait.ge [sflag:s12], $0x4000  }
0x18a: {  	[sflag:s12] =	ssyncset.done $0x0  }
0x18b: {  	[sflag:s12] =	ssyncadd.s32 $0xFFFFC000  }
0x18c: {  	_ =	swait.ge [sflag:s13], $0x4000  }
0x18d: {  	[sflag:s13] =	ssyncset.done $0x0  }
0x18e: {  	s3 =	rddreg [dreg:$0xb];
	[sflag:s13] =	ssyncadd.s32 $0xFFFFC000  }
0x18f: {  	[hbm:s3], [sflag:s22] =	dma.local [spmem:s23], $0x800  }
0x190: {  	s1 =	rddreg [dreg:$0xc]  }
0x191: {  	[hbm:s1], [sflag:s22] =	dma.local [spmem:s26], $0x800  }
0x192: {  	_ =	swait.ge [sflag:s16], $0x800  }
0x193: {  	[sflag:s16] =	ssyncset.done $0x0  }
0x194: {  	[sflag:s16] =	ssyncadd.s32 $0xFFFFF800  }
0x195: {  	_ =	swait.ge [sflag:s16], $0x800  }
0x196: {  	[sflag:s16] =	ssyncset.done $0x0  }
0x197: {  	s28 =	simm.s32 $0x200;
	s1 =	simm.s32 $0x0;
	[sflag:s16] =	ssyncadd.s32 $0xFFFFF800  }
.LBB2_10:
0x198: {  	p0 =	sne.s32 s28, $0xFE00;
	[tilespmem:s1+$0xBA70] =	vst v0  }
0x199: {  	[tilespmem:s1+$0xBA00] =	vst v0  }
0x19a: {  	[tilespmem:s1+$0xBA10] =	vst v0  }
.Ltmp4:
0x19b: {  	[tilespmem:s1+$0xBA20] =	vst v0;
	(pc) =	sbr.rel @p0 .LBB2_10-.Ltmp4, $4  }
0x19c: {  	[tilespmem:s1+$0xBA30] =	vst v0  }
0x19d: {  	[tilespmem:s1+$0xBA40] =	vst v0  }
0x19e: {  	[tilespmem:s1+$0xBA50] =	vst v0  }
0x19f: {  	[tilespmem:s1+$0xBA60] =	vst v0;
	s1 =	sshra.s32 s28, $0x2;
	s28 =	sadd.s32 $0x200, s28  }
0x1a0: {  	[tilespmem:s1+$0xBA70] =	vst v0  }
0x1a1: {  	[tilespmem:s1+$0xBA00] =	vst v0  }
0x1a2: {  	[tilespmem:s1+$0xBA10] =	vst v0  }
0x1a3: {  	[tilespmem:s1+$0xBA20] =	vst v0  }
0x1a4: {  	[tilespmem:s1+$0xBA30] =	vst v0  }
0x1a5: {  	[tilespmem:s1+$0xBA40] =	vst v0  }
0x1a6: {  	[tilespmem:s1+$0xBA50] =	vst v0  }
0x1a7: {  	[tilespmem:s1+$0xBA60] =	vst v0  }
0x1a8: {  	[spmem:s25] =	stream.linear.scatter [tilespmem:s30], [sflag:$0xC], $0x4000, $0x38;
	[tilespmem:$0x1FA00] =	vst v63  }
0x1a9: {  	_ =	swait.ge [sflag:s31], $0x4000  }
0x1aa: {  	[sflag:s31] =	ssyncset.done $0x0  }
0x1ab: {  	[sflag:s31] =	ssyncadd.s32 $0xFFFFC000  }
0x1ac: {  	[spmem:s29] =	stream.linear.scatter [tilespmem:s30], [sflag:$0xC], $0x4000, $0x38;
	[tilespmem:$0x1FA00] =	vst v63  }
0x1ad: {  	_ =	swait.ge [sflag:s31], $0x4000  }
0x1ae: {  	[sflag:s31] =	ssyncset.done $0x0  }
0x1af: {  	s1 =	simm.s32 $0x0;
	s3 =	rddreg [dreg:$0xd];
	[sflag:s31] =	ssyncadd.s32 $0xFFFFC000  }
0x1b0: {  	[tilespmem:s1], [sflag:$0xC] =	stream.linear.gather [hbm4b:s3+s1], $0x1900, $0x38;
	[tilespmem:$0x1FA00] =	vst v63  }
0x1b1: {  	_ =	swait.ge [sflag:s31], $0x1900  }
0x1b2: {  	[sflag:s31] =	ssyncset.done $0x0  }
0x1b3: {  	s28 =	simm.s32 $0x1C00;
	s3 =	rddreg [dreg:$0xe];
	[sflag:s31] =	ssyncadd.s32 $0xFFFFE700  }
0x1b4: {  	[tilespmem:s28], [sflag:$0xC] =	stream.linear.gather [hbm4b:s3+s1], $0x1900, $0x38;
	[tilespmem:$0x1FA00] =	vst v63  }
0x1b5: {  	_ =	swait.ge [sflag:s31], $0x1900  }
0x1b6: {  	[sflag:s31] =	ssyncset.done $0x0  }
0x1b7: {  	[sflag:s31] =	ssyncadd.s32 $0xFFFFE700  }
0x1b8: {  	[tilespmem:s30], [sflag:$0x1] =	stream.indirect.gather [hbm4b:s24+s0], $0x80, s1, s0, $0xb8;
	[tilespmem:$0x1FA00] =	vst v63  }
0x1b9: {  	_ = 	snop  }
0x1ba: {  	[tilespmem:s2], [sflag:$0x2] =	stream.indirect.gather [hbm4b:s24+s0], $0x80, s0, s0, $0xb8;
	[tilespmem:$0x1FA00] =	vst v63  }
0x1bb: {  	s3 =	simm.s32 $0x100  }
0x1bc: {  	[tilespmem:s4], [sflag:$0x3] =	stream.indirect.gather [hbm4b:s24+s0], $0x80, s3, s0, $0xb8;
	[tilespmem:$0x1FA00] =	vst v63  }
0x1bd: {  	_ = 	snop  }
0x1be: {  	[tilespmem:s6], [sflag:$0x4] =	stream.indirect.gather [hbm4b:s24+s0], $0x80, s5, s0, $0xb8;
	[tilespmem:$0x1FA00] =	vst v63  }
0x1bf: {  	_ = 	snop  }
0x1c0: {  	[tilespmem:s8], [sflag:$0x5] =	stream.indirect.gather [hbm4b:s24+s0], $0x80, s7, s0, $0xb8;
	[tilespmem:$0x1FA00] =	vst v63  }
0x1c1: {  	_ =	swait.ge [sflag:s9], $0x4000  }
0x1c2: {  	[sflag:s9] =	ssyncset.done $0x0  }
0x1c3: {  	s3 =	simm.s32 $0x1C00;
	[sflag:s9] =	ssyncadd.s32 $0xFFFFC000  }
0x1c4: {  	[spmem:s20] =	stream.indirect.scatter.add.f32 [tilespmem:s30], [sflag:$0x6], $0x80, s3, s0, $0xb8;
	[tilespmem:$0x1FA00] =	vst v63  }
0x1c5: {  	_ =	swait.ge [sflag:s10], $0x4000  }
0x1c6: {  	[sflag:s10] =	ssyncset.done $0x0  }
0x1c7: {  	s3 =	simm.s32 $0x1C80;
	[sflag:s10] =	ssyncadd.s32 $0xFFFFC000  }
0x1c8: {  	[spmem:s20] =	stream.indirect.scatter.add.f32 [tilespmem:s2], [sflag:$0x7], $0x80, s3, s0, $0xb8;
	[tilespmem:$0x1FA00] =	vst v63  }
0x1c9: {  	_ =	swait.ge [sflag:s11], $0x4000  }
0x1ca: {  	[sflag:s11] =	ssyncset.done $0x0  }
0x1cb: {  	s3 =	simm.s32 $0x1D00;
	[sflag:s11] =	ssyncadd.s32 $0xFFFFC000  }
0x1cc: {  	[spmem:s20] =	stream.indirect.scatter.add.f32 [tilespmem:s4], [sflag:$0x8], $0x80, s3, s0, $0xb8;
	[tilespmem:$0x1FA00] =	vst v63  }
0x1cd: {  	_ =	swait.ge [sflag:s12], $0x4000  }
0x1ce: {  	[sflag:s12] =	ssyncset.done $0x0  }
0x1cf: {  	s3 =	simm.s32 $0x1D80;
	[sflag:s12] =	ssyncadd.s32 $0xFFFFC000  }
0x1d0: {  	[spmem:s20] =	stream.indirect.scatter.add.f32 [tilespmem:s6], [sflag:$0x9], $0x80, s3, s0, $0xb8;
	[tilespmem:$0x1FA00] =	vst v63  }
0x1d1: {  	_ =	swait.ge [sflag:s13], $0x4000  }
0x1d2: {  	[sflag:s13] =	ssyncset.done $0x0  }
0x1d3: {  	s3 =	simm.s32 $0x1E00;
	[sflag:s13] =	ssyncadd.s32 $0xFFFFC000  }
0x1d4: {  	[spmem:s20] =	stream.indirect.scatter.add.f32 [tilespmem:s8], [sflag:$0xA], $0x80, s3, s0, $0xb8;
	[tilespmem:$0x1FA00] =	vst v63  }
0x1d5: {  	_ =	swait.ge [sflag:s14], $0x4000  }
0x1d6: {  	[sflag:s14] =	ssyncset.done $0x0  }
0x1d7: {  	s3 =	simm.s32 $0x280;
	[sflag:s14] =	ssyncadd.s32 $0xFFFFC000  }
0x1d8: {  	[tilespmem:s30], [sflag:$0x1] =	stream.indirect.gather [hbm4b:s24+s0], $0x80, s3, s0, $0xb8;
	[tilespmem:$0x1FA00] =	vst v63  }
0x1d9: {  	_ =	swait.ge [sflag:s15], $0x4000  }
0x1da: {  	[sflag:s15] =	ssyncset.done $0x0  }
0x1db: {  	s3 =	simm.s32 $0x300;
	[sflag:s15] =	ssyncadd.s32 $0xFFFFC000  }
0x1dc: {  	[tilespmem:s2], [sflag:$0x2] =	stream.indirect.gather [hbm4b:s24+s0], $0x80, s3, s0, $0xb8;
	[tilespmem:$0x1FA00] =	vst v63  }
0x1dd: {  	_ =	swait.ge [sflag:s17], $0x4000  }
0x1de: {  	[sflag:s17] =	ssyncset.done $0x0  }
0x1df: {  	s3 =	simm.s32 $0x380;
	[sflag:s17] =	ssyncadd.s32 $0xFFFFC000  }
0x1e0: {  	[tilespmem:s4], [sflag:$0x3] =	stream.indirect.gather [hbm4b:s24+s0], $0x80, s3, s0, $0xb8;
	[tilespmem:$0x1FA00] =	vst v63  }
0x1e1: {  	_ =	swait.ge [sflag:s18], $0x4000  }
0x1e2: {  	[sflag:s18] =	ssyncset.done $0x0  }
0x1e3: {  	s3 =	simm.s32 $0x400;
	[sflag:s18] =	ssyncadd.s32 $0xFFFFC000  }
0x1e4: {  	[tilespmem:s6], [sflag:$0x4] =	stream.indirect.gather [hbm4b:s24+s0], $0x80, s3, s0, $0xb8;
	[tilespmem:$0x1FA00] =	vst v63  }
0x1e5: {  	_ =	swait.ge [sflag:s19], $0x4000  }
0x1e6: {  	[sflag:s19] =	ssyncset.done $0x0  }
0x1e7: {  	s28 =	simm.s32 $0xA00;
	s1 =	simm.s32 $0x480;
	[sflag:s19] =	ssyncadd.s32 $0xFFFFC000  }
.LBB2_12:
0x1e8: {  	[tilespmem:s8], [sflag:$0x5] =	stream.indirect.gather [hbm4b:s24+s0], $0x80, s1, s0, $0xb8;
	[tilespmem:$0x1FA00] =	vst v63  }
0x1e9: {  	s1 =	smov.u32 s28  }
0x1ea: {  	p0 =	sne.s32 s28, $0x5000;
	s28 =	sadd.s32 $0xA00, s28;
	_ =	swait.ge [sflag:s9], $0x4000  }
0x1eb: {  	s1 =	sshra.s32 s1, $0x2;
	[sflag:s9] =	ssyncset.done $0x0  }
0x1ec: {  	s3 =	sadd.s32 $0x1C00, s1;
	[sflag:s9] =	ssyncadd.s32 $0xFFFFC000  }
0x1ed: {  	[spmem:s20] =	stream.indirect.scatter.add.f32 [tilespmem:s30], [sflag:$0x6], $0x80, s3, s0, $0xb8;
	[tilespmem:$0x1FA00] =	vst v63  }
0x1ee: {  	_ =	swait.ge [sflag:s10], $0x4000  }
0x1ef: {  	[sflag:s10] =	ssyncset.done $0x0  }
0x1f0: {  	s3 =	sadd.s32 $0x1C80, s1;
	[sflag:s10] =	ssyncadd.s32 $0xFFFFC000  }
0x1f1: {  	[spmem:s20] =	stream.indirect.scatter.add.f32 [tilespmem:s2], [sflag:$0x7], $0x80, s3, s0, $0xb8;
	[tilespmem:$0x1FA00] =	vst v63  }
0x1f2: {  	_ =	swait.ge [sflag:s11], $0x4000  }
0x1f3: {  	[sflag:s11] =	ssyncset.done $0x0  }
0x1f4: {  	s3 =	sadd.s32 $0x1D00, s1;
	[sflag:s11] =	ssyncadd.s32 $0xFFFFC000  }
0x1f5: {  	[spmem:s20] =	stream.indirect.scatter.add.f32 [tilespmem:s4], [sflag:$0x8], $0x80, s3, s0, $0xb8;
	[tilespmem:$0x1FA00] =	vst v63  }
0x1f6: {  	_ =	swait.ge [sflag:s12], $0x4000  }
0x1f7: {  	[sflag:s12] =	ssyncset.done $0x0  }
0x1f8: {  	s3 =	sadd.s32 $0x1D80, s1;
	[sflag:s12] =	ssyncadd.s32 $0xFFFFC000  }
0x1f9: {  	[spmem:s20] =	stream.indirect.scatter.add.f32 [tilespmem:s6], [sflag:$0x9], $0x80, s3, s0, $0xb8;
	[tilespmem:$0x1FA00] =	vst v63  }
0x1fa: {  	_ =	swait.ge [sflag:s13], $0x4000  }
0x1fb: {  	[sflag:s13] =	ssyncset.done $0x0  }
0x1fc: {  	s3 =	sadd.s32 $0x1E00, s1;
	[sflag:s13] =	ssyncadd.s32 $0xFFFFC000  }
0x1fd: {  	[spmem:s20] =	stream.indirect.scatter.add.f32 [tilespmem:s8], [sflag:$0xA], $0x80, s3, s0, $0xb8;
	[tilespmem:$0x1FA00] =	vst v63  }
0x1fe: {  	_ =	swait.ge [sflag:s14], $0x4000  }
0x1ff: {  	[sflag:s14] =	ssyncset.done $0x0  }
0x200: {  	s3 =	sadd.s32 $0x280, s1;
	[sflag:s14] =	ssyncadd.s32 $0xFFFFC000  }
0x201: {  	[tilespmem:s30], [sflag:$0x1] =	stream.indirect.gather [hbm4b:s24+s0], $0x80, s3, s0, $0xb8;
	[tilespmem:$0x1FA00] =	vst v63  }
0x202: {  	_ =	swait.ge [sflag:s15], $0x4000  }
0x203: {  	[sflag:s15] =	ssyncset.done $0x0  }
0x204: {  	s3 =	sadd.s32 $0x300, s1;
	[sflag:s15] =	ssyncadd.s32 $0xFFFFC000  }
0x205: {  	[tilespmem:s2], [sflag:$0x2] =	stream.indirect.gather [hbm4b:s24+s0], $0x80, s3, s0, $0xb8;
	[tilespmem:$0x1FA00] =	vst v63  }
0x206: {  	_ =	swait.ge [sflag:s17], $0x4000  }
0x207: {  	[sflag:s17] =	ssyncset.done $0x0  }
0x208: {  	s3 =	sadd.s32 $0x380, s1;
	[sflag:s17] =	ssyncadd.s32 $0xFFFFC000  }
0x209: {  	[tilespmem:s4], [sflag:$0x3] =	stream.indirect.gather [hbm4b:s24+s0], $0x80, s3, s0, $0xb8;
	[tilespmem:$0x1FA00] =	vst v63  }
0x20a: {  	_ =	swait.ge [sflag:s18], $0x4000  }
0x20b: {  	[sflag:s18] =	ssyncset.done $0x0  }
.Ltmp5:
0x20c: {  	s3 =	sadd.s32 $0x400, s1;
	[sflag:s18] =	ssyncadd.s32 $0xFFFFC000;
	(pc) =	sbr.rel @p0 .LBB2_12-.Ltmp5, $4  }
0x20d: {  	[tilespmem:s6], [sflag:$0x4] =	stream.indirect.gather [hbm4b:s24+s0], $0x80, s3, s0, $0xb8;
	[tilespmem:$0x1FA00] =	vst v63  }
0x20e: {  	_ =	swait.ge [sflag:s19], $0x4000  }
0x20f: {  	[sflag:s19] =	ssyncset.done $0x0  }
0x210: {  	s1 =	sadd.s32 $0x480, s1;
	[sflag:s19] =	ssyncadd.s32 $0xFFFFC000  }
0x211: {  	[tilespmem:s8], [sflag:$0x5] =	stream.indirect.gather [hbm4b:s24+s0], $0x80, s1, s0, $0xb8;
	[tilespmem:$0x1FA00] =	vst v63  }
0x212: {  	_ =	swait.ge [sflag:s9], $0x4000  }
0x213: {  	[sflag:s9] =	ssyncset.done $0x0  }
0x214: {  	s3 =	simm.s32 $0x3280;
	[sflag:s9] =	ssyncadd.s32 $0xFFFFC000  }
0x215: {  	[spmem:s20] =	stream.indirect.scatter.add.f32 [tilespmem:s30], [sflag:$0x6], $0x80, s3, s0, $0xb8;
	[tilespmem:$0x1FA00] =	vst v63  }
0x216: {  	_ =	swait.ge [sflag:s10], $0x4000  }
0x217: {  	[sflag:s10] =	ssyncset.done $0x0  }
0x218: {  	s3 =	simm.s32 $0x3300;
	[sflag:s10] =	ssyncadd.s32 $0xFFFFC000  }
0x219: {  	[spmem:s20] =	stream.indirect.scatter.add.f32 [tilespmem:s2], [sflag:$0x7], $0x80, s3, s0, $0xb8;
	[tilespmem:$0x1FA00] =	vst v63  }
0x21a: {  	_ =	swait.ge [sflag:s11], $0x4000  }
0x21b: {  	[sflag:s11] =	ssyncset.done $0x0  }
0x21c: {  	s3 =	simm.s32 $0x3380;
	[sflag:s11] =	ssyncadd.s32 $0xFFFFC000  }
0x21d: {  	[spmem:s20] =	stream.indirect.scatter.add.f32 [tilespmem:s4], [sflag:$0x8], $0x80, s3, s0, $0xb8;
	[tilespmem:$0x1FA00] =	vst v63  }
0x21e: {  	_ =	swait.ge [sflag:s12], $0x4000  }
0x21f: {  	[sflag:s12] =	ssyncset.done $0x0  }
0x220: {  	s3 =	simm.s32 $0x3400;
	[sflag:s12] =	ssyncadd.s32 $0xFFFFC000  }
0x221: {  	[spmem:s20] =	stream.indirect.scatter.add.f32 [tilespmem:s6], [sflag:$0x9], $0x80, s3, s0, $0xb8;
	[tilespmem:$0x1FA00] =	vst v63  }
0x222: {  	_ =	swait.ge [sflag:s13], $0x4000  }
0x223: {  	[sflag:s13] =	ssyncset.done $0x0  }
0x224: {  	s3 =	simm.s32 $0x3480;
	[sflag:s13] =	ssyncadd.s32 $0xFFFFC000  }
0x225: {  	[spmem:s20] =	stream.indirect.scatter.add.f32 [tilespmem:s8], [sflag:$0xA], $0x80, s3, s0, $0xb8;
	[tilespmem:$0x1FA00] =	vst v63  }
0x226: {  	_ =	swait.ge [sflag:s14], $0x4000  }
0x227: {  	[sflag:s14] =	ssyncset.done $0x0  }
0x228: {  	s3 =	simm.s32 $0x0;
	[sflag:s14] =	ssyncadd.s32 $0xFFFFC000  }
0x229: {  	[tilespmem:s30], [sflag:$0x1] =	stream.indirect.gather [hbm4b:s24+s0], $0x80, s3, s0, $0xb8;
	[tilespmem:$0x1FA00] =	vst v63  }
0x22a: {  	_ =	swait.ge [sflag:s15], $0x4000  }
0x22b: {  	[sflag:s15] =	ssyncset.done $0x0  }
0x22c: {  	[sflag:s15] =	ssyncadd.s32 $0xFFFFC000  }
0x22d: {  	[tilespmem:s2], [sflag:$0x2] =	stream.indirect.gather [hbm4b:s24+s0], $0x80, s0, s0, $0xb8;
	[tilespmem:$0x1FA00] =	vst v63  }
0x22e: {  	_ =	swait.ge [sflag:s17], $0x4000  }
0x22f: {  	[sflag:s17] =	ssyncset.done $0x0  }
0x230: {  	s3 =	simm.s32 $0x100;
	[sflag:s17] =	ssyncadd.s32 $0xFFFFC000  }
0x231: {  	[tilespmem:s4], [sflag:$0x3] =	stream.indirect.gather [hbm4b:s24+s0], $0x80, s3, s0, $0xb8;
	[tilespmem:$0x1FA00] =	vst v63  }
0x232: {  	_ =	swait.ge [sflag:s18], $0x4000  }
0x233: {  	[sflag:s18] =	ssyncset.done $0x0  }
0x234: {  	[sflag:s18] =	ssyncadd.s32 $0xFFFFC000  }
0x235: {  	[tilespmem:s6], [sflag:$0x4] =	stream.indirect.gather [hbm4b:s24+s0], $0x80, s5, s0, $0xb8;
	[tilespmem:$0x1FA00] =	vst v63  }
0x236: {  	_ =	swait.ge [sflag:s19], $0x4000  }
0x237: {  	[sflag:s19] =	ssyncset.done $0x0  }
0x238: {  	[sflag:s19] =	ssyncadd.s32 $0xFFFFC000  }
0x239: {  	[tilespmem:s8], [sflag:$0x5] =	stream.indirect.gather [hbm4b:s24+s0], $0x80, s7, s0, $0xb8;
	[tilespmem:$0x1FA00] =	vst v63  }
0x23a: {  	_ =	swait.ge [sflag:s9], $0x4000  }
0x23b: {  	[sflag:s9] =	ssyncset.done $0x0  }
0x23c: {  	[sflag:s9] =	ssyncadd.s32 $0xFFFFC000  }
0x23d: {  	_ =	swait.ge [sflag:s10], $0x4000  }
0x23e: {  	[sflag:s10] =	ssyncset.done $0x0  }
0x23f: {  	[sflag:s10] =	ssyncadd.s32 $0xFFFFC000  }
0x240: {  	_ =	swait.ge [sflag:s11], $0x4000  }
0x241: {  	[sflag:s11] =	ssyncset.done $0x0  }
0x242: {  	[sflag:s11] =	ssyncadd.s32 $0xFFFFC000  }
0x243: {  	_ =	swait.ge [sflag:s12], $0x4000  }
0x244: {  	[sflag:s12] =	ssyncset.done $0x0  }
0x245: {  	[sflag:s12] =	ssyncadd.s32 $0xFFFFC000  }
0x246: {  	_ =	swait.ge [sflag:s13], $0x4000  }
0x247: {  	[sflag:s13] =	ssyncset.done $0x0  }
0x248: {  	s3 =	rddreg [dreg:$0xf];
	[sflag:s13] =	ssyncadd.s32 $0xFFFFC000  }
0x249: {  	[hbm:s3], [sflag:s22] =	dma.local [spmem:s23], $0x800  }
0x24a: {  	s1 =	rddreg [dreg:$0x12]  }
0x24b: {  	[hbm:s1], [sflag:s22] =	dma.local [spmem:s26], $0x800  }
0x24c: {  	_ =	swait.ge [sflag:s16], $0x800  }
0x24d: {  	[sflag:s16] =	ssyncset.done $0x0  }
0x24e: {  	[sflag:s16] =	ssyncadd.s32 $0xFFFFF800  }
0x24f: {  	_ =	swait.ge [sflag:s16], $0x800  }
0x250: {  	[sflag:s16] =	ssyncset.done $0x0  }
0x251: {  	s28 =	simm.s32 $0x200;
	s1 =	simm.s32 $0x0;
	[sflag:s16] =	ssyncadd.s32 $0xFFFFF800  }
.LBB2_14:
0x252: {  	p0 =	sne.s32 s28, $0xFE00;
	[tilespmem:s1+$0xBA70] =	vst v0  }
0x253: {  	[tilespmem:s1+$0xBA00] =	vst v0  }
0x254: {  	[tilespmem:s1+$0xBA10] =	vst v0  }
.Ltmp6:
0x255: {  	[tilespmem:s1+$0xBA20] =	vst v0;
	(pc) =	sbr.rel @p0 .LBB2_14-.Ltmp6, $4  }
0x256: {  	[tilespmem:s1+$0xBA30] =	vst v0  }
0x257: {  	[tilespmem:s1+$0xBA40] =	vst v0  }
0x258: {  	[tilespmem:s1+$0xBA50] =	vst v0  }
0x259: {  	[tilespmem:s1+$0xBA60] =	vst v0;
	s1 =	sshra.s32 s28, $0x2;
	s28 =	sadd.s32 $0x200, s28  }
0x25a: {  	[tilespmem:s1+$0xBA70] =	vst v0  }
0x25b: {  	[tilespmem:s1+$0xBA00] =	vst v0  }
0x25c: {  	[tilespmem:s1+$0xBA10] =	vst v0  }
0x25d: {  	[tilespmem:s1+$0xBA20] =	vst v0  }
0x25e: {  	[tilespmem:s1+$0xBA30] =	vst v0  }
0x25f: {  	[tilespmem:s1+$0xBA40] =	vst v0  }
0x260: {  	[tilespmem:s1+$0xBA50] =	vst v0  }
0x261: {  	[tilespmem:s1+$0xBA60] =	vst v0  }
0x262: {  	[spmem:s25] =	stream.linear.scatter [tilespmem:s30], [sflag:$0xC], $0x4000, $0x38;
	[tilespmem:$0x1FA00] =	vst v63  }
0x263: {  	_ =	swait.ge [sflag:s31], $0x4000  }
0x264: {  	[sflag:s31] =	ssyncset.done $0x0  }
0x265: {  	[sflag:s31] =	ssyncadd.s32 $0xFFFFC000  }
0x266: {  	[spmem:s29] =	stream.linear.scatter [tilespmem:s30], [sflag:$0xC], $0x4000, $0x38;
	[tilespmem:$0x1FA00] =	vst v63  }
0x267: {  	_ =	swait.ge [sflag:s31], $0x4000  }
0x268: {  	[sflag:s31] =	ssyncset.done $0x0  }
0x269: {  	s1 =	simm.s32 $0x0;
	s3 =	rddreg [dreg:$0x10];
	[sflag:s31] =	ssyncadd.s32 $0xFFFFC000  }
0x26a: {  	[tilespmem:s1], [sflag:$0xC] =	stream.linear.gather [hbm4b:s3+s1], $0x1900, $0x38;
	[tilespmem:$0x1FA00] =	vst v63  }
0x26b: {  	_ =	swait.ge [sflag:s31], $0x1900  }
0x26c: {  	[sflag:s31] =	ssyncset.done $0x0  }
0x26d: {  	s28 =	simm.s32 $0x1C00;
	s3 =	rddreg [dreg:$0x11];
	[sflag:s31] =	ssyncadd.s32 $0xFFFFE700  }
0x26e: {  	[tilespmem:s28], [sflag:$0xC] =	stream.linear.gather [hbm4b:s3+s1], $0x1900, $0x38;
	[tilespmem:$0x1FA00] =	vst v63  }
0x26f: {  	_ =	swait.ge [sflag:s31], $0x1900  }
0x270: {  	[sflag:s31] =	ssyncset.done $0x0  }
0x271: {  	[sflag:s31] =	ssyncadd.s32 $0xFFFFE700  }
0x272: {  	[tilespmem:s30], [sflag:$0x1] =	stream.indirect.gather [hbm4b:s24+s0], $0x80, s1, s0, $0xb8;
	[tilespmem:$0x1FA00] =	vst v63  }
0x273: {  	_ = 	snop  }
0x274: {  	[tilespmem:s2], [sflag:$0x2] =	stream.indirect.gather [hbm4b:s24+s0], $0x80, s0, s0, $0xb8;
	[tilespmem:$0x1FA00] =	vst v63  }
0x275: {  	s3 =	simm.s32 $0x100  }
0x276: {  	[tilespmem:s4], [sflag:$0x3] =	stream.indirect.gather [hbm4b:s24+s0], $0x80, s3, s0, $0xb8;
	[tilespmem:$0x1FA00] =	vst v63  }
0x277: {  	_ = 	snop  }
0x278: {  	[tilespmem:s6], [sflag:$0x4] =	stream.indirect.gather [hbm4b:s24+s0], $0x80, s5, s0, $0xb8;
	[tilespmem:$0x1FA00] =	vst v63  }
0x279: {  	_ = 	snop  }
0x27a: {  	[tilespmem:s8], [sflag:$0x5] =	stream.indirect.gather [hbm4b:s24+s0], $0x80, s7, s0, $0xb8;
	[tilespmem:$0x1FA00] =	vst v63  }
0x27b: {  	_ =	swait.ge [sflag:s9], $0x4000  }
0x27c: {  	[sflag:s9] =	ssyncset.done $0x0  }
0x27d: {  	s3 =	simm.s32 $0x1C00;
	[sflag:s9] =	ssyncadd.s32 $0xFFFFC000  }
0x27e: {  	[spmem:s20] =	stream.indirect.scatter.add.f32 [tilespmem:s30], [sflag:$0x6], $0x80, s3, s0, $0xb8;
	[tilespmem:$0x1FA00] =	vst v63  }
0x27f: {  	_ =	swait.ge [sflag:s10], $0x4000  }
0x280: {  	[sflag:s10] =	ssyncset.done $0x0  }
0x281: {  	s3 =	simm.s32 $0x1C80;
	[sflag:s10] =	ssyncadd.s32 $0xFFFFC000  }
0x282: {  	[spmem:s20] =	stream.indirect.scatter.add.f32 [tilespmem:s2], [sflag:$0x7], $0x80, s3, s0, $0xb8;
	[tilespmem:$0x1FA00] =	vst v63  }
0x283: {  	_ =	swait.ge [sflag:s11], $0x4000  }
0x284: {  	[sflag:s11] =	ssyncset.done $0x0  }
0x285: {  	s3 =	simm.s32 $0x1D00;
	[sflag:s11] =	ssyncadd.s32 $0xFFFFC000  }
0x286: {  	[spmem:s20] =	stream.indirect.scatter.add.f32 [tilespmem:s4], [sflag:$0x8], $0x80, s3, s0, $0xb8;
	[tilespmem:$0x1FA00] =	vst v63  }
0x287: {  	_ =	swait.ge [sflag:s12], $0x4000  }
0x288: {  	[sflag:s12] =	ssyncset.done $0x0  }
0x289: {  	s3 =	simm.s32 $0x1D80;
	[sflag:s12] =	ssyncadd.s32 $0xFFFFC000  }
0x28a: {  	[spmem:s20] =	stream.indirect.scatter.add.f32 [tilespmem:s6], [sflag:$0x9], $0x80, s3, s0, $0xb8;
	[tilespmem:$0x1FA00] =	vst v63  }
0x28b: {  	_ =	swait.ge [sflag:s13], $0x4000  }
0x28c: {  	[sflag:s13] =	ssyncset.done $0x0  }
0x28d: {  	s3 =	simm.s32 $0x1E00;
	[sflag:s13] =	ssyncadd.s32 $0xFFFFC000  }
0x28e: {  	[spmem:s20] =	stream.indirect.scatter.add.f32 [tilespmem:s8], [sflag:$0xA], $0x80, s3, s0, $0xb8;
	[tilespmem:$0x1FA00] =	vst v63  }
0x28f: {  	_ =	swait.ge [sflag:s14], $0x4000  }
0x290: {  	[sflag:s14] =	ssyncset.done $0x0  }
0x291: {  	s3 =	simm.s32 $0x280;
	[sflag:s14] =	ssyncadd.s32 $0xFFFFC000  }
0x292: {  	[tilespmem:s30], [sflag:$0x1] =	stream.indirect.gather [hbm4b:s24+s0], $0x80, s3, s0, $0xb8;
	[tilespmem:$0x1FA00] =	vst v63  }
0x293: {  	_ =	swait.ge [sflag:s15], $0x4000  }
0x294: {  	[sflag:s15] =	ssyncset.done $0x0  }
0x295: {  	s3 =	simm.s32 $0x300;
	[sflag:s15] =	ssyncadd.s32 $0xFFFFC000  }
0x296: {  	[tilespmem:s2], [sflag:$0x2] =	stream.indirect.gather [hbm4b:s24+s0], $0x80, s3, s0, $0xb8;
	[tilespmem:$0x1FA00] =	vst v63  }
0x297: {  	_ =	swait.ge [sflag:s17], $0x4000  }
0x298: {  	[sflag:s17] =	ssyncset.done $0x0  }
0x299: {  	s3 =	simm.s32 $0x380;
	[sflag:s17] =	ssyncadd.s32 $0xFFFFC000  }
0x29a: {  	[tilespmem:s4], [sflag:$0x3] =	stream.indirect.gather [hbm4b:s24+s0], $0x80, s3, s0, $0xb8;
	[tilespmem:$0x1FA00] =	vst v63  }
0x29b: {  	_ =	swait.ge [sflag:s18], $0x4000  }
0x29c: {  	[sflag:s18] =	ssyncset.done $0x0  }
0x29d: {  	s3 =	simm.s32 $0x400;
	[sflag:s18] =	ssyncadd.s32 $0xFFFFC000  }
0x29e: {  	[tilespmem:s6], [sflag:$0x4] =	stream.indirect.gather [hbm4b:s24+s0], $0x80, s3, s0, $0xb8;
	[tilespmem:$0x1FA00] =	vst v63  }
0x29f: {  	_ =	swait.ge [sflag:s19], $0x4000  }
0x2a0: {  	[sflag:s19] =	ssyncset.done $0x0  }
0x2a1: {  	s28 =	simm.s32 $0xA00;
	s1 =	simm.s32 $0x480;
	[sflag:s19] =	ssyncadd.s32 $0xFFFFC000  }
.LBB2_16:
0x2a2: {  	[tilespmem:s8], [sflag:$0x5] =	stream.indirect.gather [hbm4b:s24+s0], $0x80, s1, s0, $0xb8;
	[tilespmem:$0x1FA00] =	vst v63  }
0x2a3: {  	s1 =	smov.u32 s28  }
0x2a4: {  	p0 =	sne.s32 s28, $0x5000;
	s28 =	sadd.s32 $0xA00, s28;
	_ =	swait.ge [sflag:s9], $0x4000  }
0x2a5: {  	s1 =	sshra.s32 s1, $0x2;
	[sflag:s9] =	ssyncset.done $0x0  }
0x2a6: {  	s3 =	sadd.s32 $0x1C00, s1;
	[sflag:s9] =	ssyncadd.s32 $0xFFFFC000  }
0x2a7: {  	[spmem:s20] =	stream.indirect.scatter.add.f32 [tilespmem:s30], [sflag:$0x6], $0x80, s3, s0, $0xb8;
	[tilespmem:$0x1FA00] =	vst v63  }
0x2a8: {  	_ =	swait.ge [sflag:s10], $0x4000  }
0x2a9: {  	[sflag:s10] =	ssyncset.done $0x0  }
0x2aa: {  	s3 =	sadd.s32 $0x1C80, s1;
	[sflag:s10] =	ssyncadd.s32 $0xFFFFC000  }
0x2ab: {  	[spmem:s20] =	stream.indirect.scatter.add.f32 [tilespmem:s2], [sflag:$0x7], $0x80, s3, s0, $0xb8;
	[tilespmem:$0x1FA00] =	vst v63  }
0x2ac: {  	_ =	swait.ge [sflag:s11], $0x4000  }
0x2ad: {  	[sflag:s11] =	ssyncset.done $0x0  }
0x2ae: {  	s3 =	sadd.s32 $0x1D00, s1;
	[sflag:s11] =	ssyncadd.s32 $0xFFFFC000  }
0x2af: {  	[spmem:s20] =	stream.indirect.scatter.add.f32 [tilespmem:s4], [sflag:$0x8], $0x80, s3, s0, $0xb8;
	[tilespmem:$0x1FA00] =	vst v63  }
0x2b0: {  	_ =	swait.ge [sflag:s12], $0x4000  }
0x2b1: {  	[sflag:s12] =	ssyncset.done $0x0  }
0x2b2: {  	s3 =	sadd.s32 $0x1D80, s1;
	[sflag:s12] =	ssyncadd.s32 $0xFFFFC000  }
0x2b3: {  	[spmem:s20] =	stream.indirect.scatter.add.f32 [tilespmem:s6], [sflag:$0x9], $0x80, s3, s0, $0xb8;
	[tilespmem:$0x1FA00] =	vst v63  }
0x2b4: {  	_ =	swait.ge [sflag:s13], $0x4000  }
0x2b5: {  	[sflag:s13] =	ssyncset.done $0x0  }
0x2b6: {  	s3 =	sadd.s32 $0x1E00, s1;
	[sflag:s13] =	ssyncadd.s32 $0xFFFFC000  }
0x2b7: {  	[spmem:s20] =	stream.indirect.scatter.add.f32 [tilespmem:s8], [sflag:$0xA], $0x80, s3, s0, $0xb8;
	[tilespmem:$0x1FA00] =	vst v63  }
0x2b8: {  	_ =	swait.ge [sflag:s14], $0x4000  }
0x2b9: {  	[sflag:s14] =	ssyncset.done $0x0  }
0x2ba: {  	s3 =	sadd.s32 $0x280, s1;
	[sflag:s14] =	ssyncadd.s32 $0xFFFFC000  }
0x2bb: {  	[tilespmem:s30], [sflag:$0x1] =	stream.indirect.gather [hbm4b:s24+s0], $0x80, s3, s0, $0xb8;
	[tilespmem:$0x1FA00] =	vst v63  }
0x2bc: {  	_ =	swait.ge [sflag:s15], $0x4000  }
0x2bd: {  	[sflag:s15] =	ssyncset.done $0x0  }
0x2be: {  	s3 =	sadd.s32 $0x300, s1;
	[sflag:s15] =	ssyncadd.s32 $0xFFFFC000  }
0x2bf: {  	[tilespmem:s2], [sflag:$0x2] =	stream.indirect.gather [hbm4b:s24+s0], $0x80, s3, s0, $0xb8;
	[tilespmem:$0x1FA00] =	vst v63  }
0x2c0: {  	_ =	swait.ge [sflag:s17], $0x4000  }
0x2c1: {  	[sflag:s17] =	ssyncset.done $0x0  }
0x2c2: {  	s3 =	sadd.s32 $0x380, s1;
	[sflag:s17] =	ssyncadd.s32 $0xFFFFC000  }
0x2c3: {  	[tilespmem:s4], [sflag:$0x3] =	stream.indirect.gather [hbm4b:s24+s0], $0x80, s3, s0, $0xb8;
	[tilespmem:$0x1FA00] =	vst v63  }
0x2c4: {  	_ =	swait.ge [sflag:s18], $0x4000  }
0x2c5: {  	[sflag:s18] =	ssyncset.done $0x0  }
.Ltmp7:
0x2c6: {  	s3 =	sadd.s32 $0x400, s1;
	[sflag:s18] =	ssyncadd.s32 $0xFFFFC000;
	(pc) =	sbr.rel @p0 .LBB2_16-.Ltmp7, $4  }
0x2c7: {  	[tilespmem:s6], [sflag:$0x4] =	stream.indirect.gather [hbm4b:s24+s0], $0x80, s3, s0, $0xb8;
	[tilespmem:$0x1FA00] =	vst v63  }
0x2c8: {  	_ =	swait.ge [sflag:s19], $0x4000  }
0x2c9: {  	[sflag:s19] =	ssyncset.done $0x0  }
0x2ca: {  	s1 =	sadd.s32 $0x480, s1;
	[sflag:s19] =	ssyncadd.s32 $0xFFFFC000  }
0x2cb: {  	[tilespmem:s8], [sflag:$0x5] =	stream.indirect.gather [hbm4b:s24+s0], $0x80, s1, s0, $0xb8;
	[tilespmem:$0x1FA00] =	vst v63  }
0x2cc: {  	_ =	swait.ge [sflag:s9], $0x4000  }
0x2cd: {  	[sflag:s9] =	ssyncset.done $0x0  }
0x2ce: {  	s3 =	simm.s32 $0x3280;
	[sflag:s9] =	ssyncadd.s32 $0xFFFFC000  }
0x2cf: {  	[spmem:s20] =	stream.indirect.scatter.add.f32 [tilespmem:s30], [sflag:$0x6], $0x80, s3, s0, $0xb8;
	[tilespmem:$0x1FA00] =	vst v63  }
0x2d0: {  	_ =	swait.ge [sflag:s10], $0x4000  }
0x2d1: {  	[sflag:s10] =	ssyncset.done $0x0  }
0x2d2: {  	s28 =	simm.s32 $0x3300;
	[sflag:s10] =	ssyncadd.s32 $0xFFFFC000  }
0x2d3: {  	[spmem:s20] =	stream.indirect.scatter.add.f32 [tilespmem:s2], [sflag:$0x7], $0x80, s28, s0, $0xb8;
	[tilespmem:$0x1FA00] =	vst v63  }
0x2d4: {  	_ =	swait.ge [sflag:s11], $0x4000  }
0x2d5: {  	[sflag:s11] =	ssyncset.done $0x0  }
0x2d6: {  	s3 =	simm.s32 $0x3380;
	[sflag:s11] =	ssyncadd.s32 $0xFFFFC000  }
0x2d7: {  	[spmem:s20] =	stream.indirect.scatter.add.f32 [tilespmem:s4], [sflag:$0x8], $0x80, s3, s0, $0xb8;
	[tilespmem:$0x1FA00] =	vst v63  }
0x2d8: {  	_ =	swait.ge [sflag:s12], $0x4000  }
0x2d9: {  	[sflag:s12] =	ssyncset.done $0x0  }
0x2da: {  	s28 =	simm.s32 $0x3400;
	[sflag:s12] =	ssyncadd.s32 $0xFFFFC000  }
0x2db: {  	[spmem:s20] =	stream.indirect.scatter.add.f32 [tilespmem:s6], [sflag:$0x9], $0x80, s28, s0, $0xb8;
	[tilespmem:$0x1FA00] =	vst v63  }
0x2dc: {  	_ =	swait.ge [sflag:s13], $0x4000  }
0x2dd: {  	[sflag:s13] =	ssyncset.done $0x0  }
0x2de: {  	s3 =	simm.s32 $0x3480;
	[sflag:s13] =	ssyncadd.s32 $0xFFFFC000  }
0x2df: {  	[spmem:s20] =	stream.indirect.scatter.add.f32 [tilespmem:s8], [sflag:$0xA], $0x80, s3, s0, $0xb8;
	[tilespmem:$0x1FA00] =	vst v63  }
0x2e0: {  	_ =	swait.ge [sflag:s14], $0x4000  }
0x2e1: {  	[sflag:s14] =	ssyncset.done $0x0  }
0x2e2: {  	s1 =	simm.s32 $0x0;
	[sflag:s14] =	ssyncadd.s32 $0xFFFFC000  }
0x2e3: {  	[tilespmem:s30], [sflag:$0x1] =	stream.indirect.gather [hbm4b:s24+s0], $0x80, s1, s0, $0xb8;
	[tilespmem:$0x1FA00] =	vst v63  }
0x2e4: {  	_ =	swait.ge [sflag:s15], $0x4000  }
0x2e5: {  	[sflag:s15] =	ssyncset.done $0x0  }
0x2e6: {  	[sflag:s15] =	ssyncadd.s32 $0xFFFFC000  }
0x2e7: {  	[tilespmem:s2], [sflag:$0x2] =	stream.indirect.gather [hbm4b:s24+s0], $0x80, s0, s0, $0xb8;
	[tilespmem:$0x1FA00] =	vst v63  }
0x2e8: {  	_ =	swait.ge [sflag:s17], $0x4000  }
0x2e9: {  	[sflag:s17] =	ssyncset.done $0x0  }
0x2ea: {  	s3 =	simm.s32 $0x100;
	[sflag:s17] =	ssyncadd.s32 $0xFFFFC000  }
0x2eb: {  	[tilespmem:s4], [sflag:$0x3] =	stream.indirect.gather [hbm4b:s24+s0], $0x80, s3, s0, $0xb8;
	[tilespmem:$0x1FA00] =	vst v63  }
0x2ec: {  	_ =	swait.ge [sflag:s18], $0x4000  }
0x2ed: {  	[sflag:s18] =	ssyncset.done $0x0  }
0x2ee: {  	[sflag:s18] =	ssyncadd.s32 $0xFFFFC000  }
0x2ef: {  	[tilespmem:s6], [sflag:$0x4] =	stream.indirect.gather [hbm4b:s24+s0], $0x80, s5, s0, $0xb8;
	[tilespmem:$0x1FA00] =	vst v63  }
0x2f0: {  	_ =	swait.ge [sflag:s19], $0x4000  }
0x2f1: {  	[sflag:s19] =	ssyncset.done $0x0  }
0x2f2: {  	[sflag:s19] =	ssyncadd.s32 $0xFFFFC000  }
0x2f3: {  	[tilespmem:s8], [sflag:$0x5] =	stream.indirect.gather [hbm4b:s24+s0], $0x80, s7, s0, $0xb8;
	[tilespmem:$0x1FA00] =	vst v63  }
0x2f4: {  	_ =	swait.ge [sflag:s9], $0x4000  }
0x2f5: {  	[sflag:s9] =	ssyncset.done $0x0  }
0x2f6: {  	[sflag:s9] =	ssyncadd.s32 $0xFFFFC000  }
0x2f7: {  	_ =	swait.ge [sflag:s10], $0x4000  }
0x2f8: {  	[sflag:s10] =	ssyncset.done $0x0  }
0x2f9: {  	[sflag:s10] =	ssyncadd.s32 $0xFFFFC000  }
0x2fa: {  	_ =	swait.ge [sflag:s11], $0x4000  }
0x2fb: {  	[sflag:s11] =	ssyncset.done $0x0  }
0x2fc: {  	[sflag:s11] =	ssyncadd.s32 $0xFFFFC000  }
0x2fd: {  	_ =	swait.ge [sflag:s12], $0x4000  }
0x2fe: {  	[sflag:s12] =	ssyncset.done $0x0  }
0x2ff: {  	[sflag:s12] =	ssyncadd.s32 $0xFFFFC000  }
0x300: {  	_ =	swait.ge [sflag:s13], $0x4000  }
0x301: {  	[sflag:s13] =	ssyncset.done $0x0  }
0x302: {  	s28 =	rddreg [dreg:$0x13];
	[sflag:s13] =	ssyncadd.s32 $0xFFFFC000  }
0x303: {  	[hbm:s28], [sflag:s22] =	dma.local [spmem:s23], $0x800  }
0x304: {  	s3 =	rddreg [dreg:$0x14]  }
0x305: {  	[hbm:s3], [sflag:s22] =	dma.local [spmem:s26], $0x800  }
0x306: {  	s28 =	simm.s32 $0x3800;
	s3 =	rddreg [dreg:$0x19]  }
0x307: {  	[tilespmem:s28], [sflag:$0xC] =	stream.linear.gather [hbm4b:s3+s1], $0x200, $0x38;
	[tilespmem:$0x1FA00] =	vst v63  }
0x308: {  	_ =	swait.ge [sflag:s31], $0x200  }
0x309: {  	[sflag:s31] =	ssyncset.done $0x0  }
0x30a: {  	[sflag:s31] =	ssyncadd.s32 $0xFFFFFE00  }
0x30b: {  	[tilespmem:s30], [sflag:$0x1] =	stream.indirect.gather [hbm4b:s24+s0], $0x80, s28, s0, $0xb8;
	[tilespmem:$0x1FA00] =	vst v63  }
0x30c: {  	s22 =	simm.s32 $0x3880  }
0x30d: {  	[tilespmem:s2], [sflag:$0x2] =	stream.indirect.gather [hbm4b:s24+s0], $0x80, s22, s0, $0xb8;
	[tilespmem:$0x1FA00] =	vst v63  }
0x30e: {  	s23 =	simm.s32 $0x3900  }
0x30f: {  	[tilespmem:s4], [sflag:$0x3] =	stream.indirect.gather [hbm4b:s24+s0], $0x80, s23, s0, $0xb8;
	[tilespmem:$0x1FA00] =	vst v63  }
0x310: {  	s26 =	simm.s32 $0x3980  }
0x311: {  	[tilespmem:s6], [sflag:$0x4] =	stream.indirect.gather [hbm4b:s24+s0], $0x80, s26, s0, $0xb8;
	[tilespmem:$0x1FA00] =	vst v63  }
0x312: {  	_ =	swait.ge [sflag:s9], $0x4000  }
0x313: {  	[sflag:s9] =	ssyncset.done $0x0  }
0x314: {  	s28 =	rddreg [dreg:$0x15];
	[sflag:s9] =	ssyncadd.s32 $0xFFFFC000  }
0x315: {  	[hbm4b:s28+s1] =	stream.linear.scatter [tilespmem:s30], [sflag:$0x6], $0x4000, $0x38;
	[tilespmem:$0x1FA00] =	vst v63  }
0x316: {  	_ =	swait.ge [sflag:s10], $0x4000  }
0x317: {  	[sflag:s10] =	ssyncset.done $0x0  }
0x318: {  	s22 =	rddreg [dreg:$0x16];
	[sflag:s10] =	ssyncadd.s32 $0xFFFFC000  }
0x319: {  	[hbm4b:s22+s1] =	stream.linear.scatter [tilespmem:s2], [sflag:$0x7], $0x4000, $0x38;
	[tilespmem:$0x1FA00] =	vst v63  }
0x31a: {  	_ =	swait.ge [sflag:s11], $0x4000  }
0x31b: {  	[sflag:s11] =	ssyncset.done $0x0  }
0x31c: {  	s23 =	rddreg [dreg:$0x17];
	[sflag:s11] =	ssyncadd.s32 $0xFFFFC000  }
0x31d: {  	[hbm4b:s23+s1] =	stream.linear.scatter [tilespmem:s4], [sflag:$0x8], $0x4000, $0x38;
	[tilespmem:$0x1FA00] =	vst v63  }
0x31e: {  	_ =	swait.ge [sflag:s12], $0x4000  }
0x31f: {  	[sflag:s12] =	ssyncset.done $0x0  }
0x320: {  	s26 =	rddreg [dreg:$0x18];
	[sflag:s12] =	ssyncadd.s32 $0xFFFFC000  }
0x321: {  	[hbm4b:s26+s1] =	stream.linear.scatter [tilespmem:s6], [sflag:$0x9], $0x4000, $0x38;
	[tilespmem:$0x1FA00] =	vst v63  }
0x322: {  	_ =	swait.ge [sflag:s14], $0x4000  }
0x323: {  	[sflag:s14] =	ssyncset.done $0x0  }
0x324: {  	[sflag:s14] =	ssyncadd.s32 $0xFFFFC000  }
0x325: {  	_ =	swait.ge [sflag:s15], $0x4000  }
0x326: {  	[sflag:s15] =	ssyncset.done $0x0  }
0x327: {  	[sflag:s15] =	ssyncadd.s32 $0xFFFFC000  }
0x328: {  	_ =	swait.ge [sflag:s17], $0x4000  }
0x329: {  	[sflag:s17] =	ssyncset.done $0x0  }
0x32a: {  	[sflag:s17] =	ssyncadd.s32 $0xFFFFC000  }
0x32b: {  	_ =	swait.ge [sflag:s18], $0x4000  }
0x32c: {  	[sflag:s18] =	ssyncset.done $0x0  }
0x32d: {  	[sflag:s18] =	ssyncadd.s32 $0xFFFFC000  }
0x32e: {  	_ =	swait.ge [sflag:s16], $0x800  }
0x32f: {  	[sflag:s16] =	ssyncset.done $0x0  }
0x330: {  	[sflag:s16] =	ssyncadd.s32 $0xFFFFF800  }
0x331: {  	_ =	swait.ge [sflag:s16], $0x800  }
0x332: {  	s21 =	sadd.s32 $0x1, s21;
	s28 =	rddreg [dreg:$0x1a]  }
0x333: {  	p0 =	sne.s32 s21, s28  }
.Ltmp8:
0x334: {  	_ = 	snop;
	(pc) =	sbr.rel @p0 .LBB2_1-.Ltmp8, $3  }
0x335: {  	_ =	sdelay $0x1  }
0x336: {  	[sflag:s16] =	ssyncset.done $0x0  }
0x337: {  	[sflag:s16] =	ssyncadd.s32 $0xFFFFF800  }
0x338: {  	_ =	sfence.sel $0x180000  }
0x339: {  	[bflag:$0x0] =	sbarrier.arrive $0xFFFF  }
0x33a: {  	_ =	strace $0x90000047  }
0x33b: {  	s0 =	stileid.u32;
	[bflag:$0x2] =	sbarrier.arrive $0xFFFF  }
0x33c: {  	p0 =	sne.s32 s0, $0x0;
	s0 =	rddreg [dreg:$0x4]  }
0x33d: {  	s0 =	sadd.s32 @!p0 $0x100000, s0  }
0x33e: {  	[sflag:s0] =	ssyncadd.tile.s32 @!p0 $0x1;
	_ =	shalt  }
.Lfunc_end2:
_tile_overlayer_lowered:
.L_overlay_start_2:
0x33f: {  	(tag) =	ssettag $0x2  }
0x340: {  	s0 =	rddreg [dreg:$0x0];
	s2 =	stileid.u32  }
0x341: {  	s1 =	rddreg [dreg:$0x1];
	p0 =	sne.s32 s2, $0x0  }
0x342: {  	s3 =	rddreg [dreg:$0x2];
	[bflag:$0x3] =	sbarrier.arrive $0xFFFF;
	s2 =	simm.s32 @!p0 $0x1C0C  }
0x343: {  	[timem:s3], [sflag:s2] =	dma.local @!p0 [hbm:s0], s1  }
0x344: {  	s0 =	simm.s32 @!p0 $0xC  }
0x345: {  	_ =	swait.ge @!p0 [sflag:s0], s1  }
0x346: {  	s1 =	ssub.s32 @!p0 $0x0, s1;
	[sflag:s0] =	ssyncset.done @!p0 $0x0  }
0x347: {  	[sflag:s0] =	ssyncadd.s32 @!p0 s1  }
0x348: {  	[bflag:$0x3] =	sbarrier.arrive $0xFFFF  }
0x349: {  	_ =	shalt  }

</sc_bundles>
